<compile_context>
chip_gen: v7x
topology: tpu7x:2x2x1
jax: 0.10.2.dev20260603
libtpu: 0.0.44.dev20260713+nightly
codegen_flags: <defaults>
</compile_context>

<pallas_src>
import jax
import jax.numpy as jnp
from jax import lax
from jax.experimental import pallas as pl
from jax.experimental.pallas import tpu as pltpu
from jax.experimental.pallas import tpu_sc as plsc

D = 128
NM = 50000
NU = 100000
NW = 32
CH = 128
NBUF = 4

U_SC = 16000
U_CHUNKS = U_SC // CH
U_FULL = U_CHUNKS // NW
U_EXTRA = U_CHUNKS - U_FULL * NW
M_CHUNKS = NM // CH
M_FULL = M_CHUNKS // NW
M_EXTRA = M_CHUNKS - M_FULL * NW
M_REM = NM - M_CHUNKS * CH

U_ITERS = U_FULL + 1
M_ITERS = M_FULL + 1
TOT_ITERS = U_ITERS + M_ITERS

ACC_ROWS = 48

U_TC = NU - U_SC
TC_GRID = 42
TC_BU = U_TC // TC_GRID
TC_OFF = U_SC // TC_BU


def _sc_body(xm_hbm, xu_hbm, uidx_hbm, midx_hbm, init_hbm, zeros_hbm,
             out_hbm,
             d0, d1, d2, d3, i0, i1, i2, i3, stage, shared,
             ds0, ds1, ds2, ds3, is0, is1, is2, is3):
    cid = lax.axis_index("c")
    sid = lax.axis_index("s")
    wid = cid * 16 + sid

    dat = (d0, d1, d2, d3)
    idx = (i0, i1, i2, i3)
    dsem = (ds0, ds1, ds2, ds3)
    isem = (is0, is1, is2, is3)

    def chunk_info(j):
        if j < U_ITERS:
            gate = None if j < U_FULL else (wid < U_EXTRA)
            return xu_hbm, uidx_hbm, j, gate
        c = j - U_ITERS
        gate = None if c < M_FULL else (wid < M_EXTRA)
        return xm_hbm, midx_hbm, c, gate

    def start(j, b):
        src, isrc, k, gate = chunk_info(j)
        g = wid + k * NW

        def go():
            pltpu.async_copy(src.at[pl.ds(g * CH, CH)], dat[b], dsem[b])
            pltpu.async_copy(isrc.at[pl.ds(g * CH, CH)], idx[b], isem[b])

        if gate is None:
            go()
        else:
            pl.when(gate)(go)

    def finish(j, b):
        src, isrc, k, gate = chunk_info(j)

        def go():
            pltpu.make_async_copy(src.at[pl.ds(0, CH)], dat[b],
                                  dsem[b]).wait()
            pltpu.make_async_copy(isrc.at[pl.ds(0, CH)], idx[b],
                                  isem[b]).wait()
            pltpu.sync_copy(dat[b], shared.at[idx[b]], add=True)

        if gate is None:
            go()
        else:
            pl.when(gate)(go)

    for b in range(NBUF):
        start(b, b)

    @pl.when(sid == 0)
    def _():
        pltpu.sync_copy(init_hbm.at[cid], shared)

    plsc.subcore_barrier()

    for j in range(TOT_ITERS):
        b = j % NBUF
        finish(j, b)
        if j + NBUF < TOT_ITERS:
            start(j + NBUF, b)

    @pl.when(wid == 0)
    def _():
        pltpu.async_copy(xm_hbm.at[pl.ds(M_CHUNKS * CH, M_REM)],
                         d1.at[pl.ds(0, M_REM)], ds0)
        pltpu.async_copy(zeros_hbm.at[pl.ds(0, CH - M_REM)],
                         d1.at[pl.ds(M_REM, CH - M_REM)], ds1)
        pltpu.async_copy(midx_hbm.at[pl.ds(M_CHUNKS * CH, CH)], i1, is0)
        pltpu.make_async_copy(xm_hbm.at[pl.ds(0, M_REM)],
                              d1.at[pl.ds(0, M_REM)], ds0).wait()
        pltpu.make_async_copy(zeros_hbm.at[pl.ds(0, CH - M_REM)],
                              d1.at[pl.ds(0, CH - M_REM)], ds1).wait()
        pltpu.make_async_copy(midx_hbm.at[pl.ds(0, CH)], i1, is0).wait()
        pltpu.sync_copy(d1, shared.at[i1], add=True)

    plsc.subcore_barrier()

    @pl.when(sid == 0)
    def _():
        pltpu.sync_copy(shared, stage)
        for kk in range(D // 16):
            sl = pl.ds(kk * 16, 16)
            vm = stage[32, sl]
            v0 = stage[0, sl]
            v1 = stage[1, sl]
            for s in range(1, 16):
                vm = vm + stage[32 + s, sl]
                v0 = v0 + stage[2 * s, sl]
                v1 = v1 + stage[2 * s + 1, sl]
            stage[0, sl] = vm
            stage[1, sl] = v0
            stage[2, sl] = v1
        pltpu.sync_copy(stage.at[pl.ds(0, 3)], out_hbm.at[cid])


def _sc_call(X_mapped, X_unmapped, u_idx, m_idx, init, zeros):
    mesh = plsc.VectorSubcoreMesh(core_axis_name="c", subcore_axis_name="s")
    f = pl.kernel(
        _sc_body,
        out_type=jax.ShapeDtypeStruct((2, 3, D), jnp.float32),
        mesh=mesh,
        scratch_types=[
            pltpu.VMEM((CH, D), jnp.float32),
            pltpu.VMEM((CH, D), jnp.float32),
            pltpu.VMEM((CH, D), jnp.float32),
            pltpu.VMEM((CH, D), jnp.float32),
            pltpu.VMEM((CH,), jnp.int32),
            pltpu.VMEM((CH,), jnp.int32),
            pltpu.VMEM((CH,), jnp.int32),
            pltpu.VMEM((CH,), jnp.int32),
            pltpu.VMEM((ACC_ROWS, D), jnp.float32),
            pltpu.VMEM_SHARED((ACC_ROWS, D), jnp.float32),
            pltpu.SemaphoreType.DMA,
            pltpu.SemaphoreType.DMA,
            pltpu.SemaphoreType.DMA,
            pltpu.SemaphoreType.DMA,
            pltpu.SemaphoreType.DMA,
            pltpu.SemaphoreType.DMA,
            pltpu.SemaphoreType.DMA,
            pltpu.SemaphoreType.DMA,
        ],
    )
    return f(X_mapped, X_unmapped, u_idx, m_idx, init, zeros)


def _tc_body(xu_ref, seg_ref, out_ref):
    i = pl.program_id(0)

    @pl.when(i == 0)
    def _():
        out_ref[...] = jnp.zeros_like(out_ref)

    xu = xu_ref[...]
    segf = seg_ref[0].astype(jnp.float32)
    st = jnp.sum(xu, axis=0, keepdims=True)
    s1 = jnp.dot(segf, xu, preferred_element_type=jnp.float32)
    out_ref[1:2, :] += st - s1
    out_ref[2:3, :] += s1


def _combine_body(p_ref, t_ref, o_ref):
    o_ref[...] = p_ref[0] + p_ref[1] + t_ref[...]


def kernel(X_mapped, X_unmapped, segment_ids, X_map_bias, X_connected_bias,
           X_unconnected_bias):
    seg32 = segment_ids.astype(jnp.int32)

    u_sid = ((jnp.arange(U_SC, dtype=jnp.int32) // CH) % NW) % 16
    u_idx = 2 * u_sid + seg32[:U_SC]
    nm_pad = (M_CHUNKS + 1) * CH
    m_sid = ((jnp.arange(nm_pad, dtype=jnp.int32) // CH) % NW) % 16
    m_idx = 32 + m_sid

    init = jnp.zeros((2, ACC_ROWS, D), jnp.float32)
    init = init.at[0, 0].set(X_connected_bias[0])
    init = init.at[0, 1].set(X_unconnected_bias[0])
    init = init.at[0, 32].set(X_map_bias[0])
    zeros = jnp.zeros((CH, D), jnp.float32)

    pair = _sc_call(X_mapped, X_unmapped, u_idx, m_idx, init, zeros)

    seg_tc = seg32[U_SC:].reshape(TC_GRID, 1, TC_BU)
    tcp = pl.pallas_call(
        _tc_body,
        grid=(TC_GRID,),
        in_specs=[
            pl.BlockSpec((TC_BU, D), lambda i: (TC_OFF + i, 0)),
            pl.BlockSpec((1, 1, TC_BU), lambda i: (i, 0, 0)),
        ],
        out_specs=pl.BlockSpec((3, D), lambda i: (0, 0)),
        out_shape=jax.ShapeDtypeStruct((3, D), jnp.float32),
    )(X_unmapped, seg_tc)

    out = pl.pallas_call(
        _combine_body,
        out_shape=jax.ShapeDtypeStruct((3, D), jnp.float32),
    )(pair, tcp)
    return out.reshape(-1)

# --- scband reference (transcript-rebuilt; emitter-appended) ---
"""Pipeline reference for scband-subgraph-connected-unconnected-coarsener-46170898432650 (READ-ONLY COPY).

The authoritative reference and input builder live on the scoring server;
editing this copy changes nothing except your own understanding.
"""

import jax, jax.numpy as jnp
import numpy as np

D = 128
N_MAPPED = 50000
N_CAND = 100000

def setup_inputs(seed: int = 0) -> dict:
    key = jax.random.key(seed)
    k1, k2, k3, k4, k5, k6 = jax.random.split(key, 6)
    X_mapped = jax.random.normal(k1, (N_MAPPED, D), dtype=jnp.float32)
    X_unmapped = jax.random.normal(k2, (N_CAND, D), dtype=jnp.float32)
    # segment_ids: 0 = connected candidate, 1 = unconnected candidate.
    # This replaces the host-side networkx set-intersection logic in the
    # original torch module (_intersect_neighbors_of_set1_with_set2), which
    # only produces a binary partition of candidate_nids.
    segment_ids = jax.random.randint(k3, (N_CAND,), 0, 2, dtype=jnp.int64)
    # learned parameters sized per init kwarg d
    X_map_bias = jax.random.normal(k4, (1, D), dtype=jnp.float32) / D
    X_connected_bias = jax.random.normal(k5, (1, D), dtype=jnp.float32) / D
    X_unconnected_bias = jax.random.normal(k6, (1, D), dtype=jnp.float32) / D
    return {
        "X_mapped": X_mapped,
        "X_unmapped": X_unmapped,
        "segment_ids": segment_ids,
        "X_map_bias": X_map_bias,
        "X_connected_bias": X_connected_bias,
        "X_unconnected_bias": X_unconnected_bias,
    }

def reference(X_mapped, X_unmapped, segment_ids, X_map_bias, X_connected_bias, X_unconnected_bias):
    # sum of connected (seg 0) and unconnected (seg 1) candidate features
    seg_sums = jax.ops.segment_sum(X_unmapped, segment_ids, num_segments=2)
    row_map = X_map_bias + jnp.sum(X_mapped, axis=0).reshape(1, -1)
    row_conn = X_connected_bias + seg_sums[0].reshape(1, -1)
    row_unconn = X_unconnected_bias + seg_sums[1].reshape(1, -1)
    X = jnp.concatenate([row_map, row_conn, row_unconn], axis=0).reshape(-1)
    return X

if __name__ == "__main__":
    import jax
    _d = setup_inputs()
    print(jax.jit(kernel)(*tuple(_d.values())))

</pallas_src>

<mosaic_0001>
#map = affine_map<(d0, d1) -> (0, 0)>
#map1 = affine_map<(d0, d1) -> (0)>
#map2 = affine_map<(d0, d1) -> (0, 0, 0)>
module attributes {stable_mosaic.version = 14 : i64} {
  func.func @_sc_body(%arg0: i32, %arg1: i32, %arg2: memref<50000x128xf32, #tpu.memory_space<hbm>>, %arg3: memref<100000x128xf32, #tpu.memory_space<hbm>>, %arg4: memref<16000xi32, #tpu.memory_space<hbm>>, %arg5: memref<50048xi32, #tpu.memory_space<hbm>>, %arg6: memref<2x48x128xf32, #tpu.memory_space<hbm>>, %arg7: memref<128x128xf32, #tpu.memory_space<hbm>>, %arg8: memref<2x3x128xf32, #tpu.memory_space<hbm>>, %arg9: memref<128x128xf32, #tpu.memory_space<vmem>>, %arg10: memref<128x128xf32, #tpu.memory_space<vmem>>, %arg11: memref<128x128xf32, #tpu.memory_space<vmem>>, %arg12: memref<128x128xf32, #tpu.memory_space<vmem>>, %arg13: memref<128xi32, #tpu.memory_space<vmem>>, %arg14: memref<128xi32, #tpu.memory_space<vmem>>, %arg15: memref<128xi32, #tpu.memory_space<vmem>>, %arg16: memref<128xi32, #tpu.memory_space<vmem>>, %arg17: memref<48x128xf32, #tpu.memory_space<vmem>>, %arg18: memref<48x128xf32, #tpu.memory_space<vmem_shared>>, %arg19: memref<!tpu.dma_semaphore, #tpu.memory_space<semaphore_mem>>, %arg20: memref<!tpu.dma_semaphore, #tpu.memory_space<semaphore_mem>>, %arg21: memref<!tpu.dma_semaphore, #tpu.memory_space<semaphore_mem>>, %arg22: memref<!tpu.dma_semaphore, #tpu.memory_space<semaphore_mem>>, %arg23: memref<!tpu.dma_semaphore, #tpu.memory_space<semaphore_mem>>, %arg24: memref<!tpu.dma_semaphore, #tpu.memory_space<semaphore_mem>>, %arg25: memref<!tpu.dma_semaphore, #tpu.memory_space<semaphore_mem>>, %arg26: memref<!tpu.dma_semaphore, #tpu.memory_space<semaphore_mem>>) attributes {dimension_semantics = [#tpu.dimension_semantics<core_parallel>, #tpu.dimension_semantics<subcore_parallel>], iteration_bounds = array<i64: 2, 16>, scalar_prefetch = 0 : i64, scratch_operands = 18 : i64, tpu.core_type = #tpu.core_type<sc_vector_subcore>, window_params = [{transform_indices = #map}, {transform_indices = #map}, {transform_indices = #map1}, {transform_indices = #map1}, {transform_indices = #map2}, {transform_indices = #map}, {transform_indices = #map2}]} {
    %mul3A = arith.constant 16 : i32
    %mul3A_0 = arith.muli %arg0, %mul3A : i32
    %add3A = arith.addi %mul3A_0, %arg1 : i32
    %add3A_1 = arith.constant 0 : i32
    %add3A_2 = arith.addi %add3A, %add3A_1 : i32
    %mul3A_3 = arith.constant 128 : i32
    %mul3A_4 = arith.muli %add3A_2, %mul3A_3 : i32
    %dma_start3A = arith.constant 0 : i32
    %dma_start3A_5 = tpu.memref_slice %arg3[%mul3A_4, %dma_start3A] : memref<100000x128xf32, #tpu.memory_space<hbm>> -> memref<128x128xf32, #tpu.memory_space<hbm>>
    %dma_start3A_6 = arith.constant 0 : i32
    %dma_start3A_7 = tpu.memref_slice %arg3[%mul3A_4, %dma_start3A_6] : memref<100000x128xf32, #tpu.memory_space<hbm>> -> memref<128x128xf32, #tpu.memory_space<hbm>>
    tpu.enqueue_dma source(%dma_start3A_7 : memref<128x128xf32, #tpu.memory_space<hbm>>) target(%arg9 : memref<128x128xf32, #tpu.memory_space<vmem>>) target_semaphore(%arg19 : memref<!tpu.dma_semaphore, #tpu.memory_space<semaphore_mem>>)
    %mul3A_8 = arith.constant 128 : i32
    %mul3A_9 = arith.muli %add3A_2, %mul3A_8 : i32
    %dma_start3A_10 = tpu.memref_slice %arg4[%mul3A_9] : memref<16000xi32, #tpu.memory_space<hbm>> -> memref<128xi32, #tpu.memory_space<hbm>>
    %dma_start3A_11 = tpu.memref_slice %arg4[%mul3A_9] : memref<16000xi32, #tpu.memory_space<hbm>> -> memref<128xi32, #tpu.memory_space<hbm>>
    tpu.enqueue_dma source(%dma_start3A_11 : memref<128xi32, #tpu.memory_space<hbm>>) target(%arg13 : memref<128xi32, #tpu.memory_space<vmem>>) target_semaphore(%arg23 : memref<!tpu.dma_semaphore, #tpu.memory_space<semaphore_mem>>)
    %add3A_12 = arith.constant 32 : i32
    %add3A_13 = arith.addi %add3A, %add3A_12 : i32
    %mul3A_14 = arith.constant 128 : i32
    %mul3A_15 = arith.muli %add3A_13, %mul3A_14 : i32
    %dma_start3A_16 = arith.constant 0 : i32
    %dma_start3A_17 = tpu.memref_slice %arg3[%mul3A_15, %dma_start3A_16] : memref<100000x128xf32, #tpu.memory_space<hbm>> -> memref<128x128xf32, #tpu.memory_space<hbm>>
    %dma_start3A_18 = arith.constant 0 : i32
    %dma_start3A_19 = tpu.memref_slice %arg3[%mul3A_15, %dma_start3A_18] : memref<100000x128xf32, #tpu.memory_space<hbm>> -> memref<128x128xf32, #tpu.memory_space<hbm>>
    tpu.enqueue_dma source(%dma_start3A_19 : memref<128x128xf32, #tpu.memory_space<hbm>>) target(%arg10 : memref<128x128xf32, #tpu.memory_space<vmem>>) target_semaphore(%arg20 : memref<!tpu.dma_semaphore, #tpu.memory_space<semaphore_mem>>)
    %mul3A_20 = arith.constant 128 : i32
    %mul3A_21 = arith.muli %add3A_13, %mul3A_20 : i32
    %dma_start3A_22 = tpu.memref_slice %arg4[%mul3A_21] : memref<16000xi32, #tpu.memory_space<hbm>> -> memref<128xi32, #tpu.memory_space<hbm>>
    %dma_start3A_23 = tpu.memref_slice %arg4[%mul3A_21] : memref<16000xi32, #tpu.memory_space<hbm>> -> memref<128xi32, #tpu.memory_space<hbm>>
    tpu.enqueue_dma source(%dma_start3A_23 : memref<128xi32, #tpu.memory_space<hbm>>) target(%arg14 : memref<128xi32, #tpu.memory_space<vmem>>) target_semaphore(%arg24 : memref<!tpu.dma_semaphore, #tpu.memory_space<semaphore_mem>>)
    %add3A_24 = arith.constant 64 : i32
    %add3A_25 = arith.addi %add3A, %add3A_24 : i32
    %mul3A_26 = arith.constant 128 : i32
    %mul3A_27 = arith.muli %add3A_25, %mul3A_26 : i32
    %dma_start3A_28 = arith.constant 0 : i32
    %dma_start3A_29 = tpu.memref_slice %arg3[%mul3A_27, %dma_start3A_28] : memref<100000x128xf32, #tpu.memory_space<hbm>> -> memref<128x128xf32, #tpu.memory_space<hbm>>
    %dma_start3A_30 = arith.constant 0 : i32
    %dma_start3A_31 = tpu.memref_slice %arg3[%mul3A_27, %dma_start3A_30] : memref<100000x128xf32, #tpu.memory_space<hbm>> -> memref<128x128xf32, #tpu.memory_space<hbm>>
    tpu.enqueue_dma source(%dma_start3A_31 : memref<128x128xf32, #tpu.memory_space<hbm>>) target(%arg11 : memref<128x128xf32, #tpu.memory_space<vmem>>) target_semaphore(%arg21 : memref<!tpu.dma_semaphore, #tpu.memory_space<semaphore_mem>>)
    %mul3A_32 = arith.constant 128 : i32
    %mul3A_33 = arith.muli %add3A_25, %mul3A_32 : i32
    %dma_start3A_34 = tpu.memref_slice %arg4[%mul3A_33] : memref<16000xi32, #tpu.memory_space<hbm>> -> memref<128xi32, #tpu.memory_space<hbm>>
    %dma_start3A_35 = tpu.memref_slice %arg4[%mul3A_33] : memref<16000xi32, #tpu.memory_space<hbm>> -> memref<128xi32, #tpu.memory_space<hbm>>
    tpu.enqueue_dma source(%dma_start3A_35 : memref<128xi32, #tpu.memory_space<hbm>>) target(%arg15 : memref<128xi32, #tpu.memory_space<vmem>>) target_semaphore(%arg25 : memref<!tpu.dma_semaphore, #tpu.memory_space<semaphore_mem>>)
    %lt3A = arith.constant 29 : i32
    %lt3A_36 = arith.cmpi slt, %add3A, %lt3A : i32
    %add3A_37 = arith.constant 96 : i32
    %add3A_38 = arith.addi %add3A, %add3A_37 : i32
    %convert_element_type3A = arith.extui %lt3A_36 : i1 to i32
    %cond3A = arith.constant 0 : i32
    %cond3A_39 = arith.cmpi ne, %convert_element_type3A, %cond3A : i32
    scf.if %cond3A_39 {
      %mul3A_365 = arith.constant 128 : i32
      %mul3A_366 = arith.muli %add3A_38, %mul3A_365 : i32
      %dma_start3A_367 = arith.constant 0 : i32
      %dma_start3A_368 = tpu.memref_slice %arg3[%mul3A_366, %dma_start3A_367] : memref<100000x128xf32, #tpu.memory_space<hbm>> -> memref<128x128xf32, #tpu.memory_space<hbm>>
      %dma_start3A_369 = arith.constant 0 : i32
      %dma_start3A_370 = tpu.memref_slice %arg3[%mul3A_366, %dma_start3A_369] : memref<100000x128xf32, #tpu.memory_space<hbm>> -> memref<128x128xf32, #tpu.memory_space<hbm>>
      tpu.enqueue_dma source(%dma_start3A_370 : memref<128x128xf32, #tpu.memory_space<hbm>>) target(%arg12 : memref<128x128xf32, #tpu.memory_space<vmem>>) target_semaphore(%arg22 : memref<!tpu.dma_semaphore, #tpu.memory_space<semaphore_mem>>)
      %mul3A_371 = arith.constant 128 : i32
      %mul3A_372 = arith.muli %add3A_38, %mul3A_371 : i32
      %dma_start3A_373 = tpu.memref_slice %arg4[%mul3A_372] : memref<16000xi32, #tpu.memory_space<hbm>> -> memref<128xi32, #tpu.memory_space<hbm>>
      %dma_start3A_374 = tpu.memref_slice %arg4[%mul3A_372] : memref<16000xi32, #tpu.memory_space<hbm>> -> memref<128xi32, #tpu.memory_space<hbm>>
      tpu.enqueue_dma source(%dma_start3A_374 : memref<128xi32, #tpu.memory_space<hbm>>) target(%arg16 : memref<128xi32, #tpu.memory_space<vmem>>) target_semaphore(%arg26 : memref<!tpu.dma_semaphore, #tpu.memory_space<semaphore_mem>>)
    } else {
    }
    %eq3A = arith.constant 0 : i32
    %eq3A_40 = arith.cmpi eq, %arg1, %eq3A : i32
    %convert_element_type3A_41 = arith.extui %eq3A_40 : i1 to i32
    %cond3A_42 = arith.constant 0 : i32
    %cond3A_43 = arith.cmpi ne, %convert_element_type3A_41, %cond3A_42 : i32
    scf.if %cond3A_43 {
      "tpu.region"() ({
        %run_scoped3A = tpu.sem_alloc : memref<!tpu.dma_semaphore, #tpu.memory_space<semaphore_mem>>
        %dma_start3A_365 = arith.constant 0 : i32
        %dma_start3A_366 = arith.constant 0 : i32
        %dma_start3A_367 = tpu.memref_slice %arg6[%arg0, %dma_start3A_365, %dma_start3A_366] : memref<2x48x128xf32, #tpu.memory_space<hbm>> -> memref<1x48x128xf32, #tpu.memory_space<hbm>>
        %dma_start3A_368 = tpu.memref_squeeze %dma_start3A_367 : memref<1x48x128xf32, #tpu.memory_space<hbm>> -> memref<48x128xf32, #tpu.memory_space<hbm>>
        tpu.enqueue_dma source(%dma_start3A_368 : memref<48x128xf32, #tpu.memory_space<hbm>>) target(%arg18 : memref<48x128xf32, #tpu.memory_space<vmem_shared>>) target_semaphore(%run_scoped3A : memref<!tpu.dma_semaphore, #tpu.memory_space<semaphore_mem>>)
        %dma_wait3A_369 = arith.constant 0 : i32
        %dma_wait3A_370 = arith.constant 0 : i32
        %dma_wait3A_371 = tpu.memref_slice %arg6[%arg0, %dma_wait3A_369, %dma_wait3A_370] : memref<2x48x128xf32, #tpu.memory_space<hbm>> -> memref<1x48x128xf32, #tpu.memory_space<hbm>>
        %dma_wait3A_372 = tpu.memref_squeeze %dma_wait3A_371 : memref<1x48x128xf32, #tpu.memory_space<hbm>> -> memref<48x128xf32, #tpu.memory_space<hbm>>
        tpu.wait_dma2 semaphore(%run_scoped3A : memref<!tpu.dma_semaphore, #tpu.memory_space<semaphore_mem>>) src(%dma_wait3A_372 : memref<48x128xf32, #tpu.memory_space<hbm>>) dst(%arg18 : memref<48x128xf32, #tpu.memory_space<vmem_shared>>)
        tpu.yield
      }) : () -> ()
    } else {
    }
    %barrier3A = arith.constant 0 : index
    tpu.barrier barrier_id(%barrier3A)
    %dma_wait3A = arith.constant 0 : i32
    %dma_wait3A_44 = arith.constant 0 : i32
    %dma_wait3A_45 = tpu.memref_slice %arg3[%dma_wait3A, %dma_wait3A_44] : memref<100000x128xf32, #tpu.memory_space<hbm>> -> memref<128x128xf32, #tpu.memory_space<hbm>>
    %dma_wait3A_46 = arith.constant 0 : i32
    %dma_wait3A_47 = arith.constant 0 : i32
    %dma_wait3A_48 = tpu.memref_slice %arg3[%dma_wait3A_46, %dma_wait3A_47] : memref<100000x128xf32, #tpu.memory_space<hbm>> -> memref<128x128xf32, #tpu.memory_space<hbm>>
    tpu.wait_dma2 semaphore(%arg19 : memref<!tpu.dma_semaphore, #tpu.memory_space<semaphore_mem>>) src(%dma_wait3A_48 : memref<128x128xf32, #tpu.memory_space<hbm>>) dst(%arg9 : memref<128x128xf32, #tpu.memory_space<vmem>>)
    %dma_wait3A_49 = arith.constant 0 : i32
    %dma_wait3A_50 = tpu.memref_slice %arg4[%dma_wait3A_49] : memref<16000xi32, #tpu.memory_space<hbm>> -> memref<128xi32, #tpu.memory_space<hbm>>
    %dma_wait3A_51 = arith.constant 0 : i32
    %dma_wait3A_52 = tpu.memref_slice %arg4[%dma_wait3A_51] : memref<16000xi32, #tpu.memory_space<hbm>> -> memref<128xi32, #tpu.memory_space<hbm>>
    tpu.wait_dma2 semaphore(%arg23 : memref<!tpu.dma_semaphore, #tpu.memory_space<semaphore_mem>>) src(%dma_wait3A_52 : memref<128xi32, #tpu.memory_space<hbm>>) dst(%arg13 : memref<128xi32, #tpu.memory_space<vmem>>)
    "tpu.region"() ({
      %run_scoped3A = tpu.sem_alloc : memref<!tpu.dma_semaphore, #tpu.memory_space<semaphore_mem>>
      %dma_start3A_365 = arith.constant 0 : i32
      %dma_start3A_366 = arith.constant 0 : i32
      %dma_start3A_367 = tpu.memref_slice %arg18[%dma_start3A_365, %dma_start3A_366] : memref<48x128xf32, #tpu.memory_space<vmem_shared>> -> memref<48x128xf32, #tpu.memory_space<vmem_shared>>
      tpu.enqueue_indirect_dma source(%arg9 : memref<128x128xf32, #tpu.memory_space<vmem>>) target(%dma_start3A_367 : memref<48x128xf32, #tpu.memory_space<vmem_shared>>) offsets(%arg13 : memref<128xi32, #tpu.memory_space<vmem>>) semaphore(%run_scoped3A : memref<!tpu.dma_semaphore, #tpu.memory_space<semaphore_mem>>) {add = true}
      %dma_wait3A_368 = arith.constant 0 : i32
      %dma_wait3A_369 = arith.constant 0 : i32
      %dma_wait3A_370 = tpu.memref_slice %arg18[%dma_wait3A_368, %dma_wait3A_369] : memref<48x128xf32, #tpu.memory_space<vmem_shared>> -> memref<48x128xf32, #tpu.memory_space<vmem_shared>>
      tpu.wait_indirect_dma semaphore(%run_scoped3A : memref<!tpu.dma_semaphore, #tpu.memory_space<semaphore_mem>>) src(%arg9 : memref<128x128xf32, #tpu.memory_space<vmem>>) dst(%dma_wait3A_370 : memref<48x128xf32, #tpu.memory_space<vmem_shared>>)
      tpu.yield
    }) : () -> ()
    %add3A_53 = arith.constant 0 : i32
    %add3A_54 = arith.addi %add3A, %add3A_53 : i32
    %mul3A_55 = arith.constant 128 : i32
    %mul3A_56 = arith.muli %add3A_54, %mul3A_55 : i32
    %dma_start3A_57 = arith.constant 0 : i32
    %dma_start3A_58 = tpu.memref_slice %arg2[%mul3A_56, %dma_start3A_57] : memref<50000x128xf32, #tpu.memory_space<hbm>> -> memref<128x128xf32, #tpu.memory_space<hbm>>
    %dma_start3A_59 = arith.constant 0 : i32
    %dma_start3A_60 = tpu.memref_slice %arg2[%mul3A_56, %dma_start3A_59] : memref<50000x128xf32, #tpu.memory_space<hbm>> -> memref<128x128xf32, #tpu.memory_space<hbm>>
    tpu.enqueue_dma source(%dma_start3A_60 : memref<128x128xf32, #tpu.memory_space<hbm>>) target(%arg9 : memref<128x128xf32, #tpu.memory_space<vmem>>) target_semaphore(%arg19 : memref<!tpu.dma_semaphore, #tpu.memory_space<semaphore_mem>>)
    %mul3A_61 = arith.constant 128 : i32
    %mul3A_62 = arith.muli %add3A_54, %mul3A_61 : i32
    %dma_start3A_63 = tpu.memref_slice %arg5[%mul3A_62] : memref<50048xi32, #tpu.memory_space<hbm>> -> memref<128xi32, #tpu.memory_space<hbm>>
    %dma_start3A_64 = tpu.memref_slice %arg5[%mul3A_62] : memref<50048xi32, #tpu.memory_space<hbm>> -> memref<128xi32, #tpu.memory_space<hbm>>
    tpu.enqueue_dma source(%dma_start3A_64 : memref<128xi32, #tpu.memory_space<hbm>>) target(%arg13 : memref<128xi32, #tpu.memory_space<vmem>>) target_semaphore(%arg23 : memref<!tpu.dma_semaphore, #tpu.memory_space<semaphore_mem>>)
    %dma_wait3A_65 = arith.constant 0 : i32
    %dma_wait3A_66 = arith.constant 0 : i32
    %dma_wait3A_67 = tpu.memref_slice %arg3[%dma_wait3A_65, %dma_wait3A_66] : memref<100000x128xf32, #tpu.memory_space<hbm>> -> memref<128x128xf32, #tpu.memory_space<hbm>>
    %dma_wait3A_68 = arith.constant 0 : i32
    %dma_wait3A_69 = arith.constant 0 : i32
    %dma_wait3A_70 = tpu.memref_slice %arg3[%dma_wait3A_68, %dma_wait3A_69] : memref<100000x128xf32, #tpu.memory_space<hbm>> -> memref<128x128xf32, #tpu.memory_space<hbm>>
    tpu.wait_dma2 semaphore(%arg20 : memref<!tpu.dma_semaphore, #tpu.memory_space<semaphore_mem>>) src(%dma_wait3A_70 : memref<128x128xf32, #tpu.memory_space<hbm>>) dst(%arg10 : memref<128x128xf32, #tpu.memory_space<vmem>>)
    %dma_wait3A_71 = arith.constant 0 : i32
    %dma_wait3A_72 = tpu.memref_slice %arg4[%dma_wait3A_71] : memref<16000xi32, #tpu.memory_space<hbm>> -> memref<128xi32, #tpu.memory_space<hbm>>
    %dma_wait3A_73 = arith.constant 0 : i32
    %dma_wait3A_74 = tpu.memref_slice %arg4[%dma_wait3A_73] : memref<16000xi32, #tpu.memory_space<hbm>> -> memref<128xi32, #tpu.memory_space<hbm>>
    tpu.wait_dma2 semaphore(%arg24 : memref<!tpu.dma_semaphore, #tpu.memory_space<semaphore_mem>>) src(%dma_wait3A_74 : memref<128xi32, #tpu.memory_space<hbm>>) dst(%arg14 : memref<128xi32, #tpu.memory_space<vmem>>)
    "tpu.region"() ({
      %run_scoped3A = tpu.sem_alloc : memref<!tpu.dma_semaphore, #tpu.memory_space<semaphore_mem>>
      %dma_start3A_365 = arith.constant 0 : i32
      %dma_start3A_366 = arith.constant 0 : i32
      %dma_start3A_367 = tpu.memref_slice %arg18[%dma_start3A_365, %dma_start3A_366] : memref<48x128xf32, #tpu.memory_space<vmem_shared>> -> memref<48x128xf32, #tpu.memory_space<vmem_shared>>
      tpu.enqueue_indirect_dma source(%arg10 : memref<128x128xf32, #tpu.memory_space<vmem>>) target(%dma_start3A_367 : memref<48x128xf32, #tpu.memory_space<vmem_shared>>) offsets(%arg14 : memref<128xi32, #tpu.memory_space<vmem>>) semaphore(%run_scoped3A : memref<!tpu.dma_semaphore, #tpu.memory_space<semaphore_mem>>) {add = true}
      %dma_wait3A_368 = arith.constant 0 : i32
      %dma_wait3A_369 = arith.constant 0 : i32
      %dma_wait3A_370 = tpu.memref_slice %arg18[%dma_wait3A_368, %dma_wait3A_369] : memref<48x128xf32, #tpu.memory_space<vmem_shared>> -> memref<48x128xf32, #tpu.memory_space<vmem_shared>>
      tpu.wait_indirect_dma semaphore(%run_scoped3A : memref<!tpu.dma_semaphore, #tpu.memory_space<semaphore_mem>>) src(%arg10 : memref<128x128xf32, #tpu.memory_space<vmem>>) dst(%dma_wait3A_370 : memref<48x128xf32, #tpu.memory_space<vmem_shared>>)
      tpu.yield
    }) : () -> ()
    %add3A_75 = arith.constant 32 : i32
    %add3A_76 = arith.addi %add3A, %add3A_75 : i32
    %mul3A_77 = arith.constant 128 : i32
    %mul3A_78 = arith.muli %add3A_76, %mul3A_77 : i32
    %dma_start3A_79 = arith.constant 0 : i32
    %dma_start3A_80 = tpu.memref_slice %arg2[%mul3A_78, %dma_start3A_79] : memref<50000x128xf32, #tpu.memory_space<hbm>> -> memref<128x128xf32, #tpu.memory_space<hbm>>
    %dma_start3A_81 = arith.constant 0 : i32
    %dma_start3A_82 = tpu.memref_slice %arg2[%mul3A_78, %dma_start3A_81] : memref<50000x128xf32, #tpu.memory_space<hbm>> -> memref<128x128xf32, #tpu.memory_space<hbm>>
    tpu.enqueue_dma source(%dma_start3A_82 : memref<128x128xf32, #tpu.memory_space<hbm>>) target(%arg10 : memref<128x128xf32, #tpu.memory_space<vmem>>) target_semaphore(%arg20 : memref<!tpu.dma_semaphore, #tpu.memory_space<semaphore_mem>>)
    %mul3A_83 = arith.constant 128 : i32
    %mul3A_84 = arith.muli %add3A_76, %mul3A_83 : i32
    %dma_start3A_85 = tpu.memref_slice %arg5[%mul3A_84] : memref<50048xi32, #tpu.memory_space<hbm>> -> memref<128xi32, #tpu.memory_space<hbm>>
    %dma_start3A_86 = tpu.memref_slice %arg5[%mul3A_84] : memref<50048xi32, #tpu.memory_space<hbm>> -> memref<128xi32, #tpu.memory_space<hbm>>
    tpu.enqueue_dma source(%dma_start3A_86 : memref<128xi32, #tpu.memory_space<hbm>>) target(%arg14 : memref<128xi32, #tpu.memory_space<vmem>>) target_semaphore(%arg24 : memref<!tpu.dma_semaphore, #tpu.memory_space<semaphore_mem>>)
    %dma_wait3A_87 = arith.constant 0 : i32
    %dma_wait3A_88 = arith.constant 0 : i32
    %dma_wait3A_89 = tpu.memref_slice %arg3[%dma_wait3A_87, %dma_wait3A_88] : memref<100000x128xf32, #tpu.memory_space<hbm>> -> memref<128x128xf32, #tpu.memory_space<hbm>>
    %dma_wait3A_90 = arith.constant 0 : i32
    %dma_wait3A_91 = arith.constant 0 : i32
    %dma_wait3A_92 = tpu.memref_slice %arg3[%dma_wait3A_90, %dma_wait3A_91] : memref<100000x128xf32, #tpu.memory_space<hbm>> -> memref<128x128xf32, #tpu.memory_space<hbm>>
    tpu.wait_dma2 semaphore(%arg21 : memref<!tpu.dma_semaphore, #tpu.memory_space<semaphore_mem>>) src(%dma_wait3A_92 : memref<128x128xf32, #tpu.memory_space<hbm>>) dst(%arg11 : memref<128x128xf32, #tpu.memory_space<vmem>>)
    %dma_wait3A_93 = arith.constant 0 : i32
    %dma_wait3A_94 = tpu.memref_slice %arg4[%dma_wait3A_93] : memref<16000xi32, #tpu.memory_space<hbm>> -> memref<128xi32, #tpu.memory_space<hbm>>
    %dma_wait3A_95 = arith.constant 0 : i32
    %dma_wait3A_96 = tpu.memref_slice %arg4[%dma_wait3A_95] : memref<16000xi32, #tpu.memory_space<hbm>> -> memref<128xi32, #tpu.memory_space<hbm>>
    tpu.wait_dma2 semaphore(%arg25 : memref<!tpu.dma_semaphore, #tpu.memory_space<semaphore_mem>>) src(%dma_wait3A_96 : memref<128xi32, #tpu.memory_space<hbm>>) dst(%arg15 : memref<128xi32, #tpu.memory_space<vmem>>)
    "tpu.region"() ({
      %run_scoped3A = tpu.sem_alloc : memref<!tpu.dma_semaphore, #tpu.memory_space<semaphore_mem>>
      %dma_start3A_365 = arith.constant 0 : i32
      %dma_start3A_366 = arith.constant 0 : i32
      %dma_start3A_367 = tpu.memref_slice %arg18[%dma_start3A_365, %dma_start3A_366] : memref<48x128xf32, #tpu.memory_space<vmem_shared>> -> memref<48x128xf32, #tpu.memory_space<vmem_shared>>
      tpu.enqueue_indirect_dma source(%arg11 : memref<128x128xf32, #tpu.memory_space<vmem>>) target(%dma_start3A_367 : memref<48x128xf32, #tpu.memory_space<vmem_shared>>) offsets(%arg15 : memref<128xi32, #tpu.memory_space<vmem>>) semaphore(%run_scoped3A : memref<!tpu.dma_semaphore, #tpu.memory_space<semaphore_mem>>) {add = true}
      %dma_wait3A_368 = arith.constant 0 : i32
      %dma_wait3A_369 = arith.constant 0 : i32
      %dma_wait3A_370 = tpu.memref_slice %arg18[%dma_wait3A_368, %dma_wait3A_369] : memref<48x128xf32, #tpu.memory_space<vmem_shared>> -> memref<48x128xf32, #tpu.memory_space<vmem_shared>>
      tpu.wait_indirect_dma semaphore(%run_scoped3A : memref<!tpu.dma_semaphore, #tpu.memory_space<semaphore_mem>>) src(%arg11 : memref<128x128xf32, #tpu.memory_space<vmem>>) dst(%dma_wait3A_370 : memref<48x128xf32, #tpu.memory_space<vmem_shared>>)
      tpu.yield
    }) : () -> ()
    %add3A_97 = arith.constant 64 : i32
    %add3A_98 = arith.addi %add3A, %add3A_97 : i32
    %mul3A_99 = arith.constant 128 : i32
    %mul3A_100 = arith.muli %add3A_98, %mul3A_99 : i32
    %dma_start3A_101 = arith.constant 0 : i32
    %dma_start3A_102 = tpu.memref_slice %arg2[%mul3A_100, %dma_start3A_101] : memref<50000x128xf32, #tpu.memory_space<hbm>> -> memref<128x128xf32, #tpu.memory_space<hbm>>
    %dma_start3A_103 = arith.constant 0 : i32
    %dma_start3A_104 = tpu.memref_slice %arg2[%mul3A_100, %dma_start3A_103] : memref<50000x128xf32, #tpu.memory_space<hbm>> -> memref<128x128xf32, #tpu.memory_space<hbm>>
    tpu.enqueue_dma source(%dma_start3A_104 : memref<128x128xf32, #tpu.memory_space<hbm>>) target(%arg11 : memref<128x128xf32, #tpu.memory_space<vmem>>) target_semaphore(%arg21 : memref<!tpu.dma_semaphore, #tpu.memory_space<semaphore_mem>>)
    %mul3A_105 = arith.constant 128 : i32
    %mul3A_106 = arith.muli %add3A_98, %mul3A_105 : i32
    %dma_start3A_107 = tpu.memref_slice %arg5[%mul3A_106] : memref<50048xi32, #tpu.memory_space<hbm>> -> memref<128xi32, #tpu.memory_space<hbm>>
    %dma_start3A_108 = tpu.memref_slice %arg5[%mul3A_106] : memref<50048xi32, #tpu.memory_space<hbm>> -> memref<128xi32, #tpu.memory_space<hbm>>
    tpu.enqueue_dma source(%dma_start3A_108 : memref<128xi32, #tpu.memory_space<hbm>>) target(%arg15 : memref<128xi32, #tpu.memory_space<vmem>>) target_semaphore(%arg25 : memref<!tpu.dma_semaphore, #tpu.memory_space<semaphore_mem>>)
    %lt3A_109 = arith.constant 29 : i32
    %lt3A_110 = arith.cmpi slt, %add3A, %lt3A_109 : i32
    %convert_element_type3A_111 = arith.extui %lt3A_110 : i1 to i32
    %cond3A_112 = arith.constant 0 : i32
    %cond3A_113 = arith.cmpi ne, %convert_element_type3A_111, %cond3A_112 : i32
    scf.if %cond3A_113 {
      %dma_wait3A_365 = arith.constant 0 : i32
      %dma_wait3A_366 = arith.constant 0 : i32
      %dma_wait3A_367 = tpu.memref_slice %arg3[%dma_wait3A_365, %dma_wait3A_366] : memref<100000x128xf32, #tpu.memory_space<hbm>> -> memref<128x128xf32, #tpu.memory_space<hbm>>
      %dma_wait3A_368 = arith.constant 0 : i32
      %dma_wait3A_369 = arith.constant 0 : i32
      %dma_wait3A_370 = tpu.memref_slice %arg3[%dma_wait3A_368, %dma_wait3A_369] : memref<100000x128xf32, #tpu.memory_space<hbm>> -> memref<128x128xf32, #tpu.memory_space<hbm>>
      tpu.wait_dma2 semaphore(%arg22 : memref<!tpu.dma_semaphore, #tpu.memory_space<semaphore_mem>>) src(%dma_wait3A_370 : memref<128x128xf32, #tpu.memory_space<hbm>>) dst(%arg12 : memref<128x128xf32, #tpu.memory_space<vmem>>)
      %dma_wait3A_371 = arith.constant 0 : i32
      %dma_wait3A_372 = tpu.memref_slice %arg4[%dma_wait3A_371] : memref<16000xi32, #tpu.memory_space<hbm>> -> memref<128xi32, #tpu.memory_space<hbm>>
      %dma_wait3A_373 = arith.constant 0 : i32
      %dma_wait3A_374 = tpu.memref_slice %arg4[%dma_wait3A_373] : memref<16000xi32, #tpu.memory_space<hbm>> -> memref<128xi32, #tpu.memory_space<hbm>>
      tpu.wait_dma2 semaphore(%arg26 : memref<!tpu.dma_semaphore, #tpu.memory_space<semaphore_mem>>) src(%dma_wait3A_374 : memref<128xi32, #tpu.memory_space<hbm>>) dst(%arg16 : memref<128xi32, #tpu.memory_space<vmem>>)
      "tpu.region"() ({
        %run_scoped3A = tpu.sem_alloc : memref<!tpu.dma_semaphore, #tpu.memory_space<semaphore_mem>>
        %dma_start3A_375 = arith.constant 0 : i32
        %dma_start3A_376 = arith.constant 0 : i32
        %dma_start3A_377 = tpu.memref_slice %arg18[%dma_start3A_375, %dma_start3A_376] : memref<48x128xf32, #tpu.memory_space<vmem_shared>> -> memref<48x128xf32, #tpu.memory_space<vmem_shared>>
        tpu.enqueue_indirect_dma source(%arg12 : memref<128x128xf32, #tpu.memory_space<vmem>>) target(%dma_start3A_377 : memref<48x128xf32, #tpu.memory_space<vmem_shared>>) offsets(%arg16 : memref<128xi32, #tpu.memory_space<vmem>>) semaphore(%run_scoped3A : memref<!tpu.dma_semaphore, #tpu.memory_space<semaphore_mem>>) {add = true}
        %dma_wait3A_378 = arith.constant 0 : i32
        %dma_wait3A_379 = arith.constant 0 : i32
        %dma_wait3A_380 = tpu.memref_slice %arg18[%dma_wait3A_378, %dma_wait3A_379] : memref<48x128xf32, #tpu.memory_space<vmem_shared>> -> memref<48x128xf32, #tpu.memory_space<vmem_shared>>
        tpu.wait_indirect_dma semaphore(%run_scoped3A : memref<!tpu.dma_semaphore, #tpu.memory_space<semaphore_mem>>) src(%arg12 : memref<128x128xf32, #tpu.memory_space<vmem>>) dst(%dma_wait3A_380 : memref<48x128xf32, #tpu.memory_space<vmem_shared>>)
        tpu.yield
      }) : () -> ()
    } else {
    }
    %add3A_114 = arith.constant 96 : i32
    %add3A_115 = arith.addi %add3A, %add3A_114 : i32
    %mul3A_116 = arith.constant 128 : i32
    %mul3A_117 = arith.muli %add3A_115, %mul3A_116 : i32
    %dma_start3A_118 = arith.constant 0 : i32
    %dma_start3A_119 = tpu.memref_slice %arg2[%mul3A_117, %dma_start3A_118] : memref<50000x128xf32, #tpu.memory_space<hbm>> -> memref<128x128xf32, #tpu.memory_space<hbm>>
    %dma_start3A_120 = arith.constant 0 : i32
    %dma_start3A_121 = tpu.memref_slice %arg2[%mul3A_117, %dma_start3A_120] : memref<50000x128xf32, #tpu.memory_space<hbm>> -> memref<128x128xf32, #tpu.memory_space<hbm>>
    tpu.enqueue_dma source(%dma_start3A_121 : memref<128x128xf32, #tpu.memory_space<hbm>>) target(%arg12 : memref<128x128xf32, #tpu.memory_space<vmem>>) target_semaphore(%arg22 : memref<!tpu.dma_semaphore, #tpu.memory_space<semaphore_mem>>)
    %mul3A_122 = arith.constant 128 : i32
    %mul3A_123 = arith.muli %add3A_115, %mul3A_122 : i32
    %dma_start3A_124 = tpu.memref_slice %arg5[%mul3A_123] : memref<50048xi32, #tpu.memory_space<hbm>> -> memref<128xi32, #tpu.memory_space<hbm>>
    %dma_start3A_125 = tpu.memref_slice %arg5[%mul3A_123] : memref<50048xi32, #tpu.memory_space<hbm>> -> memref<128xi32, #tpu.memory_space<hbm>>
    tpu.enqueue_dma source(%dma_start3A_125 : memref<128xi32, #tpu.memory_space<hbm>>) target(%arg16 : memref<128xi32, #tpu.memory_space<vmem>>) target_semaphore(%arg26 : memref<!tpu.dma_semaphore, #tpu.memory_space<semaphore_mem>>)
    %dma_wait3A_126 = arith.constant 0 : i32
    %dma_wait3A_127 = arith.constant 0 : i32
    %dma_wait3A_128 = tpu.memref_slice %arg2[%dma_wait3A_126, %dma_wait3A_127] : memref<50000x128xf32, #tpu.memory_space<hbm>> -> memref<128x128xf32, #tpu.memory_space<hbm>>
    %dma_wait3A_129 = arith.constant 0 : i32
    %dma_wait3A_130 = arith.constant 0 : i32
    %dma_wait3A_131 = tpu.memref_slice %arg2[%dma_wait3A_129, %dma_wait3A_130] : memref<50000x128xf32, #tpu.memory_space<hbm>> -> memref<128x128xf32, #tpu.memory_space<hbm>>
    tpu.wait_dma2 semaphore(%arg19 : memref<!tpu.dma_semaphore, #tpu.memory_space<semaphore_mem>>) src(%dma_wait3A_131 : memref<128x128xf32, #tpu.memory_space<hbm>>) dst(%arg9 : memref<128x128xf32, #tpu.memory_space<vmem>>)
    %dma_wait3A_132 = arith.constant 0 : i32
    %dma_wait3A_133 = tpu.memref_slice %arg5[%dma_wait3A_132] : memref<50048xi32, #tpu.memory_space<hbm>> -> memref<128xi32, #tpu.memory_space<hbm>>
    %dma_wait3A_134 = arith.constant 0 : i32
    %dma_wait3A_135 = tpu.memref_slice %arg5[%dma_wait3A_134] : memref<50048xi32, #tpu.memory_space<hbm>> -> memref<128xi32, #tpu.memory_space<hbm>>
    tpu.wait_dma2 semaphore(%arg23 : memref<!tpu.dma_semaphore, #tpu.memory_space<semaphore_mem>>) src(%dma_wait3A_135 : memref<128xi32, #tpu.memory_space<hbm>>) dst(%arg13 : memref<128xi32, #tpu.memory_space<vmem>>)
    "tpu.region"() ({
      %run_scoped3A = tpu.sem_alloc : memref<!tpu.dma_semaphore, #tpu.memory_space<semaphore_mem>>
      %dma_start3A_365 = arith.constant 0 : i32
      %dma_start3A_366 = arith.constant 0 : i32
      %dma_start3A_367 = tpu.memref_slice %arg18[%dma_start3A_365, %dma_start3A_366] : memref<48x128xf32, #tpu.memory_space<vmem_shared>> -> memref<48x128xf32, #tpu.memory_space<vmem_shared>>
      tpu.enqueue_indirect_dma source(%arg9 : memref<128x128xf32, #tpu.memory_space<vmem>>) target(%dma_start3A_367 : memref<48x128xf32, #tpu.memory_space<vmem_shared>>) offsets(%arg13 : memref<128xi32, #tpu.memory_space<vmem>>) semaphore(%run_scoped3A : memref<!tpu.dma_semaphore, #tpu.memory_space<semaphore_mem>>) {add = true}
      %dma_wait3A_368 = arith.constant 0 : i32
      %dma_wait3A_369 = arith.constant 0 : i32
      %dma_wait3A_370 = tpu.memref_slice %arg18[%dma_wait3A_368, %dma_wait3A_369] : memref<48x128xf32, #tpu.memory_space<vmem_shared>> -> memref<48x128xf32, #tpu.memory_space<vmem_shared>>
      tpu.wait_indirect_dma semaphore(%run_scoped3A : memref<!tpu.dma_semaphore, #tpu.memory_space<semaphore_mem>>) src(%arg9 : memref<128x128xf32, #tpu.memory_space<vmem>>) dst(%dma_wait3A_370 : memref<48x128xf32, #tpu.memory_space<vmem_shared>>)
      tpu.yield
    }) : () -> ()
    %add3A_136 = arith.constant 128 : i32
    %add3A_137 = arith.addi %add3A, %add3A_136 : i32
    %mul3A_138 = arith.constant 128 : i32
    %mul3A_139 = arith.muli %add3A_137, %mul3A_138 : i32
    %dma_start3A_140 = arith.constant 0 : i32
    %dma_start3A_141 = tpu.memref_slice %arg2[%mul3A_139, %dma_start3A_140] : memref<50000x128xf32, #tpu.memory_space<hbm>> -> memref<128x128xf32, #tpu.memory_space<hbm>>
    %dma_start3A_142 = arith.constant 0 : i32
    %dma_start3A_143 = tpu.memref_slice %arg2[%mul3A_139, %dma_start3A_142] : memref<50000x128xf32, #tpu.memory_space<hbm>> -> memref<128x128xf32, #tpu.memory_space<hbm>>
    tpu.enqueue_dma source(%dma_start3A_143 : memref<128x128xf32, #tpu.memory_space<hbm>>) target(%arg9 : memref<128x128xf32, #tpu.memory_space<vmem>>) target_semaphore(%arg19 : memref<!tpu.dma_semaphore, #tpu.memory_space<semaphore_mem>>)
    %mul3A_144 = arith.constant 128 : i32
    %mul3A_145 = arith.muli %add3A_137, %mul3A_144 : i32
    %dma_start3A_146 = tpu.memref_slice %arg5[%mul3A_145] : memref<50048xi32, #tpu.memory_space<hbm>> -> memref<128xi32, #tpu.memory_space<hbm>>
    %dma_start3A_147 = tpu.memref_slice %arg5[%mul3A_145] : memref<50048xi32, #tpu.memory_space<hbm>> -> memref<128xi32, #tpu.memory_space<hbm>>
    tpu.enqueue_dma source(%dma_start3A_147 : memref<128xi32, #tpu.memory_space<hbm>>) target(%arg13 : memref<128xi32, #tpu.memory_space<vmem>>) target_semaphore(%arg23 : memref<!tpu.dma_semaphore, #tpu.memory_space<semaphore_mem>>)
    %dma_wait3A_148 = arith.constant 0 : i32
    %dma_wait3A_149 = arith.constant 0 : i32
    %dma_wait3A_150 = tpu.memref_slice %arg2[%dma_wait3A_148, %dma_wait3A_149] : memref<50000x128xf32, #tpu.memory_space<hbm>> -> memref<128x128xf32, #tpu.memory_space<hbm>>
    %dma_wait3A_151 = arith.constant 0 : i32
    %dma_wait3A_152 = arith.constant 0 : i32
    %dma_wait3A_153 = tpu.memref_slice %arg2[%dma_wait3A_151, %dma_wait3A_152] : memref<50000x128xf32, #tpu.memory_space<hbm>> -> memref<128x128xf32, #tpu.memory_space<hbm>>
    tpu.wait_dma2 semaphore(%arg20 : memref<!tpu.dma_semaphore, #tpu.memory_space<semaphore_mem>>) src(%dma_wait3A_153 : memref<128x128xf32, #tpu.memory_space<hbm>>) dst(%arg10 : memref<128x128xf32, #tpu.memory_space<vmem>>)
    %dma_wait3A_154 = arith.constant 0 : i32
    %dma_wait3A_155 = tpu.memref_slice %arg5[%dma_wait3A_154] : memref<50048xi32, #tpu.memory_space<hbm>> -> memref<128xi32, #tpu.memory_space<hbm>>
    %dma_wait3A_156 = arith.constant 0 : i32
    %dma_wait3A_157 = tpu.memref_slice %arg5[%dma_wait3A_156] : memref<50048xi32, #tpu.memory_space<hbm>> -> memref<128xi32, #tpu.memory_space<hbm>>
    tpu.wait_dma2 semaphore(%arg24 : memref<!tpu.dma_semaphore, #tpu.memory_space<semaphore_mem>>) src(%dma_wait3A_157 : memref<128xi32, #tpu.memory_space<hbm>>) dst(%arg14 : memref<128xi32, #tpu.memory_space<vmem>>)
    "tpu.region"() ({
      %run_scoped3A = tpu.sem_alloc : memref<!tpu.dma_semaphore, #tpu.memory_space<semaphore_mem>>
      %dma_start3A_365 = arith.constant 0 : i32
      %dma_start3A_366 = arith.constant 0 : i32
      %dma_start3A_367 = tpu.memref_slice %arg18[%dma_start3A_365, %dma_start3A_366] : memref<48x128xf32, #tpu.memory_space<vmem_shared>> -> memref<48x128xf32, #tpu.memory_space<vmem_shared>>
      tpu.enqueue_indirect_dma source(%arg10 : memref<128x128xf32, #tpu.memory_space<vmem>>) target(%dma_start3A_367 : memref<48x128xf32, #tpu.memory_space<vmem_shared>>) offsets(%arg14 : memref<128xi32, #tpu.memory_space<vmem>>) semaphore(%run_scoped3A : memref<!tpu.dma_semaphore, #tpu.memory_space<semaphore_mem>>) {add = true}
      %dma_wait3A_368 = arith.constant 0 : i32
      %dma_wait3A_369 = arith.constant 0 : i32
      %dma_wait3A_370 = tpu.memref_slice %arg18[%dma_wait3A_368, %dma_wait3A_369] : memref<48x128xf32, #tpu.memory_space<vmem_shared>> -> memref<48x128xf32, #tpu.memory_space<vmem_shared>>
      tpu.wait_indirect_dma semaphore(%run_scoped3A : memref<!tpu.dma_semaphore, #tpu.memory_space<semaphore_mem>>) src(%arg10 : memref<128x128xf32, #tpu.memory_space<vmem>>) dst(%dma_wait3A_370 : memref<48x128xf32, #tpu.memory_space<vmem_shared>>)
      tpu.yield
    }) : () -> ()
    %add3A_158 = arith.constant 160 : i32
    %add3A_159 = arith.addi %add3A, %add3A_158 : i32
    %mul3A_160 = arith.constant 128 : i32
    %mul3A_161 = arith.muli %add3A_159, %mul3A_160 : i32
    %dma_start3A_162 = arith.constant 0 : i32
    %dma_start3A_163 = tpu.memref_slice %arg2[%mul3A_161, %dma_start3A_162] : memref<50000x128xf32, #tpu.memory_space<hbm>> -> memref<128x128xf32, #tpu.memory_space<hbm>>
    %dma_start3A_164 = arith.constant 0 : i32
    %dma_start3A_165 = tpu.memref_slice %arg2[%mul3A_161, %dma_start3A_164] : memref<50000x128xf32, #tpu.memory_space<hbm>> -> memref<128x128xf32, #tpu.memory_space<hbm>>
    tpu.enqueue_dma source(%dma_start3A_165 : memref<128x128xf32, #tpu.memory_space<hbm>>) target(%arg10 : memref<128x128xf32, #tpu.memory_space<vmem>>) target_semaphore(%arg20 : memref<!tpu.dma_semaphore, #tpu.memory_space<semaphore_mem>>)
    %mul3A_166 = arith.constant 128 : i32
    %mul3A_167 = arith.muli %add3A_159, %mul3A_166 : i32
    %dma_start3A_168 = tpu.memref_slice %arg5[%mul3A_167] : memref<50048xi32, #tpu.memory_space<hbm>> -> memref<128xi32, #tpu.memory_space<hbm>>
    %dma_start3A_169 = tpu.memref_slice %arg5[%mul3A_167] : memref<50048xi32, #tpu.memory_space<hbm>> -> memref<128xi32, #tpu.memory_space<hbm>>
    tpu.enqueue_dma source(%dma_start3A_169 : memref<128xi32, #tpu.memory_space<hbm>>) target(%arg14 : memref<128xi32, #tpu.memory_space<vmem>>) target_semaphore(%arg24 : memref<!tpu.dma_semaphore, #tpu.memory_space<semaphore_mem>>)
    %dma_wait3A_170 = arith.constant 0 : i32
    %dma_wait3A_171 = arith.constant 0 : i32
    %dma_wait3A_172 = tpu.memref_slice %arg2[%dma_wait3A_170, %dma_wait3A_171] : memref<50000x128xf32, #tpu.memory_space<hbm>> -> memref<128x128xf32, #tpu.memory_space<hbm>>
    %dma_wait3A_173 = arith.constant 0 : i32
    %dma_wait3A_174 = arith.constant 0 : i32
    %dma_wait3A_175 = tpu.memref_slice %arg2[%dma_wait3A_173, %dma_wait3A_174] : memref<50000x128xf32, #tpu.memory_space<hbm>> -> memref<128x128xf32, #tpu.memory_space<hbm>>
    tpu.wait_dma2 semaphore(%arg21 : memref<!tpu.dma_semaphore, #tpu.memory_space<semaphore_mem>>) src(%dma_wait3A_175 : memref<128x128xf32, #tpu.memory_space<hbm>>) dst(%arg11 : memref<128x128xf32, #tpu.memory_space<vmem>>)
    %dma_wait3A_176 = arith.constant 0 : i32
    %dma_wait3A_177 = tpu.memref_slice %arg5[%dma_wait3A_176] : memref<50048xi32, #tpu.memory_space<hbm>> -> memref<128xi32, #tpu.memory_space<hbm>>
    %dma_wait3A_178 = arith.constant 0 : i32
    %dma_wait3A_179 = tpu.memref_slice %arg5[%dma_wait3A_178] : memref<50048xi32, #tpu.memory_space<hbm>> -> memref<128xi32, #tpu.memory_space<hbm>>
    tpu.wait_dma2 semaphore(%arg25 : memref<!tpu.dma_semaphore, #tpu.memory_space<semaphore_mem>>) src(%dma_wait3A_179 : memref<128xi32, #tpu.memory_space<hbm>>) dst(%arg15 : memref<128xi32, #tpu.memory_space<vmem>>)
    "tpu.region"() ({
      %run_scoped3A = tpu.sem_alloc : memref<!tpu.dma_semaphore, #tpu.memory_space<semaphore_mem>>
      %dma_start3A_365 = arith.constant 0 : i32
      %dma_start3A_366 = arith.constant 0 : i32
      %dma_start3A_367 = tpu.memref_slice %arg18[%dma_start3A_365, %dma_start3A_366] : memref<48x128xf32, #tpu.memory_space<vmem_shared>> -> memref<48x128xf32, #tpu.memory_space<vmem_shared>>
      tpu.enqueue_indirect_dma source(%arg11 : memref<128x128xf32, #tpu.memory_space<vmem>>) target(%dma_start3A_367 : memref<48x128xf32, #tpu.memory_space<vmem_shared>>) offsets(%arg15 : memref<128xi32, #tpu.memory_space<vmem>>) semaphore(%run_scoped3A : memref<!tpu.dma_semaphore, #tpu.memory_space<semaphore_mem>>) {add = true}
      %dma_wait3A_368 = arith.constant 0 : i32
      %dma_wait3A_369 = arith.constant 0 : i32
      %dma_wait3A_370 = tpu.memref_slice %arg18[%dma_wait3A_368, %dma_wait3A_369] : memref<48x128xf32, #tpu.memory_space<vmem_shared>> -> memref<48x128xf32, #tpu.memory_space<vmem_shared>>
      tpu.wait_indirect_dma semaphore(%run_scoped3A : memref<!tpu.dma_semaphore, #tpu.memory_space<semaphore_mem>>) src(%arg11 : memref<128x128xf32, #tpu.memory_space<vmem>>) dst(%dma_wait3A_370 : memref<48x128xf32, #tpu.memory_space<vmem_shared>>)
      tpu.yield
    }) : () -> ()
    %add3A_180 = arith.constant 192 : i32
    %add3A_181 = arith.addi %add3A, %add3A_180 : i32
    %mul3A_182 = arith.constant 128 : i32
    %mul3A_183 = arith.muli %add3A_181, %mul3A_182 : i32
    %dma_start3A_184 = arith.constant 0 : i32
    %dma_start3A_185 = tpu.memref_slice %arg2[%mul3A_183, %dma_start3A_184] : memref<50000x128xf32, #tpu.memory_space<hbm>> -> memref<128x128xf32, #tpu.memory_space<hbm>>
    %dma_start3A_186 = arith.constant 0 : i32
    %dma_start3A_187 = tpu.memref_slice %arg2[%mul3A_183, %dma_start3A_186] : memref<50000x128xf32, #tpu.memory_space<hbm>> -> memref<128x128xf32, #tpu.memory_space<hbm>>
    tpu.enqueue_dma source(%dma_start3A_187 : memref<128x128xf32, #tpu.memory_space<hbm>>) target(%arg11 : memref<128x128xf32, #tpu.memory_space<vmem>>) target_semaphore(%arg21 : memref<!tpu.dma_semaphore, #tpu.memory_space<semaphore_mem>>)
    %mul3A_188 = arith.constant 128 : i32
    %mul3A_189 = arith.muli %add3A_181, %mul3A_188 : i32
    %dma_start3A_190 = tpu.memref_slice %arg5[%mul3A_189] : memref<50048xi32, #tpu.memory_space<hbm>> -> memref<128xi32, #tpu.memory_space<hbm>>
    %dma_start3A_191 = tpu.memref_slice %arg5[%mul3A_189] : memref<50048xi32, #tpu.memory_space<hbm>> -> memref<128xi32, #tpu.memory_space<hbm>>
    tpu.enqueue_dma source(%dma_start3A_191 : memref<128xi32, #tpu.memory_space<hbm>>) target(%arg15 : memref<128xi32, #tpu.memory_space<vmem>>) target_semaphore(%arg25 : memref<!tpu.dma_semaphore, #tpu.memory_space<semaphore_mem>>)
    %dma_wait3A_192 = arith.constant 0 : i32
    %dma_wait3A_193 = arith.constant 0 : i32
    %dma_wait3A_194 = tpu.memref_slice %arg2[%dma_wait3A_192, %dma_wait3A_193] : memref<50000x128xf32, #tpu.memory_space<hbm>> -> memref<128x128xf32, #tpu.memory_space<hbm>>
    %dma_wait3A_195 = arith.constant 0 : i32
    %dma_wait3A_196 = arith.constant 0 : i32
    %dma_wait3A_197 = tpu.memref_slice %arg2[%dma_wait3A_195, %dma_wait3A_196] : memref<50000x128xf32, #tpu.memory_space<hbm>> -> memref<128x128xf32, #tpu.memory_space<hbm>>
    tpu.wait_dma2 semaphore(%arg22 : memref<!tpu.dma_semaphore, #tpu.memory_space<semaphore_mem>>) src(%dma_wait3A_197 : memref<128x128xf32, #tpu.memory_space<hbm>>) dst(%arg12 : memref<128x128xf32, #tpu.memory_space<vmem>>)
    %dma_wait3A_198 = arith.constant 0 : i32
    %dma_wait3A_199 = tpu.memref_slice %arg5[%dma_wait3A_198] : memref<50048xi32, #tpu.memory_space<hbm>> -> memref<128xi32, #tpu.memory_space<hbm>>
    %dma_wait3A_200 = arith.constant 0 : i32
    %dma_wait3A_201 = tpu.memref_slice %arg5[%dma_wait3A_200] : memref<50048xi32, #tpu.memory_space<hbm>> -> memref<128xi32, #tpu.memory_space<hbm>>
    tpu.wait_dma2 semaphore(%arg26 : memref<!tpu.dma_semaphore, #tpu.memory_space<semaphore_mem>>) src(%dma_wait3A_201 : memref<128xi32, #tpu.memory_space<hbm>>) dst(%arg16 : memref<128xi32, #tpu.memory_space<vmem>>)
    "tpu.region"() ({
      %run_scoped3A = tpu.sem_alloc : memref<!tpu.dma_semaphore, #tpu.memory_space<semaphore_mem>>
      %dma_start3A_365 = arith.constant 0 : i32
      %dma_start3A_366 = arith.constant 0 : i32
      %dma_start3A_367 = tpu.memref_slice %arg18[%dma_start3A_365, %dma_start3A_366] : memref<48x128xf32, #tpu.memory_space<vmem_shared>> -> memref<48x128xf32, #tpu.memory_space<vmem_shared>>
      tpu.enqueue_indirect_dma source(%arg12 : memref<128x128xf32, #tpu.memory_space<vmem>>) target(%dma_start3A_367 : memref<48x128xf32, #tpu.memory_space<vmem_shared>>) offsets(%arg16 : memref<128xi32, #tpu.memory_space<vmem>>) semaphore(%run_scoped3A : memref<!tpu.dma_semaphore, #tpu.memory_space<semaphore_mem>>) {add = true}
      %dma_wait3A_368 = arith.constant 0 : i32
      %dma_wait3A_369 = arith.constant 0 : i32
      %dma_wait3A_370 = tpu.memref_slice %arg18[%dma_wait3A_368, %dma_wait3A_369] : memref<48x128xf32, #tpu.memory_space<vmem_shared>> -> memref<48x128xf32, #tpu.memory_space<vmem_shared>>
      tpu.wait_indirect_dma semaphore(%run_scoped3A : memref<!tpu.dma_semaphore, #tpu.memory_space<semaphore_mem>>) src(%arg12 : memref<128x128xf32, #tpu.memory_space<vmem>>) dst(%dma_wait3A_370 : memref<48x128xf32, #tpu.memory_space<vmem_shared>>)
      tpu.yield
    }) : () -> ()
    %add3A_202 = arith.constant 224 : i32
    %add3A_203 = arith.addi %add3A, %add3A_202 : i32
    %mul3A_204 = arith.constant 128 : i32
    %mul3A_205 = arith.muli %add3A_203, %mul3A_204 : i32
    %dma_start3A_206 = arith.constant 0 : i32
    %dma_start3A_207 = tpu.memref_slice %arg2[%mul3A_205, %dma_start3A_206] : memref<50000x128xf32, #tpu.memory_space<hbm>> -> memref<128x128xf32, #tpu.memory_space<hbm>>
    %dma_start3A_208 = arith.constant 0 : i32
    %dma_start3A_209 = tpu.memref_slice %arg2[%mul3A_205, %dma_start3A_208] : memref<50000x128xf32, #tpu.memory_space<hbm>> -> memref<128x128xf32, #tpu.memory_space<hbm>>
    tpu.enqueue_dma source(%dma_start3A_209 : memref<128x128xf32, #tpu.memory_space<hbm>>) target(%arg12 : memref<128x128xf32, #tpu.memory_space<vmem>>) target_semaphore(%arg22 : memref<!tpu.dma_semaphore, #tpu.memory_space<semaphore_mem>>)
    %mul3A_210 = arith.constant 128 : i32
    %mul3A_211 = arith.muli %add3A_203, %mul3A_210 : i32
    %dma_start3A_212 = tpu.memref_slice %arg5[%mul3A_211] : memref<50048xi32, #tpu.memory_space<hbm>> -> memref<128xi32, #tpu.memory_space<hbm>>
    %dma_start3A_213 = tpu.memref_slice %arg5[%mul3A_211] : memref<50048xi32, #tpu.memory_space<hbm>> -> memref<128xi32, #tpu.memory_space<hbm>>
    tpu.enqueue_dma source(%dma_start3A_213 : memref<128xi32, #tpu.memory_space<hbm>>) target(%arg16 : memref<128xi32, #tpu.memory_space<vmem>>) target_semaphore(%arg26 : memref<!tpu.dma_semaphore, #tpu.memory_space<semaphore_mem>>)
    %dma_wait3A_214 = arith.constant 0 : i32
    %dma_wait3A_215 = arith.constant 0 : i32
    %dma_wait3A_216 = tpu.memref_slice %arg2[%dma_wait3A_214, %dma_wait3A_215] : memref<50000x128xf32, #tpu.memory_space<hbm>> -> memref<128x128xf32, #tpu.memory_space<hbm>>
    %dma_wait3A_217 = arith.constant 0 : i32
    %dma_wait3A_218 = arith.constant 0 : i32
    %dma_wait3A_219 = tpu.memref_slice %arg2[%dma_wait3A_217, %dma_wait3A_218] : memref<50000x128xf32, #tpu.memory_space<hbm>> -> memref<128x128xf32, #tpu.memory_space<hbm>>
    tpu.wait_dma2 semaphore(%arg19 : memref<!tpu.dma_semaphore, #tpu.memory_space<semaphore_mem>>) src(%dma_wait3A_219 : memref<128x128xf32, #tpu.memory_space<hbm>>) dst(%arg9 : memref<128x128xf32, #tpu.memory_space<vmem>>)
    %dma_wait3A_220 = arith.constant 0 : i32
    %dma_wait3A_221 = tpu.memref_slice %arg5[%dma_wait3A_220] : memref<50048xi32, #tpu.memory_space<hbm>> -> memref<128xi32, #tpu.memory_space<hbm>>
    %dma_wait3A_222 = arith.constant 0 : i32
    %dma_wait3A_223 = tpu.memref_slice %arg5[%dma_wait3A_222] : memref<50048xi32, #tpu.memory_space<hbm>> -> memref<128xi32, #tpu.memory_space<hbm>>
    tpu.wait_dma2 semaphore(%arg23 : memref<!tpu.dma_semaphore, #tpu.memory_space<semaphore_mem>>) src(%dma_wait3A_223 : memref<128xi32, #tpu.memory_space<hbm>>) dst(%arg13 : memref<128xi32, #tpu.memory_space<vmem>>)
    "tpu.region"() ({
      %run_scoped3A = tpu.sem_alloc : memref<!tpu.dma_semaphore, #tpu.memory_space<semaphore_mem>>
      %dma_start3A_365 = arith.constant 0 : i32
      %dma_start3A_366 = arith.constant 0 : i32
      %dma_start3A_367 = tpu.memref_slice %arg18[%dma_start3A_365, %dma_start3A_366] : memref<48x128xf32, #tpu.memory_space<vmem_shared>> -> memref<48x128xf32, #tpu.memory_space<vmem_shared>>
      tpu.enqueue_indirect_dma source(%arg9 : memref<128x128xf32, #tpu.memory_space<vmem>>) target(%dma_start3A_367 : memref<48x128xf32, #tpu.memory_space<vmem_shared>>) offsets(%arg13 : memref<128xi32, #tpu.memory_space<vmem>>) semaphore(%run_scoped3A : memref<!tpu.dma_semaphore, #tpu.memory_space<semaphore_mem>>) {add = true}
      %dma_wait3A_368 = arith.constant 0 : i32
      %dma_wait3A_369 = arith.constant 0 : i32
      %dma_wait3A_370 = tpu.memref_slice %arg18[%dma_wait3A_368, %dma_wait3A_369] : memref<48x128xf32, #tpu.memory_space<vmem_shared>> -> memref<48x128xf32, #tpu.memory_space<vmem_shared>>
      tpu.wait_indirect_dma semaphore(%run_scoped3A : memref<!tpu.dma_semaphore, #tpu.memory_space<semaphore_mem>>) src(%arg9 : memref<128x128xf32, #tpu.memory_space<vmem>>) dst(%dma_wait3A_370 : memref<48x128xf32, #tpu.memory_space<vmem_shared>>)
      tpu.yield
    }) : () -> ()
    %add3A_224 = arith.constant 256 : i32
    %add3A_225 = arith.addi %add3A, %add3A_224 : i32
    %mul3A_226 = arith.constant 128 : i32
    %mul3A_227 = arith.muli %add3A_225, %mul3A_226 : i32
    %dma_start3A_228 = arith.constant 0 : i32
    %dma_start3A_229 = tpu.memref_slice %arg2[%mul3A_227, %dma_start3A_228] : memref<50000x128xf32, #tpu.memory_space<hbm>> -> memref<128x128xf32, #tpu.memory_space<hbm>>
    %dma_start3A_230 = arith.constant 0 : i32
    %dma_start3A_231 = tpu.memref_slice %arg2[%mul3A_227, %dma_start3A_230] : memref<50000x128xf32, #tpu.memory_space<hbm>> -> memref<128x128xf32, #tpu.memory_space<hbm>>
    tpu.enqueue_dma source(%dma_start3A_231 : memref<128x128xf32, #tpu.memory_space<hbm>>) target(%arg9 : memref<128x128xf32, #tpu.memory_space<vmem>>) target_semaphore(%arg19 : memref<!tpu.dma_semaphore, #tpu.memory_space<semaphore_mem>>)
    %mul3A_232 = arith.constant 128 : i32
    %mul3A_233 = arith.muli %add3A_225, %mul3A_232 : i32
    %dma_start3A_234 = tpu.memref_slice %arg5[%mul3A_233] : memref<50048xi32, #tpu.memory_space<hbm>> -> memref<128xi32, #tpu.memory_space<hbm>>
    %dma_start3A_235 = tpu.memref_slice %arg5[%mul3A_233] : memref<50048xi32, #tpu.memory_space<hbm>> -> memref<128xi32, #tpu.memory_space<hbm>>
    tpu.enqueue_dma source(%dma_start3A_235 : memref<128xi32, #tpu.memory_space<hbm>>) target(%arg13 : memref<128xi32, #tpu.memory_space<vmem>>) target_semaphore(%arg23 : memref<!tpu.dma_semaphore, #tpu.memory_space<semaphore_mem>>)
    %dma_wait3A_236 = arith.constant 0 : i32
    %dma_wait3A_237 = arith.constant 0 : i32
    %dma_wait3A_238 = tpu.memref_slice %arg2[%dma_wait3A_236, %dma_wait3A_237] : memref<50000x128xf32, #tpu.memory_space<hbm>> -> memref<128x128xf32, #tpu.memory_space<hbm>>
    %dma_wait3A_239 = arith.constant 0 : i32
    %dma_wait3A_240 = arith.constant 0 : i32
    %dma_wait3A_241 = tpu.memref_slice %arg2[%dma_wait3A_239, %dma_wait3A_240] : memref<50000x128xf32, #tpu.memory_space<hbm>> -> memref<128x128xf32, #tpu.memory_space<hbm>>
    tpu.wait_dma2 semaphore(%arg20 : memref<!tpu.dma_semaphore, #tpu.memory_space<semaphore_mem>>) src(%dma_wait3A_241 : memref<128x128xf32, #tpu.memory_space<hbm>>) dst(%arg10 : memref<128x128xf32, #tpu.memory_space<vmem>>)
    %dma_wait3A_242 = arith.constant 0 : i32
    %dma_wait3A_243 = tpu.memref_slice %arg5[%dma_wait3A_242] : memref<50048xi32, #tpu.memory_space<hbm>> -> memref<128xi32, #tpu.memory_space<hbm>>
    %dma_wait3A_244 = arith.constant 0 : i32
    %dma_wait3A_245 = tpu.memref_slice %arg5[%dma_wait3A_244] : memref<50048xi32, #tpu.memory_space<hbm>> -> memref<128xi32, #tpu.memory_space<hbm>>
    tpu.wait_dma2 semaphore(%arg24 : memref<!tpu.dma_semaphore, #tpu.memory_space<semaphore_mem>>) src(%dma_wait3A_245 : memref<128xi32, #tpu.memory_space<hbm>>) dst(%arg14 : memref<128xi32, #tpu.memory_space<vmem>>)
    "tpu.region"() ({
      %run_scoped3A = tpu.sem_alloc : memref<!tpu.dma_semaphore, #tpu.memory_space<semaphore_mem>>
      %dma_start3A_365 = arith.constant 0 : i32
      %dma_start3A_366 = arith.constant 0 : i32
      %dma_start3A_367 = tpu.memref_slice %arg18[%dma_start3A_365, %dma_start3A_366] : memref<48x128xf32, #tpu.memory_space<vmem_shared>> -> memref<48x128xf32, #tpu.memory_space<vmem_shared>>
      tpu.enqueue_indirect_dma source(%arg10 : memref<128x128xf32, #tpu.memory_space<vmem>>) target(%dma_start3A_367 : memref<48x128xf32, #tpu.memory_space<vmem_shared>>) offsets(%arg14 : memref<128xi32, #tpu.memory_space<vmem>>) semaphore(%run_scoped3A : memref<!tpu.dma_semaphore, #tpu.memory_space<semaphore_mem>>) {add = true}
      %dma_wait3A_368 = arith.constant 0 : i32
      %dma_wait3A_369 = arith.constant 0 : i32
      %dma_wait3A_370 = tpu.memref_slice %arg18[%dma_wait3A_368, %dma_wait3A_369] : memref<48x128xf32, #tpu.memory_space<vmem_shared>> -> memref<48x128xf32, #tpu.memory_space<vmem_shared>>
      tpu.wait_indirect_dma semaphore(%run_scoped3A : memref<!tpu.dma_semaphore, #tpu.memory_space<semaphore_mem>>) src(%arg10 : memref<128x128xf32, #tpu.memory_space<vmem>>) dst(%dma_wait3A_370 : memref<48x128xf32, #tpu.memory_space<vmem_shared>>)
      tpu.yield
    }) : () -> ()
    %add3A_246 = arith.constant 288 : i32
    %add3A_247 = arith.addi %add3A, %add3A_246 : i32
    %mul3A_248 = arith.constant 128 : i32
    %mul3A_249 = arith.muli %add3A_247, %mul3A_248 : i32
    %dma_start3A_250 = arith.constant 0 : i32
    %dma_start3A_251 = tpu.memref_slice %arg2[%mul3A_249, %dma_start3A_250] : memref<50000x128xf32, #tpu.memory_space<hbm>> -> memref<128x128xf32, #tpu.memory_space<hbm>>
    %dma_start3A_252 = arith.constant 0 : i32
    %dma_start3A_253 = tpu.memref_slice %arg2[%mul3A_249, %dma_start3A_252] : memref<50000x128xf32, #tpu.memory_space<hbm>> -> memref<128x128xf32, #tpu.memory_space<hbm>>
    tpu.enqueue_dma source(%dma_start3A_253 : memref<128x128xf32, #tpu.memory_space<hbm>>) target(%arg10 : memref<128x128xf32, #tpu.memory_space<vmem>>) target_semaphore(%arg20 : memref<!tpu.dma_semaphore, #tpu.memory_space<semaphore_mem>>)
    %mul3A_254 = arith.constant 128 : i32
    %mul3A_255 = arith.muli %add3A_247, %mul3A_254 : i32
    %dma_start3A_256 = tpu.memref_slice %arg5[%mul3A_255] : memref<50048xi32, #tpu.memory_space<hbm>> -> memref<128xi32, #tpu.memory_space<hbm>>
    %dma_start3A_257 = tpu.memref_slice %arg5[%mul3A_255] : memref<50048xi32, #tpu.memory_space<hbm>> -> memref<128xi32, #tpu.memory_space<hbm>>
    tpu.enqueue_dma source(%dma_start3A_257 : memref<128xi32, #tpu.memory_space<hbm>>) target(%arg14 : memref<128xi32, #tpu.memory_space<vmem>>) target_semaphore(%arg24 : memref<!tpu.dma_semaphore, #tpu.memory_space<semaphore_mem>>)
    %dma_wait3A_258 = arith.constant 0 : i32
    %dma_wait3A_259 = arith.constant 0 : i32
    %dma_wait3A_260 = tpu.memref_slice %arg2[%dma_wait3A_258, %dma_wait3A_259] : memref<50000x128xf32, #tpu.memory_space<hbm>> -> memref<128x128xf32, #tpu.memory_space<hbm>>
    %dma_wait3A_261 = arith.constant 0 : i32
    %dma_wait3A_262 = arith.constant 0 : i32
    %dma_wait3A_263 = tpu.memref_slice %arg2[%dma_wait3A_261, %dma_wait3A_262] : memref<50000x128xf32, #tpu.memory_space<hbm>> -> memref<128x128xf32, #tpu.memory_space<hbm>>
    tpu.wait_dma2 semaphore(%arg21 : memref<!tpu.dma_semaphore, #tpu.memory_space<semaphore_mem>>) src(%dma_wait3A_263 : memref<128x128xf32, #tpu.memory_space<hbm>>) dst(%arg11 : memref<128x128xf32, #tpu.memory_space<vmem>>)
    %dma_wait3A_264 = arith.constant 0 : i32
    %dma_wait3A_265 = tpu.memref_slice %arg5[%dma_wait3A_264] : memref<50048xi32, #tpu.memory_space<hbm>> -> memref<128xi32, #tpu.memory_space<hbm>>
    %dma_wait3A_266 = arith.constant 0 : i32
    %dma_wait3A_267 = tpu.memref_slice %arg5[%dma_wait3A_266] : memref<50048xi32, #tpu.memory_space<hbm>> -> memref<128xi32, #tpu.memory_space<hbm>>
    tpu.wait_dma2 semaphore(%arg25 : memref<!tpu.dma_semaphore, #tpu.memory_space<semaphore_mem>>) src(%dma_wait3A_267 : memref<128xi32, #tpu.memory_space<hbm>>) dst(%arg15 : memref<128xi32, #tpu.memory_space<vmem>>)
    "tpu.region"() ({
      %run_scoped3A = tpu.sem_alloc : memref<!tpu.dma_semaphore, #tpu.memory_space<semaphore_mem>>
      %dma_start3A_365 = arith.constant 0 : i32
      %dma_start3A_366 = arith.constant 0 : i32
      %dma_start3A_367 = tpu.memref_slice %arg18[%dma_start3A_365, %dma_start3A_366] : memref<48x128xf32, #tpu.memory_space<vmem_shared>> -> memref<48x128xf32, #tpu.memory_space<vmem_shared>>
      tpu.enqueue_indirect_dma source(%arg11 : memref<128x128xf32, #tpu.memory_space<vmem>>) target(%dma_start3A_367 : memref<48x128xf32, #tpu.memory_space<vmem_shared>>) offsets(%arg15 : memref<128xi32, #tpu.memory_space<vmem>>) semaphore(%run_scoped3A : memref<!tpu.dma_semaphore, #tpu.memory_space<semaphore_mem>>) {add = true}
      %dma_wait3A_368 = arith.constant 0 : i32
      %dma_wait3A_369 = arith.constant 0 : i32
      %dma_wait3A_370 = tpu.memref_slice %arg18[%dma_wait3A_368, %dma_wait3A_369] : memref<48x128xf32, #tpu.memory_space<vmem_shared>> -> memref<48x128xf32, #tpu.memory_space<vmem_shared>>
      tpu.wait_indirect_dma semaphore(%run_scoped3A : memref<!tpu.dma_semaphore, #tpu.memory_space<semaphore_mem>>) src(%arg11 : memref<128x128xf32, #tpu.memory_space<vmem>>) dst(%dma_wait3A_370 : memref<48x128xf32, #tpu.memory_space<vmem_shared>>)
      tpu.yield
    }) : () -> ()
    %add3A_268 = arith.constant 320 : i32
    %add3A_269 = arith.addi %add3A, %add3A_268 : i32
    %mul3A_270 = arith.constant 128 : i32
    %mul3A_271 = arith.muli %add3A_269, %mul3A_270 : i32
    %dma_start3A_272 = arith.constant 0 : i32
    %dma_start3A_273 = tpu.memref_slice %arg2[%mul3A_271, %dma_start3A_272] : memref<50000x128xf32, #tpu.memory_space<hbm>> -> memref<128x128xf32, #tpu.memory_space<hbm>>
    %dma_start3A_274 = arith.constant 0 : i32
    %dma_start3A_275 = tpu.memref_slice %arg2[%mul3A_271, %dma_start3A_274] : memref<50000x128xf32, #tpu.memory_space<hbm>> -> memref<128x128xf32, #tpu.memory_space<hbm>>
    tpu.enqueue_dma source(%dma_start3A_275 : memref<128x128xf32, #tpu.memory_space<hbm>>) target(%arg11 : memref<128x128xf32, #tpu.memory_space<vmem>>) target_semaphore(%arg21 : memref<!tpu.dma_semaphore, #tpu.memory_space<semaphore_mem>>)
    %mul3A_276 = arith.constant 128 : i32
    %mul3A_277 = arith.muli %add3A_269, %mul3A_276 : i32
    %dma_start3A_278 = tpu.memref_slice %arg5[%mul3A_277] : memref<50048xi32, #tpu.memory_space<hbm>> -> memref<128xi32, #tpu.memory_space<hbm>>
    %dma_start3A_279 = tpu.memref_slice %arg5[%mul3A_277] : memref<50048xi32, #tpu.memory_space<hbm>> -> memref<128xi32, #tpu.memory_space<hbm>>
    tpu.enqueue_dma source(%dma_start3A_279 : memref<128xi32, #tpu.memory_space<hbm>>) target(%arg15 : memref<128xi32, #tpu.memory_space<vmem>>) target_semaphore(%arg25 : memref<!tpu.dma_semaphore, #tpu.memory_space<semaphore_mem>>)
    %dma_wait3A_280 = arith.constant 0 : i32
    %dma_wait3A_281 = arith.constant 0 : i32
    %dma_wait3A_282 = tpu.memref_slice %arg2[%dma_wait3A_280, %dma_wait3A_281] : memref<50000x128xf32, #tpu.memory_space<hbm>> -> memref<128x128xf32, #tpu.memory_space<hbm>>
    %dma_wait3A_283 = arith.constant 0 : i32
    %dma_wait3A_284 = arith.constant 0 : i32
    %dma_wait3A_285 = tpu.memref_slice %arg2[%dma_wait3A_283, %dma_wait3A_284] : memref<50000x128xf32, #tpu.memory_space<hbm>> -> memref<128x128xf32, #tpu.memory_space<hbm>>
    tpu.wait_dma2 semaphore(%arg22 : memref<!tpu.dma_semaphore, #tpu.memory_space<semaphore_mem>>) src(%dma_wait3A_285 : memref<128x128xf32, #tpu.memory_space<hbm>>) dst(%arg12 : memref<128x128xf32, #tpu.memory_space<vmem>>)
    %dma_wait3A_286 = arith.constant 0 : i32
    %dma_wait3A_287 = tpu.memref_slice %arg5[%dma_wait3A_286] : memref<50048xi32, #tpu.memory_space<hbm>> -> memref<128xi32, #tpu.memory_space<hbm>>
    %dma_wait3A_288 = arith.constant 0 : i32
    %dma_wait3A_289 = tpu.memref_slice %arg5[%dma_wait3A_288] : memref<50048xi32, #tpu.memory_space<hbm>> -> memref<128xi32, #tpu.memory_space<hbm>>
    tpu.wait_dma2 semaphore(%arg26 : memref<!tpu.dma_semaphore, #tpu.memory_space<semaphore_mem>>) src(%dma_wait3A_289 : memref<128xi32, #tpu.memory_space<hbm>>) dst(%arg16 : memref<128xi32, #tpu.memory_space<vmem>>)
    "tpu.region"() ({
      %run_scoped3A = tpu.sem_alloc : memref<!tpu.dma_semaphore, #tpu.memory_space<semaphore_mem>>
      %dma_start3A_365 = arith.constant 0 : i32
      %dma_start3A_366 = arith.constant 0 : i32
      %dma_start3A_367 = tpu.memref_slice %arg18[%dma_start3A_365, %dma_start3A_366] : memref<48x128xf32, #tpu.memory_space<vmem_shared>> -> memref<48x128xf32, #tpu.memory_space<vmem_shared>>
      tpu.enqueue_indirect_dma source(%arg12 : memref<128x128xf32, #tpu.memory_space<vmem>>) target(%dma_start3A_367 : memref<48x128xf32, #tpu.memory_space<vmem_shared>>) offsets(%arg16 : memref<128xi32, #tpu.memory_space<vmem>>) semaphore(%run_scoped3A : memref<!tpu.dma_semaphore, #tpu.memory_space<semaphore_mem>>) {add = true}
      %dma_wait3A_368 = arith.constant 0 : i32
      %dma_wait3A_369 = arith.constant 0 : i32
      %dma_wait3A_370 = tpu.memref_slice %arg18[%dma_wait3A_368, %dma_wait3A_369] : memref<48x128xf32, #tpu.memory_space<vmem_shared>> -> memref<48x128xf32, #tpu.memory_space<vmem_shared>>
      tpu.wait_indirect_dma semaphore(%run_scoped3A : memref<!tpu.dma_semaphore, #tpu.memory_space<semaphore_mem>>) src(%arg12 : memref<128x128xf32, #tpu.memory_space<vmem>>) dst(%dma_wait3A_370 : memref<48x128xf32, #tpu.memory_space<vmem_shared>>)
      tpu.yield
    }) : () -> ()
    %add3A_290 = arith.constant 352 : i32
    %add3A_291 = arith.addi %add3A, %add3A_290 : i32
    %mul3A_292 = arith.constant 128 : i32
    %mul3A_293 = arith.muli %add3A_291, %mul3A_292 : i32
    %dma_start3A_294 = arith.constant 0 : i32
    %dma_start3A_295 = tpu.memref_slice %arg2[%mul3A_293, %dma_start3A_294] : memref<50000x128xf32, #tpu.memory_space<hbm>> -> memref<128x128xf32, #tpu.memory_space<hbm>>
    %dma_start3A_296 = arith.constant 0 : i32
    %dma_start3A_297 = tpu.memref_slice %arg2[%mul3A_293, %dma_start3A_296] : memref<50000x128xf32, #tpu.memory_space<hbm>> -> memref<128x128xf32, #tpu.memory_space<hbm>>
    tpu.enqueue_dma source(%dma_start3A_297 : memref<128x128xf32, #tpu.memory_space<hbm>>) target(%arg12 : memref<128x128xf32, #tpu.memory_space<vmem>>) target_semaphore(%arg22 : memref<!tpu.dma_semaphore, #tpu.memory_space<semaphore_mem>>)
    %mul3A_298 = arith.constant 128 : i32
    %mul3A_299 = arith.muli %add3A_291, %mul3A_298 : i32
    %dma_start3A_300 = tpu.memref_slice %arg5[%mul3A_299] : memref<50048xi32, #tpu.memory_space<hbm>> -> memref<128xi32, #tpu.memory_space<hbm>>
    %dma_start3A_301 = tpu.memref_slice %arg5[%mul3A_299] : memref<50048xi32, #tpu.memory_space<hbm>> -> memref<128xi32, #tpu.memory_space<hbm>>
    tpu.enqueue_dma source(%dma_start3A_301 : memref<128xi32, #tpu.memory_space<hbm>>) target(%arg16 : memref<128xi32, #tpu.memory_space<vmem>>) target_semaphore(%arg26 : memref<!tpu.dma_semaphore, #tpu.memory_space<semaphore_mem>>)
    %dma_wait3A_302 = arith.constant 0 : i32
    %dma_wait3A_303 = arith.constant 0 : i32
    %dma_wait3A_304 = tpu.memref_slice %arg2[%dma_wait3A_302, %dma_wait3A_303] : memref<50000x128xf32, #tpu.memory_space<hbm>> -> memref<128x128xf32, #tpu.memory_space<hbm>>
    %dma_wait3A_305 = arith.constant 0 : i32
    %dma_wait3A_306 = arith.constant 0 : i32
    %dma_wait3A_307 = tpu.memref_slice %arg2[%dma_wait3A_305, %dma_wait3A_306] : memref<50000x128xf32, #tpu.memory_space<hbm>> -> memref<128x128xf32, #tpu.memory_space<hbm>>
    tpu.wait_dma2 semaphore(%arg19 : memref<!tpu.dma_semaphore, #tpu.memory_space<semaphore_mem>>) src(%dma_wait3A_307 : memref<128x128xf32, #tpu.memory_space<hbm>>) dst(%arg9 : memref<128x128xf32, #tpu.memory_space<vmem>>)
    %dma_wait3A_308 = arith.constant 0 : i32
    %dma_wait3A_309 = tpu.memref_slice %arg5[%dma_wait3A_308] : memref<50048xi32, #tpu.memory_space<hbm>> -> memref<128xi32, #tpu.memory_space<hbm>>
    %dma_wait3A_310 = arith.constant 0 : i32
    %dma_wait3A_311 = tpu.memref_slice %arg5[%dma_wait3A_310] : memref<50048xi32, #tpu.memory_space<hbm>> -> memref<128xi32, #tpu.memory_space<hbm>>
    tpu.wait_dma2 semaphore(%arg23 : memref<!tpu.dma_semaphore, #tpu.memory_space<semaphore_mem>>) src(%dma_wait3A_311 : memref<128xi32, #tpu.memory_space<hbm>>) dst(%arg13 : memref<128xi32, #tpu.memory_space<vmem>>)
    "tpu.region"() ({
      %run_scoped3A = tpu.sem_alloc : memref<!tpu.dma_semaphore, #tpu.memory_space<semaphore_mem>>
      %dma_start3A_365 = arith.constant 0 : i32
      %dma_start3A_366 = arith.constant 0 : i32
      %dma_start3A_367 = tpu.memref_slice %arg18[%dma_start3A_365, %dma_start3A_366] : memref<48x128xf32, #tpu.memory_space<vmem_shared>> -> memref<48x128xf32, #tpu.memory_space<vmem_shared>>
      tpu.enqueue_indirect_dma source(%arg9 : memref<128x128xf32, #tpu.memory_space<vmem>>) target(%dma_start3A_367 : memref<48x128xf32, #tpu.memory_space<vmem_shared>>) offsets(%arg13 : memref<128xi32, #tpu.memory_space<vmem>>) semaphore(%run_scoped3A : memref<!tpu.dma_semaphore, #tpu.memory_space<semaphore_mem>>) {add = true}
      %dma_wait3A_368 = arith.constant 0 : i32
      %dma_wait3A_369 = arith.constant 0 : i32
      %dma_wait3A_370 = tpu.memref_slice %arg18[%dma_wait3A_368, %dma_wait3A_369] : memref<48x128xf32, #tpu.memory_space<vmem_shared>> -> memref<48x128xf32, #tpu.memory_space<vmem_shared>>
      tpu.wait_indirect_dma semaphore(%run_scoped3A : memref<!tpu.dma_semaphore, #tpu.memory_space<semaphore_mem>>) src(%arg9 : memref<128x128xf32, #tpu.memory_space<vmem>>) dst(%dma_wait3A_370 : memref<48x128xf32, #tpu.memory_space<vmem_shared>>)
      tpu.yield
    }) : () -> ()
    %lt3A_312 = arith.constant 6 : i32
    %lt3A_313 = arith.cmpi slt, %add3A, %lt3A_312 : i32
    %add3A_314 = arith.constant 384 : i32
    %add3A_315 = arith.addi %add3A, %add3A_314 : i32
    %convert_element_type3A_316 = arith.extui %lt3A_313 : i1 to i32
    %cond3A_317 = arith.constant 0 : i32
    %cond3A_318 = arith.cmpi ne, %convert_element_type3A_316, %cond3A_317 : i32
    scf.if %cond3A_318 {
      %mul3A_365 = arith.constant 128 : i32
      %mul3A_366 = arith.muli %add3A_315, %mul3A_365 : i32
      %dma_start3A_367 = arith.constant 0 : i32
      %dma_start3A_368 = tpu.memref_slice %arg2[%mul3A_366, %dma_start3A_367] : memref<50000x128xf32, #tpu.memory_space<hbm>> -> memref<128x128xf32, #tpu.memory_space<hbm>>
      %dma_start3A_369 = arith.constant 0 : i32
      %dma_start3A_370 = tpu.memref_slice %arg2[%mul3A_366, %dma_start3A_369] : memref<50000x128xf32, #tpu.memory_space<hbm>> -> memref<128x128xf32, #tpu.memory_space<hbm>>
      tpu.enqueue_dma source(%dma_start3A_370 : memref<128x128xf32, #tpu.memory_space<hbm>>) target(%arg9 : memref<128x128xf32, #tpu.memory_space<vmem>>) target_semaphore(%arg19 : memref<!tpu.dma_semaphore, #tpu.memory_space<semaphore_mem>>)
      %mul3A_371 = arith.constant 128 : i32
      %mul3A_372 = arith.muli %add3A_315, %mul3A_371 : i32
      %dma_start3A_373 = tpu.memref_slice %arg5[%mul3A_372] : memref<50048xi32, #tpu.memory_space<hbm>> -> memref<128xi32, #tpu.memory_space<hbm>>
      %dma_start3A_374 = tpu.memref_slice %arg5[%mul3A_372] : memref<50048xi32, #tpu.memory_space<hbm>> -> memref<128xi32, #tpu.memory_space<hbm>>
      tpu.enqueue_dma source(%dma_start3A_374 : memref<128xi32, #tpu.memory_space<hbm>>) target(%arg13 : memref<128xi32, #tpu.memory_space<vmem>>) target_semaphore(%arg23 : memref<!tpu.dma_semaphore, #tpu.memory_space<semaphore_mem>>)
    } else {
    }
    %dma_wait3A_319 = arith.constant 0 : i32
    %dma_wait3A_320 = arith.constant 0 : i32
    %dma_wait3A_321 = tpu.memref_slice %arg2[%dma_wait3A_319, %dma_wait3A_320] : memref<50000x128xf32, #tpu.memory_space<hbm>> -> memref<128x128xf32, #tpu.memory_space<hbm>>
    %dma_wait3A_322 = arith.constant 0 : i32
    %dma_wait3A_323 = arith.constant 0 : i32
    %dma_wait3A_324 = tpu.memref_slice %arg2[%dma_wait3A_322, %dma_wait3A_323] : memref<50000x128xf32, #tpu.memory_space<hbm>> -> memref<128x128xf32, #tpu.memory_space<hbm>>
    tpu.wait_dma2 semaphore(%arg20 : memref<!tpu.dma_semaphore, #tpu.memory_space<semaphore_mem>>) src(%dma_wait3A_324 : memref<128x128xf32, #tpu.memory_space<hbm>>) dst(%arg10 : memref<128x128xf32, #tpu.memory_space<vmem>>)
    %dma_wait3A_325 = arith.constant 0 : i32
    %dma_wait3A_326 = tpu.memref_slice %arg5[%dma_wait3A_325] : memref<50048xi32, #tpu.memory_space<hbm>> -> memref<128xi32, #tpu.memory_space<hbm>>
    %dma_wait3A_327 = arith.constant 0 : i32
    %dma_wait3A_328 = tpu.memref_slice %arg5[%dma_wait3A_327] : memref<50048xi32, #tpu.memory_space<hbm>> -> memref<128xi32, #tpu.memory_space<hbm>>
    tpu.wait_dma2 semaphore(%arg24 : memref<!tpu.dma_semaphore, #tpu.memory_space<semaphore_mem>>) src(%dma_wait3A_328 : memref<128xi32, #tpu.memory_space<hbm>>) dst(%arg14 : memref<128xi32, #tpu.memory_space<vmem>>)
    "tpu.region"() ({
      %run_scoped3A = tpu.sem_alloc : memref<!tpu.dma_semaphore, #tpu.memory_space<semaphore_mem>>
      %dma_start3A_365 = arith.constant 0 : i32
      %dma_start3A_366 = arith.constant 0 : i32
      %dma_start3A_367 = tpu.memref_slice %arg18[%dma_start3A_365, %dma_start3A_366] : memref<48x128xf32, #tpu.memory_space<vmem_shared>> -> memref<48x128xf32, #tpu.memory_space<vmem_shared>>
      tpu.enqueue_indirect_dma source(%arg10 : memref<128x128xf32, #tpu.memory_space<vmem>>) target(%dma_start3A_367 : memref<48x128xf32, #tpu.memory_space<vmem_shared>>) offsets(%arg14 : memref<128xi32, #tpu.memory_space<vmem>>) semaphore(%run_scoped3A : memref<!tpu.dma_semaphore, #tpu.memory_space<semaphore_mem>>) {add = true}
      %dma_wait3A_368 = arith.constant 0 : i32
      %dma_wait3A_369 = arith.constant 0 : i32
      %dma_wait3A_370 = tpu.memref_slice %arg18[%dma_wait3A_368, %dma_wait3A_369] : memref<48x128xf32, #tpu.memory_space<vmem_shared>> -> memref<48x128xf32, #tpu.memory_space<vmem_shared>>
      tpu.wait_indirect_dma semaphore(%run_scoped3A : memref<!tpu.dma_semaphore, #tpu.memory_space<semaphore_mem>>) src(%arg10 : memref<128x128xf32, #tpu.memory_space<vmem>>) dst(%dma_wait3A_370 : memref<48x128xf32, #tpu.memory_space<vmem_shared>>)
      tpu.yield
    }) : () -> ()
    %dma_wait3A_329 = arith.constant 0 : i32
    %dma_wait3A_330 = arith.constant 0 : i32
    %dma_wait3A_331 = tpu.memref_slice %arg2[%dma_wait3A_329, %dma_wait3A_330] : memref<50000x128xf32, #tpu.memory_space<hbm>> -> memref<128x128xf32, #tpu.memory_space<hbm>>
    %dma_wait3A_332 = arith.constant 0 : i32
    %dma_wait3A_333 = arith.constant 0 : i32
    %dma_wait3A_334 = tpu.memref_slice %arg2[%dma_wait3A_332, %dma_wait3A_333] : memref<50000x128xf32, #tpu.memory_space<hbm>> -> memref<128x128xf32, #tpu.memory_space<hbm>>
    tpu.wait_dma2 semaphore(%arg21 : memref<!tpu.dma_semaphore, #tpu.memory_space<semaphore_mem>>) src(%dma_wait3A_334 : memref<128x128xf32, #tpu.memory_space<hbm>>) dst(%arg11 : memref<128x128xf32, #tpu.memory_space<vmem>>)
    %dma_wait3A_335 = arith.constant 0 : i32
    %dma_wait3A_336 = tpu.memref_slice %arg5[%dma_wait3A_335] : memref<50048xi32, #tpu.memory_space<hbm>> -> memref<128xi32, #tpu.memory_space<hbm>>
    %dma_wait3A_337 = arith.constant 0 : i32
    %dma_wait3A_338 = tpu.memref_slice %arg5[%dma_wait3A_337] : memref<50048xi32, #tpu.memory_space<hbm>> -> memref<128xi32, #tpu.memory_space<hbm>>
    tpu.wait_dma2 semaphore(%arg25 : memref<!tpu.dma_semaphore, #tpu.memory_space<semaphore_mem>>) src(%dma_wait3A_338 : memref<128xi32, #tpu.memory_space<hbm>>) dst(%arg15 : memref<128xi32, #tpu.memory_space<vmem>>)
    "tpu.region"() ({
      %run_scoped3A = tpu.sem_alloc : memref<!tpu.dma_semaphore, #tpu.memory_space<semaphore_mem>>
      %dma_start3A_365 = arith.constant 0 : i32
      %dma_start3A_366 = arith.constant 0 : i32
      %dma_start3A_367 = tpu.memref_slice %arg18[%dma_start3A_365, %dma_start3A_366] : memref<48x128xf32, #tpu.memory_space<vmem_shared>> -> memref<48x128xf32, #tpu.memory_space<vmem_shared>>
      tpu.enqueue_indirect_dma source(%arg11 : memref<128x128xf32, #tpu.memory_space<vmem>>) target(%dma_start3A_367 : memref<48x128xf32, #tpu.memory_space<vmem_shared>>) offsets(%arg15 : memref<128xi32, #tpu.memory_space<vmem>>) semaphore(%run_scoped3A : memref<!tpu.dma_semaphore, #tpu.memory_space<semaphore_mem>>) {add = true}
      %dma_wait3A_368 = arith.constant 0 : i32
      %dma_wait3A_369 = arith.constant 0 : i32
      %dma_wait3A_370 = tpu.memref_slice %arg18[%dma_wait3A_368, %dma_wait3A_369] : memref<48x128xf32, #tpu.memory_space<vmem_shared>> -> memref<48x128xf32, #tpu.memory_space<vmem_shared>>
      tpu.wait_indirect_dma semaphore(%run_scoped3A : memref<!tpu.dma_semaphore, #tpu.memory_space<semaphore_mem>>) src(%arg11 : memref<128x128xf32, #tpu.memory_space<vmem>>) dst(%dma_wait3A_370 : memref<48x128xf32, #tpu.memory_space<vmem_shared>>)
      tpu.yield
    }) : () -> ()
    %dma_wait3A_339 = arith.constant 0 : i32
    %dma_wait3A_340 = arith.constant 0 : i32
    %dma_wait3A_341 = tpu.memref_slice %arg2[%dma_wait3A_339, %dma_wait3A_340] : memref<50000x128xf32, #tpu.memory_space<hbm>> -> memref<128x128xf32, #tpu.memory_space<hbm>>
    %dma_wait3A_342 = arith.constant 0 : i32
    %dma_wait3A_343 = arith.constant 0 : i32
    %dma_wait3A_344 = tpu.memref_slice %arg2[%dma_wait3A_342, %dma_wait3A_343] : memref<50000x128xf32, #tpu.memory_space<hbm>> -> memref<128x128xf32, #tpu.memory_space<hbm>>
    tpu.wait_dma2 semaphore(%arg22 : memref<!tpu.dma_semaphore, #tpu.memory_space<semaphore_mem>>) src(%dma_wait3A_344 : memref<128x128xf32, #tpu.memory_space<hbm>>) dst(%arg12 : memref<128x128xf32, #tpu.memory_space<vmem>>)
    %dma_wait3A_345 = arith.constant 0 : i32
    %dma_wait3A_346 = tpu.memref_slice %arg5[%dma_wait3A_345] : memref<50048xi32, #tpu.memory_space<hbm>> -> memref<128xi32, #tpu.memory_space<hbm>>
    %dma_wait3A_347 = arith.constant 0 : i32
    %dma_wait3A_348 = tpu.memref_slice %arg5[%dma_wait3A_347] : memref<50048xi32, #tpu.memory_space<hbm>> -> memref<128xi32, #tpu.memory_space<hbm>>
    tpu.wait_dma2 semaphore(%arg26 : memref<!tpu.dma_semaphore, #tpu.memory_space<semaphore_mem>>) src(%dma_wait3A_348 : memref<128xi32, #tpu.memory_space<hbm>>) dst(%arg16 : memref<128xi32, #tpu.memory_space<vmem>>)
    "tpu.region"() ({
      %run_scoped3A = tpu.sem_alloc : memref<!tpu.dma_semaphore, #tpu.memory_space<semaphore_mem>>
      %dma_start3A_365 = arith.constant 0 : i32
      %dma_start3A_366 = arith.constant 0 : i32
      %dma_start3A_367 = tpu.memref_slice %arg18[%dma_start3A_365, %dma_start3A_366] : memref<48x128xf32, #tpu.memory_space<vmem_shared>> -> memref<48x128xf32, #tpu.memory_space<vmem_shared>>
      tpu.enqueue_indirect_dma source(%arg12 : memref<128x128xf32, #tpu.memory_space<vmem>>) target(%dma_start3A_367 : memref<48x128xf32, #tpu.memory_space<vmem_shared>>) offsets(%arg16 : memref<128xi32, #tpu.memory_space<vmem>>) semaphore(%run_scoped3A : memref<!tpu.dma_semaphore, #tpu.memory_space<semaphore_mem>>) {add = true}
      %dma_wait3A_368 = arith.constant 0 : i32
      %dma_wait3A_369 = arith.constant 0 : i32
      %dma_wait3A_370 = tpu.memref_slice %arg18[%dma_wait3A_368, %dma_wait3A_369] : memref<48x128xf32, #tpu.memory_space<vmem_shared>> -> memref<48x128xf32, #tpu.memory_space<vmem_shared>>
      tpu.wait_indirect_dma semaphore(%run_scoped3A : memref<!tpu.dma_semaphore, #tpu.memory_space<semaphore_mem>>) src(%arg12 : memref<128x128xf32, #tpu.memory_space<vmem>>) dst(%dma_wait3A_370 : memref<48x128xf32, #tpu.memory_space<vmem_shared>>)
      tpu.yield
    }) : () -> ()
    %lt3A_349 = arith.constant 6 : i32
    %lt3A_350 = arith.cmpi slt, %add3A, %lt3A_349 : i32
    %convert_element_type3A_351 = arith.extui %lt3A_350 : i1 to i32
    %cond3A_352 = arith.constant 0 : i32
    %cond3A_353 = arith.cmpi ne, %convert_element_type3A_351, %cond3A_352 : i32
    scf.if %cond3A_353 {
      %dma_wait3A_365 = arith.constant 0 : i32
      %dma_wait3A_366 = arith.constant 0 : i32
      %dma_wait3A_367 = tpu.memref_slice %arg2[%dma_wait3A_365, %dma_wait3A_366] : memref<50000x128xf32, #tpu.memory_space<hbm>> -> memref<128x128xf32, #tpu.memory_space<hbm>>
      %dma_wait3A_368 = arith.constant 0 : i32
      %dma_wait3A_369 = arith.constant 0 : i32
      %dma_wait3A_370 = tpu.memref_slice %arg2[%dma_wait3A_368, %dma_wait3A_369] : memref<50000x128xf32, #tpu.memory_space<hbm>> -> memref<128x128xf32, #tpu.memory_space<hbm>>
      tpu.wait_dma2 semaphore(%arg19 : memref<!tpu.dma_semaphore, #tpu.memory_space<semaphore_mem>>) src(%dma_wait3A_370 : memref<128x128xf32, #tpu.memory_space<hbm>>) dst(%arg9 : memref<128x128xf32, #tpu.memory_space<vmem>>)
      %dma_wait3A_371 = arith.constant 0 : i32
      %dma_wait3A_372 = tpu.memref_slice %arg5[%dma_wait3A_371] : memref<50048xi32, #tpu.memory_space<hbm>> -> memref<128xi32, #tpu.memory_space<hbm>>
      %dma_wait3A_373 = arith.constant 0 : i32
      %dma_wait3A_374 = tpu.memref_slice %arg5[%dma_wait3A_373] : memref<50048xi32, #tpu.memory_space<hbm>> -> memref<128xi32, #tpu.memory_space<hbm>>
      tpu.wait_dma2 semaphore(%arg23 : memref<!tpu.dma_semaphore, #tpu.memory_space<semaphore_mem>>) src(%dma_wait3A_374 : memref<128xi32, #tpu.memory_space<hbm>>) dst(%arg13 : memref<128xi32, #tpu.memory_space<vmem>>)
      "tpu.region"() ({
        %run_scoped3A = tpu.sem_alloc : memref<!tpu.dma_semaphore, #tpu.memory_space<semaphore_mem>>
        %dma_start3A_375 = arith.constant 0 : i32
        %dma_start3A_376 = arith.constant 0 : i32
        %dma_start3A_377 = tpu.memref_slice %arg18[%dma_start3A_375, %dma_start3A_376] : memref<48x128xf32, #tpu.memory_space<vmem_shared>> -> memref<48x128xf32, #tpu.memory_space<vmem_shared>>
        tpu.enqueue_indirect_dma source(%arg9 : memref<128x128xf32, #tpu.memory_space<vmem>>) target(%dma_start3A_377 : memref<48x128xf32, #tpu.memory_space<vmem_shared>>) offsets(%arg13 : memref<128xi32, #tpu.memory_space<vmem>>) semaphore(%run_scoped3A : memref<!tpu.dma_semaphore, #tpu.memory_space<semaphore_mem>>) {add = true}
        %dma_wait3A_378 = arith.constant 0 : i32
        %dma_wait3A_379 = arith.constant 0 : i32
        %dma_wait3A_380 = tpu.memref_slice %arg18[%dma_wait3A_378, %dma_wait3A_379] : memref<48x128xf32, #tpu.memory_space<vmem_shared>> -> memref<48x128xf32, #tpu.memory_space<vmem_shared>>
        tpu.wait_indirect_dma semaphore(%run_scoped3A : memref<!tpu.dma_semaphore, #tpu.memory_space<semaphore_mem>>) src(%arg9 : memref<128x128xf32, #tpu.memory_space<vmem>>) dst(%dma_wait3A_380 : memref<48x128xf32, #tpu.memory_space<vmem_shared>>)
        tpu.yield
      }) : () -> ()
    } else {
    }
    %eq3A_354 = arith.constant 0 : i32
    %eq3A_355 = arith.cmpi eq, %add3A, %eq3A_354 : i32
    %convert_element_type3A_356 = arith.extui %eq3A_355 : i1 to i32
    %cond3A_357 = arith.constant 0 : i32
    %cond3A_358 = arith.cmpi ne, %convert_element_type3A_356, %cond3A_357 : i32
    scf.if %cond3A_358 {
      %dma_start3A_365 = arith.constant 0 : i32
      %dma_start3A_366 = arith.constant 0 : i32
      %dma_start3A_367 = tpu.memref_slice %arg10[%dma_start3A_365, %dma_start3A_366] : memref<128x128xf32, #tpu.memory_space<vmem>> -> memref<80x128xf32, #tpu.memory_space<vmem>>
      %dma_start3A_368 = arith.constant 49920 : i32
      %dma_start3A_369 = arith.constant 0 : i32
      %dma_start3A_370 = tpu.memref_slice %arg2[%dma_start3A_368, %dma_start3A_369] : memref<50000x128xf32, #tpu.memory_space<hbm>> -> memref<80x128xf32, #tpu.memory_space<hbm>>
      %dma_start3A_371 = arith.constant 0 : i32
      %dma_start3A_372 = arith.constant 0 : i32
      %dma_start3A_373 = tpu.memref_slice %arg10[%dma_start3A_371, %dma_start3A_372] : memref<128x128xf32, #tpu.memory_space<vmem>> -> memref<80x128xf32, #tpu.memory_space<vmem>>
      %dma_start3A_374 = arith.constant 49920 : i32
      %dma_start3A_375 = arith.constant 0 : i32
      %dma_start3A_376 = tpu.memref_slice %arg2[%dma_start3A_374, %dma_start3A_375] : memref<50000x128xf32, #tpu.memory_space<hbm>> -> memref<80x128xf32, #tpu.memory_space<hbm>>
      tpu.enqueue_dma source(%dma_start3A_376 : memref<80x128xf32, #tpu.memory_space<hbm>>) target(%dma_start3A_373 : memref<80x128xf32, #tpu.memory_space<vmem>>) target_semaphore(%arg19 : memref<!tpu.dma_semaphore, #tpu.memory_space<semaphore_mem>>)
      %dma_start3A_377 = arith.constant 80 : i32
      %dma_start3A_378 = arith.constant 0 : i32
      %dma_start3A_379 = tpu.memref_slice %arg10[%dma_start3A_377, %dma_start3A_378] : memref<128x128xf32, #tpu.memory_space<vmem>> -> memref<48x128xf32, #tpu.memory_space<vmem>>
      %dma_start3A_380 = arith.constant 0 : i32
      %dma_start3A_381 = arith.constant 0 : i32
      %dma_start3A_382 = tpu.memref_slice %arg7[%dma_start3A_380, %dma_start3A_381] : memref<128x128xf32, #tpu.memory_space<hbm>> -> memref<48x128xf32, #tpu.memory_space<hbm>>
      %dma_start3A_383 = arith.constant 80 : i32
      %dma_start3A_384 = arith.constant 0 : i32
      %dma_start3A_385 = tpu.memref_slice %arg10[%dma_start3A_383, %dma_start3A_384] : memref<128x128xf32, #tpu.memory_space<vmem>> -> memref<48x128xf32, #tpu.memory_space<vmem>>
      %dma_start3A_386 = arith.constant 0 : i32
      %dma_start3A_387 = arith.constant 0 : i32
      %dma_start3A_388 = tpu.memref_slice %arg7[%dma_start3A_386, %dma_start3A_387] : memref<128x128xf32, #tpu.memory_space<hbm>> -> memref<48x128xf32, #tpu.memory_space<hbm>>
      tpu.enqueue_dma source(%dma_start3A_388 : memref<48x128xf32, #tpu.memory_space<hbm>>) target(%dma_start3A_385 : memref<48x128xf32, #tpu.memory_space<vmem>>) target_semaphore(%arg20 : memref<!tpu.dma_semaphore, #tpu.memory_space<semaphore_mem>>)
      %dma_start3A_389 = arith.constant 49920 : i32
      %dma_start3A_390 = tpu.memref_slice %arg5[%dma_start3A_389] : memref<50048xi32, #tpu.memory_space<hbm>> -> memref<128xi32, #tpu.memory_space<hbm>>
      %dma_start3A_391 = arith.constant 49920 : i32
      %dma_start3A_392 = tpu.memref_slice %arg5[%dma_start3A_391] : memref<50048xi32, #tpu.memory_space<hbm>> -> memref<128xi32, #tpu.memory_space<hbm>>
      tpu.enqueue_dma source(%dma_start3A_392 : memref<128xi32, #tpu.memory_space<hbm>>) target(%arg14 : memref<128xi32, #tpu.memory_space<vmem>>) target_semaphore(%arg23 : memref<!tpu.dma_semaphore, #tpu.memory_space<semaphore_mem>>)
      %dma_wait3A_393 = arith.constant 0 : i32
      %dma_wait3A_394 = arith.constant 0 : i32
      %dma_wait3A_395 = tpu.memref_slice %arg10[%dma_wait3A_393, %dma_wait3A_394] : memref<128x128xf32, #tpu.memory_space<vmem>> -> memref<80x128xf32, #tpu.memory_space<vmem>>
      %dma_wait3A_396 = arith.constant 0 : i32
      %dma_wait3A_397 = arith.constant 0 : i32
      %dma_wait3A_398 = tpu.memref_slice %arg2[%dma_wait3A_396, %dma_wait3A_397] : memref<50000x128xf32, #tpu.memory_space<hbm>> -> memref<80x128xf32, #tpu.memory_space<hbm>>
      %dma_wait3A_399 = arith.constant 0 : i32
      %dma_wait3A_400 = arith.constant 0 : i32
      %dma_wait3A_401 = tpu.memref_slice %arg10[%dma_wait3A_399, %dma_wait3A_400] : memref<128x128xf32, #tpu.memory_space<vmem>> -> memref<80x128xf32, #tpu.memory_space<vmem>>
      %dma_wait3A_402 = arith.constant 0 : i32
      %dma_wait3A_403 = arith.constant 0 : i32
      %dma_wait3A_404 = tpu.memref_slice %arg2[%dma_wait3A_402, %dma_wait3A_403] : memref<50000x128xf32, #tpu.memory_space<hbm>> -> memref<80x128xf32, #tpu.memory_space<hbm>>
      tpu.wait_dma2 semaphore(%arg19 : memref<!tpu.dma_semaphore, #tpu.memory_space<semaphore_mem>>) src(%dma_wait3A_404 : memref<80x128xf32, #tpu.memory_space<hbm>>) dst(%dma_wait3A_401 : memref<80x128xf32, #tpu.memory_space<vmem>>)
      %dma_wait3A_405 = arith.constant 0 : i32
      %dma_wait3A_406 = arith.constant 0 : i32
      %dma_wait3A_407 = tpu.memref_slice %arg10[%dma_wait3A_405, %dma_wait3A_406] : memref<128x128xf32, #tpu.memory_space<vmem>> -> memref<48x128xf32, #tpu.memory_space<vmem>>
      %dma_wait3A_408 = arith.constant 0 : i32
      %dma_wait3A_409 = arith.constant 0 : i32
      %dma_wait3A_410 = tpu.memref_slice %arg7[%dma_wait3A_408, %dma_wait3A_409] : memref<128x128xf32, #tpu.memory_space<hbm>> -> memref<48x128xf32, #tpu.memory_space<hbm>>
      %dma_wait3A_411 = arith.constant 0 : i32
      %dma_wait3A_412 = arith.constant 0 : i32
      %dma_wait3A_413 = tpu.memref_slice %arg10[%dma_wait3A_411, %dma_wait3A_412] : memref<128x128xf32, #tpu.memory_space<vmem>> -> memref<48x128xf32, #tpu.memory_space<vmem>>
      %dma_wait3A_414 = arith.constant 0 : i32
      %dma_wait3A_415 = arith.constant 0 : i32
      %dma_wait3A_416 = tpu.memref_slice %arg7[%dma_wait3A_414, %dma_wait3A_415] : memref<128x128xf32, #tpu.memory_space<hbm>> -> memref<48x128xf32, #tpu.memory_space<hbm>>
      tpu.wait_dma2 semaphore(%arg20 : memref<!tpu.dma_semaphore, #tpu.memory_space<semaphore_mem>>) src(%dma_wait3A_416 : memref<48x128xf32, #tpu.memory_space<hbm>>) dst(%dma_wait3A_413 : memref<48x128xf32, #tpu.memory_space<vmem>>)
      %dma_wait3A_417 = arith.constant 0 : i32
      %dma_wait3A_418 = tpu.memref_slice %arg5[%dma_wait3A_417] : memref<50048xi32, #tpu.memory_space<hbm>> -> memref<128xi32, #tpu.memory_space<hbm>>
      %dma_wait3A_419 = arith.constant 0 : i32
      %dma_wait3A_420 = tpu.memref_slice %arg5[%dma_wait3A_419] : memref<50048xi32, #tpu.memory_space<hbm>> -> memref<128xi32, #tpu.memory_space<hbm>>
      tpu.wait_dma2 semaphore(%arg23 : memref<!tpu.dma_semaphore, #tpu.memory_space<semaphore_mem>>) src(%dma_wait3A_420 : memref<128xi32, #tpu.memory_space<hbm>>) dst(%arg14 : memref<128xi32, #tpu.memory_space<vmem>>)
      "tpu.region"() ({
        %run_scoped3A = tpu.sem_alloc : memref<!tpu.dma_semaphore, #tpu.memory_space<semaphore_mem>>
        %dma_start3A_421 = arith.constant 0 : i32
        %dma_start3A_422 = arith.constant 0 : i32
        %dma_start3A_423 = tpu.memref_slice %arg18[%dma_start3A_421, %dma_start3A_422] : memref<48x128xf32, #tpu.memory_space<vmem_shared>> -> memref<48x128xf32, #tpu.memory_space<vmem_shared>>
        tpu.enqueue_indirect_dma source(%arg10 : memref<128x128xf32, #tpu.memory_space<vmem>>) target(%dma_start3A_423 : memref<48x128xf32, #tpu.memory_space<vmem_shared>>) offsets(%arg14 : memref<128xi32, #tpu.memory_space<vmem>>) semaphore(%run_scoped3A : memref<!tpu.dma_semaphore, #tpu.memory_space<semaphore_mem>>) {add = true}
        %dma_wait3A_424 = arith.constant 0 : i32
        %dma_wait3A_425 = arith.constant 0 : i32
        %dma_wait3A_426 = tpu.memref_slice %arg18[%dma_wait3A_424, %dma_wait3A_425] : memref<48x128xf32, #tpu.memory_space<vmem_shared>> -> memref<48x128xf32, #tpu.memory_space<vmem_shared>>
        tpu.wait_indirect_dma semaphore(%run_scoped3A : memref<!tpu.dma_semaphore, #tpu.memory_space<semaphore_mem>>) src(%arg10 : memref<128x128xf32, #tpu.memory_space<vmem>>) dst(%dma_wait3A_426 : memref<48x128xf32, #tpu.memory_space<vmem_shared>>)
        tpu.yield
      }) : () -> ()
    } else {
    }
    %barrier3A_359 = arith.constant 0 : index
    tpu.barrier barrier_id(%barrier3A_359)
    %eq3A_360 = arith.constant 0 : i32
    %eq3A_361 = arith.cmpi eq, %arg1, %eq3A_360 : i32
    %convert_element_type3A_362 = arith.extui %eq3A_361 : i1 to i32
    %cond3A_363 = arith.constant 0 : i32
    %cond3A_364 = arith.cmpi ne, %convert_element_type3A_362, %cond3A_363 : i32
    scf.if %cond3A_364 {
      "tpu.region"() ({
        %run_scoped3A = tpu.sem_alloc : memref<!tpu.dma_semaphore, #tpu.memory_space<semaphore_mem>>
        tpu.enqueue_dma source(%arg18 : memref<48x128xf32, #tpu.memory_space<vmem_shared>>) target(%arg17 : memref<48x128xf32, #tpu.memory_space<vmem>>) target_semaphore(%run_scoped3A : memref<!tpu.dma_semaphore, #tpu.memory_space<semaphore_mem>>)
        tpu.wait_dma2 semaphore(%run_scoped3A : memref<!tpu.dma_semaphore, #tpu.memory_space<semaphore_mem>>) src(%arg18 : memref<48x128xf32, #tpu.memory_space<vmem_shared>>) dst(%arg17 : memref<48x128xf32, #tpu.memory_space<vmem>>)
        tpu.yield
      }) : () -> ()
      %get3A = arith.constant 32 : i32
      %get3A_365 = arith.index_cast %get3A : i32 to index
      %get3A_366 = arith.constant 0 : index
      %get3A_367 = tpu.vector_load %arg17[%get3A_365, %get3A_366] {strides = array<i32>} : memref<48x128xf32, #tpu.memory_space<vmem>>, vector<1x16xf32>,
      %get3A_368 = vector.shape_cast %get3A_367 : vector<1x16xf32> to vector<16xf32>
      %get3A_369 = arith.constant 0 : i32
      %get3A_370 = arith.index_cast %get3A_369 : i32 to index
      %get3A_371 = arith.constant 0 : index
      %get3A_372 = tpu.vector_load %arg17[%get3A_370, %get3A_371] {strides = array<i32>} : memref<48x128xf32, #tpu.memory_space<vmem>>, vector<1x16xf32>,
      %get3A_373 = vector.shape_cast %get3A_372 : vector<1x16xf32> to vector<16xf32>
      %get3A_374 = arith.constant 1 : i32
      %get3A_375 = arith.index_cast %get3A_374 : i32 to index
      %get3A_376 = arith.constant 0 : index
      %get3A_377 = tpu.vector_load %arg17[%get3A_375, %get3A_376] {strides = array<i32>} : memref<48x128xf32, #tpu.memory_space<vmem>>, vector<1x16xf32>,
      %get3A_378 = vector.shape_cast %get3A_377 : vector<1x16xf32> to vector<16xf32>
      %get3A_379 = arith.constant 33 : i32
      %get3A_380 = arith.index_cast %get3A_379 : i32 to index
      %get3A_381 = arith.constant 0 : index
      %get3A_382 = tpu.vector_load %arg17[%get3A_380, %get3A_381] {strides = array<i32>} : memref<48x128xf32, #tpu.memory_space<vmem>>, vector<1x16xf32>,
      %get3A_383 = vector.shape_cast %get3A_382 : vector<1x16xf32> to vector<16xf32>
      %add3A_384 = arith.addf %get3A_368, %get3A_383 : vector<16xf32>
      %get3A_385 = arith.constant 2 : i32
      %get3A_386 = arith.index_cast %get3A_385 : i32 to index
      %get3A_387 = arith.constant 0 : index
      %get3A_388 = tpu.vector_load %arg17[%get3A_386, %get3A_387] {strides = array<i32>} : memref<48x128xf32, #tpu.memory_space<vmem>>, vector<1x16xf32>,
      %get3A_389 = vector.shape_cast %get3A_388 : vector<1x16xf32> to vector<16xf32>
      %add3A_390 = arith.addf %get3A_373, %get3A_389 : vector<16xf32>
      %get3A_391 = arith.constant 3 : i32
      %get3A_392 = arith.index_cast %get3A_391 : i32 to index
      %get3A_393 = arith.constant 0 : index
      %get3A_394 = tpu.vector_load %arg17[%get3A_392, %get3A_393] {strides = array<i32>} : memref<48x128xf32, #tpu.memory_space<vmem>>, vector<1x16xf32>,
      %get3A_395 = vector.shape_cast %get3A_394 : vector<1x16xf32> to vector<16xf32>
      %add3A_396 = arith.addf %get3A_378, %get3A_395 : vector<16xf32>
      %get3A_397 = arith.constant 34 : i32
      %get3A_398 = arith.index_cast %get3A_397 : i32 to index
      %get3A_399 = arith.constant 0 : index
      %get3A_400 = tpu.vector_load %arg17[%get3A_398, %get3A_399] {strides = array<i32>} : memref<48x128xf32, #tpu.memory_space<vmem>>, vector<1x16xf32>,
      %get3A_401 = vector.shape_cast %get3A_400 : vector<1x16xf32> to vector<16xf32>
      %add3A_402 = arith.addf %add3A_384, %get3A_401 : vector<16xf32>
      %get3A_403 = arith.constant 4 : i32
      %get3A_404 = arith.index_cast %get3A_403 : i32 to index
      %get3A_405 = arith.constant 0 : index
      %get3A_406 = tpu.vector_load %arg17[%get3A_404, %get3A_405] {strides = array<i32>} : memref<48x128xf32, #tpu.memory_space<vmem>>, vector<1x16xf32>,
      %get3A_407 = vector.shape_cast %get3A_406 : vector<1x16xf32> to vector<16xf32>
      %add3A_408 = arith.addf %add3A_390, %get3A_407 : vector<16xf32>
      %get3A_409 = arith.constant 5 : i32
      %get3A_410 = arith.index_cast %get3A_409 : i32 to index
      %get3A_411 = arith.constant 0 : index
      %get3A_412 = tpu.vector_load %arg17[%get3A_410, %get3A_411] {strides = array<i32>} : memref<48x128xf32, #tpu.memory_space<vmem>>, vector<1x16xf32>,
      %get3A_413 = vector.shape_cast %get3A_412 : vector<1x16xf32> to vector<16xf32>
      %add3A_414 = arith.addf %add3A_396, %get3A_413 : vector<16xf32>
      %get3A_415 = arith.constant 35 : i32
      %get3A_416 = arith.index_cast %get3A_415 : i32 to index
      %get3A_417 = arith.constant 0 : index
      %get3A_418 = tpu.vector_load %arg17[%get3A_416, %get3A_417] {strides = array<i32>} : memref<48x128xf32, #tpu.memory_space<vmem>>, vector<1x16xf32>,
      %get3A_419 = vector.shape_cast %get3A_418 : vector<1x16xf32> to vector<16xf32>
      %add3A_420 = arith.addf %add3A_402, %get3A_419 : vector<16xf32>
      %get3A_421 = arith.constant 6 : i32
      %get3A_422 = arith.index_cast %get3A_421 : i32 to index
      %get3A_423 = arith.constant 0 : index
      %get3A_424 = tpu.vector_load %arg17[%get3A_422, %get3A_423] {strides = array<i32>} : memref<48x128xf32, #tpu.memory_space<vmem>>, vector<1x16xf32>,
      %get3A_425 = vector.shape_cast %get3A_424 : vector<1x16xf32> to vector<16xf32>
      %add3A_426 = arith.addf %add3A_408, %get3A_425 : vector<16xf32>
      %get3A_427 = arith.constant 7 : i32
      %get3A_428 = arith.index_cast %get3A_427 : i32 to index
      %get3A_429 = arith.constant 0 : index
      %get3A_430 = tpu.vector_load %arg17[%get3A_428, %get3A_429] {strides = array<i32>} : memref<48x128xf32, #tpu.memory_space<vmem>>, vector<1x16xf32>,
      %get3A_431 = vector.shape_cast %get3A_430 : vector<1x16xf32> to vector<16xf32>
      %add3A_432 = arith.addf %add3A_414, %get3A_431 : vector<16xf32>
      %get3A_433 = arith.constant 36 : i32
      %get3A_434 = arith.index_cast %get3A_433 : i32 to index
      %get3A_435 = arith.constant 0 : index
      %get3A_436 = tpu.vector_load %arg17[%get3A_434, %get3A_435] {strides = array<i32>} : memref<48x128xf32, #tpu.memory_space<vmem>>, vector<1x16xf32>,
      %get3A_437 = vector.shape_cast %get3A_436 : vector<1x16xf32> to vector<16xf32>
      %add3A_438 = arith.addf %add3A_420, %get3A_437 : vector<16xf32>
      %get3A_439 = arith.constant 8 : i32
      %get3A_440 = arith.index_cast %get3A_439 : i32 to index
      %get3A_441 = arith.constant 0 : index
      %get3A_442 = tpu.vector_load %arg17[%get3A_440, %get3A_441] {strides = array<i32>} : memref<48x128xf32, #tpu.memory_space<vmem>>, vector<1x16xf32>,
      %get3A_443 = vector.shape_cast %get3A_442 : vector<1x16xf32> to vector<16xf32>
      %add3A_444 = arith.addf %add3A_426, %get3A_443 : vector<16xf32>
      %get3A_445 = arith.constant 9 : i32
      %get3A_446 = arith.index_cast %get3A_445 : i32 to index
      %get3A_447 = arith.constant 0 : index
      %get3A_448 = tpu.vector_load %arg17[%get3A_446, %get3A_447] {strides = array<i32>} : memref<48x128xf32, #tpu.memory_space<vmem>>, vector<1x16xf32>,
      %get3A_449 = vector.shape_cast %get3A_448 : vector<1x16xf32> to vector<16xf32>
      %add3A_450 = arith.addf %add3A_432, %get3A_449 : vector<16xf32>
      %get3A_451 = arith.constant 37 : i32
      %get3A_452 = arith.index_cast %get3A_451 : i32 to index
      %get3A_453 = arith.constant 0 : index
      %get3A_454 = tpu.vector_load %arg17[%get3A_452, %get3A_453] {strides = array<i32>} : memref<48x128xf32, #tpu.memory_space<vmem>>, vector<1x16xf32>,
      %get3A_455 = vector.shape_cast %get3A_454 : vector<1x16xf32> to vector<16xf32>
      %add3A_456 = arith.addf %add3A_438, %get3A_455 : vector<16xf32>
      %get3A_457 = arith.constant 10 : i32
      %get3A_458 = arith.index_cast %get3A_457 : i32 to index
      %get3A_459 = arith.constant 0 : index
      %get3A_460 = tpu.vector_load %arg17[%get3A_458, %get3A_459] {strides = array<i32>} : memref<48x128xf32, #tpu.memory_space<vmem>>, vector<1x16xf32>,
      %get3A_461 = vector.shape_cast %get3A_460 : vector<1x16xf32> to vector<16xf32>
      %add3A_462 = arith.addf %add3A_444, %get3A_461 : vector<16xf32>
      %get3A_463 = arith.constant 11 : i32
      %get3A_464 = arith.index_cast %get3A_463 : i32 to index
      %get3A_465 = arith.constant 0 : index
      %get3A_466 = tpu.vector_load %arg17[%get3A_464, %get3A_465] {strides = array<i32>} : memref<48x128xf32, #tpu.memory_space<vmem>>, vector<1x16xf32>,
      %get3A_467 = vector.shape_cast %get3A_466 : vector<1x16xf32> to vector<16xf32>
      %add3A_468 = arith.addf %add3A_450, %get3A_467 : vector<16xf32>
      %get3A_469 = arith.constant 38 : i32
      %get3A_470 = arith.index_cast %get3A_469 : i32 to index
      %get3A_471 = arith.constant 0 : index
      %get3A_472 = tpu.vector_load %arg17[%get3A_470, %get3A_471] {strides = array<i32>} : memref<48x128xf32, #tpu.memory_space<vmem>>, vector<1x16xf32>,
      %get3A_473 = vector.shape_cast %get3A_472 : vector<1x16xf32> to vector<16xf32>
      %add3A_474 = arith.addf %add3A_456, %get3A_473 : vector<16xf32>
      %get3A_475 = arith.constant 12 : i32
      %get3A_476 = arith.index_cast %get3A_475 : i32 to index
      %get3A_477 = arith.constant 0 : index
      %get3A_478 = tpu.vector_load %arg17[%get3A_476, %get3A_477] {strides = array<i32>} : memref<48x128xf32, #tpu.memory_space<vmem>>, vector<1x16xf32>,
      %get3A_479 = vector.shape_cast %get3A_478 : vector<1x16xf32> to vector<16xf32>
      %add3A_480 = arith.addf %add3A_462, %get3A_479 : vector<16xf32>
      %get3A_481 = arith.constant 13 : i32
      %get3A_482 = arith.index_cast %get3A_481 : i32 to index
      %get3A_483 = arith.constant 0 : index
      %get3A_484 = tpu.vector_load %arg17[%get3A_482, %get3A_483] {strides = array<i32>} : memref<48x128xf32, #tpu.memory_space<vmem>>, vector<1x16xf32>,
      %get3A_485 = vector.shape_cast %get3A_484 : vector<1x16xf32> to vector<16xf32>
      %add3A_486 = arith.addf %add3A_468, %get3A_485 : vector<16xf32>
      %get3A_487 = arith.constant 39 : i32
      %get3A_488 = arith.index_cast %get3A_487 : i32 to index
      %get3A_489 = arith.constant 0 : index
      %get3A_490 = tpu.vector_load %arg17[%get3A_488, %get3A_489] {strides = array<i32>} : memref<48x128xf32, #tpu.memory_space<vmem>>, vector<1x16xf32>,
      %get3A_491 = vector.shape_cast %get3A_490 : vector<1x16xf32> to vector<16xf32>
      %add3A_492 = arith.addf %add3A_474, %get3A_491 : vector<16xf32>
      %get3A_493 = arith.constant 14 : i32
      %get3A_494 = arith.index_cast %get3A_493 : i32 to index
      %get3A_495 = arith.constant 0 : index
      %get3A_496 = tpu.vector_load %arg17[%get3A_494, %get3A_495] {strides = array<i32>} : memref<48x128xf32, #tpu.memory_space<vmem>>, vector<1x16xf32>,
      %get3A_497 = vector.shape_cast %get3A_496 : vector<1x16xf32> to vector<16xf32>
      %add3A_498 = arith.addf %add3A_480, %get3A_497 : vector<16xf32>
      %get3A_499 = arith.constant 15 : i32
      %get3A_500 = arith.index_cast %get3A_499 : i32 to index
      %get3A_501 = arith.constant 0 : index
      %get3A_502 = tpu.vector_load %arg17[%get3A_500, %get3A_501] {strides = array<i32>} : memref<48x128xf32, #tpu.memory_space<vmem>>, vector<1x16xf32>,
      %get3A_503 = vector.shape_cast %get3A_502 : vector<1x16xf32> to vector<16xf32>
      %add3A_504 = arith.addf %add3A_486, %get3A_503 : vector<16xf32>
      %get3A_505 = arith.constant 40 : i32
      %get3A_506 = arith.index_cast %get3A_505 : i32 to index
      %get3A_507 = arith.constant 0 : index
      %get3A_508 = tpu.vector_load %arg17[%get3A_506, %get3A_507] {strides = array<i32>} : memref<48x128xf32, #tpu.memory_space<vmem>>, vector<1x16xf32>,
      %get3A_509 = vector.shape_cast %get3A_508 : vector<1x16xf32> to vector<16xf32>
      %add3A_510 = arith.addf %add3A_492, %get3A_509 : vector<16xf32>
      %get3A_511 = arith.constant 16 : i32
      %get3A_512 = arith.index_cast %get3A_511 : i32 to index
      %get3A_513 = arith.constant 0 : index
      %get3A_514 = tpu.vector_load %arg17[%get3A_512, %get3A_513] {strides = array<i32>} : memref<48x128xf32, #tpu.memory_space<vmem>>, vector<1x16xf32>,
      %get3A_515 = vector.shape_cast %get3A_514 : vector<1x16xf32> to vector<16xf32>
      %add3A_516 = arith.addf %add3A_498, %get3A_515 : vector<16xf32>
      %get3A_517 = arith.constant 17 : i32
      %get3A_518 = arith.index_cast %get3A_517 : i32 to index
      %get3A_519 = arith.constant 0 : index
      %get3A_520 = tpu.vector_load %arg17[%get3A_518, %get3A_519] {strides = array<i32>} : memref<48x128xf32, #tpu.memory_space<vmem>>, vector<1x16xf32>,
      %get3A_521 = vector.shape_cast %get3A_520 : vector<1x16xf32> to vector<16xf32>
      %add3A_522 = arith.addf %add3A_504, %get3A_521 : vector<16xf32>
      %get3A_523 = arith.constant 41 : i32
      %get3A_524 = arith.index_cast %get3A_523 : i32 to index
      %get3A_525 = arith.constant 0 : index
      %get3A_526 = tpu.vector_load %arg17[%get3A_524, %get3A_525] {strides = array<i32>} : memref<48x128xf32, #tpu.memory_space<vmem>>, vector<1x16xf32>,
      %get3A_527 = vector.shape_cast %get3A_526 : vector<1x16xf32> to vector<16xf32>
      %add3A_528 = arith.addf %add3A_510, %get3A_527 : vector<16xf32>
      %get3A_529 = arith.constant 18 : i32
      %get3A_530 = arith.index_cast %get3A_529 : i32 to index
      %get3A_531 = arith.constant 0 : index
      %get3A_532 = tpu.vector_load %arg17[%get3A_530, %get3A_531] {strides = array<i32>} : memref<48x128xf32, #tpu.memory_space<vmem>>, vector<1x16xf32>,
      %get3A_533 = vector.shape_cast %get3A_532 : vector<1x16xf32> to vector<16xf32>
      %add3A_534 = arith.addf %add3A_516, %get3A_533 : vector<16xf32>
      %get3A_535 = arith.constant 19 : i32
      %get3A_536 = arith.index_cast %get3A_535 : i32 to index
      %get3A_537 = arith.constant 0 : index
      %get3A_538 = tpu.vector_load %arg17[%get3A_536, %get3A_537] {strides = array<i32>} : memref<48x128xf32, #tpu.memory_space<vmem>>, vector<1x16xf32>,
      %get3A_539 = vector.shape_cast %get3A_538 : vector<1x16xf32> to vector<16xf32>
      %add3A_540 = arith.addf %add3A_522, %get3A_539 : vector<16xf32>
      %get3A_541 = arith.constant 42 : i32
      %get3A_542 = arith.index_cast %get3A_541 : i32 to index
      %get3A_543 = arith.constant 0 : index
      %get3A_544 = tpu.vector_load %arg17[%get3A_542, %get3A_543] {strides = array<i32>} : memref<48x128xf32, #tpu.memory_space<vmem>>, vector<1x16xf32>,
      %get3A_545 = vector.shape_cast %get3A_544 : vector<1x16xf32> to vector<16xf32>
      %add3A_546 = arith.addf %add3A_528, %get3A_545 : vector<16xf32>
      %get3A_547 = arith.constant 20 : i32
      %get3A_548 = arith.index_cast %get3A_547 : i32 to index
      %get3A_549 = arith.constant 0 : index
      %get3A_550 = tpu.vector_load %arg17[%get3A_548, %get3A_549] {strides = array<i32>} : memref<48x128xf32, #tpu.memory_space<vmem>>, vector<1x16xf32>,
      %get3A_551 = vector.shape_cast %get3A_550 : vector<1x16xf32> to vector<16xf32>
      %add3A_552 = arith.addf %add3A_534, %get3A_551 : vector<16xf32>
      %get3A_553 = arith.constant 21 : i32
      %get3A_554 = arith.index_cast %get3A_553 : i32 to index
      %get3A_555 = arith.constant 0 : index
      %get3A_556 = tpu.vector_load %arg17[%get3A_554, %get3A_555] {strides = array<i32>} : memref<48x128xf32, #tpu.memory_space<vmem>>, vector<1x16xf32>,
      %get3A_557 = vector.shape_cast %get3A_556 : vector<1x16xf32> to vector<16xf32>
      %add3A_558 = arith.addf %add3A_540, %get3A_557 : vector<16xf32>
      %get3A_559 = arith.constant 43 : i32
      %get3A_560 = arith.index_cast %get3A_559 : i32 to index
      %get3A_561 = arith.constant 0 : index
      %get3A_562 = tpu.vector_load %arg17[%get3A_560, %get3A_561] {strides = array<i32>} : memref<48x128xf32, #tpu.memory_space<vmem>>, vector<1x16xf32>,
      %get3A_563 = vector.shape_cast %get3A_562 : vector<1x16xf32> to vector<16xf32>
      %add3A_564 = arith.addf %add3A_546, %get3A_563 : vector<16xf32>
      %get3A_565 = arith.constant 22 : i32
      %get3A_566 = arith.index_cast %get3A_565 : i32 to index
      %get3A_567 = arith.constant 0 : index
      %get3A_568 = tpu.vector_load %arg17[%get3A_566, %get3A_567] {strides = array<i32>} : memref<48x128xf32, #tpu.memory_space<vmem>>, vector<1x16xf32>,
      %get3A_569 = vector.shape_cast %get3A_568 : vector<1x16xf32> to vector<16xf32>
      %add3A_570 = arith.addf %add3A_552, %get3A_569 : vector<16xf32>
      %get3A_571 = arith.constant 23 : i32
      %get3A_572 = arith.index_cast %get3A_571 : i32 to index
      %get3A_573 = arith.constant 0 : index
      %get3A_574 = tpu.vector_load %arg17[%get3A_572, %get3A_573] {strides = array<i32>} : memref<48x128xf32, #tpu.memory_space<vmem>>, vector<1x16xf32>,
      %get3A_575 = vector.shape_cast %get3A_574 : vector<1x16xf32> to vector<16xf32>
      %add3A_576 = arith.addf %add3A_558, %get3A_575 : vector<16xf32>
      %get3A_577 = arith.constant 44 : i32
      %get3A_578 = arith.index_cast %get3A_577 : i32 to index
      %get3A_579 = arith.constant 0 : index
      %get3A_580 = tpu.vector_load %arg17[%get3A_578, %get3A_579] {strides = array<i32>} : memref<48x128xf32, #tpu.memory_space<vmem>>, vector<1x16xf32>,
      %get3A_581 = vector.shape_cast %get3A_580 : vector<1x16xf32> to vector<16xf32>
      %add3A_582 = arith.addf %add3A_564, %get3A_581 : vector<16xf32>
      %get3A_583 = arith.constant 24 : i32
      %get3A_584 = arith.index_cast %get3A_583 : i32 to index
      %get3A_585 = arith.constant 0 : index
      %get3A_586 = tpu.vector_load %arg17[%get3A_584, %get3A_585] {strides = array<i32>} : memref<48x128xf32, #tpu.memory_space<vmem>>, vector<1x16xf32>,
      %get3A_587 = vector.shape_cast %get3A_586 : vector<1x16xf32> to vector<16xf32>
      %add3A_588 = arith.addf %add3A_570, %get3A_587 : vector<16xf32>
      %get3A_589 = arith.constant 25 : i32
      %get3A_590 = arith.index_cast %get3A_589 : i32 to index
      %get3A_591 = arith.constant 0 : index
      %get3A_592 = tpu.vector_load %arg17[%get3A_590, %get3A_591] {strides = array<i32>} : memref<48x128xf32, #tpu.memory_space<vmem>>, vector<1x16xf32>,
      %get3A_593 = vector.shape_cast %get3A_592 : vector<1x16xf32> to vector<16xf32>
      %add3A_594 = arith.addf %add3A_576, %get3A_593 : vector<16xf32>
      %get3A_595 = arith.constant 45 : i32
      %get3A_596 = arith.index_cast %get3A_595 : i32 to index
      %get3A_597 = arith.constant 0 : index
      %get3A_598 = tpu.vector_load %arg17[%get3A_596, %get3A_597] {strides = array<i32>} : memref<48x128xf32, #tpu.memory_space<vmem>>, vector<1x16xf32>,
      %get3A_599 = vector.shape_cast %get3A_598 : vector<1x16xf32> to vector<16xf32>
      %add3A_600 = arith.addf %add3A_582, %get3A_599 : vector<16xf32>
      %get3A_601 = arith.constant 26 : i32
      %get3A_602 = arith.index_cast %get3A_601 : i32 to index
      %get3A_603 = arith.constant 0 : index
      %get3A_604 = tpu.vector_load %arg17[%get3A_602, %get3A_603] {strides = array<i32>} : memref<48x128xf32, #tpu.memory_space<vmem>>, vector<1x16xf32>,
      %get3A_605 = vector.shape_cast %get3A_604 : vector<1x16xf32> to vector<16xf32>
      %add3A_606 = arith.addf %add3A_588, %get3A_605 : vector<16xf32>
      %get3A_607 = arith.constant 27 : i32
      %get3A_608 = arith.index_cast %get3A_607 : i32 to index
      %get3A_609 = arith.constant 0 : index
      %get3A_610 = tpu.vector_load %arg17[%get3A_608, %get3A_609] {strides = array<i32>} : memref<48x128xf32, #tpu.memory_space<vmem>>, vector<1x16xf32>,
      %get3A_611 = vector.shape_cast %get3A_610 : vector<1x16xf32> to vector<16xf32>
      %add3A_612 = arith.addf %add3A_594, %get3A_611 : vector<16xf32>
      %get3A_613 = arith.constant 46 : i32
      %get3A_614 = arith.index_cast %get3A_613 : i32 to index
      %get3A_615 = arith.constant 0 : index
      %get3A_616 = tpu.vector_load %arg17[%get3A_614, %get3A_615] {strides = array<i32>} : memref<48x128xf32, #tpu.memory_space<vmem>>, vector<1x16xf32>,
      %get3A_617 = vector.shape_cast %get3A_616 : vector<1x16xf32> to vector<16xf32>
      %add3A_618 = arith.addf %add3A_600, %get3A_617 : vector<16xf32>
      %get3A_619 = arith.constant 28 : i32
      %get3A_620 = arith.index_cast %get3A_619 : i32 to index
      %get3A_621 = arith.constant 0 : index
      %get3A_622 = tpu.vector_load %arg17[%get3A_620, %get3A_621] {strides = array<i32>} : memref<48x128xf32, #tpu.memory_space<vmem>>, vector<1x16xf32>,
      %get3A_623 = vector.shape_cast %get3A_622 : vector<1x16xf32> to vector<16xf32>
      %add3A_624 = arith.addf %add3A_606, %get3A_623 : vector<16xf32>
      %get3A_625 = arith.constant 29 : i32
      %get3A_626 = arith.index_cast %get3A_625 : i32 to index
      %get3A_627 = arith.constant 0 : index
      %get3A_628 = tpu.vector_load %arg17[%get3A_626, %get3A_627] {strides = array<i32>} : memref<48x128xf32, #tpu.memory_space<vmem>>, vector<1x16xf32>,
      %get3A_629 = vector.shape_cast %get3A_628 : vector<1x16xf32> to vector<16xf32>
      %add3A_630 = arith.addf %add3A_612, %get3A_629 : vector<16xf32>
      %get3A_631 = arith.constant 47 : i32
      %get3A_632 = arith.index_cast %get3A_631 : i32 to index
      %get3A_633 = arith.constant 0 : index
      %get3A_634 = tpu.vector_load %arg17[%get3A_632, %get3A_633] {strides = array<i32>} : memref<48x128xf32, #tpu.memory_space<vmem>>, vector<1x16xf32>,
      %get3A_635 = vector.shape_cast %get3A_634 : vector<1x16xf32> to vector<16xf32>
      %add3A_636 = arith.addf %add3A_618, %get3A_635 : vector<16xf32>
      %get3A_637 = arith.constant 30 : i32
      %get3A_638 = arith.index_cast %get3A_637 : i32 to index
      %get3A_639 = arith.constant 0 : index
      %get3A_640 = tpu.vector_load %arg17[%get3A_638, %get3A_639] {strides = array<i32>} : memref<48x128xf32, #tpu.memory_space<vmem>>, vector<1x16xf32>,
      %get3A_641 = vector.shape_cast %get3A_640 : vector<1x16xf32> to vector<16xf32>
      %add3A_642 = arith.addf %add3A_624, %get3A_641 : vector<16xf32>
      %get3A_643 = arith.constant 31 : i32
      %get3A_644 = arith.index_cast %get3A_643 : i32 to index
      %get3A_645 = arith.constant 0 : index
      %get3A_646 = tpu.vector_load %arg17[%get3A_644, %get3A_645] {strides = array<i32>} : memref<48x128xf32, #tpu.memory_space<vmem>>, vector<1x16xf32>,
      %get3A_647 = vector.shape_cast %get3A_646 : vector<1x16xf32> to vector<16xf32>
      %add3A_648 = arith.addf %add3A_630, %get3A_647 : vector<16xf32>
      %swap3A = arith.constant 0 : i32
      %swap3A_649 = arith.index_cast %swap3A : i32 to index
      %swap3A_650 = arith.constant 0 : index
      %swap3A_651 = tpu.vector_load %arg17[%swap3A_649, %swap3A_650] {strides = array<i32>} : memref<48x128xf32, #tpu.memory_space<vmem>>, vector<1x16xf32>,
      %swap3A_652 = vector.shape_cast %swap3A_651 : vector<1x16xf32> to vector<16xf32>
      %swap3A_653 = vector.shape_cast %add3A_636 : vector<16xf32> to vector<1x16xf32>
      tpu.vector_store %arg17[%swap3A_649, %swap3A_650], %swap3A_653 {strides = array<i32>} : memref<48x128xf32, #tpu.memory_space<vmem>>, vector<1x16xf32>,
      %swap3A_654 = arith.constant 1 : i32
      %swap3A_655 = arith.index_cast %swap3A_654 : i32 to index
      %swap3A_656 = arith.constant 0 : index
      %swap3A_657 = tpu.vector_load %arg17[%swap3A_655, %swap3A_656] {strides = array<i32>} : memref<48x128xf32, #tpu.memory_space<vmem>>, vector<1x16xf32>,
      %swap3A_658 = vector.shape_cast %swap3A_657 : vector<1x16xf32> to vector<16xf32>
      %swap3A_659 = vector.shape_cast %add3A_642 : vector<16xf32> to vector<1x16xf32>
      tpu.vector_store %arg17[%swap3A_655, %swap3A_656], %swap3A_659 {strides = array<i32>} : memref<48x128xf32, #tpu.memory_space<vmem>>, vector<1x16xf32>,
      %swap3A_660 = arith.constant 2 : i32
      %swap3A_661 = arith.index_cast %swap3A_660 : i32 to index
      %swap3A_662 = arith.constant 0 : index
      %swap3A_663 = tpu.vector_load %arg17[%swap3A_661, %swap3A_662] {strides = array<i32>} : memref<48x128xf32, #tpu.memory_space<vmem>>, vector<1x16xf32>,
      %swap3A_664 = vector.shape_cast %swap3A_663 : vector<1x16xf32> to vector<16xf32>
      %swap3A_665 = vector.shape_cast %add3A_648 : vector<16xf32> to vector<1x16xf32>
      tpu.vector_store %arg17[%swap3A_661, %swap3A_662], %swap3A_665 {strides = array<i32>} : memref<48x128xf32, #tpu.memory_space<vmem>>, vector<1x16xf32>,
      %get3A_666 = arith.constant 32 : i32
      %get3A_667 = arith.index_cast %get3A_666 : i32 to index
      %get3A_668 = arith.constant 16 : index
      %get3A_669 = tpu.vector_load %arg17[%get3A_667, %get3A_668] {strides = array<i32>} : memref<48x128xf32, #tpu.memory_space<vmem>>, vector<1x16xf32>,
      %get3A_670 = vector.shape_cast %get3A_669 : vector<1x16xf32> to vector<16xf32>
      %get3A_671 = arith.constant 0 : i32
      %get3A_672 = arith.index_cast %get3A_671 : i32 to index
      %get3A_673 = arith.constant 16 : index
      %get3A_674 = tpu.vector_load %arg17[%get3A_672, %get3A_673] {strides = array<i32>} : memref<48x128xf32, #tpu.memory_space<vmem>>, vector<1x16xf32>,
      %get3A_675 = vector.shape_cast %get3A_674 : vector<1x16xf32> to vector<16xf32>
      %get3A_676 = arith.constant 1 : i32
      %get3A_677 = arith.index_cast %get3A_676 : i32 to index
      %get3A_678 = arith.constant 16 : index
      %get3A_679 = tpu.vector_load %arg17[%get3A_677, %get3A_678] {strides = array<i32>} : memref<48x128xf32, #tpu.memory_space<vmem>>, vector<1x16xf32>,
      %get3A_680 = vector.shape_cast %get3A_679 : vector<1x16xf32> to vector<16xf32>
      %get3A_681 = arith.constant 33 : i32
      %get3A_682 = arith.index_cast %get3A_681 : i32 to index
      %get3A_683 = arith.constant 16 : index
      %get3A_684 = tpu.vector_load %arg17[%get3A_682, %get3A_683] {strides = array<i32>} : memref<48x128xf32, #tpu.memory_space<vmem>>, vector<1x16xf32>,
      %get3A_685 = vector.shape_cast %get3A_684 : vector<1x16xf32> to vector<16xf32>
      %add3A_686 = arith.addf %get3A_670, %get3A_685 : vector<16xf32>
      %get3A_687 = arith.constant 2 : i32
      %get3A_688 = arith.index_cast %get3A_687 : i32 to index
      %get3A_689 = arith.constant 16 : index
      %get3A_690 = tpu.vector_load %arg17[%get3A_688, %get3A_689] {strides = array<i32>} : memref<48x128xf32, #tpu.memory_space<vmem>>, vector<1x16xf32>,
      %get3A_691 = vector.shape_cast %get3A_690 : vector<1x16xf32> to vector<16xf32>
      %add3A_692 = arith.addf %get3A_675, %get3A_691 : vector<16xf32>
      %get3A_693 = arith.constant 3 : i32
      %get3A_694 = arith.index_cast %get3A_693 : i32 to index
      %get3A_695 = arith.constant 16 : index
      %get3A_696 = tpu.vector_load %arg17[%get3A_694, %get3A_695] {strides = array<i32>} : memref<48x128xf32, #tpu.memory_space<vmem>>, vector<1x16xf32>,
      %get3A_697 = vector.shape_cast %get3A_696 : vector<1x16xf32> to vector<16xf32>
      %add3A_698 = arith.addf %get3A_680, %get3A_697 : vector<16xf32>
      %get3A_699 = arith.constant 34 : i32
      %get3A_700 = arith.index_cast %get3A_699 : i32 to index
      %get3A_701 = arith.constant 16 : index
      %get3A_702 = tpu.vector_load %arg17[%get3A_700, %get3A_701] {strides = array<i32>} : memref<48x128xf32, #tpu.memory_space<vmem>>, vector<1x16xf32>,
      %get3A_703 = vector.shape_cast %get3A_702 : vector<1x16xf32> to vector<16xf32>
      %add3A_704 = arith.addf %add3A_686, %get3A_703 : vector<16xf32>
      %get3A_705 = arith.constant 4 : i32
      %get3A_706 = arith.index_cast %get3A_705 : i32 to index
      %get3A_707 = arith.constant 16 : index
      %get3A_708 = tpu.vector_load %arg17[%get3A_706, %get3A_707] {strides = array<i32>} : memref<48x128xf32, #tpu.memory_space<vmem>>, vector<1x16xf32>,
      %get3A_709 = vector.shape_cast %get3A_708 : vector<1x16xf32> to vector<16xf32>
      %add3A_710 = arith.addf %add3A_692, %get3A_709 : vector<16xf32>
      %get3A_711 = arith.constant 5 : i32
      %get3A_712 = arith.index_cast %get3A_711 : i32 to index
      %get3A_713 = arith.constant 16 : index
      %get3A_714 = tpu.vector_load %arg17[%get3A_712, %get3A_713] {strides = array<i32>} : memref<48x128xf32, #tpu.memory_space<vmem>>, vector<1x16xf32>,
      %get3A_715 = vector.shape_cast %get3A_714 : vector<1x16xf32> to vector<16xf32>
      %add3A_716 = arith.addf %add3A_698, %get3A_715 : vector<16xf32>
      %get3A_717 = arith.constant 35 : i32
      %get3A_718 = arith.index_cast %get3A_717 : i32 to index
      %get3A_719 = arith.constant 16 : index
      %get3A_720 = tpu.vector_load %arg17[%get3A_718, %get3A_719] {strides = array<i32>} : memref<48x128xf32, #tpu.memory_space<vmem>>, vector<1x16xf32>,
      %get3A_721 = vector.shape_cast %get3A_720 : vector<1x16xf32> to vector<16xf32>
      %add3A_722 = arith.addf %add3A_704, %get3A_721 : vector<16xf32>
      %get3A_723 = arith.constant 6 : i32
      %get3A_724 = arith.index_cast %get3A_723 : i32 to index
      %get3A_725 = arith.constant 16 : index
      %get3A_726 = tpu.vector_load %arg17[%get3A_724, %get3A_725] {strides = array<i32>} : memref<48x128xf32, #tpu.memory_space<vmem>>, vector<1x16xf32>,
      %get3A_727 = vector.shape_cast %get3A_726 : vector<1x16xf32> to vector<16xf32>
      %add3A_728 = arith.addf %add3A_710, %get3A_727 : vector<16xf32>
      %get3A_729 = arith.constant 7 : i32
      %get3A_730 = arith.index_cast %get3A_729 : i32 to index
      %get3A_731 = arith.constant 16 : index
      %get3A_732 = tpu.vector_load %arg17[%get3A_730, %get3A_731] {strides = array<i32>} : memref<48x128xf32, #tpu.memory_space<vmem>>, vector<1x16xf32>,
      %get3A_733 = vector.shape_cast %get3A_732 : vector<1x16xf32> to vector<16xf32>
      %add3A_734 = arith.addf %add3A_716, %get3A_733 : vector<16xf32>
      %get3A_735 = arith.constant 36 : i32
      %get3A_736 = arith.index_cast %get3A_735 : i32 to index
      %get3A_737 = arith.constant 16 : index
      %get3A_738 = tpu.vector_load %arg17[%get3A_736, %get3A_737] {strides = array<i32>} : memref<48x128xf32, #tpu.memory_space<vmem>>, vector<1x16xf32>,
      %get3A_739 = vector.shape_cast %get3A_738 : vector<1x16xf32> to vector<16xf32>
      %add3A_740 = arith.addf %add3A_722, %get3A_739 : vector<16xf32>
      %get3A_741 = arith.constant 8 : i32
      %get3A_742 = arith.index_cast %get3A_741 : i32 to index
      %get3A_743 = arith.constant 16 : index
      %get3A_744 = tpu.vector_load %arg17[%get3A_742, %get3A_743] {strides = array<i32>} : memref<48x128xf32, #tpu.memory_space<vmem>>, vector<1x16xf32>,
      %get3A_745 = vector.shape_cast %get3A_744 : vector<1x16xf32> to vector<16xf32>
      %add3A_746 = arith.addf %add3A_728, %get3A_745 : vector<16xf32>
      %get3A_747 = arith.constant 9 : i32
      %get3A_748 = arith.index_cast %get3A_747 : i32 to index
      %get3A_749 = arith.constant 16 : index
      %get3A_750 = tpu.vector_load %arg17[%get3A_748, %get3A_749] {strides = array<i32>} : memref<48x128xf32, #tpu.memory_space<vmem>>, vector<1x16xf32>,
      %get3A_751 = vector.shape_cast %get3A_750 : vector<1x16xf32> to vector<16xf32>
      %add3A_752 = arith.addf %add3A_734, %get3A_751 : vector<16xf32>
      %get3A_753 = arith.constant 37 : i32
      %get3A_754 = arith.index_cast %get3A_753 : i32 to index
      %get3A_755 = arith.constant 16 : index
      %get3A_756 = tpu.vector_load %arg17[%get3A_754, %get3A_755] {strides = array<i32>} : memref<48x128xf32, #tpu.memory_space<vmem>>, vector<1x16xf32>,
      %get3A_757 = vector.shape_cast %get3A_756 : vector<1x16xf32> to vector<16xf32>
      %add3A_758 = arith.addf %add3A_740, %get3A_757 : vector<16xf32>
      %get3A_759 = arith.constant 10 : i32
      %get3A_760 = arith.index_cast %get3A_759 : i32 to index
      %get3A_761 = arith.constant 16 : index
      %get3A_762 = tpu.vector_load %arg17[%get3A_760, %get3A_761] {strides = array<i32>} : memref<48x128xf32, #tpu.memory_space<vmem>>, vector<1x16xf32>,
      %get3A_763 = vector.shape_cast %get3A_762 : vector<1x16xf32> to vector<16xf32>
      %add3A_764 = arith.addf %add3A_746, %get3A_763 : vector<16xf32>
      %get3A_765 = arith.constant 11 : i32
      %get3A_766 = arith.index_cast %get3A_765 : i32 to index
      %get3A_767 = arith.constant 16 : index
      %get3A_768 = tpu.vector_load %arg17[%get3A_766, %get3A_767] {strides = array<i32>} : memref<48x128xf32, #tpu.memory_space<vmem>>, vector<1x16xf32>,
      %get3A_769 = vector.shape_cast %get3A_768 : vector<1x16xf32> to vector<16xf32>
      %add3A_770 = arith.addf %add3A_752, %get3A_769 : vector<16xf32>
      %get3A_771 = arith.constant 38 : i32
      %get3A_772 = arith.index_cast %get3A_771 : i32 to index
      %get3A_773 = arith.constant 16 : index
      %get3A_774 = tpu.vector_load %arg17[%get3A_772, %get3A_773] {strides = array<i32>} : memref<48x128xf32, #tpu.memory_space<vmem>>, vector<1x16xf32>,
      %get3A_775 = vector.shape_cast %get3A_774 : vector<1x16xf32> to vector<16xf32>
      %add3A_776 = arith.addf %add3A_758, %get3A_775 : vector<16xf32>
      %get3A_777 = arith.constant 12 : i32
      %get3A_778 = arith.index_cast %get3A_777 : i32 to index
      %get3A_779 = arith.constant 16 : index
      %get3A_780 = tpu.vector_load %arg17[%get3A_778, %get3A_779] {strides = array<i32>} : memref<48x128xf32, #tpu.memory_space<vmem>>, vector<1x16xf32>,
      %get3A_781 = vector.shape_cast %get3A_780 : vector<1x16xf32> to vector<16xf32>
      %add3A_782 = arith.addf %add3A_764, %get3A_781 : vector<16xf32>
      %get3A_783 = arith.constant 13 : i32
      %get3A_784 = arith.index_cast %get3A_783 : i32 to index
      %get3A_785 = arith.constant 16 : index
      %get3A_786 = tpu.vector_load %arg17[%get3A_784, %get3A_785] {strides = array<i32>} : memref<48x128xf32, #tpu.memory_space<vmem>>, vector<1x16xf32>,
      %get3A_787 = vector.shape_cast %get3A_786 : vector<1x16xf32> to vector<16xf32>
      %add3A_788 = arith.addf %add3A_770, %get3A_787 : vector<16xf32>
      %get3A_789 = arith.constant 39 : i32
      %get3A_790 = arith.index_cast %get3A_789 : i32 to index
      %get3A_791 = arith.constant 16 : index
      %get3A_792 = tpu.vector_load %arg17[%get3A_790, %get3A_791] {strides = array<i32>} : memref<48x128xf32, #tpu.memory_space<vmem>>, vector<1x16xf32>,
      %get3A_793 = vector.shape_cast %get3A_792 : vector<1x16xf32> to vector<16xf32>
      %add3A_794 = arith.addf %add3A_776, %get3A_793 : vector<16xf32>
      %get3A_795 = arith.constant 14 : i32
      %get3A_796 = arith.index_cast %get3A_795 : i32 to index
      %get3A_797 = arith.constant 16 : index
      %get3A_798 = tpu.vector_load %arg17[%get3A_796, %get3A_797] {strides = array<i32>} : memref<48x128xf32, #tpu.memory_space<vmem>>, vector<1x16xf32>,
      %get3A_799 = vector.shape_cast %get3A_798 : vector<1x16xf32> to vector<16xf32>
      %add3A_800 = arith.addf %add3A_782, %get3A_799 : vector<16xf32>
      %get3A_801 = arith.constant 15 : i32
      %get3A_802 = arith.index_cast %get3A_801 : i32 to index
      %get3A_803 = arith.constant 16 : index
      %get3A_804 = tpu.vector_load %arg17[%get3A_802, %get3A_803] {strides = array<i32>} : memref<48x128xf32, #tpu.memory_space<vmem>>, vector<1x16xf32>,
      %get3A_805 = vector.shape_cast %get3A_804 : vector<1x16xf32> to vector<16xf32>
      %add3A_806 = arith.addf %add3A_788, %get3A_805 : vector<16xf32>
      %get3A_807 = arith.constant 40 : i32
      %get3A_808 = arith.index_cast %get3A_807 : i32 to index
      %get3A_809 = arith.constant 16 : index
      %get3A_810 = tpu.vector_load %arg17[%get3A_808, %get3A_809] {strides = array<i32>} : memref<48x128xf32, #tpu.memory_space<vmem>>, vector<1x16xf32>,
      %get3A_811 = vector.shape_cast %get3A_810 : vector<1x16xf32> to vector<16xf32>
      %add3A_812 = arith.addf %add3A_794, %get3A_811 : vector<16xf32>
      %get3A_813 = arith.constant 16 : i32
      %get3A_814 = arith.index_cast %get3A_813 : i32 to index
      %get3A_815 = arith.constant 16 : index
      %get3A_816 = tpu.vector_load %arg17[%get3A_814, %get3A_815] {strides = array<i32>} : memref<48x128xf32, #tpu.memory_space<vmem>>, vector<1x16xf32>,
      %get3A_817 = vector.shape_cast %get3A_816 : vector<1x16xf32> to vector<16xf32>
      %add3A_818 = arith.addf %add3A_800, %get3A_817 : vector<16xf32>
      %get3A_819 = arith.constant 17 : i32
      %get3A_820 = arith.index_cast %get3A_819 : i32 to index
      %get3A_821 = arith.constant 16 : index
      %get3A_822 = tpu.vector_load %arg17[%get3A_820, %get3A_821] {strides = array<i32>} : memref<48x128xf32, #tpu.memory_space<vmem>>, vector<1x16xf32>,
      %get3A_823 = vector.shape_cast %get3A_822 : vector<1x16xf32> to vector<16xf32>
      %add3A_824 = arith.addf %add3A_806, %get3A_823 : vector<16xf32>
      %get3A_825 = arith.constant 41 : i32
      %get3A_826 = arith.index_cast %get3A_825 : i32 to index
      %get3A_827 = arith.constant 16 : index
      %get3A_828 = tpu.vector_load %arg17[%get3A_826, %get3A_827] {strides = array<i32>} : memref<48x128xf32, #tpu.memory_space<vmem>>, vector<1x16xf32>,
      %get3A_829 = vector.shape_cast %get3A_828 : vector<1x16xf32> to vector<16xf32>
      %add3A_830 = arith.addf %add3A_812, %get3A_829 : vector<16xf32>
      %get3A_831 = arith.constant 18 : i32
      %get3A_832 = arith.index_cast %get3A_831 : i32 to index
      %get3A_833 = arith.constant 16 : index
      %get3A_834 = tpu.vector_load %arg17[%get3A_832, %get3A_833] {strides = array<i32>} : memref<48x128xf32, #tpu.memory_space<vmem>>, vector<1x16xf32>,
      %get3A_835 = vector.shape_cast %get3A_834 : vector<1x16xf32> to vector<16xf32>
      %add3A_836 = arith.addf %add3A_818, %get3A_835 : vector<16xf32>
      %get3A_837 = arith.constant 19 : i32
      %get3A_838 = arith.index_cast %get3A_837 : i32 to index
      %get3A_839 = arith.constant 16 : index
      %get3A_840 = tpu.vector_load %arg17[%get3A_838, %get3A_839] {strides = array<i32>} : memref<48x128xf32, #tpu.memory_space<vmem>>, vector<1x16xf32>,
      %get3A_841 = vector.shape_cast %get3A_840 : vector<1x16xf32> to vector<16xf32>
      %add3A_842 = arith.addf %add3A_824, %get3A_841 : vector<16xf32>
      %get3A_843 = arith.constant 42 : i32
      %get3A_844 = arith.index_cast %get3A_843 : i32 to index
      %get3A_845 = arith.constant 16 : index
      %get3A_846 = tpu.vector_load %arg17[%get3A_844, %get3A_845] {strides = array<i32>} : memref<48x128xf32, #tpu.memory_space<vmem>>, vector<1x16xf32>,
      %get3A_847 = vector.shape_cast %get3A_846 : vector<1x16xf32> to vector<16xf32>
      %add3A_848 = arith.addf %add3A_830, %get3A_847 : vector<16xf32>
      %get3A_849 = arith.constant 20 : i32
      %get3A_850 = arith.index_cast %get3A_849 : i32 to index
      %get3A_851 = arith.constant 16 : index
      %get3A_852 = tpu.vector_load %arg17[%get3A_850, %get3A_851] {strides = array<i32>} : memref<48x128xf32, #tpu.memory_space<vmem>>, vector<1x16xf32>,
      %get3A_853 = vector.shape_cast %get3A_852 : vector<1x16xf32> to vector<16xf32>
      %add3A_854 = arith.addf %add3A_836, %get3A_853 : vector<16xf32>
      %get3A_855 = arith.constant 21 : i32
      %get3A_856 = arith.index_cast %get3A_855 : i32 to index
      %get3A_857 = arith.constant 16 : index
      %get3A_858 = tpu.vector_load %arg17[%get3A_856, %get3A_857] {strides = array<i32>} : memref<48x128xf32, #tpu.memory_space<vmem>>, vector<1x16xf32>,
      %get3A_859 = vector.shape_cast %get3A_858 : vector<1x16xf32> to vector<16xf32>
      %add3A_860 = arith.addf %add3A_842, %get3A_859 : vector<16xf32>
      %get3A_861 = arith.constant 43 : i32
      %get3A_862 = arith.index_cast %get3A_861 : i32 to index
      %get3A_863 = arith.constant 16 : index
      %get3A_864 = tpu.vector_load %arg17[%get3A_862, %get3A_863] {strides = array<i32>} : memref<48x128xf32, #tpu.memory_space<vmem>>, vector<1x16xf32>,
      %get3A_865 = vector.shape_cast %get3A_864 : vector<1x16xf32> to vector<16xf32>
      %add3A_866 = arith.addf %add3A_848, %get3A_865 : vector<16xf32>
      %get3A_867 = arith.constant 22 : i32
      %get3A_868 = arith.index_cast %get3A_867 : i32 to index
      %get3A_869 = arith.constant 16 : index
      %get3A_870 = tpu.vector_load %arg17[%get3A_868, %get3A_869] {strides = array<i32>} : memref<48x128xf32, #tpu.memory_space<vmem>>, vector<1x16xf32>,
      %get3A_871 = vector.shape_cast %get3A_870 : vector<1x16xf32> to vector<16xf32>
      %add3A_872 = arith.addf %add3A_854, %get3A_871 : vector<16xf32>
      %get3A_873 = arith.constant 23 : i32
      %get3A_874 = arith.index_cast %get3A_873 : i32 to index
      %get3A_875 = arith.constant 16 : index
      %get3A_876 = tpu.vector_load %arg17[%get3A_874, %get3A_875] {strides = array<i32>} : memref<48x128xf32, #tpu.memory_space<vmem>>, vector<1x16xf32>,
      %get3A_877 = vector.shape_cast %get3A_876 : vector<1x16xf32> to vector<16xf32>
      %add3A_878 = arith.addf %add3A_860, %get3A_877 : vector<16xf32>
      %get3A_879 = arith.constant 44 : i32
      %get3A_880 = arith.index_cast %get3A_879 : i32 to index
      %get3A_881 = arith.constant 16 : index
      %get3A_882 = tpu.vector_load %arg17[%get3A_880, %get3A_881] {strides = array<i32>} : memref<48x128xf32, #tpu.memory_space<vmem>>, vector<1x16xf32>,
      %get3A_883 = vector.shape_cast %get3A_882 : vector<1x16xf32> to vector<16xf32>
      %add3A_884 = arith.addf %add3A_866, %get3A_883 : vector<16xf32>
      %get3A_885 = arith.constant 24 : i32
      %get3A_886 = arith.index_cast %get3A_885 : i32 to index
      %get3A_887 = arith.constant 16 : index
      %get3A_888 = tpu.vector_load %arg17[%get3A_886, %get3A_887] {strides = array<i32>} : memref<48x128xf32, #tpu.memory_space<vmem>>, vector<1x16xf32>,
      %get3A_889 = vector.shape_cast %get3A_888 : vector<1x16xf32> to vector<16xf32>
      %add3A_890 = arith.addf %add3A_872, %get3A_889 : vector<16xf32>
      %get3A_891 = arith.constant 25 : i32
      %get3A_892 = arith.index_cast %get3A_891 : i32 to index
      %get3A_893 = arith.constant 16 : index
      %get3A_894 = tpu.vector_load %arg17[%get3A_892, %get3A_893] {strides = array<i32>} : memref<48x128xf32, #tpu.memory_space<vmem>>, vector<1x16xf32>,
      %get3A_895 = vector.shape_cast %get3A_894 : vector<1x16xf32> to vector<16xf32>
      %add3A_896 = arith.addf %add3A_878, %get3A_895 : vector<16xf32>
      %get3A_897 = arith.constant 45 : i32
      %get3A_898 = arith.index_cast %get3A_897 : i32 to index
      %get3A_899 = arith.constant 16 : index
      %get3A_900 = tpu.vector_load %arg17[%get3A_898, %get3A_899] {strides = array<i32>} : memref<48x128xf32, #tpu.memory_space<vmem>>, vector<1x16xf32>,
      %get3A_901 = vector.shape_cast %get3A_900 : vector<1x16xf32> to vector<16xf32>
      %add3A_902 = arith.addf %add3A_884, %get3A_901 : vector<16xf32>
      %get3A_903 = arith.constant 26 : i32
      %get3A_904 = arith.index_cast %get3A_903 : i32 to index
      %get3A_905 = arith.constant 16 : index
      %get3A_906 = tpu.vector_load %arg17[%get3A_904, %get3A_905] {strides = array<i32>} : memref<48x128xf32, #tpu.memory_space<vmem>>, vector<1x16xf32>,
      %get3A_907 = vector.shape_cast %get3A_906 : vector<1x16xf32> to vector<16xf32>
      %add3A_908 = arith.addf %add3A_890, %get3A_907 : vector<16xf32>
      %get3A_909 = arith.constant 27 : i32
      %get3A_910 = arith.index_cast %get3A_909 : i32 to index
      %get3A_911 = arith.constant 16 : index
      %get3A_912 = tpu.vector_load %arg17[%get3A_910, %get3A_911] {strides = array<i32>} : memref<48x128xf32, #tpu.memory_space<vmem>>, vector<1x16xf32>,
      %get3A_913 = vector.shape_cast %get3A_912 : vector<1x16xf32> to vector<16xf32>
      %add3A_914 = arith.addf %add3A_896, %get3A_913 : vector<16xf32>
      %get3A_915 = arith.constant 46 : i32
      %get3A_916 = arith.index_cast %get3A_915 : i32 to index
      %get3A_917 = arith.constant 16 : index
      %get3A_918 = tpu.vector_load %arg17[%get3A_916, %get3A_917] {strides = array<i32>} : memref<48x128xf32, #tpu.memory_space<vmem>>, vector<1x16xf32>,
      %get3A_919 = vector.shape_cast %get3A_918 : vector<1x16xf32> to vector<16xf32>
      %add3A_920 = arith.addf %add3A_902, %get3A_919 : vector<16xf32>
      %get3A_921 = arith.constant 28 : i32
      %get3A_922 = arith.index_cast %get3A_921 : i32 to index
      %get3A_923 = arith.constant 16 : index
      %get3A_924 = tpu.vector_load %arg17[%get3A_922, %get3A_923] {strides = array<i32>} : memref<48x128xf32, #tpu.memory_space<vmem>>, vector<1x16xf32>,
      %get3A_925 = vector.shape_cast %get3A_924 : vector<1x16xf32> to vector<16xf32>
      %add3A_926 = arith.addf %add3A_908, %get3A_925 : vector<16xf32>
      %get3A_927 = arith.constant 29 : i32
      %get3A_928 = arith.index_cast %get3A_927 : i32 to index
      %get3A_929 = arith.constant 16 : index
      %get3A_930 = tpu.vector_load %arg17[%get3A_928, %get3A_929] {strides = array<i32>} : memref<48x128xf32, #tpu.memory_space<vmem>>, vector<1x16xf32>,
      %get3A_931 = vector.shape_cast %get3A_930 : vector<1x16xf32> to vector<16xf32>
      %add3A_932 = arith.addf %add3A_914, %get3A_931 : vector<16xf32>
      %get3A_933 = arith.constant 47 : i32
      %get3A_934 = arith.index_cast %get3A_933 : i32 to index
      %get3A_935 = arith.constant 16 : index
      %get3A_936 = tpu.vector_load %arg17[%get3A_934, %get3A_935] {strides = array<i32>} : memref<48x128xf32, #tpu.memory_space<vmem>>, vector<1x16xf32>,
      %get3A_937 = vector.shape_cast %get3A_936 : vector<1x16xf32> to vector<16xf32>
      %add3A_938 = arith.addf %add3A_920, %get3A_937 : vector<16xf32>
      %get3A_939 = arith.constant 30 : i32
      %get3A_940 = arith.index_cast %get3A_939 : i32 to index
      %get3A_941 = arith.constant 16 : index
      %get3A_942 = tpu.vector_load %arg17[%get3A_940, %get3A_941] {strides = array<i32>} : memref<48x128xf32, #tpu.memory_space<vmem>>, vector<1x16xf32>,
      %get3A_943 = vector.shape_cast %get3A_942 : vector<1x16xf32> to vector<16xf32>
      %add3A_944 = arith.addf %add3A_926, %get3A_943 : vector<16xf32>
      %get3A_945 = arith.constant 31 : i32
      %get3A_946 = arith.index_cast %get3A_945 : i32 to index
      %get3A_947 = arith.constant 16 : index
      %get3A_948 = tpu.vector_load %arg17[%get3A_946, %get3A_947] {strides = array<i32>} : memref<48x128xf32, #tpu.memory_space<vmem>>, vector<1x16xf32>,
      %get3A_949 = vector.shape_cast %get3A_948 : vector<1x16xf32> to vector<16xf32>
      %add3A_950 = arith.addf %add3A_932, %get3A_949 : vector<16xf32>
      %swap3A_951 = arith.constant 0 : i32
      %swap3A_952 = arith.index_cast %swap3A_951 : i32 to index
      %swap3A_953 = arith.constant 16 : index
      %swap3A_954 = tpu.vector_load %arg17[%swap3A_952, %swap3A_953] {strides = array<i32>} : memref<48x128xf32, #tpu.memory_space<vmem>>, vector<1x16xf32>,
      %swap3A_955 = vector.shape_cast %swap3A_954 : vector<1x16xf32> to vector<16xf32>
      %swap3A_956 = vector.shape_cast %add3A_938 : vector<16xf32> to vector<1x16xf32>
      tpu.vector_store %arg17[%swap3A_952, %swap3A_953], %swap3A_956 {strides = array<i32>} : memref<48x128xf32, #tpu.memory_space<vmem>>, vector<1x16xf32>,
      %swap3A_957 = arith.constant 1 : i32
      %swap3A_958 = arith.index_cast %swap3A_957 : i32 to index
      %swap3A_959 = arith.constant 16 : index
      %swap3A_960 = tpu.vector_load %arg17[%swap3A_958, %swap3A_959] {strides = array<i32>} : memref<48x128xf32, #tpu.memory_space<vmem>>, vector<1x16xf32>,
      %swap3A_961 = vector.shape_cast %swap3A_960 : vector<1x16xf32> to vector<16xf32>
      %swap3A_962 = vector.shape_cast %add3A_944 : vector<16xf32> to vector<1x16xf32>
      tpu.vector_store %arg17[%swap3A_958, %swap3A_959], %swap3A_962 {strides = array<i32>} : memref<48x128xf32, #tpu.memory_space<vmem>>, vector<1x16xf32>,
      %swap3A_963 = arith.constant 2 : i32
      %swap3A_964 = arith.index_cast %swap3A_963 : i32 to index
      %swap3A_965 = arith.constant 16 : index
      %swap3A_966 = tpu.vector_load %arg17[%swap3A_964, %swap3A_965] {strides = array<i32>} : memref<48x128xf32, #tpu.memory_space<vmem>>, vector<1x16xf32>,
      %swap3A_967 = vector.shape_cast %swap3A_966 : vector<1x16xf32> to vector<16xf32>
      %swap3A_968 = vector.shape_cast %add3A_950 : vector<16xf32> to vector<1x16xf32>
      tpu.vector_store %arg17[%swap3A_964, %swap3A_965], %swap3A_968 {strides = array<i32>} : memref<48x128xf32, #tpu.memory_space<vmem>>, vector<1x16xf32>,
      %get3A_969 = arith.constant 32 : i32
      %get3A_970 = arith.index_cast %get3A_969 : i32 to index
      %get3A_971 = arith.constant 32 : index
      %get3A_972 = tpu.vector_load %arg17[%get3A_970, %get3A_971] {strides = array<i32>} : memref<48x128xf32, #tpu.memory_space<vmem>>, vector<1x16xf32>,
      %get3A_973 = vector.shape_cast %get3A_972 : vector<1x16xf32> to vector<16xf32>
      %get3A_974 = arith.constant 0 : i32
      %get3A_975 = arith.index_cast %get3A_974 : i32 to index
      %get3A_976 = arith.constant 32 : index
      %get3A_977 = tpu.vector_load %arg17[%get3A_975, %get3A_976] {strides = array<i32>} : memref<48x128xf32, #tpu.memory_space<vmem>>, vector<1x16xf32>,
      %get3A_978 = vector.shape_cast %get3A_977 : vector<1x16xf32> to vector<16xf32>
      %get3A_979 = arith.constant 1 : i32
      %get3A_980 = arith.index_cast %get3A_979 : i32 to index
      %get3A_981 = arith.constant 32 : index
      %get3A_982 = tpu.vector_load %arg17[%get3A_980, %get3A_981] {strides = array<i32>} : memref<48x128xf32, #tpu.memory_space<vmem>>, vector<1x16xf32>,
      %get3A_983 = vector.shape_cast %get3A_982 : vector<1x16xf32> to vector<16xf32>
      %get3A_984 = arith.constant 33 : i32
      %get3A_985 = arith.index_cast %get3A_984 : i32 to index
      %get3A_986 = arith.constant 32 : index
      %get3A_987 = tpu.vector_load %arg17[%get3A_985, %get3A_986] {strides = array<i32>} : memref<48x128xf32, #tpu.memory_space<vmem>>, vector<1x16xf32>,
      %get3A_988 = vector.shape_cast %get3A_987 : vector<1x16xf32> to vector<16xf32>
      %add3A_989 = arith.addf %get3A_973, %get3A_988 : vector<16xf32>
      %get3A_990 = arith.constant 2 : i32
      %get3A_991 = arith.index_cast %get3A_990 : i32 to index
      %get3A_992 = arith.constant 32 : index
      %get3A_993 = tpu.vector_load %arg17[%get3A_991, %get3A_992] {strides = array<i32>} : memref<48x128xf32, #tpu.memory_space<vmem>>, vector<1x16xf32>,
      %get3A_994 = vector.shape_cast %get3A_993 : vector<1x16xf32> to vector<16xf32>
      %add3A_995 = arith.addf %get3A_978, %get3A_994 : vector<16xf32>
      %get3A_996 = arith.constant 3 : i32
      %get3A_997 = arith.index_cast %get3A_996 : i32 to index
      %get3A_998 = arith.constant 32 : index
      %get3A_999 = tpu.vector_load %arg17[%get3A_997, %get3A_998] {strides = array<i32>} : memref<48x128xf32, #tpu.memory_space<vmem>>, vector<1x16xf32>,
      %get3A_1000 = vector.shape_cast %get3A_999 : vector<1x16xf32> to vector<16xf32>
      %add3A_1001 = arith.addf %get3A_983, %get3A_1000 : vector<16xf32>
      %get3A_1002 = arith.constant 34 : i32
      %get3A_1003 = arith.index_cast %get3A_1002 : i32 to index
      %get3A_1004 = arith.constant 32 : index
      %get3A_1005 = tpu.vector_load %arg17[%get3A_1003, %get3A_1004] {strides = array<i32>} : memref<48x128xf32, #tpu.memory_space<vmem>>, vector<1x16xf32>,
      %get3A_1006 = vector.shape_cast %get3A_1005 : vector<1x16xf32> to vector<16xf32>
      %add3A_1007 = arith.addf %add3A_989, %get3A_1006 : vector<16xf32>
      %get3A_1008 = arith.constant 4 : i32
      %get3A_1009 = arith.index_cast %get3A_1008 : i32 to index
      %get3A_1010 = arith.constant 32 : index
      %get3A_1011 = tpu.vector_load %arg17[%get3A_1009, %get3A_1010] {strides = array<i32>} : memref<48x128xf32, #tpu.memory_space<vmem>>, vector<1x16xf32>,
      %get3A_1012 = vector.shape_cast %get3A_1011 : vector<1x16xf32> to vector<16xf32>
      %add3A_1013 = arith.addf %add3A_995, %get3A_1012 : vector<16xf32>
      %get3A_1014 = arith.constant 5 : i32
      %get3A_1015 = arith.index_cast %get3A_1014 : i32 to index
      %get3A_1016 = arith.constant 32 : index
      %get3A_1017 = tpu.vector_load %arg17[%get3A_1015, %get3A_1016] {strides = array<i32>} : memref<48x128xf32, #tpu.memory_space<vmem>>, vector<1x16xf32>,
      %get3A_1018 = vector.shape_cast %get3A_1017 : vector<1x16xf32> to vector<16xf32>
      %add3A_1019 = arith.addf %add3A_1001, %get3A_1018 : vector<16xf32>
      %get3A_1020 = arith.constant 35 : i32
      %get3A_1021 = arith.index_cast %get3A_1020 : i32 to index
      %get3A_1022 = arith.constant 32 : index
      %get3A_1023 = tpu.vector_load %arg17[%get3A_1021, %get3A_1022] {strides = array<i32>} : memref<48x128xf32, #tpu.memory_space<vmem>>, vector<1x16xf32>,
      %get3A_1024 = vector.shape_cast %get3A_1023 : vector<1x16xf32> to vector<16xf32>
      %add3A_1025 = arith.addf %add3A_1007, %get3A_1024 : vector<16xf32>
      %get3A_1026 = arith.constant 6 : i32
      %get3A_1027 = arith.index_cast %get3A_1026 : i32 to index
      %get3A_1028 = arith.constant 32 : index
      %get3A_1029 = tpu.vector_load %arg17[%get3A_1027, %get3A_1028] {strides = array<i32>} : memref<48x128xf32, #tpu.memory_space<vmem>>, vector<1x16xf32>,
      %get3A_1030 = vector.shape_cast %get3A_1029 : vector<1x16xf32> to vector<16xf32>
      %add3A_1031 = arith.addf %add3A_1013, %get3A_1030 : vector<16xf32>
      %get3A_1032 = arith.constant 7 : i32
      %get3A_1033 = arith.index_cast %get3A_1032 : i32 to index
      %get3A_1034 = arith.constant 32 : index
      %get3A_1035 = tpu.vector_load %arg17[%get3A_1033, %get3A_1034] {strides = array<i32>} : memref<48x128xf32, #tpu.memory_space<vmem>>, vector<1x16xf32>,
      %get3A_1036 = vector.shape_cast %get3A_1035 : vector<1x16xf32> to vector<16xf32>
      %add3A_1037 = arith.addf %add3A_1019, %get3A_1036 : vector<16xf32>
      %get3A_1038 = arith.constant 36 : i32
      %get3A_1039 = arith.index_cast %get3A_1038 : i32 to index
      %get3A_1040 = arith.constant 32 : index
      %get3A_1041 = tpu.vector_load %arg17[%get3A_1039, %get3A_1040] {strides = array<i32>} : memref<48x128xf32, #tpu.memory_space<vmem>>, vector<1x16xf32>,
      %get3A_1042 = vector.shape_cast %get3A_1041 : vector<1x16xf32> to vector<16xf32>
      %add3A_1043 = arith.addf %add3A_1025, %get3A_1042 : vector<16xf32>
      %get3A_1044 = arith.constant 8 : i32
      %get3A_1045 = arith.index_cast %get3A_1044 : i32 to index
      %get3A_1046 = arith.constant 32 : index
      %get3A_1047 = tpu.vector_load %arg17[%get3A_1045, %get3A_1046] {strides = array<i32>} : memref<48x128xf32, #tpu.memory_space<vmem>>, vector<1x16xf32>,
      %get3A_1048 = vector.shape_cast %get3A_1047 : vector<1x16xf32> to vector<16xf32>
      %add3A_1049 = arith.addf %add3A_1031, %get3A_1048 : vector<16xf32>
      %get3A_1050 = arith.constant 9 : i32
      %get3A_1051 = arith.index_cast %get3A_1050 : i32 to index
      %get3A_1052 = arith.constant 32 : index
      %get3A_1053 = tpu.vector_load %arg17[%get3A_1051, %get3A_1052] {strides = array<i32>} : memref<48x128xf32, #tpu.memory_space<vmem>>, vector<1x16xf32>,
      %get3A_1054 = vector.shape_cast %get3A_1053 : vector<1x16xf32> to vector<16xf32>
      %add3A_1055 = arith.addf %add3A_1037, %get3A_1054 : vector<16xf32>
      %get3A_1056 = arith.constant 37 : i32
      %get3A_1057 = arith.index_cast %get3A_1056 : i32 to index
      %get3A_1058 = arith.constant 32 : index
      %get3A_1059 = tpu.vector_load %arg17[%get3A_1057, %get3A_1058] {strides = array<i32>} : memref<48x128xf32, #tpu.memory_space<vmem>>, vector<1x16xf32>,
      %get3A_1060 = vector.shape_cast %get3A_1059 : vector<1x16xf32> to vector<16xf32>
      %add3A_1061 = arith.addf %add3A_1043, %get3A_1060 : vector<16xf32>
      %get3A_1062 = arith.constant 10 : i32
      %get3A_1063 = arith.index_cast %get3A_1062 : i32 to index
      %get3A_1064 = arith.constant 32 : index
      %get3A_1065 = tpu.vector_load %arg17[%get3A_1063, %get3A_1064] {strides = array<i32>} : memref<48x128xf32, #tpu.memory_space<vmem>>, vector<1x16xf32>,
      %get3A_1066 = vector.shape_cast %get3A_1065 : vector<1x16xf32> to vector<16xf32>
      %add3A_1067 = arith.addf %add3A_1049, %get3A_1066 : vector<16xf32>
      %get3A_1068 = arith.constant 11 : i32
      %get3A_1069 = arith.index_cast %get3A_1068 : i32 to index
      %get3A_1070 = arith.constant 32 : index
      %get3A_1071 = tpu.vector_load %arg17[%get3A_1069, %get3A_1070] {strides = array<i32>} : memref<48x128xf32, #tpu.memory_space<vmem>>, vector<1x16xf32>,
      %get3A_1072 = vector.shape_cast %get3A_1071 : vector<1x16xf32> to vector<16xf32>
      %add3A_1073 = arith.addf %add3A_1055, %get3A_1072 : vector<16xf32>
      %get3A_1074 = arith.constant 38 : i32
      %get3A_1075 = arith.index_cast %get3A_1074 : i32 to index
      %get3A_1076 = arith.constant 32 : index
      %get3A_1077 = tpu.vector_load %arg17[%get3A_1075, %get3A_1076] {strides = array<i32>} : memref<48x128xf32, #tpu.memory_space<vmem>>, vector<1x16xf32>,
      %get3A_1078 = vector.shape_cast %get3A_1077 : vector<1x16xf32> to vector<16xf32>
      %add3A_1079 = arith.addf %add3A_1061, %get3A_1078 : vector<16xf32>
      %get3A_1080 = arith.constant 12 : i32
      %get3A_1081 = arith.index_cast %get3A_1080 : i32 to index
      %get3A_1082 = arith.constant 32 : index
      %get3A_1083 = tpu.vector_load %arg17[%get3A_1081, %get3A_1082] {strides = array<i32>} : memref<48x128xf32, #tpu.memory_space<vmem>>, vector<1x16xf32>,
      %get3A_1084 = vector.shape_cast %get3A_1083 : vector<1x16xf32> to vector<16xf32>
      %add3A_1085 = arith.addf %add3A_1067, %get3A_1084 : vector<16xf32>
      %get3A_1086 = arith.constant 13 : i32
      %get3A_1087 = arith.index_cast %get3A_1086 : i32 to index
      %get3A_1088 = arith.constant 32 : index
      %get3A_1089 = tpu.vector_load %arg17[%get3A_1087, %get3A_1088] {strides = array<i32>} : memref<48x128xf32, #tpu.memory_space<vmem>>, vector<1x16xf32>,
      %get3A_1090 = vector.shape_cast %get3A_1089 : vector<1x16xf32> to vector<16xf32>
      %add3A_1091 = arith.addf %add3A_1073, %get3A_1090 : vector<16xf32>
      %get3A_1092 = arith.constant 39 : i32
      %get3A_1093 = arith.index_cast %get3A_1092 : i32 to index
      %get3A_1094 = arith.constant 32 : index
      %get3A_1095 = tpu.vector_load %arg17[%get3A_1093, %get3A_1094] {strides = array<i32>} : memref<48x128xf32, #tpu.memory_space<vmem>>, vector<1x16xf32>,
      %get3A_1096 = vector.shape_cast %get3A_1095 : vector<1x16xf32> to vector<16xf32>
      %add3A_1097 = arith.addf %add3A_1079, %get3A_1096 : vector<16xf32>
      %get3A_1098 = arith.constant 14 : i32
      %get3A_1099 = arith.index_cast %get3A_1098 : i32 to index
      %get3A_1100 = arith.constant 32 : index
      %get3A_1101 = tpu.vector_load %arg17[%get3A_1099, %get3A_1100] {strides = array<i32>} : memref<48x128xf32, #tpu.memory_space<vmem>>, vector<1x16xf32>,
      %get3A_1102 = vector.shape_cast %get3A_1101 : vector<1x16xf32> to vector<16xf32>
      %add3A_1103 = arith.addf %add3A_1085, %get3A_1102 : vector<16xf32>
      %get3A_1104 = arith.constant 15 : i32
      %get3A_1105 = arith.index_cast %get3A_1104 : i32 to index
      %get3A_1106 = arith.constant 32 : index
      %get3A_1107 = tpu.vector_load %arg17[%get3A_1105, %get3A_1106] {strides = array<i32>} : memref<48x128xf32, #tpu.memory_space<vmem>>, vector<1x16xf32>,
      %get3A_1108 = vector.shape_cast %get3A_1107 : vector<1x16xf32> to vector<16xf32>
      %add3A_1109 = arith.addf %add3A_1091, %get3A_1108 : vector<16xf32>
      %get3A_1110 = arith.constant 40 : i32
      %get3A_1111 = arith.index_cast %get3A_1110 : i32 to index
      %get3A_1112 = arith.constant 32 : index
      %get3A_1113 = tpu.vector_load %arg17[%get3A_1111, %get3A_1112] {strides = array<i32>} : memref<48x128xf32, #tpu.memory_space<vmem>>, vector<1x16xf32>,
      %get3A_1114 = vector.shape_cast %get3A_1113 : vector<1x16xf32> to vector<16xf32>
      %add3A_1115 = arith.addf %add3A_1097, %get3A_1114 : vector<16xf32>
      %get3A_1116 = arith.constant 16 : i32
      %get3A_1117 = arith.index_cast %get3A_1116 : i32 to index
      %get3A_1118 = arith.constant 32 : index
      %get3A_1119 = tpu.vector_load %arg17[%get3A_1117, %get3A_1118] {strides = array<i32>} : memref<48x128xf32, #tpu.memory_space<vmem>>, vector<1x16xf32>,
      %get3A_1120 = vector.shape_cast %get3A_1119 : vector<1x16xf32> to vector<16xf32>
      %add3A_1121 = arith.addf %add3A_1103, %get3A_1120 : vector<16xf32>
      %get3A_1122 = arith.constant 17 : i32
      %get3A_1123 = arith.index_cast %get3A_1122 : i32 to index
      %get3A_1124 = arith.constant 32 : index
      %get3A_1125 = tpu.vector_load %arg17[%get3A_1123, %get3A_1124] {strides = array<i32>} : memref<48x128xf32, #tpu.memory_space<vmem>>, vector<1x16xf32>,
      %get3A_1126 = vector.shape_cast %get3A_1125 : vector<1x16xf32> to vector<16xf32>
      %add3A_1127 = arith.addf %add3A_1109, %get3A_1126 : vector<16xf32>
      %get3A_1128 = arith.constant 41 : i32
      %get3A_1129 = arith.index_cast %get3A_1128 : i32 to index
      %get3A_1130 = arith.constant 32 : index
      %get3A_1131 = tpu.vector_load %arg17[%get3A_1129, %get3A_1130] {strides = array<i32>} : memref<48x128xf32, #tpu.memory_space<vmem>>, vector<1x16xf32>,
      %get3A_1132 = vector.shape_cast %get3A_1131 : vector<1x16xf32> to vector<16xf32>
      %add3A_1133 = arith.addf %add3A_1115, %get3A_1132 : vector<16xf32>
      %get3A_1134 = arith.constant 18 : i32
      %get3A_1135 = arith.index_cast %get3A_1134 : i32 to index
      %get3A_1136 = arith.constant 32 : index
      %get3A_1137 = tpu.vector_load %arg17[%get3A_1135, %get3A_1136] {strides = array<i32>} : memref<48x128xf32, #tpu.memory_space<vmem>>, vector<1x16xf32>,
      %get3A_1138 = vector.shape_cast %get3A_1137 : vector<1x16xf32> to vector<16xf32>
      %add3A_1139 = arith.addf %add3A_1121, %get3A_1138 : vector<16xf32>
      %get3A_1140 = arith.constant 19 : i32
      %get3A_1141 = arith.index_cast %get3A_1140 : i32 to index
      %get3A_1142 = arith.constant 32 : index
      %get3A_1143 = tpu.vector_load %arg17[%get3A_1141, %get3A_1142] {strides = array<i32>} : memref<48x128xf32, #tpu.memory_space<vmem>>, vector<1x16xf32>,
      %get3A_1144 = vector.shape_cast %get3A_1143 : vector<1x16xf32> to vector<16xf32>
      %add3A_1145 = arith.addf %add3A_1127, %get3A_1144 : vector<16xf32>
      %get3A_1146 = arith.constant 42 : i32
      %get3A_1147 = arith.index_cast %get3A_1146 : i32 to index
      %get3A_1148 = arith.constant 32 : index
      %get3A_1149 = tpu.vector_load %arg17[%get3A_1147, %get3A_1148] {strides = array<i32>} : memref<48x128xf32, #tpu.memory_space<vmem>>, vector<1x16xf32>,
      %get3A_1150 = vector.shape_cast %get3A_1149 : vector<1x16xf32> to vector<16xf32>
      %add3A_1151 = arith.addf %add3A_1133, %get3A_1150 : vector<16xf32>
      %get3A_1152 = arith.constant 20 : i32
      %get3A_1153 = arith.index_cast %get3A_1152 : i32 to index
      %get3A_1154 = arith.constant 32 : index
      %get3A_1155 = tpu.vector_load %arg17[%get3A_1153, %get3A_1154] {strides = array<i32>} : memref<48x128xf32, #tpu.memory_space<vmem>>, vector<1x16xf32>,
      %get3A_1156 = vector.shape_cast %get3A_1155 : vector<1x16xf32> to vector<16xf32>
      %add3A_1157 = arith.addf %add3A_1139, %get3A_1156 : vector<16xf32>
      %get3A_1158 = arith.constant 21 : i32
      %get3A_1159 = arith.index_cast %get3A_1158 : i32 to index
      %get3A_1160 = arith.constant 32 : index
      %get3A_1161 = tpu.vector_load %arg17[%get3A_1159, %get3A_1160] {strides = array<i32>} : memref<48x128xf32, #tpu.memory_space<vmem>>, vector<1x16xf32>,
      %get3A_1162 = vector.shape_cast %get3A_1161 : vector<1x16xf32> to vector<16xf32>
      %add3A_1163 = arith.addf %add3A_1145, %get3A_1162 : vector<16xf32>
      %get3A_1164 = arith.constant 43 : i32
      %get3A_1165 = arith.index_cast %get3A_1164 : i32 to index
      %get3A_1166 = arith.constant 32 : index
      %get3A_1167 = tpu.vector_load %arg17[%get3A_1165, %get3A_1166] {strides = array<i32>} : memref<48x128xf32, #tpu.memory_space<vmem>>, vector<1x16xf32>,
      %get3A_1168 = vector.shape_cast %get3A_1167 : vector<1x16xf32> to vector<16xf32>
      %add3A_1169 = arith.addf %add3A_1151, %get3A_1168 : vector<16xf32>
      %get3A_1170 = arith.constant 22 : i32
      %get3A_1171 = arith.index_cast %get3A_1170 : i32 to index
      %get3A_1172 = arith.constant 32 : index
      %get3A_1173 = tpu.vector_load %arg17[%get3A_1171, %get3A_1172] {strides = array<i32>} : memref<48x128xf32, #tpu.memory_space<vmem>>, vector<1x16xf32>,
      %get3A_1174 = vector.shape_cast %get3A_1173 : vector<1x16xf32> to vector<16xf32>
      %add3A_1175 = arith.addf %add3A_1157, %get3A_1174 : vector<16xf32>
      %get3A_1176 = arith.constant 23 : i32
      %get3A_1177 = arith.index_cast %get3A_1176 : i32 to index
      %get3A_1178 = arith.constant 32 : index
      %get3A_1179 = tpu.vector_load %arg17[%get3A_1177, %get3A_1178] {strides = array<i32>} : memref<48x128xf32, #tpu.memory_space<vmem>>, vector<1x16xf32>,
      %get3A_1180 = vector.shape_cast %get3A_1179 : vector<1x16xf32> to vector<16xf32>
      %add3A_1181 = arith.addf %add3A_1163, %get3A_1180 : vector<16xf32>
      %get3A_1182 = arith.constant 44 : i32
      %get3A_1183 = arith.index_cast %get3A_1182 : i32 to index
      %get3A_1184 = arith.constant 32 : index
      %get3A_1185 = tpu.vector_load %arg17[%get3A_1183, %get3A_1184] {strides = array<i32>} : memref<48x128xf32, #tpu.memory_space<vmem>>, vector<1x16xf32>,
      %get3A_1186 = vector.shape_cast %get3A_1185 : vector<1x16xf32> to vector<16xf32>
      %add3A_1187 = arith.addf %add3A_1169, %get3A_1186 : vector<16xf32>
      %get3A_1188 = arith.constant 24 : i32
      %get3A_1189 = arith.index_cast %get3A_1188 : i32 to index
      %get3A_1190 = arith.constant 32 : index
      %get3A_1191 = tpu.vector_load %arg17[%get3A_1189, %get3A_1190] {strides = array<i32>} : memref<48x128xf32, #tpu.memory_space<vmem>>, vector<1x16xf32>,
      %get3A_1192 = vector.shape_cast %get3A_1191 : vector<1x16xf32> to vector<16xf32>
      %add3A_1193 = arith.addf %add3A_1175, %get3A_1192 : vector<16xf32>
      %get3A_1194 = arith.constant 25 : i32
      %get3A_1195 = arith.index_cast %get3A_1194 : i32 to index
      %get3A_1196 = arith.constant 32 : index
      %get3A_1197 = tpu.vector_load %arg17[%get3A_1195, %get3A_1196] {strides = array<i32>} : memref<48x128xf32, #tpu.memory_space<vmem>>, vector<1x16xf32>,
      %get3A_1198 = vector.shape_cast %get3A_1197 : vector<1x16xf32> to vector<16xf32>
      %add3A_1199 = arith.addf %add3A_1181, %get3A_1198 : vector<16xf32>
      %get3A_1200 = arith.constant 45 : i32
      %get3A_1201 = arith.index_cast %get3A_1200 : i32 to index
      %get3A_1202 = arith.constant 32 : index
      %get3A_1203 = tpu.vector_load %arg17[%get3A_1201, %get3A_1202] {strides = array<i32>} : memref<48x128xf32, #tpu.memory_space<vmem>>, vector<1x16xf32>,
      %get3A_1204 = vector.shape_cast %get3A_1203 : vector<1x16xf32> to vector<16xf32>
      %add3A_1205 = arith.addf %add3A_1187, %get3A_1204 : vector<16xf32>
      %get3A_1206 = arith.constant 26 : i32
      %get3A_1207 = arith.index_cast %get3A_1206 : i32 to index
      %get3A_1208 = arith.constant 32 : index
      %get3A_1209 = tpu.vector_load %arg17[%get3A_1207, %get3A_1208] {strides = array<i32>} : memref<48x128xf32, #tpu.memory_space<vmem>>, vector<1x16xf32>,
      %get3A_1210 = vector.shape_cast %get3A_1209 : vector<1x16xf32> to vector<16xf32>
      %add3A_1211 = arith.addf %add3A_1193, %get3A_1210 : vector<16xf32>
      %get3A_1212 = arith.constant 27 : i32
      %get3A_1213 = arith.index_cast %get3A_1212 : i32 to index
      %get3A_1214 = arith.constant 32 : index
      %get3A_1215 = tpu.vector_load %arg17[%get3A_1213, %get3A_1214] {strides = array<i32>} : memref<48x128xf32, #tpu.memory_space<vmem>>, vector<1x16xf32>,
      %get3A_1216 = vector.shape_cast %get3A_1215 : vector<1x16xf32> to vector<16xf32>
      %add3A_1217 = arith.addf %add3A_1199, %get3A_1216 : vector<16xf32>
      %get3A_1218 = arith.constant 46 : i32
      %get3A_1219 = arith.index_cast %get3A_1218 : i32 to index
      %get3A_1220 = arith.constant 32 : index
      %get3A_1221 = tpu.vector_load %arg17[%get3A_1219, %get3A_1220] {strides = array<i32>} : memref<48x128xf32, #tpu.memory_space<vmem>>, vector<1x16xf32>,
      %get3A_1222 = vector.shape_cast %get3A_1221 : vector<1x16xf32> to vector<16xf32>
      %add3A_1223 = arith.addf %add3A_1205, %get3A_1222 : vector<16xf32>
      %get3A_1224 = arith.constant 28 : i32
      %get3A_1225 = arith.index_cast %get3A_1224 : i32 to index
      %get3A_1226 = arith.constant 32 : index
      %get3A_1227 = tpu.vector_load %arg17[%get3A_1225, %get3A_1226] {strides = array<i32>} : memref<48x128xf32, #tpu.memory_space<vmem>>, vector<1x16xf32>,
      %get3A_1228 = vector.shape_cast %get3A_1227 : vector<1x16xf32> to vector<16xf32>
      %add3A_1229 = arith.addf %add3A_1211, %get3A_1228 : vector<16xf32>
      %get3A_1230 = arith.constant 29 : i32
      %get3A_1231 = arith.index_cast %get3A_1230 : i32 to index
      %get3A_1232 = arith.constant 32 : index
      %get3A_1233 = tpu.vector_load %arg17[%get3A_1231, %get3A_1232] {strides = array<i32>} : memref<48x128xf32, #tpu.memory_space<vmem>>, vector<1x16xf32>,
      %get3A_1234 = vector.shape_cast %get3A_1233 : vector<1x16xf32> to vector<16xf32>
      %add3A_1235 = arith.addf %add3A_1217, %get3A_1234 : vector<16xf32>
      %get3A_1236 = arith.constant 47 : i32
      %get3A_1237 = arith.index_cast %get3A_1236 : i32 to index
      %get3A_1238 = arith.constant 32 : index
      %get3A_1239 = tpu.vector_load %arg17[%get3A_1237, %get3A_1238] {strides = array<i32>} : memref<48x128xf32, #tpu.memory_space<vmem>>, vector<1x16xf32>,
      %get3A_1240 = vector.shape_cast %get3A_1239 : vector<1x16xf32> to vector<16xf32>
      %add3A_1241 = arith.addf %add3A_1223, %get3A_1240 : vector<16xf32>
      %get3A_1242 = arith.constant 30 : i32
      %get3A_1243 = arith.index_cast %get3A_1242 : i32 to index
      %get3A_1244 = arith.constant 32 : index
      %get3A_1245 = tpu.vector_load %arg17[%get3A_1243, %get3A_1244] {strides = array<i32>} : memref<48x128xf32, #tpu.memory_space<vmem>>, vector<1x16xf32>,
      %get3A_1246 = vector.shape_cast %get3A_1245 : vector<1x16xf32> to vector<16xf32>
      %add3A_1247 = arith.addf %add3A_1229, %get3A_1246 : vector<16xf32>
      %get3A_1248 = arith.constant 31 : i32
      %get3A_1249 = arith.index_cast %get3A_1248 : i32 to index
      %get3A_1250 = arith.constant 32 : index
      %get3A_1251 = tpu.vector_load %arg17[%get3A_1249, %get3A_1250] {strides = array<i32>} : memref<48x128xf32, #tpu.memory_space<vmem>>, vector<1x16xf32>,
      %get3A_1252 = vector.shape_cast %get3A_1251 : vector<1x16xf32> to vector<16xf32>
      %add3A_1253 = arith.addf %add3A_1235, %get3A_1252 : vector<16xf32>
      %swap3A_1254 = arith.constant 0 : i32
      %swap3A_1255 = arith.index_cast %swap3A_1254 : i32 to index
      %swap3A_1256 = arith.constant 32 : index
      %swap3A_1257 = tpu.vector_load %arg17[%swap3A_1255, %swap3A_1256] {strides = array<i32>} : memref<48x128xf32, #tpu.memory_space<vmem>>, vector<1x16xf32>,
      %swap3A_1258 = vector.shape_cast %swap3A_1257 : vector<1x16xf32> to vector<16xf32>
      %swap3A_1259 = vector.shape_cast %add3A_1241 : vector<16xf32> to vector<1x16xf32>
      tpu.vector_store %arg17[%swap3A_1255, %swap3A_1256], %swap3A_1259 {strides = array<i32>} : memref<48x128xf32, #tpu.memory_space<vmem>>, vector<1x16xf32>,
      %swap3A_1260 = arith.constant 1 : i32
      %swap3A_1261 = arith.index_cast %swap3A_1260 : i32 to index
      %swap3A_1262 = arith.constant 32 : index
      %swap3A_1263 = tpu.vector_load %arg17[%swap3A_1261, %swap3A_1262] {strides = array<i32>} : memref<48x128xf32, #tpu.memory_space<vmem>>, vector<1x16xf32>,
      %swap3A_1264 = vector.shape_cast %swap3A_1263 : vector<1x16xf32> to vector<16xf32>
      %swap3A_1265 = vector.shape_cast %add3A_1247 : vector<16xf32> to vector<1x16xf32>
      tpu.vector_store %arg17[%swap3A_1261, %swap3A_1262], %swap3A_1265 {strides = array<i32>} : memref<48x128xf32, #tpu.memory_space<vmem>>, vector<1x16xf32>,
      %swap3A_1266 = arith.constant 2 : i32
      %swap3A_1267 = arith.index_cast %swap3A_1266 : i32 to index
      %swap3A_1268 = arith.constant 32 : index
      %swap3A_1269 = tpu.vector_load %arg17[%swap3A_1267, %swap3A_1268] {strides = array<i32>} : memref<48x128xf32, #tpu.memory_space<vmem>>, vector<1x16xf32>,
      %swap3A_1270 = vector.shape_cast %swap3A_1269 : vector<1x16xf32> to vector<16xf32>
      %swap3A_1271 = vector.shape_cast %add3A_1253 : vector<16xf32> to vector<1x16xf32>
      tpu.vector_store %arg17[%swap3A_1267, %swap3A_1268], %swap3A_1271 {strides = array<i32>} : memref<48x128xf32, #tpu.memory_space<vmem>>, vector<1x16xf32>,
      %get3A_1272 = arith.constant 32 : i32
      %get3A_1273 = arith.index_cast %get3A_1272 : i32 to index
      %get3A_1274 = arith.constant 48 : index
      %get3A_1275 = tpu.vector_load %arg17[%get3A_1273, %get3A_1274] {strides = array<i32>} : memref<48x128xf32, #tpu.memory_space<vmem>>, vector<1x16xf32>,
      %get3A_1276 = vector.shape_cast %get3A_1275 : vector<1x16xf32> to vector<16xf32>
      %get3A_1277 = arith.constant 0 : i32
      %get3A_1278 = arith.index_cast %get3A_1277 : i32 to index
      %get3A_1279 = arith.constant 48 : index
      %get3A_1280 = tpu.vector_load %arg17[%get3A_1278, %get3A_1279] {strides = array<i32>} : memref<48x128xf32, #tpu.memory_space<vmem>>, vector<1x16xf32>,
      %get3A_1281 = vector.shape_cast %get3A_1280 : vector<1x16xf32> to vector<16xf32>
      %get3A_1282 = arith.constant 1 : i32
      %get3A_1283 = arith.index_cast %get3A_1282 : i32 to index
      %get3A_1284 = arith.constant 48 : index
      %get3A_1285 = tpu.vector_load %arg17[%get3A_1283, %get3A_1284] {strides = array<i32>} : memref<48x128xf32, #tpu.memory_space<vmem>>, vector<1x16xf32>,
      %get3A_1286 = vector.shape_cast %get3A_1285 : vector<1x16xf32> to vector<16xf32>
      %get3A_1287 = arith.constant 33 : i32
      %get3A_1288 = arith.index_cast %get3A_1287 : i32 to index
      %get3A_1289 = arith.constant 48 : index
      %get3A_1290 = tpu.vector_load %arg17[%get3A_1288, %get3A_1289] {strides = array<i32>} : memref<48x128xf32, #tpu.memory_space<vmem>>, vector<1x16xf32>,
      %get3A_1291 = vector.shape_cast %get3A_1290 : vector<1x16xf32> to vector<16xf32>
      %add3A_1292 = arith.addf %get3A_1276, %get3A_1291 : vector<16xf32>
      %get3A_1293 = arith.constant 2 : i32
      %get3A_1294 = arith.index_cast %get3A_1293 : i32 to index
      %get3A_1295 = arith.constant 48 : index
      %get3A_1296 = tpu.vector_load %arg17[%get3A_1294, %get3A_1295] {strides = array<i32>} : memref<48x128xf32, #tpu.memory_space<vmem>>, vector<1x16xf32>,
      %get3A_1297 = vector.shape_cast %get3A_1296 : vector<1x16xf32> to vector<16xf32>
      %add3A_1298 = arith.addf %get3A_1281, %get3A_1297 : vector<16xf32>
      %get3A_1299 = arith.constant 3 : i32
      %get3A_1300 = arith.index_cast %get3A_1299 : i32 to index
      %get3A_1301 = arith.constant 48 : index
      %get3A_1302 = tpu.vector_load %arg17[%get3A_1300, %get3A_1301] {strides = array<i32>} : memref<48x128xf32, #tpu.memory_space<vmem>>, vector<1x16xf32>,
      %get3A_1303 = vector.shape_cast %get3A_1302 : vector<1x16xf32> to vector<16xf32>
      %add3A_1304 = arith.addf %get3A_1286, %get3A_1303 : vector<16xf32>
      %get3A_1305 = arith.constant 34 : i32
      %get3A_1306 = arith.index_cast %get3A_1305 : i32 to index
      %get3A_1307 = arith.constant 48 : index
      %get3A_1308 = tpu.vector_load %arg17[%get3A_1306, %get3A_1307] {strides = array<i32>} : memref<48x128xf32, #tpu.memory_space<vmem>>, vector<1x16xf32>,
      %get3A_1309 = vector.shape_cast %get3A_1308 : vector<1x16xf32> to vector<16xf32>
      %add3A_1310 = arith.addf %add3A_1292, %get3A_1309 : vector<16xf32>
      %get3A_1311 = arith.constant 4 : i32
      %get3A_1312 = arith.index_cast %get3A_1311 : i32 to index
      %get3A_1313 = arith.constant 48 : index
      %get3A_1314 = tpu.vector_load %arg17[%get3A_1312, %get3A_1313] {strides = array<i32>} : memref<48x128xf32, #tpu.memory_space<vmem>>, vector<1x16xf32>,
      %get3A_1315 = vector.shape_cast %get3A_1314 : vector<1x16xf32> to vector<16xf32>
      %add3A_1316 = arith.addf %add3A_1298, %get3A_1315 : vector<16xf32>
      %get3A_1317 = arith.constant 5 : i32
      %get3A_1318 = arith.index_cast %get3A_1317 : i32 to index
      %get3A_1319 = arith.constant 48 : index
      %get3A_1320 = tpu.vector_load %arg17[%get3A_1318, %get3A_1319] {strides = array<i32>} : memref<48x128xf32, #tpu.memory_space<vmem>>, vector<1x16xf32>,
      %get3A_1321 = vector.shape_cast %get3A_1320 : vector<1x16xf32> to vector<16xf32>
      %add3A_1322 = arith.addf %add3A_1304, %get3A_1321 : vector<16xf32>
      %get3A_1323 = arith.constant 35 : i32
      %get3A_1324 = arith.index_cast %get3A_1323 : i32 to index
      %get3A_1325 = arith.constant 48 : index
      %get3A_1326 = tpu.vector_load %arg17[%get3A_1324, %get3A_1325] {strides = array<i32>} : memref<48x128xf32, #tpu.memory_space<vmem>>, vector<1x16xf32>,
      %get3A_1327 = vector.shape_cast %get3A_1326 : vector<1x16xf32> to vector<16xf32>
      %add3A_1328 = arith.addf %add3A_1310, %get3A_1327 : vector<16xf32>
      %get3A_1329 = arith.constant 6 : i32
      %get3A_1330 = arith.index_cast %get3A_1329 : i32 to index
      %get3A_1331 = arith.constant 48 : index
      %get3A_1332 = tpu.vector_load %arg17[%get3A_1330, %get3A_1331] {strides = array<i32>} : memref<48x128xf32, #tpu.memory_space<vmem>>, vector<1x16xf32>,
      %get3A_1333 = vector.shape_cast %get3A_1332 : vector<1x16xf32> to vector<16xf32>
      %add3A_1334 = arith.addf %add3A_1316, %get3A_1333 : vector<16xf32>
      %get3A_1335 = arith.constant 7 : i32
      %get3A_1336 = arith.index_cast %get3A_1335 : i32 to index
      %get3A_1337 = arith.constant 48 : index
      %get3A_1338 = tpu.vector_load %arg17[%get3A_1336, %get3A_1337] {strides = array<i32>} : memref<48x128xf32, #tpu.memory_space<vmem>>, vector<1x16xf32>,
      %get3A_1339 = vector.shape_cast %get3A_1338 : vector<1x16xf32> to vector<16xf32>
      %add3A_1340 = arith.addf %add3A_1322, %get3A_1339 : vector<16xf32>
      %get3A_1341 = arith.constant 36 : i32
      %get3A_1342 = arith.index_cast %get3A_1341 : i32 to index
      %get3A_1343 = arith.constant 48 : index
      %get3A_1344 = tpu.vector_load %arg17[%get3A_1342, %get3A_1343] {strides = array<i32>} : memref<48x128xf32, #tpu.memory_space<vmem>>, vector<1x16xf32>,
      %get3A_1345 = vector.shape_cast %get3A_1344 : vector<1x16xf32> to vector<16xf32>
      %add3A_1346 = arith.addf %add3A_1328, %get3A_1345 : vector<16xf32>
      %get3A_1347 = arith.constant 8 : i32
      %get3A_1348 = arith.index_cast %get3A_1347 : i32 to index
      %get3A_1349 = arith.constant 48 : index
      %get3A_1350 = tpu.vector_load %arg17[%get3A_1348, %get3A_1349] {strides = array<i32>} : memref<48x128xf32, #tpu.memory_space<vmem>>, vector<1x16xf32>,
      %get3A_1351 = vector.shape_cast %get3A_1350 : vector<1x16xf32> to vector<16xf32>
      %add3A_1352 = arith.addf %add3A_1334, %get3A_1351 : vector<16xf32>
      %get3A_1353 = arith.constant 9 : i32
      %get3A_1354 = arith.index_cast %get3A_1353 : i32 to index
      %get3A_1355 = arith.constant 48 : index
      %get3A_1356 = tpu.vector_load %arg17[%get3A_1354, %get3A_1355] {strides = array<i32>} : memref<48x128xf32, #tpu.memory_space<vmem>>, vector<1x16xf32>,
      %get3A_1357 = vector.shape_cast %get3A_1356 : vector<1x16xf32> to vector<16xf32>
      %add3A_1358 = arith.addf %add3A_1340, %get3A_1357 : vector<16xf32>
      %get3A_1359 = arith.constant 37 : i32
      %get3A_1360 = arith.index_cast %get3A_1359 : i32 to index
      %get3A_1361 = arith.constant 48 : index
      %get3A_1362 = tpu.vector_load %arg17[%get3A_1360, %get3A_1361] {strides = array<i32>} : memref<48x128xf32, #tpu.memory_space<vmem>>, vector<1x16xf32>,
      %get3A_1363 = vector.shape_cast %get3A_1362 : vector<1x16xf32> to vector<16xf32>
      %add3A_1364 = arith.addf %add3A_1346, %get3A_1363 : vector<16xf32>
      %get3A_1365 = arith.constant 10 : i32
      %get3A_1366 = arith.index_cast %get3A_1365 : i32 to index
      %get3A_1367 = arith.constant 48 : index
      %get3A_1368 = tpu.vector_load %arg17[%get3A_1366, %get3A_1367] {strides = array<i32>} : memref<48x128xf32, #tpu.memory_space<vmem>>, vector<1x16xf32>,
      %get3A_1369 = vector.shape_cast %get3A_1368 : vector<1x16xf32> to vector<16xf32>
      %add3A_1370 = arith.addf %add3A_1352, %get3A_1369 : vector<16xf32>
      %get3A_1371 = arith.constant 11 : i32
      %get3A_1372 = arith.index_cast %get3A_1371 : i32 to index
      %get3A_1373 = arith.constant 48 : index
      %get3A_1374 = tpu.vector_load %arg17[%get3A_1372, %get3A_1373] {strides = array<i32>} : memref<48x128xf32, #tpu.memory_space<vmem>>, vector<1x16xf32>,
      %get3A_1375 = vector.shape_cast %get3A_1374 : vector<1x16xf32> to vector<16xf32>
      %add3A_1376 = arith.addf %add3A_1358, %get3A_1375 : vector<16xf32>
      %get3A_1377 = arith.constant 38 : i32
      %get3A_1378 = arith.index_cast %get3A_1377 : i32 to index
      %get3A_1379 = arith.constant 48 : index
      %get3A_1380 = tpu.vector_load %arg17[%get3A_1378, %get3A_1379] {strides = array<i32>} : memref<48x128xf32, #tpu.memory_space<vmem>>, vector<1x16xf32>,
      %get3A_1381 = vector.shape_cast %get3A_1380 : vector<1x16xf32> to vector<16xf32>
      %add3A_1382 = arith.addf %add3A_1364, %get3A_1381 : vector<16xf32>
      %get3A_1383 = arith.constant 12 : i32
      %get3A_1384 = arith.index_cast %get3A_1383 : i32 to index
      %get3A_1385 = arith.constant 48 : index
      %get3A_1386 = tpu.vector_load %arg17[%get3A_1384, %get3A_1385] {strides = array<i32>} : memref<48x128xf32, #tpu.memory_space<vmem>>, vector<1x16xf32>,
      %get3A_1387 = vector.shape_cast %get3A_1386 : vector<1x16xf32> to vector<16xf32>
      %add3A_1388 = arith.addf %add3A_1370, %get3A_1387 : vector<16xf32>
      %get3A_1389 = arith.constant 13 : i32
      %get3A_1390 = arith.index_cast %get3A_1389 : i32 to index
      %get3A_1391 = arith.constant 48 : index
      %get3A_1392 = tpu.vector_load %arg17[%get3A_1390, %get3A_1391] {strides = array<i32>} : memref<48x128xf32, #tpu.memory_space<vmem>>, vector<1x16xf32>,
      %get3A_1393 = vector.shape_cast %get3A_1392 : vector<1x16xf32> to vector<16xf32>
      %add3A_1394 = arith.addf %add3A_1376, %get3A_1393 : vector<16xf32>
      %get3A_1395 = arith.constant 39 : i32
      %get3A_1396 = arith.index_cast %get3A_1395 : i32 to index
      %get3A_1397 = arith.constant 48 : index
      %get3A_1398 = tpu.vector_load %arg17[%get3A_1396, %get3A_1397] {strides = array<i32>} : memref<48x128xf32, #tpu.memory_space<vmem>>, vector<1x16xf32>,
      %get3A_1399 = vector.shape_cast %get3A_1398 : vector<1x16xf32> to vector<16xf32>
      %add3A_1400 = arith.addf %add3A_1382, %get3A_1399 : vector<16xf32>
      %get3A_1401 = arith.constant 14 : i32
      %get3A_1402 = arith.index_cast %get3A_1401 : i32 to index
      %get3A_1403 = arith.constant 48 : index
      %get3A_1404 = tpu.vector_load %arg17[%get3A_1402, %get3A_1403] {strides = array<i32>} : memref<48x128xf32, #tpu.memory_space<vmem>>, vector<1x16xf32>,
      %get3A_1405 = vector.shape_cast %get3A_1404 : vector<1x16xf32> to vector<16xf32>
      %add3A_1406 = arith.addf %add3A_1388, %get3A_1405 : vector<16xf32>
      %get3A_1407 = arith.constant 15 : i32
      %get3A_1408 = arith.index_cast %get3A_1407 : i32 to index
      %get3A_1409 = arith.constant 48 : index
      %get3A_1410 = tpu.vector_load %arg17[%get3A_1408, %get3A_1409] {strides = array<i32>} : memref<48x128xf32, #tpu.memory_space<vmem>>, vector<1x16xf32>,
      %get3A_1411 = vector.shape_cast %get3A_1410 : vector<1x16xf32> to vector<16xf32>
      %add3A_1412 = arith.addf %add3A_1394, %get3A_1411 : vector<16xf32>
      %get3A_1413 = arith.constant 40 : i32
      %get3A_1414 = arith.index_cast %get3A_1413 : i32 to index
      %get3A_1415 = arith.constant 48 : index
      %get3A_1416 = tpu.vector_load %arg17[%get3A_1414, %get3A_1415] {strides = array<i32>} : memref<48x128xf32, #tpu.memory_space<vmem>>, vector<1x16xf32>,
      %get3A_1417 = vector.shape_cast %get3A_1416 : vector<1x16xf32> to vector<16xf32>
      %add3A_1418 = arith.addf %add3A_1400, %get3A_1417 : vector<16xf32>
      %get3A_1419 = arith.constant 16 : i32
      %get3A_1420 = arith.index_cast %get3A_1419 : i32 to index
      %get3A_1421 = arith.constant 48 : index
      %get3A_1422 = tpu.vector_load %arg17[%get3A_1420, %get3A_1421] {strides = array<i32>} : memref<48x128xf32, #tpu.memory_space<vmem>>, vector<1x16xf32>,
      %get3A_1423 = vector.shape_cast %get3A_1422 : vector<1x16xf32> to vector<16xf32>
      %add3A_1424 = arith.addf %add3A_1406, %get3A_1423 : vector<16xf32>
      %get3A_1425 = arith.constant 17 : i32
      %get3A_1426 = arith.index_cast %get3A_1425 : i32 to index
      %get3A_1427 = arith.constant 48 : index
      %get3A_1428 = tpu.vector_load %arg17[%get3A_1426, %get3A_1427] {strides = array<i32>} : memref<48x128xf32, #tpu.memory_space<vmem>>, vector<1x16xf32>,
      %get3A_1429 = vector.shape_cast %get3A_1428 : vector<1x16xf32> to vector<16xf32>
      %add3A_1430 = arith.addf %add3A_1412, %get3A_1429 : vector<16xf32>
      %get3A_1431 = arith.constant 41 : i32
      %get3A_1432 = arith.index_cast %get3A_1431 : i32 to index
      %get3A_1433 = arith.constant 48 : index
      %get3A_1434 = tpu.vector_load %arg17[%get3A_1432, %get3A_1433] {strides = array<i32>} : memref<48x128xf32, #tpu.memory_space<vmem>>, vector<1x16xf32>,
      %get3A_1435 = vector.shape_cast %get3A_1434 : vector<1x16xf32> to vector<16xf32>
      %add3A_1436 = arith.addf %add3A_1418, %get3A_1435 : vector<16xf32>
      %get3A_1437 = arith.constant 18 : i32
      %get3A_1438 = arith.index_cast %get3A_1437 : i32 to index
      %get3A_1439 = arith.constant 48 : index
      %get3A_1440 = tpu.vector_load %arg17[%get3A_1438, %get3A_1439] {strides = array<i32>} : memref<48x128xf32, #tpu.memory_space<vmem>>, vector<1x16xf32>,
      %get3A_1441 = vector.shape_cast %get3A_1440 : vector<1x16xf32> to vector<16xf32>
      %add3A_1442 = arith.addf %add3A_1424, %get3A_1441 : vector<16xf32>
      %get3A_1443 = arith.constant 19 : i32
      %get3A_1444 = arith.index_cast %get3A_1443 : i32 to index
      %get3A_1445 = arith.constant 48 : index
      %get3A_1446 = tpu.vector_load %arg17[%get3A_1444, %get3A_1445] {strides = array<i32>} : memref<48x128xf32, #tpu.memory_space<vmem>>, vector<1x16xf32>,
      %get3A_1447 = vector.shape_cast %get3A_1446 : vector<1x16xf32> to vector<16xf32>
      %add3A_1448 = arith.addf %add3A_1430, %get3A_1447 : vector<16xf32>
      %get3A_1449 = arith.constant 42 : i32
      %get3A_1450 = arith.index_cast %get3A_1449 : i32 to index
      %get3A_1451 = arith.constant 48 : index
      %get3A_1452 = tpu.vector_load %arg17[%get3A_1450, %get3A_1451] {strides = array<i32>} : memref<48x128xf32, #tpu.memory_space<vmem>>, vector<1x16xf32>,
      %get3A_1453 = vector.shape_cast %get3A_1452 : vector<1x16xf32> to vector<16xf32>
      %add3A_1454 = arith.addf %add3A_1436, %get3A_1453 : vector<16xf32>
      %get3A_1455 = arith.constant 20 : i32
      %get3A_1456 = arith.index_cast %get3A_1455 : i32 to index
      %get3A_1457 = arith.constant 48 : index
      %get3A_1458 = tpu.vector_load %arg17[%get3A_1456, %get3A_1457] {strides = array<i32>} : memref<48x128xf32, #tpu.memory_space<vmem>>, vector<1x16xf32>,
      %get3A_1459 = vector.shape_cast %get3A_1458 : vector<1x16xf32> to vector<16xf32>
      %add3A_1460 = arith.addf %add3A_1442, %get3A_1459 : vector<16xf32>
      %get3A_1461 = arith.constant 21 : i32
      %get3A_1462 = arith.index_cast %get3A_1461 : i32 to index
      %get3A_1463 = arith.constant 48 : index
      %get3A_1464 = tpu.vector_load %arg17[%get3A_1462, %get3A_1463] {strides = array<i32>} : memref<48x128xf32, #tpu.memory_space<vmem>>, vector<1x16xf32>,
      %get3A_1465 = vector.shape_cast %get3A_1464 : vector<1x16xf32> to vector<16xf32>
      %add3A_1466 = arith.addf %add3A_1448, %get3A_1465 : vector<16xf32>
      %get3A_1467 = arith.constant 43 : i32
      %get3A_1468 = arith.index_cast %get3A_1467 : i32 to index
      %get3A_1469 = arith.constant 48 : index
      %get3A_1470 = tpu.vector_load %arg17[%get3A_1468, %get3A_1469] {strides = array<i32>} : memref<48x128xf32, #tpu.memory_space<vmem>>, vector<1x16xf32>,
      %get3A_1471 = vector.shape_cast %get3A_1470 : vector<1x16xf32> to vector<16xf32>
      %add3A_1472 = arith.addf %add3A_1454, %get3A_1471 : vector<16xf32>
      %get3A_1473 = arith.constant 22 : i32
      %get3A_1474 = arith.index_cast %get3A_1473 : i32 to index
      %get3A_1475 = arith.constant 48 : index
      %get3A_1476 = tpu.vector_load %arg17[%get3A_1474, %get3A_1475] {strides = array<i32>} : memref<48x128xf32, #tpu.memory_space<vmem>>, vector<1x16xf32>,
      %get3A_1477 = vector.shape_cast %get3A_1476 : vector<1x16xf32> to vector<16xf32>
      %add3A_1478 = arith.addf %add3A_1460, %get3A_1477 : vector<16xf32>
      %get3A_1479 = arith.constant 23 : i32
      %get3A_1480 = arith.index_cast %get3A_1479 : i32 to index
      %get3A_1481 = arith.constant 48 : index
      %get3A_1482 = tpu.vector_load %arg17[%get3A_1480, %get3A_1481] {strides = array<i32>} : memref<48x128xf32, #tpu.memory_space<vmem>>, vector<1x16xf32>,
      %get3A_1483 = vector.shape_cast %get3A_1482 : vector<1x16xf32> to vector<16xf32>
      %add3A_1484 = arith.addf %add3A_1466, %get3A_1483 : vector<16xf32>
      %get3A_1485 = arith.constant 44 : i32
      %get3A_1486 = arith.index_cast %get3A_1485 : i32 to index
      %get3A_1487 = arith.constant 48 : index
      %get3A_1488 = tpu.vector_load %arg17[%get3A_1486, %get3A_1487] {strides = array<i32>} : memref<48x128xf32, #tpu.memory_space<vmem>>, vector<1x16xf32>,
      %get3A_1489 = vector.shape_cast %get3A_1488 : vector<1x16xf32> to vector<16xf32>
      %add3A_1490 = arith.addf %add3A_1472, %get3A_1489 : vector<16xf32>
      %get3A_1491 = arith.constant 24 : i32
      %get3A_1492 = arith.index_cast %get3A_1491 : i32 to index
      %get3A_1493 = arith.constant 48 : index
      %get3A_1494 = tpu.vector_load %arg17[%get3A_1492, %get3A_1493] {strides = array<i32>} : memref<48x128xf32, #tpu.memory_space<vmem>>, vector<1x16xf32>,
      %get3A_1495 = vector.shape_cast %get3A_1494 : vector<1x16xf32> to vector<16xf32>
      %add3A_1496 = arith.addf %add3A_1478, %get3A_1495 : vector<16xf32>
      %get3A_1497 = arith.constant 25 : i32
      %get3A_1498 = arith.index_cast %get3A_1497 : i32 to index
      %get3A_1499 = arith.constant 48 : index
      %get3A_1500 = tpu.vector_load %arg17[%get3A_1498, %get3A_1499] {strides = array<i32>} : memref<48x128xf32, #tpu.memory_space<vmem>>, vector<1x16xf32>,
      %get3A_1501 = vector.shape_cast %get3A_1500 : vector<1x16xf32> to vector<16xf32>
      %add3A_1502 = arith.addf %add3A_1484, %get3A_1501 : vector<16xf32>
      %get3A_1503 = arith.constant 45 : i32
      %get3A_1504 = arith.index_cast %get3A_1503 : i32 to index
      %get3A_1505 = arith.constant 48 : index
      %get3A_1506 = tpu.vector_load %arg17[%get3A_1504, %get3A_1505] {strides = array<i32>} : memref<48x128xf32, #tpu.memory_space<vmem>>, vector<1x16xf32>,
      %get3A_1507 = vector.shape_cast %get3A_1506 : vector<1x16xf32> to vector<16xf32>
      %add3A_1508 = arith.addf %add3A_1490, %get3A_1507 : vector<16xf32>
      %get3A_1509 = arith.constant 26 : i32
      %get3A_1510 = arith.index_cast %get3A_1509 : i32 to index
      %get3A_1511 = arith.constant 48 : index
      %get3A_1512 = tpu.vector_load %arg17[%get3A_1510, %get3A_1511] {strides = array<i32>} : memref<48x128xf32, #tpu.memory_space<vmem>>, vector<1x16xf32>,
      %get3A_1513 = vector.shape_cast %get3A_1512 : vector<1x16xf32> to vector<16xf32>
      %add3A_1514 = arith.addf %add3A_1496, %get3A_1513 : vector<16xf32>
      %get3A_1515 = arith.constant 27 : i32
      %get3A_1516 = arith.index_cast %get3A_1515 : i32 to index
      %get3A_1517 = arith.constant 48 : index
      %get3A_1518 = tpu.vector_load %arg17[%get3A_1516, %get3A_1517] {strides = array<i32>} : memref<48x128xf32, #tpu.memory_space<vmem>>, vector<1x16xf32>,
      %get3A_1519 = vector.shape_cast %get3A_1518 : vector<1x16xf32> to vector<16xf32>
      %add3A_1520 = arith.addf %add3A_1502, %get3A_1519 : vector<16xf32>
      %get3A_1521 = arith.constant 46 : i32
      %get3A_1522 = arith.index_cast %get3A_1521 : i32 to index
      %get3A_1523 = arith.constant 48 : index
      %get3A_1524 = tpu.vector_load %arg17[%get3A_1522, %get3A_1523] {strides = array<i32>} : memref<48x128xf32, #tpu.memory_space<vmem>>, vector<1x16xf32>,
      %get3A_1525 = vector.shape_cast %get3A_1524 : vector<1x16xf32> to vector<16xf32>
      %add3A_1526 = arith.addf %add3A_1508, %get3A_1525 : vector<16xf32>
      %get3A_1527 = arith.constant 28 : i32
      %get3A_1528 = arith.index_cast %get3A_1527 : i32 to index
      %get3A_1529 = arith.constant 48 : index
      %get3A_1530 = tpu.vector_load %arg17[%get3A_1528, %get3A_1529] {strides = array<i32>} : memref<48x128xf32, #tpu.memory_space<vmem>>, vector<1x16xf32>,
      %get3A_1531 = vector.shape_cast %get3A_1530 : vector<1x16xf32> to vector<16xf32>
      %add3A_1532 = arith.addf %add3A_1514, %get3A_1531 : vector<16xf32>
      %get3A_1533 = arith.constant 29 : i32
      %get3A_1534 = arith.index_cast %get3A_1533 : i32 to index
      %get3A_1535 = arith.constant 48 : index
      %get3A_1536 = tpu.vector_load %arg17[%get3A_1534, %get3A_1535] {strides = array<i32>} : memref<48x128xf32, #tpu.memory_space<vmem>>, vector<1x16xf32>,
      %get3A_1537 = vector.shape_cast %get3A_1536 : vector<1x16xf32> to vector<16xf32>
      %add3A_1538 = arith.addf %add3A_1520, %get3A_1537 : vector<16xf32>
      %get3A_1539 = arith.constant 47 : i32
      %get3A_1540 = arith.index_cast %get3A_1539 : i32 to index
      %get3A_1541 = arith.constant 48 : index
      %get3A_1542 = tpu.vector_load %arg17[%get3A_1540, %get3A_1541] {strides = array<i32>} : memref<48x128xf32, #tpu.memory_space<vmem>>, vector<1x16xf32>,
      %get3A_1543 = vector.shape_cast %get3A_1542 : vector<1x16xf32> to vector<16xf32>
      %add3A_1544 = arith.addf %add3A_1526, %get3A_1543 : vector<16xf32>
      %get3A_1545 = arith.constant 30 : i32
      %get3A_1546 = arith.index_cast %get3A_1545 : i32 to index
      %get3A_1547 = arith.constant 48 : index
      %get3A_1548 = tpu.vector_load %arg17[%get3A_1546, %get3A_1547] {strides = array<i32>} : memref<48x128xf32, #tpu.memory_space<vmem>>, vector<1x16xf32>,
      %get3A_1549 = vector.shape_cast %get3A_1548 : vector<1x16xf32> to vector<16xf32>
      %add3A_1550 = arith.addf %add3A_1532, %get3A_1549 : vector<16xf32>
      %get3A_1551 = arith.constant 31 : i32
      %get3A_1552 = arith.index_cast %get3A_1551 : i32 to index
      %get3A_1553 = arith.constant 48 : index
      %get3A_1554 = tpu.vector_load %arg17[%get3A_1552, %get3A_1553] {strides = array<i32>} : memref<48x128xf32, #tpu.memory_space<vmem>>, vector<1x16xf32>,
      %get3A_1555 = vector.shape_cast %get3A_1554 : vector<1x16xf32> to vector<16xf32>
      %add3A_1556 = arith.addf %add3A_1538, %get3A_1555 : vector<16xf32>
      %swap3A_1557 = arith.constant 0 : i32
      %swap3A_1558 = arith.index_cast %swap3A_1557 : i32 to index
      %swap3A_1559 = arith.constant 48 : index
      %swap3A_1560 = tpu.vector_load %arg17[%swap3A_1558, %swap3A_1559] {strides = array<i32>} : memref<48x128xf32, #tpu.memory_space<vmem>>, vector<1x16xf32>,
      %swap3A_1561 = vector.shape_cast %swap3A_1560 : vector<1x16xf32> to vector<16xf32>
      %swap3A_1562 = vector.shape_cast %add3A_1544 : vector<16xf32> to vector<1x16xf32>
      tpu.vector_store %arg17[%swap3A_1558, %swap3A_1559], %swap3A_1562 {strides = array<i32>} : memref<48x128xf32, #tpu.memory_space<vmem>>, vector<1x16xf32>,
      %swap3A_1563 = arith.constant 1 : i32
      %swap3A_1564 = arith.index_cast %swap3A_1563 : i32 to index
      %swap3A_1565 = arith.constant 48 : index
      %swap3A_1566 = tpu.vector_load %arg17[%swap3A_1564, %swap3A_1565] {strides = array<i32>} : memref<48x128xf32, #tpu.memory_space<vmem>>, vector<1x16xf32>,
      %swap3A_1567 = vector.shape_cast %swap3A_1566 : vector<1x16xf32> to vector<16xf32>
      %swap3A_1568 = vector.shape_cast %add3A_1550 : vector<16xf32> to vector<1x16xf32>
      tpu.vector_store %arg17[%swap3A_1564, %swap3A_1565], %swap3A_1568 {strides = array<i32>} : memref<48x128xf32, #tpu.memory_space<vmem>>, vector<1x16xf32>,
      %swap3A_1569 = arith.constant 2 : i32
      %swap3A_1570 = arith.index_cast %swap3A_1569 : i32 to index
      %swap3A_1571 = arith.constant 48 : index
      %swap3A_1572 = tpu.vector_load %arg17[%swap3A_1570, %swap3A_1571] {strides = array<i32>} : memref<48x128xf32, #tpu.memory_space<vmem>>, vector<1x16xf32>,
      %swap3A_1573 = vector.shape_cast %swap3A_1572 : vector<1x16xf32> to vector<16xf32>
      %swap3A_1574 = vector.shape_cast %add3A_1556 : vector<16xf32> to vector<1x16xf32>
      tpu.vector_store %arg17[%swap3A_1570, %swap3A_1571], %swap3A_1574 {strides = array<i32>} : memref<48x128xf32, #tpu.memory_space<vmem>>, vector<1x16xf32>,
      %get3A_1575 = arith.constant 32 : i32
      %get3A_1576 = arith.index_cast %get3A_1575 : i32 to index
      %get3A_1577 = arith.constant 64 : index
      %get3A_1578 = tpu.vector_load %arg17[%get3A_1576, %get3A_1577] {strides = array<i32>} : memref<48x128xf32, #tpu.memory_space<vmem>>, vector<1x16xf32>,
      %get3A_1579 = vector.shape_cast %get3A_1578 : vector<1x16xf32> to vector<16xf32>
      %get3A_1580 = arith.constant 0 : i32
      %get3A_1581 = arith.index_cast %get3A_1580 : i32 to index
      %get3A_1582 = arith.constant 64 : index
      %get3A_1583 = tpu.vector_load %arg17[%get3A_1581, %get3A_1582] {strides = array<i32>} : memref<48x128xf32, #tpu.memory_space<vmem>>, vector<1x16xf32>,
      %get3A_1584 = vector.shape_cast %get3A_1583 : vector<1x16xf32> to vector<16xf32>
      %get3A_1585 = arith.constant 1 : i32
      %get3A_1586 = arith.index_cast %get3A_1585 : i32 to index
      %get3A_1587 = arith.constant 64 : index
      %get3A_1588 = tpu.vector_load %arg17[%get3A_1586, %get3A_1587] {strides = array<i32>} : memref<48x128xf32, #tpu.memory_space<vmem>>, vector<1x16xf32>,
      %get3A_1589 = vector.shape_cast %get3A_1588 : vector<1x16xf32> to vector<16xf32>
      %get3A_1590 = arith.constant 33 : i32
      %get3A_1591 = arith.index_cast %get3A_1590 : i32 to index
      %get3A_1592 = arith.constant 64 : index
      %get3A_1593 = tpu.vector_load %arg17[%get3A_1591, %get3A_1592] {strides = array<i32>} : memref<48x128xf32, #tpu.memory_space<vmem>>, vector<1x16xf32>,
      %get3A_1594 = vector.shape_cast %get3A_1593 : vector<1x16xf32> to vector<16xf32>
      %add3A_1595 = arith.addf %get3A_1579, %get3A_1594 : vector<16xf32>
      %get3A_1596 = arith.constant 2 : i32
      %get3A_1597 = arith.index_cast %get3A_1596 : i32 to index
      %get3A_1598 = arith.constant 64 : index
      %get3A_1599 = tpu.vector_load %arg17[%get3A_1597, %get3A_1598] {strides = array<i32>} : memref<48x128xf32, #tpu.memory_space<vmem>>, vector<1x16xf32>,
      %get3A_1600 = vector.shape_cast %get3A_1599 : vector<1x16xf32> to vector<16xf32>
      %add3A_1601 = arith.addf %get3A_1584, %get3A_1600 : vector<16xf32>
      %get3A_1602 = arith.constant 3 : i32
      %get3A_1603 = arith.index_cast %get3A_1602 : i32 to index
      %get3A_1604 = arith.constant 64 : index
      %get3A_1605 = tpu.vector_load %arg17[%get3A_1603, %get3A_1604] {strides = array<i32>} : memref<48x128xf32, #tpu.memory_space<vmem>>, vector<1x16xf32>,
      %get3A_1606 = vector.shape_cast %get3A_1605 : vector<1x16xf32> to vector<16xf32>
      %add3A_1607 = arith.addf %get3A_1589, %get3A_1606 : vector<16xf32>
      %get3A_1608 = arith.constant 34 : i32
      %get3A_1609 = arith.index_cast %get3A_1608 : i32 to index
      %get3A_1610 = arith.constant 64 : index
      %get3A_1611 = tpu.vector_load %arg17[%get3A_1609, %get3A_1610] {strides = array<i32>} : memref<48x128xf32, #tpu.memory_space<vmem>>, vector<1x16xf32>,
      %get3A_1612 = vector.shape_cast %get3A_1611 : vector<1x16xf32> to vector<16xf32>
      %add3A_1613 = arith.addf %add3A_1595, %get3A_1612 : vector<16xf32>
      %get3A_1614 = arith.constant 4 : i32
      %get3A_1615 = arith.index_cast %get3A_1614 : i32 to index
      %get3A_1616 = arith.constant 64 : index
      %get3A_1617 = tpu.vector_load %arg17[%get3A_1615, %get3A_1616] {strides = array<i32>} : memref<48x128xf32, #tpu.memory_space<vmem>>, vector<1x16xf32>,
      %get3A_1618 = vector.shape_cast %get3A_1617 : vector<1x16xf32> to vector<16xf32>
      %add3A_1619 = arith.addf %add3A_1601, %get3A_1618 : vector<16xf32>
      %get3A_1620 = arith.constant 5 : i32
      %get3A_1621 = arith.index_cast %get3A_1620 : i32 to index
      %get3A_1622 = arith.constant 64 : index
      %get3A_1623 = tpu.vector_load %arg17[%get3A_1621, %get3A_1622] {strides = array<i32>} : memref<48x128xf32, #tpu.memory_space<vmem>>, vector<1x16xf32>,
      %get3A_1624 = vector.shape_cast %get3A_1623 : vector<1x16xf32> to vector<16xf32>
      %add3A_1625 = arith.addf %add3A_1607, %get3A_1624 : vector<16xf32>
      %get3A_1626 = arith.constant 35 : i32
      %get3A_1627 = arith.index_cast %get3A_1626 : i32 to index
      %get3A_1628 = arith.constant 64 : index
      %get3A_1629 = tpu.vector_load %arg17[%get3A_1627, %get3A_1628] {strides = array<i32>} : memref<48x128xf32, #tpu.memory_space<vmem>>, vector<1x16xf32>,
      %get3A_1630 = vector.shape_cast %get3A_1629 : vector<1x16xf32> to vector<16xf32>
      %add3A_1631 = arith.addf %add3A_1613, %get3A_1630 : vector<16xf32>
      %get3A_1632 = arith.constant 6 : i32
      %get3A_1633 = arith.index_cast %get3A_1632 : i32 to index
      %get3A_1634 = arith.constant 64 : index
      %get3A_1635 = tpu.vector_load %arg17[%get3A_1633, %get3A_1634] {strides = array<i32>} : memref<48x128xf32, #tpu.memory_space<vmem>>, vector<1x16xf32>,
      %get3A_1636 = vector.shape_cast %get3A_1635 : vector<1x16xf32> to vector<16xf32>
      %add3A_1637 = arith.addf %add3A_1619, %get3A_1636 : vector<16xf32>
      %get3A_1638 = arith.constant 7 : i32
      %get3A_1639 = arith.index_cast %get3A_1638 : i32 to index
      %get3A_1640 = arith.constant 64 : index
      %get3A_1641 = tpu.vector_load %arg17[%get3A_1639, %get3A_1640] {strides = array<i32>} : memref<48x128xf32, #tpu.memory_space<vmem>>, vector<1x16xf32>,
      %get3A_1642 = vector.shape_cast %get3A_1641 : vector<1x16xf32> to vector<16xf32>
      %add3A_1643 = arith.addf %add3A_1625, %get3A_1642 : vector<16xf32>
      %get3A_1644 = arith.constant 36 : i32
      %get3A_1645 = arith.index_cast %get3A_1644 : i32 to index
      %get3A_1646 = arith.constant 64 : index
      %get3A_1647 = tpu.vector_load %arg17[%get3A_1645, %get3A_1646] {strides = array<i32>} : memref<48x128xf32, #tpu.memory_space<vmem>>, vector<1x16xf32>,
      %get3A_1648 = vector.shape_cast %get3A_1647 : vector<1x16xf32> to vector<16xf32>
      %add3A_1649 = arith.addf %add3A_1631, %get3A_1648 : vector<16xf32>
      %get3A_1650 = arith.constant 8 : i32
      %get3A_1651 = arith.index_cast %get3A_1650 : i32 to index
      %get3A_1652 = arith.constant 64 : index
      %get3A_1653 = tpu.vector_load %arg17[%get3A_1651, %get3A_1652] {strides = array<i32>} : memref<48x128xf32, #tpu.memory_space<vmem>>, vector<1x16xf32>,
      %get3A_1654 = vector.shape_cast %get3A_1653 : vector<1x16xf32> to vector<16xf32>
      %add3A_1655 = arith.addf %add3A_1637, %get3A_1654 : vector<16xf32>
      %get3A_1656 = arith.constant 9 : i32
      %get3A_1657 = arith.index_cast %get3A_1656 : i32 to index
      %get3A_1658 = arith.constant 64 : index
      %get3A_1659 = tpu.vector_load %arg17[%get3A_1657, %get3A_1658] {strides = array<i32>} : memref<48x128xf32, #tpu.memory_space<vmem>>, vector<1x16xf32>,
      %get3A_1660 = vector.shape_cast %get3A_1659 : vector<1x16xf32> to vector<16xf32>
      %add3A_1661 = arith.addf %add3A_1643, %get3A_1660 : vector<16xf32>
      %get3A_1662 = arith.constant 37 : i32
      %get3A_1663 = arith.index_cast %get3A_1662 : i32 to index
      %get3A_1664 = arith.constant 64 : index
      %get3A_1665 = tpu.vector_load %arg17[%get3A_1663, %get3A_1664] {strides = array<i32>} : memref<48x128xf32, #tpu.memory_space<vmem>>, vector<1x16xf32>,
      %get3A_1666 = vector.shape_cast %get3A_1665 : vector<1x16xf32> to vector<16xf32>
      %add3A_1667 = arith.addf %add3A_1649, %get3A_1666 : vector<16xf32>
      %get3A_1668 = arith.constant 10 : i32
      %get3A_1669 = arith.index_cast %get3A_1668 : i32 to index
      %get3A_1670 = arith.constant 64 : index
      %get3A_1671 = tpu.vector_load %arg17[%get3A_1669, %get3A_1670] {strides = array<i32>} : memref<48x128xf32, #tpu.memory_space<vmem>>, vector<1x16xf32>,
      %get3A_1672 = vector.shape_cast %get3A_1671 : vector<1x16xf32> to vector<16xf32>
      %add3A_1673 = arith.addf %add3A_1655, %get3A_1672 : vector<16xf32>
      %get3A_1674 = arith.constant 11 : i32
      %get3A_1675 = arith.index_cast %get3A_1674 : i32 to index
      %get3A_1676 = arith.constant 64 : index
      %get3A_1677 = tpu.vector_load %arg17[%get3A_1675, %get3A_1676] {strides = array<i32>} : memref<48x128xf32, #tpu.memory_space<vmem>>, vector<1x16xf32>,
      %get3A_1678 = vector.shape_cast %get3A_1677 : vector<1x16xf32> to vector<16xf32>
      %add3A_1679 = arith.addf %add3A_1661, %get3A_1678 : vector<16xf32>
      %get3A_1680 = arith.constant 38 : i32
      %get3A_1681 = arith.index_cast %get3A_1680 : i32 to index
      %get3A_1682 = arith.constant 64 : index
      %get3A_1683 = tpu.vector_load %arg17[%get3A_1681, %get3A_1682] {strides = array<i32>} : memref<48x128xf32, #tpu.memory_space<vmem>>, vector<1x16xf32>,
      %get3A_1684 = vector.shape_cast %get3A_1683 : vector<1x16xf32> to vector<16xf32>
      %add3A_1685 = arith.addf %add3A_1667, %get3A_1684 : vector<16xf32>
      %get3A_1686 = arith.constant 12 : i32
      %get3A_1687 = arith.index_cast %get3A_1686 : i32 to index
      %get3A_1688 = arith.constant 64 : index
      %get3A_1689 = tpu.vector_load %arg17[%get3A_1687, %get3A_1688] {strides = array<i32>} : memref<48x128xf32, #tpu.memory_space<vmem>>, vector<1x16xf32>,
      %get3A_1690 = vector.shape_cast %get3A_1689 : vector<1x16xf32> to vector<16xf32>
      %add3A_1691 = arith.addf %add3A_1673, %get3A_1690 : vector<16xf32>
      %get3A_1692 = arith.constant 13 : i32
      %get3A_1693 = arith.index_cast %get3A_1692 : i32 to index
      %get3A_1694 = arith.constant 64 : index
      %get3A_1695 = tpu.vector_load %arg17[%get3A_1693, %get3A_1694] {strides = array<i32>} : memref<48x128xf32, #tpu.memory_space<vmem>>, vector<1x16xf32>,
      %get3A_1696 = vector.shape_cast %get3A_1695 : vector<1x16xf32> to vector<16xf32>
      %add3A_1697 = arith.addf %add3A_1679, %get3A_1696 : vector<16xf32>
      %get3A_1698 = arith.constant 39 : i32
      %get3A_1699 = arith.index_cast %get3A_1698 : i32 to index
      %get3A_1700 = arith.constant 64 : index
      %get3A_1701 = tpu.vector_load %arg17[%get3A_1699, %get3A_1700] {strides = array<i32>} : memref<48x128xf32, #tpu.memory_space<vmem>>, vector<1x16xf32>,
      %get3A_1702 = vector.shape_cast %get3A_1701 : vector<1x16xf32> to vector<16xf32>
      %add3A_1703 = arith.addf %add3A_1685, %get3A_1702 : vector<16xf32>
      %get3A_1704 = arith.constant 14 : i32
      %get3A_1705 = arith.index_cast %get3A_1704 : i32 to index
      %get3A_1706 = arith.constant 64 : index
      %get3A_1707 = tpu.vector_load %arg17[%get3A_1705, %get3A_1706] {strides = array<i32>} : memref<48x128xf32, #tpu.memory_space<vmem>>, vector<1x16xf32>,
      %get3A_1708 = vector.shape_cast %get3A_1707 : vector<1x16xf32> to vector<16xf32>
      %add3A_1709 = arith.addf %add3A_1691, %get3A_1708 : vector<16xf32>
      %get3A_1710 = arith.constant 15 : i32
      %get3A_1711 = arith.index_cast %get3A_1710 : i32 to index
      %get3A_1712 = arith.constant 64 : index
      %get3A_1713 = tpu.vector_load %arg17[%get3A_1711, %get3A_1712] {strides = array<i32>} : memref<48x128xf32, #tpu.memory_space<vmem>>, vector<1x16xf32>,
      %get3A_1714 = vector.shape_cast %get3A_1713 : vector<1x16xf32> to vector<16xf32>
      %add3A_1715 = arith.addf %add3A_1697, %get3A_1714 : vector<16xf32>
      %get3A_1716 = arith.constant 40 : i32
      %get3A_1717 = arith.index_cast %get3A_1716 : i32 to index
      %get3A_1718 = arith.constant 64 : index
      %get3A_1719 = tpu.vector_load %arg17[%get3A_1717, %get3A_1718] {strides = array<i32>} : memref<48x128xf32, #tpu.memory_space<vmem>>, vector<1x16xf32>,
      %get3A_1720 = vector.shape_cast %get3A_1719 : vector<1x16xf32> to vector<16xf32>
      %add3A_1721 = arith.addf %add3A_1703, %get3A_1720 : vector<16xf32>
      %get3A_1722 = arith.constant 16 : i32
      %get3A_1723 = arith.index_cast %get3A_1722 : i32 to index
      %get3A_1724 = arith.constant 64 : index
      %get3A_1725 = tpu.vector_load %arg17[%get3A_1723, %get3A_1724] {strides = array<i32>} : memref<48x128xf32, #tpu.memory_space<vmem>>, vector<1x16xf32>,
      %get3A_1726 = vector.shape_cast %get3A_1725 : vector<1x16xf32> to vector<16xf32>
      %add3A_1727 = arith.addf %add3A_1709, %get3A_1726 : vector<16xf32>
      %get3A_1728 = arith.constant 17 : i32
      %get3A_1729 = arith.index_cast %get3A_1728 : i32 to index
      %get3A_1730 = arith.constant 64 : index
      %get3A_1731 = tpu.vector_load %arg17[%get3A_1729, %get3A_1730] {strides = array<i32>} : memref<48x128xf32, #tpu.memory_space<vmem>>, vector<1x16xf32>,
      %get3A_1732 = vector.shape_cast %get3A_1731 : vector<1x16xf32> to vector<16xf32>
      %add3A_1733 = arith.addf %add3A_1715, %get3A_1732 : vector<16xf32>
      %get3A_1734 = arith.constant 41 : i32
      %get3A_1735 = arith.index_cast %get3A_1734 : i32 to index
      %get3A_1736 = arith.constant 64 : index
      %get3A_1737 = tpu.vector_load %arg17[%get3A_1735, %get3A_1736] {strides = array<i32>} : memref<48x128xf32, #tpu.memory_space<vmem>>, vector<1x16xf32>,
      %get3A_1738 = vector.shape_cast %get3A_1737 : vector<1x16xf32> to vector<16xf32>
      %add3A_1739 = arith.addf %add3A_1721, %get3A_1738 : vector<16xf32>
      %get3A_1740 = arith.constant 18 : i32
      %get3A_1741 = arith.index_cast %get3A_1740 : i32 to index
      %get3A_1742 = arith.constant 64 : index
      %get3A_1743 = tpu.vector_load %arg17[%get3A_1741, %get3A_1742] {strides = array<i32>} : memref<48x128xf32, #tpu.memory_space<vmem>>, vector<1x16xf32>,
      %get3A_1744 = vector.shape_cast %get3A_1743 : vector<1x16xf32> to vector<16xf32>
      %add3A_1745 = arith.addf %add3A_1727, %get3A_1744 : vector<16xf32>
      %get3A_1746 = arith.constant 19 : i32
      %get3A_1747 = arith.index_cast %get3A_1746 : i32 to index
      %get3A_1748 = arith.constant 64 : index
      %get3A_1749 = tpu.vector_load %arg17[%get3A_1747, %get3A_1748] {strides = array<i32>} : memref<48x128xf32, #tpu.memory_space<vmem>>, vector<1x16xf32>,
      %get3A_1750 = vector.shape_cast %get3A_1749 : vector<1x16xf32> to vector<16xf32>
      %add3A_1751 = arith.addf %add3A_1733, %get3A_1750 : vector<16xf32>
      %get3A_1752 = arith.constant 42 : i32
      %get3A_1753 = arith.index_cast %get3A_1752 : i32 to index
      %get3A_1754 = arith.constant 64 : index
      %get3A_1755 = tpu.vector_load %arg17[%get3A_1753, %get3A_1754] {strides = array<i32>} : memref<48x128xf32, #tpu.memory_space<vmem>>, vector<1x16xf32>,
      %get3A_1756 = vector.shape_cast %get3A_1755 : vector<1x16xf32> to vector<16xf32>
      %add3A_1757 = arith.addf %add3A_1739, %get3A_1756 : vector<16xf32>
      %get3A_1758 = arith.constant 20 : i32
      %get3A_1759 = arith.index_cast %get3A_1758 : i32 to index
      %get3A_1760 = arith.constant 64 : index
      %get3A_1761 = tpu.vector_load %arg17[%get3A_1759, %get3A_1760] {strides = array<i32>} : memref<48x128xf32, #tpu.memory_space<vmem>>, vector<1x16xf32>,
      %get3A_1762 = vector.shape_cast %get3A_1761 : vector<1x16xf32> to vector<16xf32>
      %add3A_1763 = arith.addf %add3A_1745, %get3A_1762 : vector<16xf32>
      %get3A_1764 = arith.constant 21 : i32
      %get3A_1765 = arith.index_cast %get3A_1764 : i32 to index
      %get3A_1766 = arith.constant 64 : index
      %get3A_1767 = tpu.vector_load %arg17[%get3A_1765, %get3A_1766] {strides = array<i32>} : memref<48x128xf32, #tpu.memory_space<vmem>>, vector<1x16xf32>,
      %get3A_1768 = vector.shape_cast %get3A_1767 : vector<1x16xf32> to vector<16xf32>
      %add3A_1769 = arith.addf %add3A_1751, %get3A_1768 : vector<16xf32>
      %get3A_1770 = arith.constant 43 : i32
      %get3A_1771 = arith.index_cast %get3A_1770 : i32 to index
      %get3A_1772 = arith.constant 64 : index
      %get3A_1773 = tpu.vector_load %arg17[%get3A_1771, %get3A_1772] {strides = array<i32>} : memref<48x128xf32, #tpu.memory_space<vmem>>, vector<1x16xf32>,
      %get3A_1774 = vector.shape_cast %get3A_1773 : vector<1x16xf32> to vector<16xf32>
      %add3A_1775 = arith.addf %add3A_1757, %get3A_1774 : vector<16xf32>
      %get3A_1776 = arith.constant 22 : i32
      %get3A_1777 = arith.index_cast %get3A_1776 : i32 to index
      %get3A_1778 = arith.constant 64 : index
      %get3A_1779 = tpu.vector_load %arg17[%get3A_1777, %get3A_1778] {strides = array<i32>} : memref<48x128xf32, #tpu.memory_space<vmem>>, vector<1x16xf32>,
      %get3A_1780 = vector.shape_cast %get3A_1779 : vector<1x16xf32> to vector<16xf32>
      %add3A_1781 = arith.addf %add3A_1763, %get3A_1780 : vector<16xf32>
      %get3A_1782 = arith.constant 23 : i32
      %get3A_1783 = arith.index_cast %get3A_1782 : i32 to index
      %get3A_1784 = arith.constant 64 : index
      %get3A_1785 = tpu.vector_load %arg17[%get3A_1783, %get3A_1784] {strides = array<i32>} : memref<48x128xf32, #tpu.memory_space<vmem>>, vector<1x16xf32>,
      %get3A_1786 = vector.shape_cast %get3A_1785 : vector<1x16xf32> to vector<16xf32>
      %add3A_1787 = arith.addf %add3A_1769, %get3A_1786 : vector<16xf32>
      %get3A_1788 = arith.constant 44 : i32
      %get3A_1789 = arith.index_cast %get3A_1788 : i32 to index
      %get3A_1790 = arith.constant 64 : index
      %get3A_1791 = tpu.vector_load %arg17[%get3A_1789, %get3A_1790] {strides = array<i32>} : memref<48x128xf32, #tpu.memory_space<vmem>>, vector<1x16xf32>,
      %get3A_1792 = vector.shape_cast %get3A_1791 : vector<1x16xf32> to vector<16xf32>
      %add3A_1793 = arith.addf %add3A_1775, %get3A_1792 : vector<16xf32>
      %get3A_1794 = arith.constant 24 : i32
      %get3A_1795 = arith.index_cast %get3A_1794 : i32 to index
      %get3A_1796 = arith.constant 64 : index
      %get3A_1797 = tpu.vector_load %arg17[%get3A_1795, %get3A_1796] {strides = array<i32>} : memref<48x128xf32, #tpu.memory_space<vmem>>, vector<1x16xf32>,
      %get3A_1798 = vector.shape_cast %get3A_1797 : vector<1x16xf32> to vector<16xf32>
      %add3A_1799 = arith.addf %add3A_1781, %get3A_1798 : vector<16xf32>
      %get3A_1800 = arith.constant 25 : i32
      %get3A_1801 = arith.index_cast %get3A_1800 : i32 to index
      %get3A_1802 = arith.constant 64 : index
      %get3A_1803 = tpu.vector_load %arg17[%get3A_1801, %get3A_1802] {strides = array<i32>} : memref<48x128xf32, #tpu.memory_space<vmem>>, vector<1x16xf32>,
      %get3A_1804 = vector.shape_cast %get3A_1803 : vector<1x16xf32> to vector<16xf32>
      %add3A_1805 = arith.addf %add3A_1787, %get3A_1804 : vector<16xf32>
      %get3A_1806 = arith.constant 45 : i32
      %get3A_1807 = arith.index_cast %get3A_1806 : i32 to index
      %get3A_1808 = arith.constant 64 : index
      %get3A_1809 = tpu.vector_load %arg17[%get3A_1807, %get3A_1808] {strides = array<i32>} : memref<48x128xf32, #tpu.memory_space<vmem>>, vector<1x16xf32>,
      %get3A_1810 = vector.shape_cast %get3A_1809 : vector<1x16xf32> to vector<16xf32>
      %add3A_1811 = arith.addf %add3A_1793, %get3A_1810 : vector<16xf32>
      %get3A_1812 = arith.constant 26 : i32
      %get3A_1813 = arith.index_cast %get3A_1812 : i32 to index
      %get3A_1814 = arith.constant 64 : index
      %get3A_1815 = tpu.vector_load %arg17[%get3A_1813, %get3A_1814] {strides = array<i32>} : memref<48x128xf32, #tpu.memory_space<vmem>>, vector<1x16xf32>,
      %get3A_1816 = vector.shape_cast %get3A_1815 : vector<1x16xf32> to vector<16xf32>
      %add3A_1817 = arith.addf %add3A_1799, %get3A_1816 : vector<16xf32>
      %get3A_1818 = arith.constant 27 : i32
      %get3A_1819 = arith.index_cast %get3A_1818 : i32 to index
      %get3A_1820 = arith.constant 64 : index
      %get3A_1821 = tpu.vector_load %arg17[%get3A_1819, %get3A_1820] {strides = array<i32>} : memref<48x128xf32, #tpu.memory_space<vmem>>, vector<1x16xf32>,
      %get3A_1822 = vector.shape_cast %get3A_1821 : vector<1x16xf32> to vector<16xf32>
      %add3A_1823 = arith.addf %add3A_1805, %get3A_1822 : vector<16xf32>
      %get3A_1824 = arith.constant 46 : i32
      %get3A_1825 = arith.index_cast %get3A_1824 : i32 to index
      %get3A_1826 = arith.constant 64 : index
      %get3A_1827 = tpu.vector_load %arg17[%get3A_1825, %get3A_1826] {strides = array<i32>} : memref<48x128xf32, #tpu.memory_space<vmem>>, vector<1x16xf32>,
      %get3A_1828 = vector.shape_cast %get3A_1827 : vector<1x16xf32> to vector<16xf32>
      %add3A_1829 = arith.addf %add3A_1811, %get3A_1828 : vector<16xf32>
      %get3A_1830 = arith.constant 28 : i32
      %get3A_1831 = arith.index_cast %get3A_1830 : i32 to index
      %get3A_1832 = arith.constant 64 : index
      %get3A_1833 = tpu.vector_load %arg17[%get3A_1831, %get3A_1832] {strides = array<i32>} : memref<48x128xf32, #tpu.memory_space<vmem>>, vector<1x16xf32>,
      %get3A_1834 = vector.shape_cast %get3A_1833 : vector<1x16xf32> to vector<16xf32>
      %add3A_1835 = arith.addf %add3A_1817, %get3A_1834 : vector<16xf32>
      %get3A_1836 = arith.constant 29 : i32
      %get3A_1837 = arith.index_cast %get3A_1836 : i32 to index
      %get3A_1838 = arith.constant 64 : index
      %get3A_1839 = tpu.vector_load %arg17[%get3A_1837, %get3A_1838] {strides = array<i32>} : memref<48x128xf32, #tpu.memory_space<vmem>>, vector<1x16xf32>,
      %get3A_1840 = vector.shape_cast %get3A_1839 : vector<1x16xf32> to vector<16xf32>
      %add3A_1841 = arith.addf %add3A_1823, %get3A_1840 : vector<16xf32>
      %get3A_1842 = arith.constant 47 : i32
      %get3A_1843 = arith.index_cast %get3A_1842 : i32 to index
      %get3A_1844 = arith.constant 64 : index
      %get3A_1845 = tpu.vector_load %arg17[%get3A_1843, %get3A_1844] {strides = array<i32>} : memref<48x128xf32, #tpu.memory_space<vmem>>, vector<1x16xf32>,
      %get3A_1846 = vector.shape_cast %get3A_1845 : vector<1x16xf32> to vector<16xf32>
      %add3A_1847 = arith.addf %add3A_1829, %get3A_1846 : vector<16xf32>
      %get3A_1848 = arith.constant 30 : i32
      %get3A_1849 = arith.index_cast %get3A_1848 : i32 to index
      %get3A_1850 = arith.constant 64 : index
      %get3A_1851 = tpu.vector_load %arg17[%get3A_1849, %get3A_1850] {strides = array<i32>} : memref<48x128xf32, #tpu.memory_space<vmem>>, vector<1x16xf32>,
      %get3A_1852 = vector.shape_cast %get3A_1851 : vector<1x16xf32> to vector<16xf32>
      %add3A_1853 = arith.addf %add3A_1835, %get3A_1852 : vector<16xf32>
      %get3A_1854 = arith.constant 31 : i32
      %get3A_1855 = arith.index_cast %get3A_1854 : i32 to index
      %get3A_1856 = arith.constant 64 : index
      %get3A_1857 = tpu.vector_load %arg17[%get3A_1855, %get3A_1856] {strides = array<i32>} : memref<48x128xf32, #tpu.memory_space<vmem>>, vector<1x16xf32>,
      %get3A_1858 = vector.shape_cast %get3A_1857 : vector<1x16xf32> to vector<16xf32>
      %add3A_1859 = arith.addf %add3A_1841, %get3A_1858 : vector<16xf32>
      %swap3A_1860 = arith.constant 0 : i32
      %swap3A_1861 = arith.index_cast %swap3A_1860 : i32 to index
      %swap3A_1862 = arith.constant 64 : index
      %swap3A_1863 = tpu.vector_load %arg17[%swap3A_1861, %swap3A_1862] {strides = array<i32>} : memref<48x128xf32, #tpu.memory_space<vmem>>, vector<1x16xf32>,
      %swap3A_1864 = vector.shape_cast %swap3A_1863 : vector<1x16xf32> to vector<16xf32>
      %swap3A_1865 = vector.shape_cast %add3A_1847 : vector<16xf32> to vector<1x16xf32>
      tpu.vector_store %arg17[%swap3A_1861, %swap3A_1862], %swap3A_1865 {strides = array<i32>} : memref<48x128xf32, #tpu.memory_space<vmem>>, vector<1x16xf32>,
      %swap3A_1866 = arith.constant 1 : i32
      %swap3A_1867 = arith.index_cast %swap3A_1866 : i32 to index
      %swap3A_1868 = arith.constant 64 : index
      %swap3A_1869 = tpu.vector_load %arg17[%swap3A_1867, %swap3A_1868] {strides = array<i32>} : memref<48x128xf32, #tpu.memory_space<vmem>>, vector<1x16xf32>,
      %swap3A_1870 = vector.shape_cast %swap3A_1869 : vector<1x16xf32> to vector<16xf32>
      %swap3A_1871 = vector.shape_cast %add3A_1853 : vector<16xf32> to vector<1x16xf32>
      tpu.vector_store %arg17[%swap3A_1867, %swap3A_1868], %swap3A_1871 {strides = array<i32>} : memref<48x128xf32, #tpu.memory_space<vmem>>, vector<1x16xf32>,
      %swap3A_1872 = arith.constant 2 : i32
      %swap3A_1873 = arith.index_cast %swap3A_1872 : i32 to index
      %swap3A_1874 = arith.constant 64 : index
      %swap3A_1875 = tpu.vector_load %arg17[%swap3A_1873, %swap3A_1874] {strides = array<i32>} : memref<48x128xf32, #tpu.memory_space<vmem>>, vector<1x16xf32>,
      %swap3A_1876 = vector.shape_cast %swap3A_1875 : vector<1x16xf32> to vector<16xf32>
      %swap3A_1877 = vector.shape_cast %add3A_1859 : vector<16xf32> to vector<1x16xf32>
      tpu.vector_store %arg17[%swap3A_1873, %swap3A_1874], %swap3A_1877 {strides = array<i32>} : memref<48x128xf32, #tpu.memory_space<vmem>>, vector<1x16xf32>,
      %get3A_1878 = arith.constant 32 : i32
      %get3A_1879 = arith.index_cast %get3A_1878 : i32 to index
      %get3A_1880 = arith.constant 80 : index
      %get3A_1881 = tpu.vector_load %arg17[%get3A_1879, %get3A_1880] {strides = array<i32>} : memref<48x128xf32, #tpu.memory_space<vmem>>, vector<1x16xf32>,
      %get3A_1882 = vector.shape_cast %get3A_1881 : vector<1x16xf32> to vector<16xf32>
      %get3A_1883 = arith.constant 0 : i32
      %get3A_1884 = arith.index_cast %get3A_1883 : i32 to index
      %get3A_1885 = arith.constant 80 : index
      %get3A_1886 = tpu.vector_load %arg17[%get3A_1884, %get3A_1885] {strides = array<i32>} : memref<48x128xf32, #tpu.memory_space<vmem>>, vector<1x16xf32>,
      %get3A_1887 = vector.shape_cast %get3A_1886 : vector<1x16xf32> to vector<16xf32>
      %get3A_1888 = arith.constant 1 : i32
      %get3A_1889 = arith.index_cast %get3A_1888 : i32 to index
      %get3A_1890 = arith.constant 80 : index
      %get3A_1891 = tpu.vector_load %arg17[%get3A_1889, %get3A_1890] {strides = array<i32>} : memref<48x128xf32, #tpu.memory_space<vmem>>, vector<1x16xf32>,
      %get3A_1892 = vector.shape_cast %get3A_1891 : vector<1x16xf32> to vector<16xf32>
      %get3A_1893 = arith.constant 33 : i32
      %get3A_1894 = arith.index_cast %get3A_1893 : i32 to index
      %get3A_1895 = arith.constant 80 : index
      %get3A_1896 = tpu.vector_load %arg17[%get3A_1894, %get3A_1895] {strides = array<i32>} : memref<48x128xf32, #tpu.memory_space<vmem>>, vector<1x16xf32>,
      %get3A_1897 = vector.shape_cast %get3A_1896 : vector<1x16xf32> to vector<16xf32>
      %add3A_1898 = arith.addf %get3A_1882, %get3A_1897 : vector<16xf32>
      %get3A_1899 = arith.constant 2 : i32
      %get3A_1900 = arith.index_cast %get3A_1899 : i32 to index
      %get3A_1901 = arith.constant 80 : index
      %get3A_1902 = tpu.vector_load %arg17[%get3A_1900, %get3A_1901] {strides = array<i32>} : memref<48x128xf32, #tpu.memory_space<vmem>>, vector<1x16xf32>,
      %get3A_1903 = vector.shape_cast %get3A_1902 : vector<1x16xf32> to vector<16xf32>
      %add3A_1904 = arith.addf %get3A_1887, %get3A_1903 : vector<16xf32>
      %get3A_1905 = arith.constant 3 : i32
      %get3A_1906 = arith.index_cast %get3A_1905 : i32 to index
      %get3A_1907 = arith.constant 80 : index
      %get3A_1908 = tpu.vector_load %arg17[%get3A_1906, %get3A_1907] {strides = array<i32>} : memref<48x128xf32, #tpu.memory_space<vmem>>, vector<1x16xf32>,
      %get3A_1909 = vector.shape_cast %get3A_1908 : vector<1x16xf32> to vector<16xf32>
      %add3A_1910 = arith.addf %get3A_1892, %get3A_1909 : vector<16xf32>
      %get3A_1911 = arith.constant 34 : i32
      %get3A_1912 = arith.index_cast %get3A_1911 : i32 to index
      %get3A_1913 = arith.constant 80 : index
      %get3A_1914 = tpu.vector_load %arg17[%get3A_1912, %get3A_1913] {strides = array<i32>} : memref<48x128xf32, #tpu.memory_space<vmem>>, vector<1x16xf32>,
      %get3A_1915 = vector.shape_cast %get3A_1914 : vector<1x16xf32> to vector<16xf32>
      %add3A_1916 = arith.addf %add3A_1898, %get3A_1915 : vector<16xf32>
      %get3A_1917 = arith.constant 4 : i32
      %get3A_1918 = arith.index_cast %get3A_1917 : i32 to index
      %get3A_1919 = arith.constant 80 : index
      %get3A_1920 = tpu.vector_load %arg17[%get3A_1918, %get3A_1919] {strides = array<i32>} : memref<48x128xf32, #tpu.memory_space<vmem>>, vector<1x16xf32>,
      %get3A_1921 = vector.shape_cast %get3A_1920 : vector<1x16xf32> to vector<16xf32>
      %add3A_1922 = arith.addf %add3A_1904, %get3A_1921 : vector<16xf32>
      %get3A_1923 = arith.constant 5 : i32
      %get3A_1924 = arith.index_cast %get3A_1923 : i32 to index
      %get3A_1925 = arith.constant 80 : index
      %get3A_1926 = tpu.vector_load %arg17[%get3A_1924, %get3A_1925] {strides = array<i32>} : memref<48x128xf32, #tpu.memory_space<vmem>>, vector<1x16xf32>,
      %get3A_1927 = vector.shape_cast %get3A_1926 : vector<1x16xf32> to vector<16xf32>
      %add3A_1928 = arith.addf %add3A_1910, %get3A_1927 : vector<16xf32>
      %get3A_1929 = arith.constant 35 : i32
      %get3A_1930 = arith.index_cast %get3A_1929 : i32 to index
      %get3A_1931 = arith.constant 80 : index
      %get3A_1932 = tpu.vector_load %arg17[%get3A_1930, %get3A_1931] {strides = array<i32>} : memref<48x128xf32, #tpu.memory_space<vmem>>, vector<1x16xf32>,
      %get3A_1933 = vector.shape_cast %get3A_1932 : vector<1x16xf32> to vector<16xf32>
      %add3A_1934 = arith.addf %add3A_1916, %get3A_1933 : vector<16xf32>
      %get3A_1935 = arith.constant 6 : i32
      %get3A_1936 = arith.index_cast %get3A_1935 : i32 to index
      %get3A_1937 = arith.constant 80 : index
      %get3A_1938 = tpu.vector_load %arg17[%get3A_1936, %get3A_1937] {strides = array<i32>} : memref<48x128xf32, #tpu.memory_space<vmem>>, vector<1x16xf32>,
      %get3A_1939 = vector.shape_cast %get3A_1938 : vector<1x16xf32> to vector<16xf32>
      %add3A_1940 = arith.addf %add3A_1922, %get3A_1939 : vector<16xf32>
      %get3A_1941 = arith.constant 7 : i32
      %get3A_1942 = arith.index_cast %get3A_1941 : i32 to index
      %get3A_1943 = arith.constant 80 : index
      %get3A_1944 = tpu.vector_load %arg17[%get3A_1942, %get3A_1943] {strides = array<i32>} : memref<48x128xf32, #tpu.memory_space<vmem>>, vector<1x16xf32>,
      %get3A_1945 = vector.shape_cast %get3A_1944 : vector<1x16xf32> to vector<16xf32>
      %add3A_1946 = arith.addf %add3A_1928, %get3A_1945 : vector<16xf32>
      %get3A_1947 = arith.constant 36 : i32
      %get3A_1948 = arith.index_cast %get3A_1947 : i32 to index
      %get3A_1949 = arith.constant 80 : index
      %get3A_1950 = tpu.vector_load %arg17[%get3A_1948, %get3A_1949] {strides = array<i32>} : memref<48x128xf32, #tpu.memory_space<vmem>>, vector<1x16xf32>,
      %get3A_1951 = vector.shape_cast %get3A_1950 : vector<1x16xf32> to vector<16xf32>
      %add3A_1952 = arith.addf %add3A_1934, %get3A_1951 : vector<16xf32>
      %get3A_1953 = arith.constant 8 : i32
      %get3A_1954 = arith.index_cast %get3A_1953 : i32 to index
      %get3A_1955 = arith.constant 80 : index
      %get3A_1956 = tpu.vector_load %arg17[%get3A_1954, %get3A_1955] {strides = array<i32>} : memref<48x128xf32, #tpu.memory_space<vmem>>, vector<1x16xf32>,
      %get3A_1957 = vector.shape_cast %get3A_1956 : vector<1x16xf32> to vector<16xf32>
      %add3A_1958 = arith.addf %add3A_1940, %get3A_1957 : vector<16xf32>
      %get3A_1959 = arith.constant 9 : i32
      %get3A_1960 = arith.index_cast %get3A_1959 : i32 to index
      %get3A_1961 = arith.constant 80 : index
      %get3A_1962 = tpu.vector_load %arg17[%get3A_1960, %get3A_1961] {strides = array<i32>} : memref<48x128xf32, #tpu.memory_space<vmem>>, vector<1x16xf32>,
      %get3A_1963 = vector.shape_cast %get3A_1962 : vector<1x16xf32> to vector<16xf32>
      %add3A_1964 = arith.addf %add3A_1946, %get3A_1963 : vector<16xf32>
      %get3A_1965 = arith.constant 37 : i32
      %get3A_1966 = arith.index_cast %get3A_1965 : i32 to index
      %get3A_1967 = arith.constant 80 : index
      %get3A_1968 = tpu.vector_load %arg17[%get3A_1966, %get3A_1967] {strides = array<i32>} : memref<48x128xf32, #tpu.memory_space<vmem>>, vector<1x16xf32>,
      %get3A_1969 = vector.shape_cast %get3A_1968 : vector<1x16xf32> to vector<16xf32>
      %add3A_1970 = arith.addf %add3A_1952, %get3A_1969 : vector<16xf32>
      %get3A_1971 = arith.constant 10 : i32
      %get3A_1972 = arith.index_cast %get3A_1971 : i32 to index
      %get3A_1973 = arith.constant 80 : index
      %get3A_1974 = tpu.vector_load %arg17[%get3A_1972, %get3A_1973] {strides = array<i32>} : memref<48x128xf32, #tpu.memory_space<vmem>>, vector<1x16xf32>,
      %get3A_1975 = vector.shape_cast %get3A_1974 : vector<1x16xf32> to vector<16xf32>
      %add3A_1976 = arith.addf %add3A_1958, %get3A_1975 : vector<16xf32>
      %get3A_1977 = arith.constant 11 : i32
      %get3A_1978 = arith.index_cast %get3A_1977 : i32 to index
      %get3A_1979 = arith.constant 80 : index
      %get3A_1980 = tpu.vector_load %arg17[%get3A_1978, %get3A_1979] {strides = array<i32>} : memref<48x128xf32, #tpu.memory_space<vmem>>, vector<1x16xf32>,
      %get3A_1981 = vector.shape_cast %get3A_1980 : vector<1x16xf32> to vector<16xf32>
      %add3A_1982 = arith.addf %add3A_1964, %get3A_1981 : vector<16xf32>
      %get3A_1983 = arith.constant 38 : i32
      %get3A_1984 = arith.index_cast %get3A_1983 : i32 to index
      %get3A_1985 = arith.constant 80 : index
      %get3A_1986 = tpu.vector_load %arg17[%get3A_1984, %get3A_1985] {strides = array<i32>} : memref<48x128xf32, #tpu.memory_space<vmem>>, vector<1x16xf32>,
      %get3A_1987 = vector.shape_cast %get3A_1986 : vector<1x16xf32> to vector<16xf32>
      %add3A_1988 = arith.addf %add3A_1970, %get3A_1987 : vector<16xf32>
      %get3A_1989 = arith.constant 12 : i32
      %get3A_1990 = arith.index_cast %get3A_1989 : i32 to index
      %get3A_1991 = arith.constant 80 : index
      %get3A_1992 = tpu.vector_load %arg17[%get3A_1990, %get3A_1991] {strides = array<i32>} : memref<48x128xf32, #tpu.memory_space<vmem>>, vector<1x16xf32>,
      %get3A_1993 = vector.shape_cast %get3A_1992 : vector<1x16xf32> to vector<16xf32>
      %add3A_1994 = arith.addf %add3A_1976, %get3A_1993 : vector<16xf32>
      %get3A_1995 = arith.constant 13 : i32
      %get3A_1996 = arith.index_cast %get3A_1995 : i32 to index
      %get3A_1997 = arith.constant 80 : index
      %get3A_1998 = tpu.vector_load %arg17[%get3A_1996, %get3A_1997] {strides = array<i32>} : memref<48x128xf32, #tpu.memory_space<vmem>>, vector<1x16xf32>,
      %get3A_1999 = vector.shape_cast %get3A_1998 : vector<1x16xf32> to vector<16xf32>
      %add3A_2000 = arith.addf %add3A_1982, %get3A_1999 : vector<16xf32>
      %get3A_2001 = arith.constant 39 : i32
      %get3A_2002 = arith.index_cast %get3A_2001 : i32 to index
      %get3A_2003 = arith.constant 80 : index
      %get3A_2004 = tpu.vector_load %arg17[%get3A_2002, %get3A_2003] {strides = array<i32>} : memref<48x128xf32, #tpu.memory_space<vmem>>, vector<1x16xf32>,
      %get3A_2005 = vector.shape_cast %get3A_2004 : vector<1x16xf32> to vector<16xf32>
      %add3A_2006 = arith.addf %add3A_1988, %get3A_2005 : vector<16xf32>
      %get3A_2007 = arith.constant 14 : i32
      %get3A_2008 = arith.index_cast %get3A_2007 : i32 to index
      %get3A_2009 = arith.constant 80 : index
      %get3A_2010 = tpu.vector_load %arg17[%get3A_2008, %get3A_2009] {strides = array<i32>} : memref<48x128xf32, #tpu.memory_space<vmem>>, vector<1x16xf32>,
      %get3A_2011 = vector.shape_cast %get3A_2010 : vector<1x16xf32> to vector<16xf32>
      %add3A_2012 = arith.addf %add3A_1994, %get3A_2011 : vector<16xf32>
      %get3A_2013 = arith.constant 15 : i32
      %get3A_2014 = arith.index_cast %get3A_2013 : i32 to index
      %get3A_2015 = arith.constant 80 : index
      %get3A_2016 = tpu.vector_load %arg17[%get3A_2014, %get3A_2015] {strides = array<i32>} : memref<48x128xf32, #tpu.memory_space<vmem>>, vector<1x16xf32>,
      %get3A_2017 = vector.shape_cast %get3A_2016 : vector<1x16xf32> to vector<16xf32>
      %add3A_2018 = arith.addf %add3A_2000, %get3A_2017 : vector<16xf32>
      %get3A_2019 = arith.constant 40 : i32
      %get3A_2020 = arith.index_cast %get3A_2019 : i32 to index
      %get3A_2021 = arith.constant 80 : index
      %get3A_2022 = tpu.vector_load %arg17[%get3A_2020, %get3A_2021] {strides = array<i32>} : memref<48x128xf32, #tpu.memory_space<vmem>>, vector<1x16xf32>,
      %get3A_2023 = vector.shape_cast %get3A_2022 : vector<1x16xf32> to vector<16xf32>
      %add3A_2024 = arith.addf %add3A_2006, %get3A_2023 : vector<16xf32>
      %get3A_2025 = arith.constant 16 : i32
      %get3A_2026 = arith.index_cast %get3A_2025 : i32 to index
      %get3A_2027 = arith.constant 80 : index
      %get3A_2028 = tpu.vector_load %arg17[%get3A_2026, %get3A_2027] {strides = array<i32>} : memref<48x128xf32, #tpu.memory_space<vmem>>, vector<1x16xf32>,
      %get3A_2029 = vector.shape_cast %get3A_2028 : vector<1x16xf32> to vector<16xf32>
      %add3A_2030 = arith.addf %add3A_2012, %get3A_2029 : vector<16xf32>
      %get3A_2031 = arith.constant 17 : i32
      %get3A_2032 = arith.index_cast %get3A_2031 : i32 to index
      %get3A_2033 = arith.constant 80 : index
      %get3A_2034 = tpu.vector_load %arg17[%get3A_2032, %get3A_2033] {strides = array<i32>} : memref<48x128xf32, #tpu.memory_space<vmem>>, vector<1x16xf32>,
      %get3A_2035 = vector.shape_cast %get3A_2034 : vector<1x16xf32> to vector<16xf32>
      %add3A_2036 = arith.addf %add3A_2018, %get3A_2035 : vector<16xf32>
      %get3A_2037 = arith.constant 41 : i32
      %get3A_2038 = arith.index_cast %get3A_2037 : i32 to index
      %get3A_2039 = arith.constant 80 : index
      %get3A_2040 = tpu.vector_load %arg17[%get3A_2038, %get3A_2039] {strides = array<i32>} : memref<48x128xf32, #tpu.memory_space<vmem>>, vector<1x16xf32>,
      %get3A_2041 = vector.shape_cast %get3A_2040 : vector<1x16xf32> to vector<16xf32>
      %add3A_2042 = arith.addf %add3A_2024, %get3A_2041 : vector<16xf32>
      %get3A_2043 = arith.constant 18 : i32
      %get3A_2044 = arith.index_cast %get3A_2043 : i32 to index
      %get3A_2045 = arith.constant 80 : index
      %get3A_2046 = tpu.vector_load %arg17[%get3A_2044, %get3A_2045] {strides = array<i32>} : memref<48x128xf32, #tpu.memory_space<vmem>>, vector<1x16xf32>,
      %get3A_2047 = vector.shape_cast %get3A_2046 : vector<1x16xf32> to vector<16xf32>
      %add3A_2048 = arith.addf %add3A_2030, %get3A_2047 : vector<16xf32>
      %get3A_2049 = arith.constant 19 : i32
      %get3A_2050 = arith.index_cast %get3A_2049 : i32 to index
      %get3A_2051 = arith.constant 80 : index
      %get3A_2052 = tpu.vector_load %arg17[%get3A_2050, %get3A_2051] {strides = array<i32>} : memref<48x128xf32, #tpu.memory_space<vmem>>, vector<1x16xf32>,
      %get3A_2053 = vector.shape_cast %get3A_2052 : vector<1x16xf32> to vector<16xf32>
      %add3A_2054 = arith.addf %add3A_2036, %get3A_2053 : vector<16xf32>
      %get3A_2055 = arith.constant 42 : i32
      %get3A_2056 = arith.index_cast %get3A_2055 : i32 to index
      %get3A_2057 = arith.constant 80 : index
      %get3A_2058 = tpu.vector_load %arg17[%get3A_2056, %get3A_2057] {strides = array<i32>} : memref<48x128xf32, #tpu.memory_space<vmem>>, vector<1x16xf32>,
      %get3A_2059 = vector.shape_cast %get3A_2058 : vector<1x16xf32> to vector<16xf32>
      %add3A_2060 = arith.addf %add3A_2042, %get3A_2059 : vector<16xf32>
      %get3A_2061 = arith.constant 20 : i32
      %get3A_2062 = arith.index_cast %get3A_2061 : i32 to index
      %get3A_2063 = arith.constant 80 : index
      %get3A_2064 = tpu.vector_load %arg17[%get3A_2062, %get3A_2063] {strides = array<i32>} : memref<48x128xf32, #tpu.memory_space<vmem>>, vector<1x16xf32>,
      %get3A_2065 = vector.shape_cast %get3A_2064 : vector<1x16xf32> to vector<16xf32>
      %add3A_2066 = arith.addf %add3A_2048, %get3A_2065 : vector<16xf32>
      %get3A_2067 = arith.constant 21 : i32
      %get3A_2068 = arith.index_cast %get3A_2067 : i32 to index
      %get3A_2069 = arith.constant 80 : index
      %get3A_2070 = tpu.vector_load %arg17[%get3A_2068, %get3A_2069] {strides = array<i32>} : memref<48x128xf32, #tpu.memory_space<vmem>>, vector<1x16xf32>,
      %get3A_2071 = vector.shape_cast %get3A_2070 : vector<1x16xf32> to vector<16xf32>
      %add3A_2072 = arith.addf %add3A_2054, %get3A_2071 : vector<16xf32>
      %get3A_2073 = arith.constant 43 : i32
      %get3A_2074 = arith.index_cast %get3A_2073 : i32 to index
      %get3A_2075 = arith.constant 80 : index
      %get3A_2076 = tpu.vector_load %arg17[%get3A_2074, %get3A_2075] {strides = array<i32>} : memref<48x128xf32, #tpu.memory_space<vmem>>, vector<1x16xf32>,
      %get3A_2077 = vector.shape_cast %get3A_2076 : vector<1x16xf32> to vector<16xf32>
      %add3A_2078 = arith.addf %add3A_2060, %get3A_2077 : vector<16xf32>
      %get3A_2079 = arith.constant 22 : i32
      %get3A_2080 = arith.index_cast %get3A_2079 : i32 to index
      %get3A_2081 = arith.constant 80 : index
      %get3A_2082 = tpu.vector_load %arg17[%get3A_2080, %get3A_2081] {strides = array<i32>} : memref<48x128xf32, #tpu.memory_space<vmem>>, vector<1x16xf32>,
      %get3A_2083 = vector.shape_cast %get3A_2082 : vector<1x16xf32> to vector<16xf32>
      %add3A_2084 = arith.addf %add3A_2066, %get3A_2083 : vector<16xf32>
      %get3A_2085 = arith.constant 23 : i32
      %get3A_2086 = arith.index_cast %get3A_2085 : i32 to index
      %get3A_2087 = arith.constant 80 : index
      %get3A_2088 = tpu.vector_load %arg17[%get3A_2086, %get3A_2087] {strides = array<i32>} : memref<48x128xf32, #tpu.memory_space<vmem>>, vector<1x16xf32>,
      %get3A_2089 = vector.shape_cast %get3A_2088 : vector<1x16xf32> to vector<16xf32>
      %add3A_2090 = arith.addf %add3A_2072, %get3A_2089 : vector<16xf32>
      %get3A_2091 = arith.constant 44 : i32
      %get3A_2092 = arith.index_cast %get3A_2091 : i32 to index
      %get3A_2093 = arith.constant 80 : index
      %get3A_2094 = tpu.vector_load %arg17[%get3A_2092, %get3A_2093] {strides = array<i32>} : memref<48x128xf32, #tpu.memory_space<vmem>>, vector<1x16xf32>,
      %get3A_2095 = vector.shape_cast %get3A_2094 : vector<1x16xf32> to vector<16xf32>
      %add3A_2096 = arith.addf %add3A_2078, %get3A_2095 : vector<16xf32>
      %get3A_2097 = arith.constant 24 : i32
      %get3A_2098 = arith.index_cast %get3A_2097 : i32 to index
      %get3A_2099 = arith.constant 80 : index
      %get3A_2100 = tpu.vector_load %arg17[%get3A_2098, %get3A_2099] {strides = array<i32>} : memref<48x128xf32, #tpu.memory_space<vmem>>, vector<1x16xf32>,
      %get3A_2101 = vector.shape_cast %get3A_2100 : vector<1x16xf32> to vector<16xf32>
      %add3A_2102 = arith.addf %add3A_2084, %get3A_2101 : vector<16xf32>
      %get3A_2103 = arith.constant 25 : i32
      %get3A_2104 = arith.index_cast %get3A_2103 : i32 to index
      %get3A_2105 = arith.constant 80 : index
      %get3A_2106 = tpu.vector_load %arg17[%get3A_2104, %get3A_2105] {strides = array<i32>} : memref<48x128xf32, #tpu.memory_space<vmem>>, vector<1x16xf32>,
      %get3A_2107 = vector.shape_cast %get3A_2106 : vector<1x16xf32> to vector<16xf32>
      %add3A_2108 = arith.addf %add3A_2090, %get3A_2107 : vector<16xf32>
      %get3A_2109 = arith.constant 45 : i32
      %get3A_2110 = arith.index_cast %get3A_2109 : i32 to index
      %get3A_2111 = arith.constant 80 : index
      %get3A_2112 = tpu.vector_load %arg17[%get3A_2110, %get3A_2111] {strides = array<i32>} : memref<48x128xf32, #tpu.memory_space<vmem>>, vector<1x16xf32>,
      %get3A_2113 = vector.shape_cast %get3A_2112 : vector<1x16xf32> to vector<16xf32>
      %add3A_2114 = arith.addf %add3A_2096, %get3A_2113 : vector<16xf32>
      %get3A_2115 = arith.constant 26 : i32
      %get3A_2116 = arith.index_cast %get3A_2115 : i32 to index
      %get3A_2117 = arith.constant 80 : index
      %get3A_2118 = tpu.vector_load %arg17[%get3A_2116, %get3A_2117] {strides = array<i32>} : memref<48x128xf32, #tpu.memory_space<vmem>>, vector<1x16xf32>,
      %get3A_2119 = vector.shape_cast %get3A_2118 : vector<1x16xf32> to vector<16xf32>
      %add3A_2120 = arith.addf %add3A_2102, %get3A_2119 : vector<16xf32>
      %get3A_2121 = arith.constant 27 : i32
      %get3A_2122 = arith.index_cast %get3A_2121 : i32 to index
      %get3A_2123 = arith.constant 80 : index
      %get3A_2124 = tpu.vector_load %arg17[%get3A_2122, %get3A_2123] {strides = array<i32>} : memref<48x128xf32, #tpu.memory_space<vmem>>, vector<1x16xf32>,
      %get3A_2125 = vector.shape_cast %get3A_2124 : vector<1x16xf32> to vector<16xf32>
      %add3A_2126 = arith.addf %add3A_2108, %get3A_2125 : vector<16xf32>
      %get3A_2127 = arith.constant 46 : i32
      %get3A_2128 = arith.index_cast %get3A_2127 : i32 to index
      %get3A_2129 = arith.constant 80 : index
      %get3A_2130 = tpu.vector_load %arg17[%get3A_2128, %get3A_2129] {strides = array<i32>} : memref<48x128xf32, #tpu.memory_space<vmem>>, vector<1x16xf32>,
      %get3A_2131 = vector.shape_cast %get3A_2130 : vector<1x16xf32> to vector<16xf32>
      %add3A_2132 = arith.addf %add3A_2114, %get3A_2131 : vector<16xf32>
      %get3A_2133 = arith.constant 28 : i32
      %get3A_2134 = arith.index_cast %get3A_2133 : i32 to index
      %get3A_2135 = arith.constant 80 : index
      %get3A_2136 = tpu.vector_load %arg17[%get3A_2134, %get3A_2135] {strides = array<i32>} : memref<48x128xf32, #tpu.memory_space<vmem>>, vector<1x16xf32>,
      %get3A_2137 = vector.shape_cast %get3A_2136 : vector<1x16xf32> to vector<16xf32>
      %add3A_2138 = arith.addf %add3A_2120, %get3A_2137 : vector<16xf32>
      %get3A_2139 = arith.constant 29 : i32
      %get3A_2140 = arith.index_cast %get3A_2139 : i32 to index
      %get3A_2141 = arith.constant 80 : index
      %get3A_2142 = tpu.vector_load %arg17[%get3A_2140, %get3A_2141] {strides = array<i32>} : memref<48x128xf32, #tpu.memory_space<vmem>>, vector<1x16xf32>,
      %get3A_2143 = vector.shape_cast %get3A_2142 : vector<1x16xf32> to vector<16xf32>
      %add3A_2144 = arith.addf %add3A_2126, %get3A_2143 : vector<16xf32>
      %get3A_2145 = arith.constant 47 : i32
      %get3A_2146 = arith.index_cast %get3A_2145 : i32 to index
      %get3A_2147 = arith.constant 80 : index
      %get3A_2148 = tpu.vector_load %arg17[%get3A_2146, %get3A_2147] {strides = array<i32>} : memref<48x128xf32, #tpu.memory_space<vmem>>, vector<1x16xf32>,
      %get3A_2149 = vector.shape_cast %get3A_2148 : vector<1x16xf32> to vector<16xf32>
      %add3A_2150 = arith.addf %add3A_2132, %get3A_2149 : vector<16xf32>
      %get3A_2151 = arith.constant 30 : i32
      %get3A_2152 = arith.index_cast %get3A_2151 : i32 to index
      %get3A_2153 = arith.constant 80 : index
      %get3A_2154 = tpu.vector_load %arg17[%get3A_2152, %get3A_2153] {strides = array<i32>} : memref<48x128xf32, #tpu.memory_space<vmem>>, vector<1x16xf32>,
      %get3A_2155 = vector.shape_cast %get3A_2154 : vector<1x16xf32> to vector<16xf32>
      %add3A_2156 = arith.addf %add3A_2138, %get3A_2155 : vector<16xf32>
      %get3A_2157 = arith.constant 31 : i32
      %get3A_2158 = arith.index_cast %get3A_2157 : i32 to index
      %get3A_2159 = arith.constant 80 : index
      %get3A_2160 = tpu.vector_load %arg17[%get3A_2158, %get3A_2159] {strides = array<i32>} : memref<48x128xf32, #tpu.memory_space<vmem>>, vector<1x16xf32>,
      %get3A_2161 = vector.shape_cast %get3A_2160 : vector<1x16xf32> to vector<16xf32>
      %add3A_2162 = arith.addf %add3A_2144, %get3A_2161 : vector<16xf32>
      %swap3A_2163 = arith.constant 0 : i32
      %swap3A_2164 = arith.index_cast %swap3A_2163 : i32 to index
      %swap3A_2165 = arith.constant 80 : index
      %swap3A_2166 = tpu.vector_load %arg17[%swap3A_2164, %swap3A_2165] {strides = array<i32>} : memref<48x128xf32, #tpu.memory_space<vmem>>, vector<1x16xf32>,
      %swap3A_2167 = vector.shape_cast %swap3A_2166 : vector<1x16xf32> to vector<16xf32>
      %swap3A_2168 = vector.shape_cast %add3A_2150 : vector<16xf32> to vector<1x16xf32>
      tpu.vector_store %arg17[%swap3A_2164, %swap3A_2165], %swap3A_2168 {strides = array<i32>} : memref<48x128xf32, #tpu.memory_space<vmem>>, vector<1x16xf32>,
      %swap3A_2169 = arith.constant 1 : i32
      %swap3A_2170 = arith.index_cast %swap3A_2169 : i32 to index
      %swap3A_2171 = arith.constant 80 : index
      %swap3A_2172 = tpu.vector_load %arg17[%swap3A_2170, %swap3A_2171] {strides = array<i32>} : memref<48x128xf32, #tpu.memory_space<vmem>>, vector<1x16xf32>,
      %swap3A_2173 = vector.shape_cast %swap3A_2172 : vector<1x16xf32> to vector<16xf32>
      %swap3A_2174 = vector.shape_cast %add3A_2156 : vector<16xf32> to vector<1x16xf32>
      tpu.vector_store %arg17[%swap3A_2170, %swap3A_2171], %swap3A_2174 {strides = array<i32>} : memref<48x128xf32, #tpu.memory_space<vmem>>, vector<1x16xf32>,
      %swap3A_2175 = arith.constant 2 : i32
      %swap3A_2176 = arith.index_cast %swap3A_2175 : i32 to index
      %swap3A_2177 = arith.constant 80 : index
      %swap3A_2178 = tpu.vector_load %arg17[%swap3A_2176, %swap3A_2177] {strides = array<i32>} : memref<48x128xf32, #tpu.memory_space<vmem>>, vector<1x16xf32>,
      %swap3A_2179 = vector.shape_cast %swap3A_2178 : vector<1x16xf32> to vector<16xf32>
      %swap3A_2180 = vector.shape_cast %add3A_2162 : vector<16xf32> to vector<1x16xf32>
      tpu.vector_store %arg17[%swap3A_2176, %swap3A_2177], %swap3A_2180 {strides = array<i32>} : memref<48x128xf32, #tpu.memory_space<vmem>>, vector<1x16xf32>,
      %get3A_2181 = arith.constant 32 : i32
      %get3A_2182 = arith.index_cast %get3A_2181 : i32 to index
      %get3A_2183 = arith.constant 96 : index
      %get3A_2184 = tpu.vector_load %arg17[%get3A_2182, %get3A_2183] {strides = array<i32>} : memref<48x128xf32, #tpu.memory_space<vmem>>, vector<1x16xf32>,
      %get3A_2185 = vector.shape_cast %get3A_2184 : vector<1x16xf32> to vector<16xf32>
      %get3A_2186 = arith.constant 0 : i32
      %get3A_2187 = arith.index_cast %get3A_2186 : i32 to index
      %get3A_2188 = arith.constant 96 : index
      %get3A_2189 = tpu.vector_load %arg17[%get3A_2187, %get3A_2188] {strides = array<i32>} : memref<48x128xf32, #tpu.memory_space<vmem>>, vector<1x16xf32>,
      %get3A_2190 = vector.shape_cast %get3A_2189 : vector<1x16xf32> to vector<16xf32>
      %get3A_2191 = arith.constant 1 : i32
      %get3A_2192 = arith.index_cast %get3A_2191 : i32 to index
      %get3A_2193 = arith.constant 96 : index
      %get3A_2194 = tpu.vector_load %arg17[%get3A_2192, %get3A_2193] {strides = array<i32>} : memref<48x128xf32, #tpu.memory_space<vmem>>, vector<1x16xf32>,
      %get3A_2195 = vector.shape_cast %get3A_2194 : vector<1x16xf32> to vector<16xf32>
      %get3A_2196 = arith.constant 33 : i32
      %get3A_2197 = arith.index_cast %get3A_2196 : i32 to index
      %get3A_2198 = arith.constant 96 : index
      %get3A_2199 = tpu.vector_load %arg17[%get3A_2197, %get3A_2198] {strides = array<i32>} : memref<48x128xf32, #tpu.memory_space<vmem>>, vector<1x16xf32>,
      %get3A_2200 = vector.shape_cast %get3A_2199 : vector<1x16xf32> to vector<16xf32>
      %add3A_2201 = arith.addf %get3A_2185, %get3A_2200 : vector<16xf32>
      %get3A_2202 = arith.constant 2 : i32
      %get3A_2203 = arith.index_cast %get3A_2202 : i32 to index
      %get3A_2204 = arith.constant 96 : index
      %get3A_2205 = tpu.vector_load %arg17[%get3A_2203, %get3A_2204] {strides = array<i32>} : memref<48x128xf32, #tpu.memory_space<vmem>>, vector<1x16xf32>,
      %get3A_2206 = vector.shape_cast %get3A_2205 : vector<1x16xf32> to vector<16xf32>
      %add3A_2207 = arith.addf %get3A_2190, %get3A_2206 : vector<16xf32>
      %get3A_2208 = arith.constant 3 : i32
      %get3A_2209 = arith.index_cast %get3A_2208 : i32 to index
      %get3A_2210 = arith.constant 96 : index
      %get3A_2211 = tpu.vector_load %arg17[%get3A_2209, %get3A_2210] {strides = array<i32>} : memref<48x128xf32, #tpu.memory_space<vmem>>, vector<1x16xf32>,
      %get3A_2212 = vector.shape_cast %get3A_2211 : vector<1x16xf32> to vector<16xf32>
      %add3A_2213 = arith.addf %get3A_2195, %get3A_2212 : vector<16xf32>
      %get3A_2214 = arith.constant 34 : i32
      %get3A_2215 = arith.index_cast %get3A_2214 : i32 to index
      %get3A_2216 = arith.constant 96 : index
      %get3A_2217 = tpu.vector_load %arg17[%get3A_2215, %get3A_2216] {strides = array<i32>} : memref<48x128xf32, #tpu.memory_space<vmem>>, vector<1x16xf32>,
      %get3A_2218 = vector.shape_cast %get3A_2217 : vector<1x16xf32> to vector<16xf32>
      %add3A_2219 = arith.addf %add3A_2201, %get3A_2218 : vector<16xf32>
      %get3A_2220 = arith.constant 4 : i32
      %get3A_2221 = arith.index_cast %get3A_2220 : i32 to index
      %get3A_2222 = arith.constant 96 : index
      %get3A_2223 = tpu.vector_load %arg17[%get3A_2221, %get3A_2222] {strides = array<i32>} : memref<48x128xf32, #tpu.memory_space<vmem>>, vector<1x16xf32>,
      %get3A_2224 = vector.shape_cast %get3A_2223 : vector<1x16xf32> to vector<16xf32>
      %add3A_2225 = arith.addf %add3A_2207, %get3A_2224 : vector<16xf32>
      %get3A_2226 = arith.constant 5 : i32
      %get3A_2227 = arith.index_cast %get3A_2226 : i32 to index
      %get3A_2228 = arith.constant 96 : index
      %get3A_2229 = tpu.vector_load %arg17[%get3A_2227, %get3A_2228] {strides = array<i32>} : memref<48x128xf32, #tpu.memory_space<vmem>>, vector<1x16xf32>,
      %get3A_2230 = vector.shape_cast %get3A_2229 : vector<1x16xf32> to vector<16xf32>
      %add3A_2231 = arith.addf %add3A_2213, %get3A_2230 : vector<16xf32>
      %get3A_2232 = arith.constant 35 : i32
      %get3A_2233 = arith.index_cast %get3A_2232 : i32 to index
      %get3A_2234 = arith.constant 96 : index
      %get3A_2235 = tpu.vector_load %arg17[%get3A_2233, %get3A_2234] {strides = array<i32>} : memref<48x128xf32, #tpu.memory_space<vmem>>, vector<1x16xf32>,
      %get3A_2236 = vector.shape_cast %get3A_2235 : vector<1x16xf32> to vector<16xf32>
      %add3A_2237 = arith.addf %add3A_2219, %get3A_2236 : vector<16xf32>
      %get3A_2238 = arith.constant 6 : i32
      %get3A_2239 = arith.index_cast %get3A_2238 : i32 to index
      %get3A_2240 = arith.constant 96 : index
      %get3A_2241 = tpu.vector_load %arg17[%get3A_2239, %get3A_2240] {strides = array<i32>} : memref<48x128xf32, #tpu.memory_space<vmem>>, vector<1x16xf32>,
      %get3A_2242 = vector.shape_cast %get3A_2241 : vector<1x16xf32> to vector<16xf32>
      %add3A_2243 = arith.addf %add3A_2225, %get3A_2242 : vector<16xf32>
      %get3A_2244 = arith.constant 7 : i32
      %get3A_2245 = arith.index_cast %get3A_2244 : i32 to index
      %get3A_2246 = arith.constant 96 : index
      %get3A_2247 = tpu.vector_load %arg17[%get3A_2245, %get3A_2246] {strides = array<i32>} : memref<48x128xf32, #tpu.memory_space<vmem>>, vector<1x16xf32>,
      %get3A_2248 = vector.shape_cast %get3A_2247 : vector<1x16xf32> to vector<16xf32>
      %add3A_2249 = arith.addf %add3A_2231, %get3A_2248 : vector<16xf32>
      %get3A_2250 = arith.constant 36 : i32
      %get3A_2251 = arith.index_cast %get3A_2250 : i32 to index
      %get3A_2252 = arith.constant 96 : index
      %get3A_2253 = tpu.vector_load %arg17[%get3A_2251, %get3A_2252] {strides = array<i32>} : memref<48x128xf32, #tpu.memory_space<vmem>>, vector<1x16xf32>,
      %get3A_2254 = vector.shape_cast %get3A_2253 : vector<1x16xf32> to vector<16xf32>
      %add3A_2255 = arith.addf %add3A_2237, %get3A_2254 : vector<16xf32>
      %get3A_2256 = arith.constant 8 : i32
      %get3A_2257 = arith.index_cast %get3A_2256 : i32 to index
      %get3A_2258 = arith.constant 96 : index
      %get3A_2259 = tpu.vector_load %arg17[%get3A_2257, %get3A_2258] {strides = array<i32>} : memref<48x128xf32, #tpu.memory_space<vmem>>, vector<1x16xf32>,
      %get3A_2260 = vector.shape_cast %get3A_2259 : vector<1x16xf32> to vector<16xf32>
      %add3A_2261 = arith.addf %add3A_2243, %get3A_2260 : vector<16xf32>
      %get3A_2262 = arith.constant 9 : i32
      %get3A_2263 = arith.index_cast %get3A_2262 : i32 to index
      %get3A_2264 = arith.constant 96 : index
      %get3A_2265 = tpu.vector_load %arg17[%get3A_2263, %get3A_2264] {strides = array<i32>} : memref<48x128xf32, #tpu.memory_space<vmem>>, vector<1x16xf32>,
      %get3A_2266 = vector.shape_cast %get3A_2265 : vector<1x16xf32> to vector<16xf32>
      %add3A_2267 = arith.addf %add3A_2249, %get3A_2266 : vector<16xf32>
      %get3A_2268 = arith.constant 37 : i32
      %get3A_2269 = arith.index_cast %get3A_2268 : i32 to index
      %get3A_2270 = arith.constant 96 : index
      %get3A_2271 = tpu.vector_load %arg17[%get3A_2269, %get3A_2270] {strides = array<i32>} : memref<48x128xf32, #tpu.memory_space<vmem>>, vector<1x16xf32>,
      %get3A_2272 = vector.shape_cast %get3A_2271 : vector<1x16xf32> to vector<16xf32>
      %add3A_2273 = arith.addf %add3A_2255, %get3A_2272 : vector<16xf32>
      %get3A_2274 = arith.constant 10 : i32
      %get3A_2275 = arith.index_cast %get3A_2274 : i32 to index
      %get3A_2276 = arith.constant 96 : index
      %get3A_2277 = tpu.vector_load %arg17[%get3A_2275, %get3A_2276] {strides = array<i32>} : memref<48x128xf32, #tpu.memory_space<vmem>>, vector<1x16xf32>,
      %get3A_2278 = vector.shape_cast %get3A_2277 : vector<1x16xf32> to vector<16xf32>
      %add3A_2279 = arith.addf %add3A_2261, %get3A_2278 : vector<16xf32>
      %get3A_2280 = arith.constant 11 : i32
      %get3A_2281 = arith.index_cast %get3A_2280 : i32 to index
      %get3A_2282 = arith.constant 96 : index
      %get3A_2283 = tpu.vector_load %arg17[%get3A_2281, %get3A_2282] {strides = array<i32>} : memref<48x128xf32, #tpu.memory_space<vmem>>, vector<1x16xf32>,
      %get3A_2284 = vector.shape_cast %get3A_2283 : vector<1x16xf32> to vector<16xf32>
      %add3A_2285 = arith.addf %add3A_2267, %get3A_2284 : vector<16xf32>
      %get3A_2286 = arith.constant 38 : i32
      %get3A_2287 = arith.index_cast %get3A_2286 : i32 to index
      %get3A_2288 = arith.constant 96 : index
      %get3A_2289 = tpu.vector_load %arg17[%get3A_2287, %get3A_2288] {strides = array<i32>} : memref<48x128xf32, #tpu.memory_space<vmem>>, vector<1x16xf32>,
      %get3A_2290 = vector.shape_cast %get3A_2289 : vector<1x16xf32> to vector<16xf32>
      %add3A_2291 = arith.addf %add3A_2273, %get3A_2290 : vector<16xf32>
      %get3A_2292 = arith.constant 12 : i32
      %get3A_2293 = arith.index_cast %get3A_2292 : i32 to index
      %get3A_2294 = arith.constant 96 : index
      %get3A_2295 = tpu.vector_load %arg17[%get3A_2293, %get3A_2294] {strides = array<i32>} : memref<48x128xf32, #tpu.memory_space<vmem>>, vector<1x16xf32>,
      %get3A_2296 = vector.shape_cast %get3A_2295 : vector<1x16xf32> to vector<16xf32>
      %add3A_2297 = arith.addf %add3A_2279, %get3A_2296 : vector<16xf32>
      %get3A_2298 = arith.constant 13 : i32
      %get3A_2299 = arith.index_cast %get3A_2298 : i32 to index
      %get3A_2300 = arith.constant 96 : index
      %get3A_2301 = tpu.vector_load %arg17[%get3A_2299, %get3A_2300] {strides = array<i32>} : memref<48x128xf32, #tpu.memory_space<vmem>>, vector<1x16xf32>,
      %get3A_2302 = vector.shape_cast %get3A_2301 : vector<1x16xf32> to vector<16xf32>
      %add3A_2303 = arith.addf %add3A_2285, %get3A_2302 : vector<16xf32>
      %get3A_2304 = arith.constant 39 : i32
      %get3A_2305 = arith.index_cast %get3A_2304 : i32 to index
      %get3A_2306 = arith.constant 96 : index
      %get3A_2307 = tpu.vector_load %arg17[%get3A_2305, %get3A_2306] {strides = array<i32>} : memref<48x128xf32, #tpu.memory_space<vmem>>, vector<1x16xf32>,
      %get3A_2308 = vector.shape_cast %get3A_2307 : vector<1x16xf32> to vector<16xf32>
      %add3A_2309 = arith.addf %add3A_2291, %get3A_2308 : vector<16xf32>
      %get3A_2310 = arith.constant 14 : i32
      %get3A_2311 = arith.index_cast %get3A_2310 : i32 to index
      %get3A_2312 = arith.constant 96 : index
      %get3A_2313 = tpu.vector_load %arg17[%get3A_2311, %get3A_2312] {strides = array<i32>} : memref<48x128xf32, #tpu.memory_space<vmem>>, vector<1x16xf32>,
      %get3A_2314 = vector.shape_cast %get3A_2313 : vector<1x16xf32> to vector<16xf32>
      %add3A_2315 = arith.addf %add3A_2297, %get3A_2314 : vector<16xf32>
      %get3A_2316 = arith.constant 15 : i32
      %get3A_2317 = arith.index_cast %get3A_2316 : i32 to index
      %get3A_2318 = arith.constant 96 : index
      %get3A_2319 = tpu.vector_load %arg17[%get3A_2317, %get3A_2318] {strides = array<i32>} : memref<48x128xf32, #tpu.memory_space<vmem>>, vector<1x16xf32>,
      %get3A_2320 = vector.shape_cast %get3A_2319 : vector<1x16xf32> to vector<16xf32>
      %add3A_2321 = arith.addf %add3A_2303, %get3A_2320 : vector<16xf32>
      %get3A_2322 = arith.constant 40 : i32
      %get3A_2323 = arith.index_cast %get3A_2322 : i32 to index
      %get3A_2324 = arith.constant 96 : index
      %get3A_2325 = tpu.vector_load %arg17[%get3A_2323, %get3A_2324] {strides = array<i32>} : memref<48x128xf32, #tpu.memory_space<vmem>>, vector<1x16xf32>,
      %get3A_2326 = vector.shape_cast %get3A_2325 : vector<1x16xf32> to vector<16xf32>
      %add3A_2327 = arith.addf %add3A_2309, %get3A_2326 : vector<16xf32>
      %get3A_2328 = arith.constant 16 : i32
      %get3A_2329 = arith.index_cast %get3A_2328 : i32 to index
      %get3A_2330 = arith.constant 96 : index
      %get3A_2331 = tpu.vector_load %arg17[%get3A_2329, %get3A_2330] {strides = array<i32>} : memref<48x128xf32, #tpu.memory_space<vmem>>, vector<1x16xf32>,
      %get3A_2332 = vector.shape_cast %get3A_2331 : vector<1x16xf32> to vector<16xf32>
      %add3A_2333 = arith.addf %add3A_2315, %get3A_2332 : vector<16xf32>
      %get3A_2334 = arith.constant 17 : i32
      %get3A_2335 = arith.index_cast %get3A_2334 : i32 to index
      %get3A_2336 = arith.constant 96 : index
      %get3A_2337 = tpu.vector_load %arg17[%get3A_2335, %get3A_2336] {strides = array<i32>} : memref<48x128xf32, #tpu.memory_space<vmem>>, vector<1x16xf32>,
      %get3A_2338 = vector.shape_cast %get3A_2337 : vector<1x16xf32> to vector<16xf32>
      %add3A_2339 = arith.addf %add3A_2321, %get3A_2338 : vector<16xf32>
      %get3A_2340 = arith.constant 41 : i32
      %get3A_2341 = arith.index_cast %get3A_2340 : i32 to index
      %get3A_2342 = arith.constant 96 : index
      %get3A_2343 = tpu.vector_load %arg17[%get3A_2341, %get3A_2342] {strides = array<i32>} : memref<48x128xf32, #tpu.memory_space<vmem>>, vector<1x16xf32>,
      %get3A_2344 = vector.shape_cast %get3A_2343 : vector<1x16xf32> to vector<16xf32>
      %add3A_2345 = arith.addf %add3A_2327, %get3A_2344 : vector<16xf32>
      %get3A_2346 = arith.constant 18 : i32
      %get3A_2347 = arith.index_cast %get3A_2346 : i32 to index
      %get3A_2348 = arith.constant 96 : index
      %get3A_2349 = tpu.vector_load %arg17[%get3A_2347, %get3A_2348] {strides = array<i32>} : memref<48x128xf32, #tpu.memory_space<vmem>>, vector<1x16xf32>,
      %get3A_2350 = vector.shape_cast %get3A_2349 : vector<1x16xf32> to vector<16xf32>
      %add3A_2351 = arith.addf %add3A_2333, %get3A_2350 : vector<16xf32>
      %get3A_2352 = arith.constant 19 : i32
      %get3A_2353 = arith.index_cast %get3A_2352 : i32 to index
      %get3A_2354 = arith.constant 96 : index
      %get3A_2355 = tpu.vector_load %arg17[%get3A_2353, %get3A_2354] {strides = array<i32>} : memref<48x128xf32, #tpu.memory_space<vmem>>, vector<1x16xf32>,
      %get3A_2356 = vector.shape_cast %get3A_2355 : vector<1x16xf32> to vector<16xf32>
      %add3A_2357 = arith.addf %add3A_2339, %get3A_2356 : vector<16xf32>
      %get3A_2358 = arith.constant 42 : i32
      %get3A_2359 = arith.index_cast %get3A_2358 : i32 to index
      %get3A_2360 = arith.constant 96 : index
      %get3A_2361 = tpu.vector_load %arg17[%get3A_2359, %get3A_2360] {strides = array<i32>} : memref<48x128xf32, #tpu.memory_space<vmem>>, vector<1x16xf32>,
      %get3A_2362 = vector.shape_cast %get3A_2361 : vector<1x16xf32> to vector<16xf32>
      %add3A_2363 = arith.addf %add3A_2345, %get3A_2362 : vector<16xf32>
      %get3A_2364 = arith.constant 20 : i32
      %get3A_2365 = arith.index_cast %get3A_2364 : i32 to index
      %get3A_2366 = arith.constant 96 : index
      %get3A_2367 = tpu.vector_load %arg17[%get3A_2365, %get3A_2366] {strides = array<i32>} : memref<48x128xf32, #tpu.memory_space<vmem>>, vector<1x16xf32>,
      %get3A_2368 = vector.shape_cast %get3A_2367 : vector<1x16xf32> to vector<16xf32>
      %add3A_2369 = arith.addf %add3A_2351, %get3A_2368 : vector<16xf32>
      %get3A_2370 = arith.constant 21 : i32
      %get3A_2371 = arith.index_cast %get3A_2370 : i32 to index
      %get3A_2372 = arith.constant 96 : index
      %get3A_2373 = tpu.vector_load %arg17[%get3A_2371, %get3A_2372] {strides = array<i32>} : memref<48x128xf32, #tpu.memory_space<vmem>>, vector<1x16xf32>,
      %get3A_2374 = vector.shape_cast %get3A_2373 : vector<1x16xf32> to vector<16xf32>
      %add3A_2375 = arith.addf %add3A_2357, %get3A_2374 : vector<16xf32>
      %get3A_2376 = arith.constant 43 : i32
      %get3A_2377 = arith.index_cast %get3A_2376 : i32 to index
      %get3A_2378 = arith.constant 96 : index
      %get3A_2379 = tpu.vector_load %arg17[%get3A_2377, %get3A_2378] {strides = array<i32>} : memref<48x128xf32, #tpu.memory_space<vmem>>, vector<1x16xf32>,
      %get3A_2380 = vector.shape_cast %get3A_2379 : vector<1x16xf32> to vector<16xf32>
      %add3A_2381 = arith.addf %add3A_2363, %get3A_2380 : vector<16xf32>
      %get3A_2382 = arith.constant 22 : i32
      %get3A_2383 = arith.index_cast %get3A_2382 : i32 to index
      %get3A_2384 = arith.constant 96 : index
      %get3A_2385 = tpu.vector_load %arg17[%get3A_2383, %get3A_2384] {strides = array<i32>} : memref<48x128xf32, #tpu.memory_space<vmem>>, vector<1x16xf32>,
      %get3A_2386 = vector.shape_cast %get3A_2385 : vector<1x16xf32> to vector<16xf32>
      %add3A_2387 = arith.addf %add3A_2369, %get3A_2386 : vector<16xf32>
      %get3A_2388 = arith.constant 23 : i32
      %get3A_2389 = arith.index_cast %get3A_2388 : i32 to index
      %get3A_2390 = arith.constant 96 : index
      %get3A_2391 = tpu.vector_load %arg17[%get3A_2389, %get3A_2390] {strides = array<i32>} : memref<48x128xf32, #tpu.memory_space<vmem>>, vector<1x16xf32>,
      %get3A_2392 = vector.shape_cast %get3A_2391 : vector<1x16xf32> to vector<16xf32>
      %add3A_2393 = arith.addf %add3A_2375, %get3A_2392 : vector<16xf32>
      %get3A_2394 = arith.constant 44 : i32
      %get3A_2395 = arith.index_cast %get3A_2394 : i32 to index
      %get3A_2396 = arith.constant 96 : index
      %get3A_2397 = tpu.vector_load %arg17[%get3A_2395, %get3A_2396] {strides = array<i32>} : memref<48x128xf32, #tpu.memory_space<vmem>>, vector<1x16xf32>,
      %get3A_2398 = vector.shape_cast %get3A_2397 : vector<1x16xf32> to vector<16xf32>
      %add3A_2399 = arith.addf %add3A_2381, %get3A_2398 : vector<16xf32>
      %get3A_2400 = arith.constant 24 : i32
      %get3A_2401 = arith.index_cast %get3A_2400 : i32 to index
      %get3A_2402 = arith.constant 96 : index
      %get3A_2403 = tpu.vector_load %arg17[%get3A_2401, %get3A_2402] {strides = array<i32>} : memref<48x128xf32, #tpu.memory_space<vmem>>, vector<1x16xf32>,
      %get3A_2404 = vector.shape_cast %get3A_2403 : vector<1x16xf32> to vector<16xf32>
      %add3A_2405 = arith.addf %add3A_2387, %get3A_2404 : vector<16xf32>
      %get3A_2406 = arith.constant 25 : i32
      %get3A_2407 = arith.index_cast %get3A_2406 : i32 to index
      %get3A_2408 = arith.constant 96 : index
      %get3A_2409 = tpu.vector_load %arg17[%get3A_2407, %get3A_2408] {strides = array<i32>} : memref<48x128xf32, #tpu.memory_space<vmem>>, vector<1x16xf32>,
      %get3A_2410 = vector.shape_cast %get3A_2409 : vector<1x16xf32> to vector<16xf32>
      %add3A_2411 = arith.addf %add3A_2393, %get3A_2410 : vector<16xf32>
      %get3A_2412 = arith.constant 45 : i32
      %get3A_2413 = arith.index_cast %get3A_2412 : i32 to index
      %get3A_2414 = arith.constant 96 : index
      %get3A_2415 = tpu.vector_load %arg17[%get3A_2413, %get3A_2414] {strides = array<i32>} : memref<48x128xf32, #tpu.memory_space<vmem>>, vector<1x16xf32>,
      %get3A_2416 = vector.shape_cast %get3A_2415 : vector<1x16xf32> to vector<16xf32>
      %add3A_2417 = arith.addf %add3A_2399, %get3A_2416 : vector<16xf32>
      %get3A_2418 = arith.constant 26 : i32
      %get3A_2419 = arith.index_cast %get3A_2418 : i32 to index
      %get3A_2420 = arith.constant 96 : index
      %get3A_2421 = tpu.vector_load %arg17[%get3A_2419, %get3A_2420] {strides = array<i32>} : memref<48x128xf32, #tpu.memory_space<vmem>>, vector<1x16xf32>,
      %get3A_2422 = vector.shape_cast %get3A_2421 : vector<1x16xf32> to vector<16xf32>
      %add3A_2423 = arith.addf %add3A_2405, %get3A_2422 : vector<16xf32>
      %get3A_2424 = arith.constant 27 : i32
      %get3A_2425 = arith.index_cast %get3A_2424 : i32 to index
      %get3A_2426 = arith.constant 96 : index
      %get3A_2427 = tpu.vector_load %arg17[%get3A_2425, %get3A_2426] {strides = array<i32>} : memref<48x128xf32, #tpu.memory_space<vmem>>, vector<1x16xf32>,
      %get3A_2428 = vector.shape_cast %get3A_2427 : vector<1x16xf32> to vector<16xf32>
      %add3A_2429 = arith.addf %add3A_2411, %get3A_2428 : vector<16xf32>
      %get3A_2430 = arith.constant 46 : i32
      %get3A_2431 = arith.index_cast %get3A_2430 : i32 to index
      %get3A_2432 = arith.constant 96 : index
      %get3A_2433 = tpu.vector_load %arg17[%get3A_2431, %get3A_2432] {strides = array<i32>} : memref<48x128xf32, #tpu.memory_space<vmem>>, vector<1x16xf32>,
      %get3A_2434 = vector.shape_cast %get3A_2433 : vector<1x16xf32> to vector<16xf32>
      %add3A_2435 = arith.addf %add3A_2417, %get3A_2434 : vector<16xf32>
      %get3A_2436 = arith.constant 28 : i32
      %get3A_2437 = arith.index_cast %get3A_2436 : i32 to index
      %get3A_2438 = arith.constant 96 : index
      %get3A_2439 = tpu.vector_load %arg17[%get3A_2437, %get3A_2438] {strides = array<i32>} : memref<48x128xf32, #tpu.memory_space<vmem>>, vector<1x16xf32>,
      %get3A_2440 = vector.shape_cast %get3A_2439 : vector<1x16xf32> to vector<16xf32>
      %add3A_2441 = arith.addf %add3A_2423, %get3A_2440 : vector<16xf32>
      %get3A_2442 = arith.constant 29 : i32
      %get3A_2443 = arith.index_cast %get3A_2442 : i32 to index
      %get3A_2444 = arith.constant 96 : index
      %get3A_2445 = tpu.vector_load %arg17[%get3A_2443, %get3A_2444] {strides = array<i32>} : memref<48x128xf32, #tpu.memory_space<vmem>>, vector<1x16xf32>,
      %get3A_2446 = vector.shape_cast %get3A_2445 : vector<1x16xf32> to vector<16xf32>
      %add3A_2447 = arith.addf %add3A_2429, %get3A_2446 : vector<16xf32>
      %get3A_2448 = arith.constant 47 : i32
      %get3A_2449 = arith.index_cast %get3A_2448 : i32 to index
      %get3A_2450 = arith.constant 96 : index
      %get3A_2451 = tpu.vector_load %arg17[%get3A_2449, %get3A_2450] {strides = array<i32>} : memref<48x128xf32, #tpu.memory_space<vmem>>, vector<1x16xf32>,
      %get3A_2452 = vector.shape_cast %get3A_2451 : vector<1x16xf32> to vector<16xf32>
      %add3A_2453 = arith.addf %add3A_2435, %get3A_2452 : vector<16xf32>
      %get3A_2454 = arith.constant 30 : i32
      %get3A_2455 = arith.index_cast %get3A_2454 : i32 to index
      %get3A_2456 = arith.constant 96 : index
      %get3A_2457 = tpu.vector_load %arg17[%get3A_2455, %get3A_2456] {strides = array<i32>} : memref<48x128xf32, #tpu.memory_space<vmem>>, vector<1x16xf32>,
      %get3A_2458 = vector.shape_cast %get3A_2457 : vector<1x16xf32> to vector<16xf32>
      %add3A_2459 = arith.addf %add3A_2441, %get3A_2458 : vector<16xf32>
      %get3A_2460 = arith.constant 31 : i32
      %get3A_2461 = arith.index_cast %get3A_2460 : i32 to index
      %get3A_2462 = arith.constant 96 : index
      %get3A_2463 = tpu.vector_load %arg17[%get3A_2461, %get3A_2462] {strides = array<i32>} : memref<48x128xf32, #tpu.memory_space<vmem>>, vector<1x16xf32>,
      %get3A_2464 = vector.shape_cast %get3A_2463 : vector<1x16xf32> to vector<16xf32>
      %add3A_2465 = arith.addf %add3A_2447, %get3A_2464 : vector<16xf32>
      %swap3A_2466 = arith.constant 0 : i32
      %swap3A_2467 = arith.index_cast %swap3A_2466 : i32 to index
      %swap3A_2468 = arith.constant 96 : index
      %swap3A_2469 = tpu.vector_load %arg17[%swap3A_2467, %swap3A_2468] {strides = array<i32>} : memref<48x128xf32, #tpu.memory_space<vmem>>, vector<1x16xf32>,
      %swap3A_2470 = vector.shape_cast %swap3A_2469 : vector<1x16xf32> to vector<16xf32>
      %swap3A_2471 = vector.shape_cast %add3A_2453 : vector<16xf32> to vector<1x16xf32>
      tpu.vector_store %arg17[%swap3A_2467, %swap3A_2468], %swap3A_2471 {strides = array<i32>} : memref<48x128xf32, #tpu.memory_space<vmem>>, vector<1x16xf32>,
      %swap3A_2472 = arith.constant 1 : i32
      %swap3A_2473 = arith.index_cast %swap3A_2472 : i32 to index
      %swap3A_2474 = arith.constant 96 : index
      %swap3A_2475 = tpu.vector_load %arg17[%swap3A_2473, %swap3A_2474] {strides = array<i32>} : memref<48x128xf32, #tpu.memory_space<vmem>>, vector<1x16xf32>,
      %swap3A_2476 = vector.shape_cast %swap3A_2475 : vector<1x16xf32> to vector<16xf32>
      %swap3A_2477 = vector.shape_cast %add3A_2459 : vector<16xf32> to vector<1x16xf32>
      tpu.vector_store %arg17[%swap3A_2473, %swap3A_2474], %swap3A_2477 {strides = array<i32>} : memref<48x128xf32, #tpu.memory_space<vmem>>, vector<1x16xf32>,
      %swap3A_2478 = arith.constant 2 : i32
      %swap3A_2479 = arith.index_cast %swap3A_2478 : i32 to index
      %swap3A_2480 = arith.constant 96 : index
      %swap3A_2481 = tpu.vector_load %arg17[%swap3A_2479, %swap3A_2480] {strides = array<i32>} : memref<48x128xf32, #tpu.memory_space<vmem>>, vector<1x16xf32>,
      %swap3A_2482 = vector.shape_cast %swap3A_2481 : vector<1x16xf32> to vector<16xf32>
      %swap3A_2483 = vector.shape_cast %add3A_2465 : vector<16xf32> to vector<1x16xf32>
      tpu.vector_store %arg17[%swap3A_2479, %swap3A_2480], %swap3A_2483 {strides = array<i32>} : memref<48x128xf32, #tpu.memory_space<vmem>>, vector<1x16xf32>,
      %get3A_2484 = arith.constant 32 : i32
      %get3A_2485 = arith.index_cast %get3A_2484 : i32 to index
      %get3A_2486 = arith.constant 112 : index
      %get3A_2487 = tpu.vector_load %arg17[%get3A_2485, %get3A_2486] {strides = array<i32>} : memref<48x128xf32, #tpu.memory_space<vmem>>, vector<1x16xf32>,
      %get3A_2488 = vector.shape_cast %get3A_2487 : vector<1x16xf32> to vector<16xf32>
      %get3A_2489 = arith.constant 0 : i32
      %get3A_2490 = arith.index_cast %get3A_2489 : i32 to index
      %get3A_2491 = arith.constant 112 : index
      %get3A_2492 = tpu.vector_load %arg17[%get3A_2490, %get3A_2491] {strides = array<i32>} : memref<48x128xf32, #tpu.memory_space<vmem>>, vector<1x16xf32>,
      %get3A_2493 = vector.shape_cast %get3A_2492 : vector<1x16xf32> to vector<16xf32>
      %get3A_2494 = arith.constant 1 : i32
      %get3A_2495 = arith.index_cast %get3A_2494 : i32 to index
      %get3A_2496 = arith.constant 112 : index
      %get3A_2497 = tpu.vector_load %arg17[%get3A_2495, %get3A_2496] {strides = array<i32>} : memref<48x128xf32, #tpu.memory_space<vmem>>, vector<1x16xf32>,
      %get3A_2498 = vector.shape_cast %get3A_2497 : vector<1x16xf32> to vector<16xf32>
      %get3A_2499 = arith.constant 33 : i32
      %get3A_2500 = arith.index_cast %get3A_2499 : i32 to index
      %get3A_2501 = arith.constant 112 : index
      %get3A_2502 = tpu.vector_load %arg17[%get3A_2500, %get3A_2501] {strides = array<i32>} : memref<48x128xf32, #tpu.memory_space<vmem>>, vector<1x16xf32>,
      %get3A_2503 = vector.shape_cast %get3A_2502 : vector<1x16xf32> to vector<16xf32>
      %add3A_2504 = arith.addf %get3A_2488, %get3A_2503 : vector<16xf32>
      %get3A_2505 = arith.constant 2 : i32
      %get3A_2506 = arith.index_cast %get3A_2505 : i32 to index
      %get3A_2507 = arith.constant 112 : index
      %get3A_2508 = tpu.vector_load %arg17[%get3A_2506, %get3A_2507] {strides = array<i32>} : memref<48x128xf32, #tpu.memory_space<vmem>>, vector<1x16xf32>,
      %get3A_2509 = vector.shape_cast %get3A_2508 : vector<1x16xf32> to vector<16xf32>
      %add3A_2510 = arith.addf %get3A_2493, %get3A_2509 : vector<16xf32>
      %get3A_2511 = arith.constant 3 : i32
      %get3A_2512 = arith.index_cast %get3A_2511 : i32 to index
      %get3A_2513 = arith.constant 112 : index
      %get3A_2514 = tpu.vector_load %arg17[%get3A_2512, %get3A_2513] {strides = array<i32>} : memref<48x128xf32, #tpu.memory_space<vmem>>, vector<1x16xf32>,
      %get3A_2515 = vector.shape_cast %get3A_2514 : vector<1x16xf32> to vector<16xf32>
      %add3A_2516 = arith.addf %get3A_2498, %get3A_2515 : vector<16xf32>
      %get3A_2517 = arith.constant 34 : i32
      %get3A_2518 = arith.index_cast %get3A_2517 : i32 to index
      %get3A_2519 = arith.constant 112 : index
      %get3A_2520 = tpu.vector_load %arg17[%get3A_2518, %get3A_2519] {strides = array<i32>} : memref<48x128xf32, #tpu.memory_space<vmem>>, vector<1x16xf32>,
      %get3A_2521 = vector.shape_cast %get3A_2520 : vector<1x16xf32> to vector<16xf32>
      %add3A_2522 = arith.addf %add3A_2504, %get3A_2521 : vector<16xf32>
      %get3A_2523 = arith.constant 4 : i32
      %get3A_2524 = arith.index_cast %get3A_2523 : i32 to index
      %get3A_2525 = arith.constant 112 : index
      %get3A_2526 = tpu.vector_load %arg17[%get3A_2524, %get3A_2525] {strides = array<i32>} : memref<48x128xf32, #tpu.memory_space<vmem>>, vector<1x16xf32>,
      %get3A_2527 = vector.shape_cast %get3A_2526 : vector<1x16xf32> to vector<16xf32>
      %add3A_2528 = arith.addf %add3A_2510, %get3A_2527 : vector<16xf32>
      %get3A_2529 = arith.constant 5 : i32
      %get3A_2530 = arith.index_cast %get3A_2529 : i32 to index
      %get3A_2531 = arith.constant 112 : index
      %get3A_2532 = tpu.vector_load %arg17[%get3A_2530, %get3A_2531] {strides = array<i32>} : memref<48x128xf32, #tpu.memory_space<vmem>>, vector<1x16xf32>,
      %get3A_2533 = vector.shape_cast %get3A_2532 : vector<1x16xf32> to vector<16xf32>
      %add3A_2534 = arith.addf %add3A_2516, %get3A_2533 : vector<16xf32>
      %get3A_2535 = arith.constant 35 : i32
      %get3A_2536 = arith.index_cast %get3A_2535 : i32 to index
      %get3A_2537 = arith.constant 112 : index
      %get3A_2538 = tpu.vector_load %arg17[%get3A_2536, %get3A_2537] {strides = array<i32>} : memref<48x128xf32, #tpu.memory_space<vmem>>, vector<1x16xf32>,
      %get3A_2539 = vector.shape_cast %get3A_2538 : vector<1x16xf32> to vector<16xf32>
      %add3A_2540 = arith.addf %add3A_2522, %get3A_2539 : vector<16xf32>
      %get3A_2541 = arith.constant 6 : i32
      %get3A_2542 = arith.index_cast %get3A_2541 : i32 to index
      %get3A_2543 = arith.constant 112 : index
      %get3A_2544 = tpu.vector_load %arg17[%get3A_2542, %get3A_2543] {strides = array<i32>} : memref<48x128xf32, #tpu.memory_space<vmem>>, vector<1x16xf32>,
      %get3A_2545 = vector.shape_cast %get3A_2544 : vector<1x16xf32> to vector<16xf32>
      %add3A_2546 = arith.addf %add3A_2528, %get3A_2545 : vector<16xf32>
      %get3A_2547 = arith.constant 7 : i32
      %get3A_2548 = arith.index_cast %get3A_2547 : i32 to index
      %get3A_2549 = arith.constant 112 : index
      %get3A_2550 = tpu.vector_load %arg17[%get3A_2548, %get3A_2549] {strides = array<i32>} : memref<48x128xf32, #tpu.memory_space<vmem>>, vector<1x16xf32>,
      %get3A_2551 = vector.shape_cast %get3A_2550 : vector<1x16xf32> to vector<16xf32>
      %add3A_2552 = arith.addf %add3A_2534, %get3A_2551 : vector<16xf32>
      %get3A_2553 = arith.constant 36 : i32
      %get3A_2554 = arith.index_cast %get3A_2553 : i32 to index
      %get3A_2555 = arith.constant 112 : index
      %get3A_2556 = tpu.vector_load %arg17[%get3A_2554, %get3A_2555] {strides = array<i32>} : memref<48x128xf32, #tpu.memory_space<vmem>>, vector<1x16xf32>,
      %get3A_2557 = vector.shape_cast %get3A_2556 : vector<1x16xf32> to vector<16xf32>
      %add3A_2558 = arith.addf %add3A_2540, %get3A_2557 : vector<16xf32>
      %get3A_2559 = arith.constant 8 : i32
      %get3A_2560 = arith.index_cast %get3A_2559 : i32 to index
      %get3A_2561 = arith.constant 112 : index
      %get3A_2562 = tpu.vector_load %arg17[%get3A_2560, %get3A_2561] {strides = array<i32>} : memref<48x128xf32, #tpu.memory_space<vmem>>, vector<1x16xf32>,
      %get3A_2563 = vector.shape_cast %get3A_2562 : vector<1x16xf32> to vector<16xf32>
      %add3A_2564 = arith.addf %add3A_2546, %get3A_2563 : vector<16xf32>
      %get3A_2565 = arith.constant 9 : i32
      %get3A_2566 = arith.index_cast %get3A_2565 : i32 to index
      %get3A_2567 = arith.constant 112 : index
      %get3A_2568 = tpu.vector_load %arg17[%get3A_2566, %get3A_2567] {strides = array<i32>} : memref<48x128xf32, #tpu.memory_space<vmem>>, vector<1x16xf32>,
      %get3A_2569 = vector.shape_cast %get3A_2568 : vector<1x16xf32> to vector<16xf32>
      %add3A_2570 = arith.addf %add3A_2552, %get3A_2569 : vector<16xf32>
      %get3A_2571 = arith.constant 37 : i32
      %get3A_2572 = arith.index_cast %get3A_2571 : i32 to index
      %get3A_2573 = arith.constant 112 : index
      %get3A_2574 = tpu.vector_load %arg17[%get3A_2572, %get3A_2573] {strides = array<i32>} : memref<48x128xf32, #tpu.memory_space<vmem>>, vector<1x16xf32>,
      %get3A_2575 = vector.shape_cast %get3A_2574 : vector<1x16xf32> to vector<16xf32>
      %add3A_2576 = arith.addf %add3A_2558, %get3A_2575 : vector<16xf32>
      %get3A_2577 = arith.constant 10 : i32
      %get3A_2578 = arith.index_cast %get3A_2577 : i32 to index
      %get3A_2579 = arith.constant 112 : index
      %get3A_2580 = tpu.vector_load %arg17[%get3A_2578, %get3A_2579] {strides = array<i32>} : memref<48x128xf32, #tpu.memory_space<vmem>>, vector<1x16xf32>,
      %get3A_2581 = vector.shape_cast %get3A_2580 : vector<1x16xf32> to vector<16xf32>
      %add3A_2582 = arith.addf %add3A_2564, %get3A_2581 : vector<16xf32>
      %get3A_2583 = arith.constant 11 : i32
      %get3A_2584 = arith.index_cast %get3A_2583 : i32 to index
      %get3A_2585 = arith.constant 112 : index
      %get3A_2586 = tpu.vector_load %arg17[%get3A_2584, %get3A_2585] {strides = array<i32>} : memref<48x128xf32, #tpu.memory_space<vmem>>, vector<1x16xf32>,
      %get3A_2587 = vector.shape_cast %get3A_2586 : vector<1x16xf32> to vector<16xf32>
      %add3A_2588 = arith.addf %add3A_2570, %get3A_2587 : vector<16xf32>
      %get3A_2589 = arith.constant 38 : i32
      %get3A_2590 = arith.index_cast %get3A_2589 : i32 to index
      %get3A_2591 = arith.constant 112 : index
      %get3A_2592 = tpu.vector_load %arg17[%get3A_2590, %get3A_2591] {strides = array<i32>} : memref<48x128xf32, #tpu.memory_space<vmem>>, vector<1x16xf32>,
      %get3A_2593 = vector.shape_cast %get3A_2592 : vector<1x16xf32> to vector<16xf32>
      %add3A_2594 = arith.addf %add3A_2576, %get3A_2593 : vector<16xf32>
      %get3A_2595 = arith.constant 12 : i32
      %get3A_2596 = arith.index_cast %get3A_2595 : i32 to index
      %get3A_2597 = arith.constant 112 : index
      %get3A_2598 = tpu.vector_load %arg17[%get3A_2596, %get3A_2597] {strides = array<i32>} : memref<48x128xf32, #tpu.memory_space<vmem>>, vector<1x16xf32>,
      %get3A_2599 = vector.shape_cast %get3A_2598 : vector<1x16xf32> to vector<16xf32>
      %add3A_2600 = arith.addf %add3A_2582, %get3A_2599 : vector<16xf32>
      %get3A_2601 = arith.constant 13 : i32
      %get3A_2602 = arith.index_cast %get3A_2601 : i32 to index
      %get3A_2603 = arith.constant 112 : index
      %get3A_2604 = tpu.vector_load %arg17[%get3A_2602, %get3A_2603] {strides = array<i32>} : memref<48x128xf32, #tpu.memory_space<vmem>>, vector<1x16xf32>,
      %get3A_2605 = vector.shape_cast %get3A_2604 : vector<1x16xf32> to vector<16xf32>
      %add3A_2606 = arith.addf %add3A_2588, %get3A_2605 : vector<16xf32>
      %get3A_2607 = arith.constant 39 : i32
      %get3A_2608 = arith.index_cast %get3A_2607 : i32 to index
      %get3A_2609 = arith.constant 112 : index
      %get3A_2610 = tpu.vector_load %arg17[%get3A_2608, %get3A_2609] {strides = array<i32>} : memref<48x128xf32, #tpu.memory_space<vmem>>, vector<1x16xf32>,
      %get3A_2611 = vector.shape_cast %get3A_2610 : vector<1x16xf32> to vector<16xf32>
      %add3A_2612 = arith.addf %add3A_2594, %get3A_2611 : vector<16xf32>
      %get3A_2613 = arith.constant 14 : i32
      %get3A_2614 = arith.index_cast %get3A_2613 : i32 to index
      %get3A_2615 = arith.constant 112 : index
      %get3A_2616 = tpu.vector_load %arg17[%get3A_2614, %get3A_2615] {strides = array<i32>} : memref<48x128xf32, #tpu.memory_space<vmem>>, vector<1x16xf32>,
      %get3A_2617 = vector.shape_cast %get3A_2616 : vector<1x16xf32> to vector<16xf32>
      %add3A_2618 = arith.addf %add3A_2600, %get3A_2617 : vector<16xf32>
      %get3A_2619 = arith.constant 15 : i32
      %get3A_2620 = arith.index_cast %get3A_2619 : i32 to index
      %get3A_2621 = arith.constant 112 : index
      %get3A_2622 = tpu.vector_load %arg17[%get3A_2620, %get3A_2621] {strides = array<i32>} : memref<48x128xf32, #tpu.memory_space<vmem>>, vector<1x16xf32>,
      %get3A_2623 = vector.shape_cast %get3A_2622 : vector<1x16xf32> to vector<16xf32>
      %add3A_2624 = arith.addf %add3A_2606, %get3A_2623 : vector<16xf32>
      %get3A_2625 = arith.constant 40 : i32
      %get3A_2626 = arith.index_cast %get3A_2625 : i32 to index
      %get3A_2627 = arith.constant 112 : index
      %get3A_2628 = tpu.vector_load %arg17[%get3A_2626, %get3A_2627] {strides = array<i32>} : memref<48x128xf32, #tpu.memory_space<vmem>>, vector<1x16xf32>,
      %get3A_2629 = vector.shape_cast %get3A_2628 : vector<1x16xf32> to vector<16xf32>
      %add3A_2630 = arith.addf %add3A_2612, %get3A_2629 : vector<16xf32>
      %get3A_2631 = arith.constant 16 : i32
      %get3A_2632 = arith.index_cast %get3A_2631 : i32 to index
      %get3A_2633 = arith.constant 112 : index
      %get3A_2634 = tpu.vector_load %arg17[%get3A_2632, %get3A_2633] {strides = array<i32>} : memref<48x128xf32, #tpu.memory_space<vmem>>, vector<1x16xf32>,
      %get3A_2635 = vector.shape_cast %get3A_2634 : vector<1x16xf32> to vector<16xf32>
      %add3A_2636 = arith.addf %add3A_2618, %get3A_2635 : vector<16xf32>
      %get3A_2637 = arith.constant 17 : i32
      %get3A_2638 = arith.index_cast %get3A_2637 : i32 to index
      %get3A_2639 = arith.constant 112 : index
      %get3A_2640 = tpu.vector_load %arg17[%get3A_2638, %get3A_2639] {strides = array<i32>} : memref<48x128xf32, #tpu.memory_space<vmem>>, vector<1x16xf32>,
      %get3A_2641 = vector.shape_cast %get3A_2640 : vector<1x16xf32> to vector<16xf32>
      %add3A_2642 = arith.addf %add3A_2624, %get3A_2641 : vector<16xf32>
      %get3A_2643 = arith.constant 41 : i32
      %get3A_2644 = arith.index_cast %get3A_2643 : i32 to index
      %get3A_2645 = arith.constant 112 : index
      %get3A_2646 = tpu.vector_load %arg17[%get3A_2644, %get3A_2645] {strides = array<i32>} : memref<48x128xf32, #tpu.memory_space<vmem>>, vector<1x16xf32>,
      %get3A_2647 = vector.shape_cast %get3A_2646 : vector<1x16xf32> to vector<16xf32>
      %add3A_2648 = arith.addf %add3A_2630, %get3A_2647 : vector<16xf32>
      %get3A_2649 = arith.constant 18 : i32
      %get3A_2650 = arith.index_cast %get3A_2649 : i32 to index
      %get3A_2651 = arith.constant 112 : index
      %get3A_2652 = tpu.vector_load %arg17[%get3A_2650, %get3A_2651] {strides = array<i32>} : memref<48x128xf32, #tpu.memory_space<vmem>>, vector<1x16xf32>,
      %get3A_2653 = vector.shape_cast %get3A_2652 : vector<1x16xf32> to vector<16xf32>
      %add3A_2654 = arith.addf %add3A_2636, %get3A_2653 : vector<16xf32>
      %get3A_2655 = arith.constant 19 : i32
      %get3A_2656 = arith.index_cast %get3A_2655 : i32 to index
      %get3A_2657 = arith.constant 112 : index
      %get3A_2658 = tpu.vector_load %arg17[%get3A_2656, %get3A_2657] {strides = array<i32>} : memref<48x128xf32, #tpu.memory_space<vmem>>, vector<1x16xf32>,
      %get3A_2659 = vector.shape_cast %get3A_2658 : vector<1x16xf32> to vector<16xf32>
      %add3A_2660 = arith.addf %add3A_2642, %get3A_2659 : vector<16xf32>
      %get3A_2661 = arith.constant 42 : i32
      %get3A_2662 = arith.index_cast %get3A_2661 : i32 to index
      %get3A_2663 = arith.constant 112 : index
      %get3A_2664 = tpu.vector_load %arg17[%get3A_2662, %get3A_2663] {strides = array<i32>} : memref<48x128xf32, #tpu.memory_space<vmem>>, vector<1x16xf32>,
      %get3A_2665 = vector.shape_cast %get3A_2664 : vector<1x16xf32> to vector<16xf32>
      %add3A_2666 = arith.addf %add3A_2648, %get3A_2665 : vector<16xf32>
      %get3A_2667 = arith.constant 20 : i32
      %get3A_2668 = arith.index_cast %get3A_2667 : i32 to index
      %get3A_2669 = arith.constant 112 : index
      %get3A_2670 = tpu.vector_load %arg17[%get3A_2668, %get3A_2669] {strides = array<i32>} : memref<48x128xf32, #tpu.memory_space<vmem>>, vector<1x16xf32>,
      %get3A_2671 = vector.shape_cast %get3A_2670 : vector<1x16xf32> to vector<16xf32>
      %add3A_2672 = arith.addf %add3A_2654, %get3A_2671 : vector<16xf32>
      %get3A_2673 = arith.constant 21 : i32
      %get3A_2674 = arith.index_cast %get3A_2673 : i32 to index
      %get3A_2675 = arith.constant 112 : index
      %get3A_2676 = tpu.vector_load %arg17[%get3A_2674, %get3A_2675] {strides = array<i32>} : memref<48x128xf32, #tpu.memory_space<vmem>>, vector<1x16xf32>,
      %get3A_2677 = vector.shape_cast %get3A_2676 : vector<1x16xf32> to vector<16xf32>
      %add3A_2678 = arith.addf %add3A_2660, %get3A_2677 : vector<16xf32>
      %get3A_2679 = arith.constant 43 : i32
      %get3A_2680 = arith.index_cast %get3A_2679 : i32 to index
      %get3A_2681 = arith.constant 112 : index
      %get3A_2682 = tpu.vector_load %arg17[%get3A_2680, %get3A_2681] {strides = array<i32>} : memref<48x128xf32, #tpu.memory_space<vmem>>, vector<1x16xf32>,
      %get3A_2683 = vector.shape_cast %get3A_2682 : vector<1x16xf32> to vector<16xf32>
      %add3A_2684 = arith.addf %add3A_2666, %get3A_2683 : vector<16xf32>
      %get3A_2685 = arith.constant 22 : i32
      %get3A_2686 = arith.index_cast %get3A_2685 : i32 to index
      %get3A_2687 = arith.constant 112 : index
      %get3A_2688 = tpu.vector_load %arg17[%get3A_2686, %get3A_2687] {strides = array<i32>} : memref<48x128xf32, #tpu.memory_space<vmem>>, vector<1x16xf32>,
      %get3A_2689 = vector.shape_cast %get3A_2688 : vector<1x16xf32> to vector<16xf32>
      %add3A_2690 = arith.addf %add3A_2672, %get3A_2689 : vector<16xf32>
      %get3A_2691 = arith.constant 23 : i32
      %get3A_2692 = arith.index_cast %get3A_2691 : i32 to index
      %get3A_2693 = arith.constant 112 : index
      %get3A_2694 = tpu.vector_load %arg17[%get3A_2692, %get3A_2693] {strides = array<i32>} : memref<48x128xf32, #tpu.memory_space<vmem>>, vector<1x16xf32>,
      %get3A_2695 = vector.shape_cast %get3A_2694 : vector<1x16xf32> to vector<16xf32>
      %add3A_2696 = arith.addf %add3A_2678, %get3A_2695 : vector<16xf32>
      %get3A_2697 = arith.constant 44 : i32
      %get3A_2698 = arith.index_cast %get3A_2697 : i32 to index
      %get3A_2699 = arith.constant 112 : index
      %get3A_2700 = tpu.vector_load %arg17[%get3A_2698, %get3A_2699] {strides = array<i32>} : memref<48x128xf32, #tpu.memory_space<vmem>>, vector<1x16xf32>,
      %get3A_2701 = vector.shape_cast %get3A_2700 : vector<1x16xf32> to vector<16xf32>
      %add3A_2702 = arith.addf %add3A_2684, %get3A_2701 : vector<16xf32>
      %get3A_2703 = arith.constant 24 : i32
      %get3A_2704 = arith.index_cast %get3A_2703 : i32 to index
      %get3A_2705 = arith.constant 112 : index
      %get3A_2706 = tpu.vector_load %arg17[%get3A_2704, %get3A_2705] {strides = array<i32>} : memref<48x128xf32, #tpu.memory_space<vmem>>, vector<1x16xf32>,
      %get3A_2707 = vector.shape_cast %get3A_2706 : vector<1x16xf32> to vector<16xf32>
      %add3A_2708 = arith.addf %add3A_2690, %get3A_2707 : vector<16xf32>
      %get3A_2709 = arith.constant 25 : i32
      %get3A_2710 = arith.index_cast %get3A_2709 : i32 to index
      %get3A_2711 = arith.constant 112 : index
      %get3A_2712 = tpu.vector_load %arg17[%get3A_2710, %get3A_2711] {strides = array<i32>} : memref<48x128xf32, #tpu.memory_space<vmem>>, vector<1x16xf32>,
      %get3A_2713 = vector.shape_cast %get3A_2712 : vector<1x16xf32> to vector<16xf32>
      %add3A_2714 = arith.addf %add3A_2696, %get3A_2713 : vector<16xf32>
      %get3A_2715 = arith.constant 45 : i32
      %get3A_2716 = arith.index_cast %get3A_2715 : i32 to index
      %get3A_2717 = arith.constant 112 : index
      %get3A_2718 = tpu.vector_load %arg17[%get3A_2716, %get3A_2717] {strides = array<i32>} : memref<48x128xf32, #tpu.memory_space<vmem>>, vector<1x16xf32>,
      %get3A_2719 = vector.shape_cast %get3A_2718 : vector<1x16xf32> to vector<16xf32>
      %add3A_2720 = arith.addf %add3A_2702, %get3A_2719 : vector<16xf32>
      %get3A_2721 = arith.constant 26 : i32
      %get3A_2722 = arith.index_cast %get3A_2721 : i32 to index
      %get3A_2723 = arith.constant 112 : index
      %get3A_2724 = tpu.vector_load %arg17[%get3A_2722, %get3A_2723] {strides = array<i32>} : memref<48x128xf32, #tpu.memory_space<vmem>>, vector<1x16xf32>,
      %get3A_2725 = vector.shape_cast %get3A_2724 : vector<1x16xf32> to vector<16xf32>
      %add3A_2726 = arith.addf %add3A_2708, %get3A_2725 : vector<16xf32>
      %get3A_2727 = arith.constant 27 : i32
      %get3A_2728 = arith.index_cast %get3A_2727 : i32 to index
      %get3A_2729 = arith.constant 112 : index
      %get3A_2730 = tpu.vector_load %arg17[%get3A_2728, %get3A_2729] {strides = array<i32>} : memref<48x128xf32, #tpu.memory_space<vmem>>, vector<1x16xf32>,
      %get3A_2731 = vector.shape_cast %get3A_2730 : vector<1x16xf32> to vector<16xf32>
      %add3A_2732 = arith.addf %add3A_2714, %get3A_2731 : vector<16xf32>
      %get3A_2733 = arith.constant 46 : i32
      %get3A_2734 = arith.index_cast %get3A_2733 : i32 to index
      %get3A_2735 = arith.constant 112 : index
      %get3A_2736 = tpu.vector_load %arg17[%get3A_2734, %get3A_2735] {strides = array<i32>} : memref<48x128xf32, #tpu.memory_space<vmem>>, vector<1x16xf32>,
      %get3A_2737 = vector.shape_cast %get3A_2736 : vector<1x16xf32> to vector<16xf32>
      %add3A_2738 = arith.addf %add3A_2720, %get3A_2737 : vector<16xf32>
      %get3A_2739 = arith.constant 28 : i32
      %get3A_2740 = arith.index_cast %get3A_2739 : i32 to index
      %get3A_2741 = arith.constant 112 : index
      %get3A_2742 = tpu.vector_load %arg17[%get3A_2740, %get3A_2741] {strides = array<i32>} : memref<48x128xf32, #tpu.memory_space<vmem>>, vector<1x16xf32>,
      %get3A_2743 = vector.shape_cast %get3A_2742 : vector<1x16xf32> to vector<16xf32>
      %add3A_2744 = arith.addf %add3A_2726, %get3A_2743 : vector<16xf32>
      %get3A_2745 = arith.constant 29 : i32
      %get3A_2746 = arith.index_cast %get3A_2745 : i32 to index
      %get3A_2747 = arith.constant 112 : index
      %get3A_2748 = tpu.vector_load %arg17[%get3A_2746, %get3A_2747] {strides = array<i32>} : memref<48x128xf32, #tpu.memory_space<vmem>>, vector<1x16xf32>,
      %get3A_2749 = vector.shape_cast %get3A_2748 : vector<1x16xf32> to vector<16xf32>
      %add3A_2750 = arith.addf %add3A_2732, %get3A_2749 : vector<16xf32>
      %get3A_2751 = arith.constant 47 : i32
      %get3A_2752 = arith.index_cast %get3A_2751 : i32 to index
      %get3A_2753 = arith.constant 112 : index
      %get3A_2754 = tpu.vector_load %arg17[%get3A_2752, %get3A_2753] {strides = array<i32>} : memref<48x128xf32, #tpu.memory_space<vmem>>, vector<1x16xf32>,
      %get3A_2755 = vector.shape_cast %get3A_2754 : vector<1x16xf32> to vector<16xf32>
      %add3A_2756 = arith.addf %add3A_2738, %get3A_2755 : vector<16xf32>
      %get3A_2757 = arith.constant 30 : i32
      %get3A_2758 = arith.index_cast %get3A_2757 : i32 to index
      %get3A_2759 = arith.constant 112 : index
      %get3A_2760 = tpu.vector_load %arg17[%get3A_2758, %get3A_2759] {strides = array<i32>} : memref<48x128xf32, #tpu.memory_space<vmem>>, vector<1x16xf32>,
      %get3A_2761 = vector.shape_cast %get3A_2760 : vector<1x16xf32> to vector<16xf32>
      %add3A_2762 = arith.addf %add3A_2744, %get3A_2761 : vector<16xf32>
      %get3A_2763 = arith.constant 31 : i32
      %get3A_2764 = arith.index_cast %get3A_2763 : i32 to index
      %get3A_2765 = arith.constant 112 : index
      %get3A_2766 = tpu.vector_load %arg17[%get3A_2764, %get3A_2765] {strides = array<i32>} : memref<48x128xf32, #tpu.memory_space<vmem>>, vector<1x16xf32>,
      %get3A_2767 = vector.shape_cast %get3A_2766 : vector<1x16xf32> to vector<16xf32>
      %add3A_2768 = arith.addf %add3A_2750, %get3A_2767 : vector<16xf32>
      %swap3A_2769 = arith.constant 0 : i32
      %swap3A_2770 = arith.index_cast %swap3A_2769 : i32 to index
      %swap3A_2771 = arith.constant 112 : index
      %swap3A_2772 = tpu.vector_load %arg17[%swap3A_2770, %swap3A_2771] {strides = array<i32>} : memref<48x128xf32, #tpu.memory_space<vmem>>, vector<1x16xf32>,
      %swap3A_2773 = vector.shape_cast %swap3A_2772 : vector<1x16xf32> to vector<16xf32>
      %swap3A_2774 = vector.shape_cast %add3A_2756 : vector<16xf32> to vector<1x16xf32>
      tpu.vector_store %arg17[%swap3A_2770, %swap3A_2771], %swap3A_2774 {strides = array<i32>} : memref<48x128xf32, #tpu.memory_space<vmem>>, vector<1x16xf32>,
      %swap3A_2775 = arith.constant 1 : i32
      %swap3A_2776 = arith.index_cast %swap3A_2775 : i32 to index
      %swap3A_2777 = arith.constant 112 : index
      %swap3A_2778 = tpu.vector_load %arg17[%swap3A_2776, %swap3A_2777] {strides = array<i32>} : memref<48x128xf32, #tpu.memory_space<vmem>>, vector<1x16xf32>,
      %swap3A_2779 = vector.shape_cast %swap3A_2778 : vector<1x16xf32> to vector<16xf32>
      %swap3A_2780 = vector.shape_cast %add3A_2762 : vector<16xf32> to vector<1x16xf32>
      tpu.vector_store %arg17[%swap3A_2776, %swap3A_2777], %swap3A_2780 {strides = array<i32>} : memref<48x128xf32, #tpu.memory_space<vmem>>, vector<1x16xf32>,
      %swap3A_2781 = arith.constant 2 : i32
      %swap3A_2782 = arith.index_cast %swap3A_2781 : i32 to index
      %swap3A_2783 = arith.constant 112 : index
      %swap3A_2784 = tpu.vector_load %arg17[%swap3A_2782, %swap3A_2783] {strides = array<i32>} : memref<48x128xf32, #tpu.memory_space<vmem>>, vector<1x16xf32>,
      %swap3A_2785 = vector.shape_cast %swap3A_2784 : vector<1x16xf32> to vector<16xf32>
      %swap3A_2786 = vector.shape_cast %add3A_2768 : vector<16xf32> to vector<1x16xf32>
      tpu.vector_store %arg17[%swap3A_2782, %swap3A_2783], %swap3A_2786 {strides = array<i32>} : memref<48x128xf32, #tpu.memory_space<vmem>>, vector<1x16xf32>,
      "tpu.region"() ({
        %run_scoped3A = tpu.sem_alloc : memref<!tpu.dma_semaphore, #tpu.memory_space<semaphore_mem>>
        %dma_start3A_2787 = arith.constant 0 : i32
        %dma_start3A_2788 = arith.constant 0 : i32
        %dma_start3A_2789 = tpu.memref_slice %arg17[%dma_start3A_2787, %dma_start3A_2788] : memref<48x128xf32, #tpu.memory_space<vmem>> -> memref<3x128xf32, #tpu.memory_space<vmem>>
        %dma_start3A_2790 = arith.constant 0 : i32
        %dma_start3A_2791 = arith.constant 0 : i32
        %dma_start3A_2792 = tpu.memref_slice %arg8[%arg0, %dma_start3A_2790, %dma_start3A_2791] : memref<2x3x128xf32, #tpu.memory_space<hbm>> -> memref<1x3x128xf32, #tpu.memory_space<hbm>>
        %dma_start3A_2793 = tpu.memref_squeeze %dma_start3A_2792 : memref<1x3x128xf32, #tpu.memory_space<hbm>> -> memref<3x128xf32, #tpu.memory_space<hbm>>
        %dma_start3A_2794 = arith.constant 0 : i32
        %dma_start3A_2795 = arith.constant 0 : i32
        %dma_start3A_2796 = tpu.memref_slice %arg8[%arg0, %dma_start3A_2794, %dma_start3A_2795] : memref<2x3x128xf32, #tpu.memory_space<hbm>> -> memref<1x3x128xf32, #tpu.memory_space<hbm>>
        %dma_start3A_2797 = tpu.memref_squeeze %dma_start3A_2796 : memref<1x3x128xf32, #tpu.memory_space<hbm>> -> memref<3x128xf32, #tpu.memory_space<hbm>>
        %dma_start3A_2798 = arith.constant 0 : i32
        %dma_start3A_2799 = arith.constant 0 : i32
        %dma_start3A_2800 = tpu.memref_slice %arg17[%dma_start3A_2798, %dma_start3A_2799] : memref<48x128xf32, #tpu.memory_space<vmem>> -> memref<3x128xf32, #tpu.memory_space<vmem>>
        tpu.enqueue_dma source(%dma_start3A_2800 : memref<3x128xf32, #tpu.memory_space<vmem>>) target(%dma_start3A_2797 : memref<3x128xf32, #tpu.memory_space<hbm>>) target_semaphore(%run_scoped3A : memref<!tpu.dma_semaphore, #tpu.memory_space<semaphore_mem>>)
        %dma_wait3A_2801 = arith.constant 0 : i32
        %dma_wait3A_2802 = arith.constant 0 : i32
        %dma_wait3A_2803 = tpu.memref_slice %arg17[%dma_wait3A_2801, %dma_wait3A_2802] : memref<48x128xf32, #tpu.memory_space<vmem>> -> memref<3x128xf32, #tpu.memory_space<vmem>>
        %dma_wait3A_2804 = arith.constant 0 : i32
        %dma_wait3A_2805 = arith.constant 0 : i32
        %dma_wait3A_2806 = tpu.memref_slice %arg8[%arg0, %dma_wait3A_2804, %dma_wait3A_2805] : memref<2x3x128xf32, #tpu.memory_space<hbm>> -> memref<1x3x128xf32, #tpu.memory_space<hbm>>
        %dma_wait3A_2807 = tpu.memref_squeeze %dma_wait3A_2806 : memref<1x3x128xf32, #tpu.memory_space<hbm>> -> memref<3x128xf32, #tpu.memory_space<hbm>>
        %dma_wait3A_2808 = arith.constant 0 : i32
        %dma_wait3A_2809 = arith.constant 0 : i32
        %dma_wait3A_2810 = tpu.memref_slice %arg8[%arg0, %dma_wait3A_2808, %dma_wait3A_2809] : memref<2x3x128xf32, #tpu.memory_space<hbm>> -> memref<1x3x128xf32, #tpu.memory_space<hbm>>
        %dma_wait3A_2811 = tpu.memref_squeeze %dma_wait3A_2810 : memref<1x3x128xf32, #tpu.memory_space<hbm>> -> memref<3x128xf32, #tpu.memory_space<hbm>>
        %dma_wait3A_2812 = arith.constant 0 : i32
        %dma_wait3A_2813 = arith.constant 0 : i32
        %dma_wait3A_2814 = tpu.memref_slice %arg17[%dma_wait3A_2812, %dma_wait3A_2813] : memref<48x128xf32, #tpu.memory_space<vmem>> -> memref<3x128xf32, #tpu.memory_space<vmem>>
        tpu.wait_dma2 semaphore(%run_scoped3A : memref<!tpu.dma_semaphore, #tpu.memory_space<semaphore_mem>>) src(%dma_wait3A_2814 : memref<3x128xf32, #tpu.memory_space<vmem>>) dst(%dma_wait3A_2811 : memref<3x128xf32, #tpu.memory_space<hbm>>)
        tpu.yield
      }) : () -> ()
    } else {
    }
    return
  }
}

module attributes {stable_mosaic.version = 14 : i64} {
  func.func @_tc_body(%arg0: i32, %arg1: memref<2000x128xf32, #tpu.memory_space<vmem>>, %arg2: memref<1x1x2000xi32, #tpu.memory_space<vmem>>, %arg3: memref<3x128xf32, #tpu.memory_space<vmem>>) attributes {dimension_semantics = [#tpu.dimension_semantics<arbitrary>], iteration_bounds = array<i64: 42>, scalar_prefetch = 0 : i64, scratch_operands = 0 : i64, tpu.core_type = #tpu.core_type<tc>, window_params = [{transform_indices = @transform_0, window_bounds = array<i64: 2000, 128>}, {transform_indices = @transform_1, window_bounds = array<i64: 1, 1, 2000>}, {pipeline_mode = #tpu.pipeline_mode<synchronous>, transform_indices = @transform_2, window_bounds = array<i64: 3, 128>}]} {
    %eq3A = arith.constant 0 : i32
    %eq3A_0 = arith.cmpi eq, %arg0, %eq3A : i32
    %convert_element_type3A = arith.extui %eq3A_0 : i1 to i32
    %cond3A = arith.constant 0 : i32
    %cond3A_1 = arith.cmpi ne, %convert_element_type3A, %cond3A : i32
    scf.if %cond3A_1 {
      %broadcast_in_dim3A_24 = arith.constant 0.000000e+00 : f32
      %broadcast_in_dim3A_25 = vector.broadcast %broadcast_in_dim3A_24 : f32 to vector<3x128xf32>
      %swap3A_26 = arith.constant 0 : index
      %swap3A_27 = arith.constant 0 : index
      %swap3A_28 = vector.load %arg3[%swap3A_26, %swap3A_27] : memref<3x128xf32, #tpu.memory_space<vmem>>, vector<3x128xf32>
      tpu.vector_store %arg3[%swap3A_26, %swap3A_27], %broadcast_in_dim3A_25 {strides = array<i32>} : memref<3x128xf32, #tpu.memory_space<vmem>>, vector<3x128xf32>,
    } else {
    }
    %get3A = arith.constant 0 : index
    %get3A_2 = arith.constant 0 : index
    %get3A_3 = vector.load %arg1[%get3A, %get3A_2] : memref<2000x128xf32, #tpu.memory_space<vmem>>, vector<2000x128xf32>
    %get3A_4 = arith.constant 0 : index
    %get3A_5 = arith.constant 0 : index
    %get3A_6 = arith.constant 0 : index
    %get3A_7 = vector.load %arg2[%get3A_4, %get3A_5, %get3A_6] : memref<1x1x2000xi32, #tpu.memory_space<vmem>>, vector<1x1x2000xi32>
    %get3A_8 = vector.shape_cast %get3A_7 : vector<1x1x2000xi32> to vector<1x2000xi32>
    %convert_element_type3A_9 = arith.sitofp %get3A_8 : vector<1x2000xi32> to vector<1x2000xf32>
    %reduce_sum3A = arith.constant dense<0.000000e+00> : vector<128xf32>
    %reduce_sum3A_10 = vector.multi_reduction <add>, %get3A_3, %reduce_sum3A [0] : vector<2000x128xf32> to vector<128xf32>
    %broadcast_in_dim3A = vector.shape_cast %reduce_sum3A_10 : vector<128xf32> to vector<1x128xf32>
    %dot_general3A = arith.constant dense<0.000000e+00> : vector<1x128xf32>
    %dot_general3A_11 = tpu.matmul %convert_element_type3A_9, %get3A_3, %dot_general3A {dimension_numbers = #tpu.dot_dimension_numbers<[1], [0], [0], [1], [0, 0, 1, 1], [], []>, transpose_lhs_hint = false} : vector<1x2000xf32>, vector<2000x128xf32>, vector<1x128xf32> -> vector<1x128xf32>
    %get3A_12 = arith.constant 1 : index
    %get3A_13 = arith.constant 0 : index
    %get3A_14 = vector.load %arg3[%get3A_12, %get3A_13] : memref<3x128xf32, #tpu.memory_space<vmem>>, vector<1x128xf32>
    %sub3A = arith.subf %broadcast_in_dim3A, %dot_general3A_11 : vector<1x128xf32>
    %add3A = arith.addf %get3A_14, %sub3A : vector<1x128xf32>
    %swap3A = arith.constant 1 : index
    %swap3A_15 = arith.constant 0 : index
    %swap3A_16 = vector.load %arg3[%swap3A, %swap3A_15] : memref<3x128xf32, #tpu.memory_space<vmem>>, vector<1x128xf32>
    tpu.vector_store %arg3[%swap3A, %swap3A_15], %add3A {strides = array<i32>} : memref<3x128xf32, #tpu.memory_space<vmem>>, vector<1x128xf32>,
    %get3A_17 = arith.constant 2 : index
    %get3A_18 = arith.constant 0 : index
    %get3A_19 = vector.load %arg3[%get3A_17, %get3A_18] : memref<3x128xf32, #tpu.memory_space<vmem>>, vector<1x128xf32>
    %add3A_20 = arith.addf %get3A_19, %dot_general3A_11 : vector<1x128xf32>
    %swap3A_21 = arith.constant 2 : index
    %swap3A_22 = arith.constant 0 : index
    %swap3A_23 = vector.load %arg3[%swap3A_21, %swap3A_22] : memref<3x128xf32, #tpu.memory_space<vmem>>, vector<1x128xf32>
    tpu.vector_store %arg3[%swap3A_21, %swap3A_22], %add3A_20 {strides = array<i32>} : memref<3x128xf32, #tpu.memory_space<vmem>>, vector<1x128xf32>,
    return
  }
  func.func @transform_0(%arg0: i32) -> (i32, i32) {
    %add3A = arith.constant 8 : i32
    %add3A_0 = arith.addi %add3A, %arg0 : i32
    %c0_i32 = arith.constant 0 : i32
    %c0_i32_1 = arith.constant 0 : i32
    return %add3A_0, %c0_i32 : i32, i32
  }
  func.func @transform_1(%arg0: i32) -> (i32, i32, i32) {
    %c0_i32 = arith.constant 0 : i32
    %c0_i32_0 = arith.constant 0 : i32
    %c0_i32_1 = arith.constant 0 : i32
    return %arg0, %c0_i32, %c0_i32_0 : i32, i32, i32
  }
  func.func @transform_2(%arg0: i32) -> (i32, i32) {
    %c0_i32 = arith.constant 0 : i32
    %c0_i32_0 = arith.constant 0 : i32
    %c0_i32_1 = arith.constant 0 : i32
    return %c0_i32, %c0_i32_0 : i32, i32
  }
}

module attributes {stable_mosaic.version = 14 : i64} {
  func.func @_combine_body(%arg0: memref<2x3x128xf32, #tpu.memory_space<vmem>>, %arg1: memref<3x128xf32, #tpu.memory_space<vmem>>, %arg2: memref<3x128xf32, #tpu.memory_space<vmem>>) attributes {dimension_semantics = [], scalar_prefetch = 0 : i64, scratch_operands = 0 : i64, tpu.core_type = #tpu.core_type<tc>} {
    %get3A = arith.constant 0 : index
    %get3A_0 = arith.constant 0 : index
    %get3A_1 = arith.constant 0 : index
    %get3A_2 = vector.load %arg0[%get3A, %get3A_0, %get3A_1] : memref<2x3x128xf32, #tpu.memory_space<vmem>>, vector<1x3x128xf32>
    %get3A_3 = vector.shape_cast %get3A_2 : vector<1x3x128xf32> to vector<3x128xf32>
    %get3A_4 = arith.constant 1 : index
    %get3A_5 = arith.constant 0 : index
    %get3A_6 = arith.constant 0 : index
    %get3A_7 = vector.load %arg0[%get3A_4, %get3A_5, %get3A_6] : memref<2x3x128xf32, #tpu.memory_space<vmem>>, vector<1x3x128xf32>
    %get3A_8 = vector.shape_cast %get3A_7 : vector<1x3x128xf32> to vector<3x128xf32>
    %add3A = arith.addf %get3A_3, %get3A_8 : vector<3x128xf32>
    %get3A_9 = arith.constant 0 : index
    %get3A_10 = arith.constant 0 : index
    %get3A_11 = vector.load %arg1[%get3A_9, %get3A_10] : memref<3x128xf32, #tpu.memory_space<vmem>>, vector<3x128xf32>
    %add3A_12 = arith.addf %add3A, %get3A_11 : vector<3x128xf32>
    %swap3A = arith.constant 0 : index
    %swap3A_13 = arith.constant 0 : index
    %swap3A_14 = vector.load %arg2[%swap3A, %swap3A_13] : memref<3x128xf32, #tpu.memory_space<vmem>>, vector<3x128xf32>
    tpu.vector_store %arg2[%swap3A, %swap3A_13], %add3A_12 {strides = array<i32>} : memref<3x128xf32, #tpu.memory_space<vmem>>, vector<3x128xf32>,
    return
  }
}

</mosaic_0001>

<sc_bundles>
// kernel: kernel.5.cloned.1.call-start
scs
__scs_entry_jumppad:
0x0: {  	(pc) =	sbr.rel $0x88, $3  }
0x1: {  	(tag) =	ssettag $0x0;
	lr =	simm.s32 $0x1  }
0x2: {  	[smem:$0x3F9B] =	sst lr;
	_ =	strace $0xD0000000  }
0x3: {  	_ = 	snop  }
0x4: {  	_ = 	snop  }
0x5: {  	_ = 	snop  }
0x6: {  	_ = 	snop  }
0x7: {  	_ = 	snop  }
__scs_overlays_trampoline_lowered:
0x8: {  	[smem:$0x3FAA] =	sst s0  }
0x9: {  	[smem:$0x3FAB] =	sst s1  }
0xa: {  	[smem:$0x3FAC] =	sst s2  }
0xb: {  	[smem:$0x3FAD] =	sst s3  }
0xc: {  	[smem:$0x3FAE] =	sst s4  }
0xd: {  	[smem:$0x3FAF] =	sst s5  }
0xe: {  	[smem:$0x3FB0] =	sst s6  }
0xf: {  	[smem:$0x3FB1] =	sst s7  }
0x10: {  	[smem:$0x3FB2] =	sst s8  }
0x11: {  	[smem:$0x3FB3] =	sst s9;
	s0 =	simm.s32 @!p0 $0x0  }
0x12: {  	s1 =	sld [smem:$0x3F99];
	s0 =	simm.s32 @p0 $0x1  }
0x13: {  	[smem:$0x3FB4] =	sst s0;
	s0 =	simm.s32 @!p1 $0x0  }
0x14: {  	s2 =	sld [smem:$0x3F98];
	s0 =	simm.s32 @p1 $0x1  }
0x15: {  	[smem:$0x3FB5] =	sst s0;
	s0 =	simm.s32 @!p2 $0x0  }
0x16: {  	s3 =	sld [smem:$0x3FDB];
	s0 =	simm.s32 @p2 $0x1  }
0x17: {  	s4 =	simm.s32 $0x1BF5;
	[smem:$0x3FB7] =	sst s0  }
0x18: {  	s0 =	sld [smem:$0x3F9A];
	_ =	swait.ge [sflag:s4], $0x0  }
0x19: {  	s7 =	sld [smem:$0x3F9B]  }
0x1a: {  	s8 =	sadd.s32 $0xFFFFE003, lr  }
0x1b: {  	s9 =	sadd.s32 $0xFFFFFEF7, lr;
	s5 =	simm.s32 $0xFFFFFFFF;
	p2 =	slt.u32 s8, $0xFFFFF086  }
0x1c: {  	p1 =	slt.u32 s9, $0xF7A;
	s5 =	simm.s32 @!p2 $0x0  }
0x1d: {  	s5 =	simm.s32 @p1 $0x1;
	p0 =	seq.s32 s7, s2  }
0x1e: {  	s7 =	smul.u32 @!p0 $0xF7A, s2;
	p2 =	seq.s32 @!p0 s5, $0x0  }
0x1f: {  	s9 =	smul.u32 $0xF7A, s1;
	s8 =	simm.s32 @!p0 $0x1BF5;
	p2 =	por !p2, p0  }
0x20: {  	[sflag:s8] =	ssyncset.s32 @!p0 $0xFFFFF086;
	s6 =	sadd.s32 @!p0 s3, s7;
	s7 =	simm.s32 @!p0 $0x108  }
0x21: {  	s3 =	sadd.s32 s3, s9;
	s6 =	sadd.s32 @!p0 $0x88, s6;
	s7 =	simm.s32 @p2 $0x1082  }
0x22: {  	[simem:s7], [sflag:s8] =	dma.local @!p0 [hbm:s6], $0xF7A  }
0x23: {  	s9 =	sor.u32 $0xD0000000, s2;
	s6 =	simm.s32 $0x108;
	_ =	swait.ge @!p0 [sflag:s8], $0x0  }
0x24: {  	s3 =	sadd.s32 $0x88, s3;
	s6 =	simm.s32 @!p1 $0x1082;
	[sflag:s4] =	ssyncset.s32 $0xFFFFF086  }
0x25: {  	[simem:s6], [sflag:s4] =	dma.local [hbm:s3], $0xF7A  }
0x26: {  	[smem:$0x3F9B] =	sst s1;
	(tag) =	ssettag s2;
	_ =	strace s9  }
0x27: {  	s1 =	sld [smem:$0x3FAB]  }
0x28: {  	s2 =	sld [smem:$0x3FAC]  }
0x29: {  	s4 =	sld [smem:$0x3FAE]  }
0x2a: {  	p0 =	seq.s32 s5, $0x0;
	s5 =	sld [smem:$0x3FAF]  }
0x2b: {  	s6 =	sld [smem:$0x3FB0]  }
0x2c: {  	s7 =	sld [smem:$0x3FB1]  }
0x2d: {  	s3 =	simm.s32 $0x108;
	s8 =	sld [smem:$0x3FB2]  }
0x2e: {  	s3 =	simm.s32 @!p0 $0x1082;
	s9 =	sld [smem:$0x3FB3]  }
0x2f: {  	lr =	sadd.s32 s0, s3;
	s0 =	sld [smem:$0x3FAA]  }
0x30: {  	s3 =	sld [smem:$0x3FAD]  }
0x31: {  	[smem:$0x3FB6] =	sst s10  }
0x32: {  	s10 =	sld [smem:$0x3FB4];
	_ =	sdelay $0x3  }
0x33: {  	p0 =	seq.s32 s10, $0x1;
	s10 =	sld [smem:$0x3FB6];
	_ =	sdelay $0x3  }
0x34: {  	[smem:$0x3FB6] =	sst s10  }
0x35: {  	s10 =	sld [smem:$0x3FB5];
	_ =	sdelay $0x3  }
0x36: {  	p1 =	seq.s32 s10, $0x1;
	s10 =	sld [smem:$0x3FB6];
	_ =	sdelay $0x3  }
0x37: {  	[smem:$0x3FB6] =	sst s10  }
0x38: {  	s10 =	sld [smem:$0x3FB7]  }
0x39: {  	_ = 	snop;
	(pc) =	sbr.ind lr, $3  }
0x3a: {  	_ = 	snop  }
0x3b: {  	_ = 	snop  }
0x3c: {  	p2 =	seq.s32 s10, $0x1;
	s10 =	sld [smem:$0x3FB6]  }
0x3d: {  	_ =	shalt  }
0x3e: {  	_ =	shalt  }
0x3f: {  	_ =	shalt  }
0x40: {  	_ =	shalt  }
0x41: {  	_ =	shalt  }
0x42: {  	_ =	shalt  }
0x43: {  	_ =	shalt  }
0x44: {  	_ =	shalt  }
0x45: {  	_ =	shalt  }
0x46: {  	_ =	shalt  }
0x47: {  	_ =	shalt  }
0x48: {  	_ =	shalt  }
0x49: {  	_ =	shalt  }
0x4a: {  	_ =	shalt  }
0x4b: {  	_ =	shalt  }
0x4c: {  	_ =	shalt  }
0x4d: {  	_ =	shalt  }
0x4e: {  	_ =	shalt  }
0x4f: {  	_ =	shalt  }
0x50: {  	_ =	shalt  }
0x51: {  	_ =	shalt  }
0x52: {  	_ =	shalt  }
0x53: {  	_ =	shalt  }
0x54: {  	_ =	shalt  }
0x55: {  	_ =	shalt  }
0x56: {  	_ =	shalt  }
0x57: {  	_ =	shalt  }
0x58: {  	_ =	shalt  }
0x59: {  	_ =	shalt  }
0x5a: {  	_ =	shalt  }
0x5b: {  	_ =	shalt  }
0x5c: {  	_ =	shalt  }
0x5d: {  	_ =	shalt  }
0x5e: {  	_ =	shalt  }
0x5f: {  	_ =	shalt  }
0x60: {  	_ =	shalt  }
0x61: {  	_ =	shalt  }
0x62: {  	_ =	shalt  }
0x63: {  	_ =	shalt  }
0x64: {  	_ =	shalt  }
0x65: {  	_ =	shalt  }
0x66: {  	_ =	shalt  }
0x67: {  	_ =	shalt  }
0x68: {  	_ =	shalt  }
0x69: {  	_ =	shalt  }
0x6a: {  	_ =	shalt  }
0x6b: {  	_ =	shalt  }
0x6c: {  	_ =	shalt  }
0x6d: {  	_ =	shalt  }
0x6e: {  	_ =	shalt  }
0x6f: {  	_ =	shalt  }
0x70: {  	_ =	shalt  }
0x71: {  	_ =	shalt  }
0x72: {  	_ =	shalt  }
0x73: {  	_ =	shalt  }
0x74: {  	_ =	shalt  }
0x75: {  	_ =	shalt  }
0x76: {  	_ =	shalt  }
0x77: {  	_ =	shalt  }
0x78: {  	_ =	shalt  }
0x79: {  	_ =	shalt  }
0x7a: {  	_ =	shalt  }
0x7b: {  	_ =	shalt  }
0x7c: {  	_ =	shalt  }
0x7d: {  	_ =	shalt  }
0x7e: {  	_ =	shalt  }
0x7f: {  	_ =	shalt  }
0x80: {  	_ =	shalt  }
0x81: {  	_ =	shalt  }
0x82: {  	_ =	shalt  }
0x83: {  	_ =	shalt  }
0x84: {  	_ =	shalt  }
0x85: {  	_ =	shalt  }
0x86: {  	_ =	shalt  }
0x87: {  	_ =	shalt  }
.Lfunc_end0:
.L_simem_size_0:
called_computation_lowered:
.L_overlay_start_0:
0x88: {  	s2 =	sld [smem:$0x3FD9]  }
0x89: {  	s3 =	sld [smem:$0x3FFE];
	_ =	sdelay $0x1  }
0x8a: {  	s1 =	srdreg.scid  }
0x8b: {  	s0 =	sand.u32 $0x1, s1  }
0x8c: {  	s17 =	sshll.u32 s0, $0xA;
	s2 =	sadd.s32 s3, s2  }
0x8d: {  	s2 =	sadd.s32 s2, s17  }
0x8e: {  	[smem:$0x3FC2] =	sst s2  }
0x8f: {  	_ = 	snop  }
0x90: {  	s2 =	sld [smem:$0x3FC9]  }
0x91: {  	s18 =	sld [smem:$0x3FC8];
	(tm) =	ssettm $0x1  }
0x92: {  	s4 =	sld [smem:$0x3FFB];
	_ =	sdelay $0x3  }
0x93: {  	_ =	strace s4  }
0x94: {  	s4 =	sld [smem:$0x3FFC];
	_ =	sdelay $0x3  }
0x95: {  	_ =	strace s4  }
0x96: {  	s4 =	sld [smem:$0x3FFD];
	_ =	sdelay $0x3  }
0x97: {  	_ =	strace s4  }
0x98: {  	_ =	strace $0x8FFFFFFF  }
0x99: {  	s19 =	sld [smem:$0x3FDB];
	_ =	sdelay $0x1  }
0x9a: {  	s5 =	simm.s32 $_scs_section_size  }
0x9b: {  	s6 =	simm.s32 $_size__tile_overlayer_lowered;
	s7 =	simm.s32 $_tile_overlayer_lowered  }
0x9c: {  	s22 =	simm.s32 $0x1BFF;
	s21 =	sshll.u32 s7, $0x1;
	s4 =	sadd.s32 s5, s19  }
0x9d: {  	s8 =	simm.s32 $0x0;
	s20 =	sshll.u32 s6, $0x1;
	s6 =	sadd.s32 s21, s4  }
0x9e: {  	[timem:s8], [sflag:s22] =	dma.local [hbm:s6], s20  }
0x9f: {  	_ =	swait.ge [sflag:s22], s20  }
0xa0: {  	s5 =	ssub.s32 $0x0, s20;
	[sflag:s22] =	ssyncset.done $0x0  }
0xa1: {  	[sflag:s22] =	ssyncadd.s32 s5;
	_ =	sdelay $0x1  }
0xa2: {  	s23 =	simm.s32 $0x1B8B  }
0xa3: {  	_ =	swait.ge [sflag:s23], $0x1  }
0xa4: {  	[sflag:s23] =	ssyncset.done $0x0  }
0xa5: {  	s25 =	simm.s32 $0x1B8E;
	s24 =	sld [smem:$0x3FFE];
	[sflag:s23] =	ssyncadd.s32 $0xFFFFFFFF  }
0xa6: {  	s26 =	simm.s32 $execute0_lowered;
	[smem:$0x3FD2] =	sst s25  }
0xa7: {  	s6 =	sshll.u32 s26, $0x1;
	_ =	strace $0x80000046;
	[dreg:$0x1] =	wrdreg $0xFFFFFFFF  }
0xa8: {  	s28 =	simm.s32 $_size_execute0_lowered;
	s4 =	sadd.s32 s4, s6;
	[dreg:$0x0] =	wrdreg $0x0  }
0xa9: {  	s6 =	sshll.u32 s28, $0x1;
	[dreg:$0x2] =	wrdreg s4  }
0xaa: {  	[dreg:$0x3] =	wrdreg s6  }
0xab: {  	[dreg:$0x4] =	wrdreg $0xC0  }
0xac: {  	_ =	task [dreg:s8], $0x5FFFF  }
0xad: {  	[dreg:$0x1] =	wrdreg $0xFFFFFFFF  }
0xae: {  	[dreg:$0x0] =	wrdreg $0x60  }
0xaf: {  	[dreg:$0x2] =	wrdreg s2  }
0xb0: {  	[dreg:$0x3] =	wrdreg s18  }
0xb1: {  	[dreg:$0x4] =	wrdreg s24  }
0xb2: {  	[dreg:$0x5] =	wrdreg $0x11A000  }
0xb3: {  	[dreg:$0x6] =	wrdreg $0x9  }
0xb4: {  	_ =	task.clear_ibuf [dreg:s8], $0x7FFFF;
	_ =	strace $0x90000046  }
0xb5: {  	s29 =	simm.s32 $0x9;
	_ =	strace $0x80000048  }
0xb6: {  	_ =	swait.ge [sflag:s29], $0x1  }
0xb7: {  	[sflag:s29] =	ssyncadd.s32 $0xFFFFFFFF  }
0xb8: {  	_ =	strace $0x90000048  }
0xb9: {  	_ =	sfence  }
0xba: {  	s30 =	sld [smem:$0x0];
	_ =	sdelay $0x2  }
0xbb: {  	s31 =	sshll.u32 s1, $0xD;
	s1 =	sshrl.u32 s1, $0x2  }
0xbc: {  	s3 =	sand.u32 $0x4000, s31;
	s1 =	sadd.s32 s1, s30  }
0xbd: {  	s0 =	sor.u32 s3, s0;
	s1 =	sshll.u32 s1, $0x11  }
0xbe: {  	s0 =	sor.u32 s1, s0  }
0xbf: {  	s0 =	sadd.s32 $0x8F2B, s0  }
0xc0: {  	[sflag:s0] =	ssyncadd.remote.s32 $0x1  }
0xc1: {  	_ =	sfence.sel $0xFFFF  }
0xc2: {  	[dreg:$0x0] =	wrdreg $0xFFFFFFFF;
	(pc) =	sbr.abs _section_cstart, $3  }
0xc3: {  	[dreg:$0x1] =	wrdreg $0xFFFFFFFF  }
0xc4: {  	_ =	task.clear_ibuf [dreg:s8], $0x2FFFF;
	_ =	strace $0x9FFFFFFF  }
0xc5: {  	(tm) =	ssettm $0x7FFFFFFF  }
tec
execute0_lowered:
.L_overlay_start_1:
0x0: {  	(tag) =	ssettag $0x1  }
0x1: {  	s1 =	srdreg.scid;
	s9 =	rddreg [dreg:$0x2];
	s0 =	simm.s32 $0x0  }
0x2: {  	s2 =	stileid.u32;
	s28 =	simm.s32 $0x10180;
	s29 =	simm.s32 $0x4  }
0x3: {  	s30 =	simm.s32 $0x8;
	s1 =	sand.u32 $0x1, s1;
	[smem:$0x7FF] =	sst s0  }
0x4: {  	s4 =	sadd.s32 $0x2A00, s9;
	s3 =	sshll.u32 s1, $0x4;
	s5 =	ssub.s32 $0x2, s1  }
0x5: {  	s6 =	sadd.s32 $0xA00, s9;
	s3 =	sor.u32 s2, s3;
	s7 =	sshrl.u32 s5, $0x1  }
0x6: {  	p0 =	sne.s32 s2, $0x0;
	s8 =	sshll.u32 s3, $0x4;
	s10 =	ssub.s32 s5, s7  }
0x7: {  	s26 =	sshll.u32 s3, $0x7;
	s12 =	sor.u32 $0x60, s3;
	p1 =	sgt.u32 s3, $0x5  }
0x8: {  	p2 =	sgt.u32 s3, $0x1C;
	s25 =	sadd.s32 s4, s8;
	s7 =	sor.u32 $0x1000, s26  }
0x9: {  	s11 =	sor.u32 $0x2000, s26;
	s15 =	sshll.u32 s12, $0x4;
	s8 =	sadd.s32 s6, s8  }
0xa: {  	s5 =	sor.u32 $0xC000, s26;
	[dreg:$0x5] =	wrdreg s25;
	s13 =	sshrl.u32 s7, $0x3  }
0xb: {  	s14 =	sshrl.u32 s11, $0x3;
	[dreg:$0x9] =	wrdreg s8;
	s16 =	sadd.s32 s4, s13  }
0xc: {  	p3 =	sne.s32 @!p1 s3, $0x0;
	s31 =	sadd.s32 s4, s14;
	[dreg:$0x6] =	wrdreg s16  }
0xd: {  	s3 =	sshll.u32 s3, $0xB;
	s4 =	sadd.s32 s4, s15;
	[dreg:$0x7] =	wrdreg s31  }
0xe: {  	s12 =	sshll.u32 s12, $0xB;
	s13 =	sadd.s32 s6, s13;
	[dreg:$0x8] =	wrdreg s4  }
0xf: {  	s10 =	smax.u32 s10, $0x1;
	s14 =	sadd.s32 s6, s14;
	[dreg:$0xa] =	wrdreg s13  }
0x10: {  	p3 =	por p3, p1;
	s4 =	sor.u32 $0x4000, s26;
	[dreg:$0xb] =	wrdreg s14  }
0x11: {  	s16 =	sadd.s32 s6, s15;
	s13 =	sor.u32 $0x6000, s26;
	s15 =	sor.u32 $0x9000, s26  }
0x12: {  	[dreg:$0xc] =	wrdreg s16;
	s17 =	sshrl.u32 s4, $0x3;
	s19 =	sshrl.u32 s13, $0x3  }
0x13: {  	s8 =	sadd.s32 s6, s17;
	s17 =	sor.u32 $0x7000, s26;
	s20 =	sadd.s32 s6, s19  }
0x14: {  	s19 =	sor.u32 $0xA000, s26;
	[dreg:$0xd] =	wrdreg s8;
	s8 =	sor.u32 $0x5000, s26  }
0x15: {  	[dreg:$0xf] =	wrdreg s20;
	s21 =	sshrl.u32 s17, $0x3;
	s18 =	sshrl.u32 s8, $0x3  }
0x16: {  	s24 =	sshrl.u32 s19, $0x3;
	s20 =	rddreg [dreg:$0x0];
	s14 =	sadd.s32 s6, s18  }
0x17: {  	s18 =	sshrl.u32 s15, $0x3;
	[dreg:$0xe] =	wrdreg s14;
	s14 =	sadd.s32 s6, s21  }
0x18: {  	s23 =	sadd.s32 s6, s18;
	s21 =	sor.u32 $0xB000, s26;
	[dreg:$0x10] =	wrdreg s14  }
0x19: {  	s14 =	sor.u32 $0x8000, s26;
	[dreg:$0x12] =	wrdreg s23;
	s25 =	sshrl.u32 s21, $0x3  }
0x1a: {  	s26 =	smul.u32 $0x300, s1;
	s1 =	sshll.u32 s1, $0x6;
	s18 =	sadd.s32 s6, s25  }
0x1b: {  	s22 =	sshrl.u32 s14, $0x3;
	s14 =	sshll.u32 s14, $0x4;
	[dreg:$0x14] =	wrdreg s18  }
0x1c: {  	s16 =	sadd.s32 s6, s22;
	s18 =	rddreg [dreg:$0x3];
	s22 =	sshrl.u32 s5, $0x3  }
0x1d: {  	s31 =	sadd.s32 s26, s9;
	[dreg:$0x11] =	wrdreg s16;
	s16 =	sadd.s32 s6, s24  }
0x1e: {  	s6 =	sadd.s32 s6, s22;
	s22 =	sadd.s32 s1, s9;
	[dreg:$0x13] =	wrdreg s16  }
0x1f: {  	s2 =	sadd.s32 $0x2400, s31;
	s1 =	sadd.s32 s20, s3;
	s16 =	rddreg [dreg:$0x1]  }
0x20: {  	[dreg:$0x15] =	wrdreg s6;
	s6 =	sshll.u32 s7, $0x4;
	s7 =	sshll.u32 s11, $0x4  }
0x21: {  	_ =	strace $0x80000047;
	s23 =	sadd.s32 s16, s3;
	[dreg:$0x1a] =	wrdreg s2  }
0x22: {  	s24 =	sadd.s32 s16, s6;
	s25 =	sadd.s32 s16, s7;
	[dreg:$0x1b] =	wrdreg s1  }
0x23: {  	s26 =	sadd.s32 s16, s12;
	s31 =	sadd.s32 s20, s6;
	[dreg:$0x16] =	wrdreg s23  }
0x24: {  	s2 =	sadd.s32 s20, s7;
	s3 =	sadd.s32 s20, s12;
	[dreg:$0x17] =	wrdreg s24  }
0x25: {  	s6 =	sshll.u32 s4, $0x4;
	s7 =	sshll.u32 s8, $0x4;
	[dreg:$0x18] =	wrdreg s25  }
0x26: {  	s8 =	sshll.u32 s13, $0x4;
	s13 =	sshll.u32 s17, $0x4;
	[dreg:$0x19] =	wrdreg s26  }
0x27: {  	s16 =	sshll.u32 s15, $0x4;
	s17 =	sadd.s32 s20, s14;
	[dreg:$0x1c] =	wrdreg s31  }
0x28: {  	s14 =	simm.s32 $0x8000;
	s15 =	simm.s32 $0x10100;
	[dreg:$0x1d] =	wrdreg s2  }
0x29: {  	[dreg:$0x1e] =	wrdreg s3;
	s1 =	sadd.s32 s20, s6;
	s11 =	sadd.s32 s20, s7  }
0x2a: {  	s12 =	sadd.s32 s20, s8;
	[smem:$0x7FB] =	sst s17;
	s23 =	sadd.s32 s20, s16  }
0x2b: {  	s24 =	sshll.u32 s19, $0x4;
	s25 =	sshll.u32 s21, $0x4;
	s26 =	sshll.u32 s5, $0x4  }
0x2c: {  	s7 =	sadd.s32 $0xC3000, s20;
	s8 =	sadd.s32 $0x3200, s9;
	s9 =	sadd.s32 $0x2260, s9  }
0x2d: {  	s31 =	sadd.s32 $0x3A00, s22;
	s17 =	simm.s32 $0x1;
	[dreg:$0x1f] =	wrdreg s1  }
0x2e: {  	s19 =	simm.s32 $0x5;
	s21 =	simm.s32 $0x9;
	[smem:$0x7F8] =	sst s11  }
0x2f: {  	s22 =	simm.s32 $0x2;
	[smem:$0x7F9] =	sst s12;
	s1 =	sadd.s32 s20, s13  }
.Ltmp0:
0x30: {  	[smem:$0x7FC] =	sst s23;
	s4 =	sadd.s32 s20, s24;
	(pc) =	sbr.rel .LBB2_1-.Ltmp0, $4  }
0x31: {  	s5 =	sadd.s32 s20, s25;
	s6 =	sadd.s32 s20, s26;
	[smem:$0x7FD] =	sst s31  }
0x32: {  	s11 =	simm.s32 $0x10000;
	s12 =	simm.s32 $0x4000;
	s13 =	simm.s32 $0x10080  }
0x33: {  	s20 =	simm.s32 $0x80;
	s23 =	simm.s32 $0x6;
	s24 =	simm.s32 $0x3  }
0x34: {  	s25 =	simm.s32 $0x7;
	s26 =	simm.s32 $0xC000;
	[smem:$0x7FA] =	sst s1  }
.LBB2_3:
0x35: {  	s10 =	sadd.s32 $0xFFFFFFFF, s10  }
0x36: {  	p4 =	sne.s32 s10, $0x0  }
.Ltmp1:
0x37: {  	_ = 	snop;
	(pc) =	sbr.rel @!p4 .LBB2_4-.Ltmp1, $1  }
0x38: {  	_ =	sdelay $0x3  }
.LBB2_1:
0x39: {  	s1 =	rddreg [dreg:$0x16]  }
0x3a: {  	[tilespmem:s0], [sflag:$0x1] =	stream.linear.gather [hbm4b:s1+s0], $0x4000, $0x38;
	[tilespmem:$0x11B80] =	vst v63  }
0x3b: {  	s2 =	rddreg [dreg:$0x5]  }
0x3c: {  	[tilespmem:s11], [sflag:$0x5] =	stream.linear.gather [hbm4b:s2+s0], $0x80, $0x38;
	[tilespmem:$0x11B80] =	vst v63  }
0x3d: {  	s3 =	rddreg [dreg:$0x17]  }
0x3e: {  	[tilespmem:s12], [sflag:$0x2] =	stream.linear.gather [hbm4b:s3+s0], $0x4000, $0x38;
	[tilespmem:$0x11B80] =	vst v63  }
0x3f: {  	s16 =	rddreg [dreg:$0x6]  }
0x40: {  	[tilespmem:s13], [sflag:$0x6] =	stream.linear.gather [hbm4b:s16+s0], $0x80, $0x38;
	[tilespmem:$0x11B80] =	vst v63  }
0x41: {  	s31 =	rddreg [dreg:$0x18]  }
0x42: {  	[tilespmem:s14], [sflag:$0x3] =	stream.linear.gather [hbm4b:s31+s0], $0x4000, $0x38;
	[tilespmem:$0x11B80] =	vst v63  }
0x43: {  	s2 =	rddreg [dreg:$0x7]  }
0x44: {  	[tilespmem:s15], [sflag:$0x7] =	stream.linear.gather [hbm4b:s2+s0], $0x80, $0x38;
	[tilespmem:$0x11B80] =	vst v63  }
0x45: {  	s1 =	rddreg [dreg:$0x19];
	s16 =	simm.s32 @!p2 $0xC000;
	s31 =	simm.s32 @!p2 $0x0  }
0x46: {  	[tilespmem:s16], [sflag:$0x4] =	stream.linear.gather @!p2 [hbm4b:s1+s31], $0x4000, $0x38;
	[tilespmem:$0x11B80] =	vst v63  }
0x47: {  	s2 =	rddreg [dreg:$0x8];
	s1 =	simm.s32 @!p2 $0x10180  }
0x48: {  	[tilespmem:s1], [sflag:$0x8] =	stream.linear.gather @!p2 [hbm4b:s2+s31], $0x80, $0x38;
	[tilespmem:$0x11B80] =	vst v63  }
0x49: {  	s3 =	rddreg [dreg:$0x1a];
	s31 =	sshrl.u32 @!p0 s18, $0x3;
	s2 =	simm.s32 @!p0 $0x1C09  }
0x4a: {  	[spmem:s31], [sflag:s2] =	dma.local @!p0 [hbm:s3], $0x300  }
0x4b: {  	s2 =	simm.s32 @!p0 $0x9  }
0x4c: {  	_ =	swait.ge @!p0 [sflag:s2], $0x300  }
0x4d: {  	[sflag:s2] =	ssyncset.done @!p0 $0x0  }
0x4e: {  	[sflag:s2] =	ssyncadd.s32 @!p0 $0xFFFFFD00  }
0x4f: {  	[bflag:$0x0] =	sbarrier.arrive $0xFFFF  }
0x50: {  	_ =	swait.ge [sflag:s17], $0x4000  }
0x51: {  	[sflag:s17] =	ssyncset.done $0x0  }
0x52: {  	[sflag:s17] =	ssyncadd.s32 $0xFFFFC000  }
0x53: {  	_ =	swait.ge [sflag:s19], $0x80  }
0x54: {  	[sflag:s19] =	ssyncset.done $0x0  }
0x55: {  	[sflag:s19] =	ssyncadd.s32 $0xFFFFFF80  }
0x56: {  	[spmem:s18] =	stream.indirect.scatter.add.f32 [tilespmem:s0], [sflag:$0x9], $0x80, s11, s20, $0xb8;
	[tilespmem:$0x11B80] =	vst v63  }
0x57: {  	_ =	swait.ge [sflag:s21], $0x4000  }
0x58: {  	[sflag:s21] =	ssyncset.done $0x0  }
0x59: {  	s3 =	rddreg [dreg:$0x1b];
	[sflag:s21] =	ssyncadd.s32 $0xFFFFC000  }
0x5a: {  	[tilespmem:s0], [sflag:$0x1] =	stream.linear.gather [hbm4b:s3+s0], $0x4000, $0x38;
	[tilespmem:$0x11B80] =	vst v63  }
0x5b: {  	s31 =	rddreg [dreg:$0x9]  }
0x5c: {  	[tilespmem:s11], [sflag:$0x5] =	stream.linear.gather [hbm4b:s31+s0], $0x80, $0x38;
	[tilespmem:$0x11B80] =	vst v63  }
0x5d: {  	_ =	swait.ge [sflag:s22], $0x4000  }
0x5e: {  	[sflag:s22] =	ssyncset.done $0x0  }
0x5f: {  	[sflag:s22] =	ssyncadd.s32 $0xFFFFC000  }
0x60: {  	_ =	swait.ge [sflag:s23], $0x80  }
0x61: {  	[sflag:s23] =	ssyncset.done $0x0  }
0x62: {  	[sflag:s23] =	ssyncadd.s32 $0xFFFFFF80  }
0x63: {  	[spmem:s18] =	stream.indirect.scatter.add.f32 [tilespmem:s12], [sflag:$0x9], $0x80, s13, s20, $0xb8;
	[tilespmem:$0x11B80] =	vst v63  }
0x64: {  	_ =	swait.ge [sflag:s21], $0x4000  }
0x65: {  	[sflag:s21] =	ssyncset.done $0x0  }
0x66: {  	s3 =	rddreg [dreg:$0x1c];
	[sflag:s21] =	ssyncadd.s32 $0xFFFFC000  }
0x67: {  	[tilespmem:s12], [sflag:$0x2] =	stream.linear.gather [hbm4b:s3+s0], $0x4000, $0x38;
	[tilespmem:$0x11B80] =	vst v63  }
0x68: {  	s31 =	rddreg [dreg:$0xa]  }
0x69: {  	[tilespmem:s13], [sflag:$0x6] =	stream.linear.gather [hbm4b:s31+s0], $0x80, $0x38;
	[tilespmem:$0x11B80] =	vst v63  }
0x6a: {  	_ =	swait.ge [sflag:s24], $0x4000  }
0x6b: {  	[sflag:s24] =	ssyncset.done $0x0  }
0x6c: {  	[sflag:s24] =	ssyncadd.s32 $0xFFFFC000  }
0x6d: {  	_ =	swait.ge [sflag:s25], $0x80  }
0x6e: {  	[sflag:s25] =	ssyncset.done $0x0  }
0x6f: {  	[sflag:s25] =	ssyncadd.s32 $0xFFFFFF80  }
0x70: {  	[spmem:s18] =	stream.indirect.scatter.add.f32 [tilespmem:s14], [sflag:$0x9], $0x80, s15, s20, $0xb8;
	[tilespmem:$0x11B80] =	vst v63  }
0x71: {  	_ =	swait.ge [sflag:s21], $0x4000  }
0x72: {  	[sflag:s21] =	ssyncset.done $0x0  }
0x73: {  	s3 =	rddreg [dreg:$0x1d];
	[sflag:s21] =	ssyncadd.s32 $0xFFFFC000  }
0x74: {  	[tilespmem:s14], [sflag:$0x3] =	stream.linear.gather [hbm4b:s3+s0], $0x4000, $0x38;
	[tilespmem:$0x11B80] =	vst v63  }
0x75: {  	s2 =	simm.s32 @!p2 $0x4;
	s31 =	rddreg [dreg:$0xb]  }
0x76: {  	[tilespmem:s15], [sflag:$0x7] =	stream.linear.gather [hbm4b:s31+s0], $0x80, $0x38;
	[tilespmem:$0x11B80] =	vst v63  }
0x77: {  	_ =	swait.ge @!p2 [sflag:s2], $0x4000  }
0x78: {  	[sflag:s2] =	ssyncset.done @!p2 $0x0  }
0x79: {  	[sflag:s2] =	ssyncadd.s32 @!p2 $0xFFFFC000;
	s2 =	simm.s32 @!p2 $0x8  }
0x7a: {  	_ =	swait.ge @!p2 [sflag:s2], $0x80  }
0x7b: {  	[sflag:s2] =	ssyncset.done @!p2 $0x0  }
0x7c: {  	[sflag:s2] =	ssyncadd.s32 @!p2 $0xFFFFFF80;
	s2 =	simm.s32 @!p2 $0x80  }
0x7d: {  	[spmem:s18] =	stream.indirect.scatter.add.f32 @!p2 [tilespmem:s16], [sflag:$0x9], $0x80, s1, s2, $0xb8;
	[tilespmem:$0x11B80] =	vst v63  }
0x7e: {  	s1 =	simm.s32 @!p2 $0x9  }
0x7f: {  	_ =	swait.ge @!p2 [sflag:s1], $0x4000  }
0x80: {  	[sflag:s1] =	ssyncset.done @!p2 $0x0  }
0x81: {  	s2 =	rddreg [dreg:$0x1e];
	[sflag:s1] =	ssyncadd.s32 @!p2 $0xFFFFC000  }
0x82: {  	[tilespmem:s26], [sflag:$0x4] =	stream.linear.gather [hbm4b:s2+s0], $0x4000, $0x38;
	[tilespmem:$0x11B80] =	vst v63  }
0x83: {  	s3 =	rddreg [dreg:$0xc]  }
0x84: {  	[tilespmem:s28], [sflag:$0x8] =	stream.linear.gather [hbm4b:s3+s0], $0x80, $0x38;
	[tilespmem:$0x11B80] =	vst v63  }
0x85: {  	_ =	swait.ge [sflag:s17], $0x4000  }
0x86: {  	[sflag:s17] =	ssyncset.done $0x0  }
0x87: {  	[sflag:s17] =	ssyncadd.s32 $0xFFFFC000  }
0x88: {  	_ =	swait.ge [sflag:s19], $0x80  }
0x89: {  	[sflag:s19] =	ssyncset.done $0x0  }
0x8a: {  	[sflag:s19] =	ssyncadd.s32 $0xFFFFFF80  }
0x8b: {  	[spmem:s18] =	stream.indirect.scatter.add.f32 [tilespmem:s0], [sflag:$0x9], $0x80, s11, s20, $0xb8;
	[tilespmem:$0x11B80] =	vst v63  }
0x8c: {  	_ =	swait.ge [sflag:s21], $0x4000  }
0x8d: {  	[sflag:s21] =	ssyncset.done $0x0  }
0x8e: {  	s16 =	rddreg [dreg:$0x1f];
	[sflag:s21] =	ssyncadd.s32 $0xFFFFC000  }
0x8f: {  	[tilespmem:s0], [sflag:$0x1] =	stream.linear.gather [hbm4b:s16+s0], $0x4000, $0x38;
	[tilespmem:$0x11B80] =	vst v63  }
0x90: {  	s31 =	rddreg [dreg:$0xd]  }
0x91: {  	[tilespmem:s11], [sflag:$0x5] =	stream.linear.gather [hbm4b:s31+s0], $0x80, $0x38;
	[tilespmem:$0x11B80] =	vst v63  }
0x92: {  	_ =	swait.ge [sflag:s22], $0x4000  }
0x93: {  	[sflag:s22] =	ssyncset.done $0x0  }
0x94: {  	[sflag:s22] =	ssyncadd.s32 $0xFFFFC000  }
0x95: {  	_ =	swait.ge [sflag:s23], $0x80  }
0x96: {  	[sflag:s23] =	ssyncset.done $0x0  }
0x97: {  	[sflag:s23] =	ssyncadd.s32 $0xFFFFFF80  }
0x98: {  	[spmem:s18] =	stream.indirect.scatter.add.f32 [tilespmem:s12], [sflag:$0x9], $0x80, s13, s20, $0xb8;
	[tilespmem:$0x11B80] =	vst v63  }
0x99: {  	_ =	swait.ge [sflag:s21], $0x4000  }
0x9a: {  	s2 =	sld [smem:$0x7F8]  }
0x9b: {  	[sflag:s21] =	ssyncset.done $0x0  }
0x9c: {  	[sflag:s21] =	ssyncadd.s32 $0xFFFFC000  }
0x9d: {  	[tilespmem:s12], [sflag:$0x2] =	stream.linear.gather [hbm4b:s2+s0], $0x4000, $0x38;
	[tilespmem:$0x11B80] =	vst v63  }
0x9e: {  	s3 =	rddreg [dreg:$0xe]  }
0x9f: {  	[tilespmem:s13], [sflag:$0x6] =	stream.linear.gather [hbm4b:s3+s0], $0x80, $0x38;
	[tilespmem:$0x11B80] =	vst v63  }
0xa0: {  	_ =	swait.ge [sflag:s24], $0x4000  }
0xa1: {  	[sflag:s24] =	ssyncset.done $0x0  }
0xa2: {  	[sflag:s24] =	ssyncadd.s32 $0xFFFFC000  }
0xa3: {  	_ =	swait.ge [sflag:s25], $0x80  }
0xa4: {  	[sflag:s25] =	ssyncset.done $0x0  }
0xa5: {  	[sflag:s25] =	ssyncadd.s32 $0xFFFFFF80  }
0xa6: {  	[spmem:s18] =	stream.indirect.scatter.add.f32 [tilespmem:s14], [sflag:$0x9], $0x80, s15, s20, $0xb8;
	[tilespmem:$0x11B80] =	vst v63  }
0xa7: {  	_ =	swait.ge [sflag:s21], $0x4000  }
0xa8: {  	s16 =	sld [smem:$0x7F9]  }
0xa9: {  	[sflag:s21] =	ssyncset.done $0x0  }
0xaa: {  	[sflag:s21] =	ssyncadd.s32 $0xFFFFC000  }
0xab: {  	[tilespmem:s14], [sflag:$0x3] =	stream.linear.gather [hbm4b:s16+s0], $0x4000, $0x38;
	[tilespmem:$0x11B80] =	vst v63  }
0xac: {  	s31 =	rddreg [dreg:$0xf]  }
0xad: {  	[tilespmem:s15], [sflag:$0x7] =	stream.linear.gather [hbm4b:s31+s0], $0x80, $0x38;
	[tilespmem:$0x11B80] =	vst v63  }
0xae: {  	_ =	swait.ge [sflag:s29], $0x4000  }
0xaf: {  	[sflag:s29] =	ssyncset.done $0x0  }
0xb0: {  	[sflag:s29] =	ssyncadd.s32 $0xFFFFC000  }
0xb1: {  	_ =	swait.ge [sflag:s30], $0x80  }
0xb2: {  	[sflag:s30] =	ssyncset.done $0x0  }
0xb3: {  	[sflag:s30] =	ssyncadd.s32 $0xFFFFFF80  }
0xb4: {  	[spmem:s18] =	stream.indirect.scatter.add.f32 [tilespmem:s26], [sflag:$0x9], $0x80, s28, s20, $0xb8;
	[tilespmem:$0x11B80] =	vst v63  }
0xb5: {  	_ =	swait.ge [sflag:s21], $0x4000  }
0xb6: {  	s2 =	sld [smem:$0x7FA]  }
0xb7: {  	[sflag:s21] =	ssyncset.done $0x0  }
0xb8: {  	[sflag:s21] =	ssyncadd.s32 $0xFFFFC000  }
0xb9: {  	[tilespmem:s26], [sflag:$0x4] =	stream.linear.gather [hbm4b:s2+s0], $0x4000, $0x38;
	[tilespmem:$0x11B80] =	vst v63  }
0xba: {  	s3 =	rddreg [dreg:$0x10]  }
0xbb: {  	[tilespmem:s28], [sflag:$0x8] =	stream.linear.gather [hbm4b:s3+s0], $0x80, $0x38;
	[tilespmem:$0x11B80] =	vst v63  }
0xbc: {  	_ =	swait.ge [sflag:s17], $0x4000  }
0xbd: {  	[sflag:s17] =	ssyncset.done $0x0  }
0xbe: {  	[sflag:s17] =	ssyncadd.s32 $0xFFFFC000  }
0xbf: {  	_ =	swait.ge [sflag:s19], $0x80  }
0xc0: {  	[sflag:s19] =	ssyncset.done $0x0  }
0xc1: {  	[sflag:s19] =	ssyncadd.s32 $0xFFFFFF80  }
0xc2: {  	[spmem:s18] =	stream.indirect.scatter.add.f32 [tilespmem:s0], [sflag:$0x9], $0x80, s11, s20, $0xb8;
	[tilespmem:$0x11B80] =	vst v63  }
0xc3: {  	_ =	swait.ge [sflag:s21], $0x4000  }
0xc4: {  	s16 =	sld [smem:$0x7FB]  }
0xc5: {  	[sflag:s21] =	ssyncset.done $0x0  }
0xc6: {  	[sflag:s21] =	ssyncadd.s32 $0xFFFFC000  }
0xc7: {  	[tilespmem:s0], [sflag:$0x1] =	stream.linear.gather [hbm4b:s16+s0], $0x4000, $0x38;
	[tilespmem:$0x11B80] =	vst v63  }
0xc8: {  	s31 =	rddreg [dreg:$0x11]  }
0xc9: {  	[tilespmem:s11], [sflag:$0x5] =	stream.linear.gather [hbm4b:s31+s0], $0x80, $0x38;
	[tilespmem:$0x11B80] =	vst v63  }
0xca: {  	_ =	swait.ge [sflag:s22], $0x4000  }
0xcb: {  	[sflag:s22] =	ssyncset.done $0x0  }
0xcc: {  	[sflag:s22] =	ssyncadd.s32 $0xFFFFC000  }
0xcd: {  	_ =	swait.ge [sflag:s23], $0x80  }
0xce: {  	[sflag:s23] =	ssyncset.done $0x0  }
0xcf: {  	[sflag:s23] =	ssyncadd.s32 $0xFFFFFF80  }
0xd0: {  	[spmem:s18] =	stream.indirect.scatter.add.f32 [tilespmem:s12], [sflag:$0x9], $0x80, s13, s20, $0xb8;
	[tilespmem:$0x11B80] =	vst v63  }
0xd1: {  	_ =	swait.ge [sflag:s21], $0x4000  }
0xd2: {  	s2 =	sld [smem:$0x7FC]  }
0xd3: {  	[sflag:s21] =	ssyncset.done $0x0  }
0xd4: {  	[sflag:s21] =	ssyncadd.s32 $0xFFFFC000  }
0xd5: {  	[tilespmem:s12], [sflag:$0x2] =	stream.linear.gather [hbm4b:s2+s0], $0x4000, $0x38;
	[tilespmem:$0x11B80] =	vst v63  }
0xd6: {  	s3 =	rddreg [dreg:$0x12]  }
0xd7: {  	[tilespmem:s13], [sflag:$0x6] =	stream.linear.gather [hbm4b:s3+s0], $0x80, $0x38;
	[tilespmem:$0x11B80] =	vst v63  }
0xd8: {  	_ =	swait.ge [sflag:s24], $0x4000  }
0xd9: {  	[sflag:s24] =	ssyncset.done $0x0  }
0xda: {  	[sflag:s24] =	ssyncadd.s32 $0xFFFFC000  }
0xdb: {  	_ =	swait.ge [sflag:s25], $0x80  }
0xdc: {  	[sflag:s25] =	ssyncset.done $0x0  }
0xdd: {  	[sflag:s25] =	ssyncadd.s32 $0xFFFFFF80  }
0xde: {  	[spmem:s18] =	stream.indirect.scatter.add.f32 [tilespmem:s14], [sflag:$0x9], $0x80, s15, s20, $0xb8;
	[tilespmem:$0x11B80] =	vst v63  }
0xdf: {  	_ =	swait.ge [sflag:s21], $0x4000  }
0xe0: {  	[sflag:s21] =	ssyncset.done $0x0  }
0xe1: {  	[sflag:s21] =	ssyncadd.s32 $0xFFFFC000  }
0xe2: {  	[tilespmem:s14], [sflag:$0x3] =	stream.linear.gather [hbm4b:s4+s0], $0x4000, $0x38;
	[tilespmem:$0x11B80] =	vst v63  }
0xe3: {  	s16 =	rddreg [dreg:$0x13]  }
0xe4: {  	[tilespmem:s15], [sflag:$0x7] =	stream.linear.gather [hbm4b:s16+s0], $0x80, $0x38;
	[tilespmem:$0x11B80] =	vst v63  }
0xe5: {  	_ =	swait.ge [sflag:s29], $0x4000  }
0xe6: {  	[sflag:s29] =	ssyncset.done $0x0  }
0xe7: {  	[sflag:s29] =	ssyncadd.s32 $0xFFFFC000  }
0xe8: {  	_ =	swait.ge [sflag:s30], $0x80  }
0xe9: {  	[sflag:s30] =	ssyncset.done $0x0  }
0xea: {  	[sflag:s30] =	ssyncadd.s32 $0xFFFFFF80  }
0xeb: {  	[spmem:s18] =	stream.indirect.scatter.add.f32 [tilespmem:s26], [sflag:$0x9], $0x80, s28, s20, $0xb8;
	[tilespmem:$0x11B80] =	vst v63  }
0xec: {  	_ =	swait.ge [sflag:s21], $0x4000  }
0xed: {  	[sflag:s21] =	ssyncset.done $0x0  }
0xee: {  	[sflag:s21] =	ssyncadd.s32 $0xFFFFC000  }
0xef: {  	[tilespmem:s26], [sflag:$0x4] =	stream.linear.gather [hbm4b:s5+s0], $0x4000, $0x38;
	[tilespmem:$0x11B80] =	vst v63  }
0xf0: {  	s31 =	rddreg [dreg:$0x14]  }
0xf1: {  	[tilespmem:s28], [sflag:$0x8] =	stream.linear.gather [hbm4b:s31+s0], $0x80, $0x38;
	[tilespmem:$0x11B80] =	vst v63  }
0xf2: {  	_ =	swait.ge [sflag:s17], $0x4000  }
0xf3: {  	[sflag:s17] =	ssyncset.done $0x0  }
0xf4: {  	[sflag:s17] =	ssyncadd.s32 $0xFFFFC000  }
0xf5: {  	_ =	swait.ge [sflag:s19], $0x80  }
0xf6: {  	[sflag:s19] =	ssyncset.done $0x0  }
0xf7: {  	[sflag:s19] =	ssyncadd.s32 $0xFFFFFF80  }
0xf8: {  	[spmem:s18] =	stream.indirect.scatter.add.f32 [tilespmem:s0], [sflag:$0x9], $0x80, s11, s20, $0xb8;
	[tilespmem:$0x11B80] =	vst v63  }
0xf9: {  	_ =	swait.ge [sflag:s21], $0x4000  }
0xfa: {  	[sflag:s21] =	ssyncset.done $0x0  }
0xfb: {  	s1 =	simm.s32 @!p1 $0x0;
	[sflag:s21] =	ssyncadd.s32 $0xFFFFC000  }
0xfc: {  	[tilespmem:s1], [sflag:$0x1] =	stream.linear.gather @!p1 [hbm4b:s6+s1], $0x4000, $0x38;
	[tilespmem:$0x11B80] =	vst v63  }
0xfd: {  	s2 =	simm.s32 @!p1 $0x10000;
	s16 =	rddreg [dreg:$0x15]  }
0xfe: {  	[tilespmem:s2], [sflag:$0x5] =	stream.linear.gather @!p1 [hbm4b:s16+s1], $0x80, $0x38;
	[tilespmem:$0x11B80] =	vst v63  }
0xff: {  	_ =	swait.ge [sflag:s22], $0x4000  }
0x100: {  	[sflag:s22] =	ssyncset.done $0x0  }
0x101: {  	[sflag:s22] =	ssyncadd.s32 $0xFFFFC000  }
0x102: {  	_ =	swait.ge [sflag:s23], $0x80  }
0x103: {  	[sflag:s23] =	ssyncset.done $0x0  }
0x104: {  	[sflag:s23] =	ssyncadd.s32 $0xFFFFFF80  }
0x105: {  	[spmem:s18] =	stream.indirect.scatter.add.f32 [tilespmem:s12], [sflag:$0x9], $0x80, s13, s20, $0xb8;
	[tilespmem:$0x11B80] =	vst v63  }
0x106: {  	_ =	swait.ge [sflag:s21], $0x4000  }
0x107: {  	[sflag:s21] =	ssyncset.done $0x0  }
0x108: {  	[sflag:s21] =	ssyncadd.s32 $0xFFFFC000  }
0x109: {  	_ =	swait.ge [sflag:s24], $0x4000  }
0x10a: {  	[sflag:s24] =	ssyncset.done $0x0  }
0x10b: {  	[sflag:s24] =	ssyncadd.s32 $0xFFFFC000  }
0x10c: {  	_ =	swait.ge [sflag:s25], $0x80  }
0x10d: {  	[sflag:s25] =	ssyncset.done $0x0  }
0x10e: {  	[sflag:s25] =	ssyncadd.s32 $0xFFFFFF80  }
0x10f: {  	[spmem:s18] =	stream.indirect.scatter.add.f32 [tilespmem:s14], [sflag:$0x9], $0x80, s15, s20, $0xb8;
	[tilespmem:$0x11B80] =	vst v63  }
0x110: {  	_ =	swait.ge [sflag:s21], $0x4000  }
0x111: {  	[sflag:s21] =	ssyncset.done $0x0  }
0x112: {  	[sflag:s21] =	ssyncadd.s32 $0xFFFFC000  }
0x113: {  	_ =	swait.ge [sflag:s29], $0x4000  }
0x114: {  	[sflag:s29] =	ssyncset.done $0x0  }
0x115: {  	[sflag:s29] =	ssyncadd.s32 $0xFFFFC000  }
0x116: {  	_ =	swait.ge [sflag:s30], $0x80  }
0x117: {  	[sflag:s30] =	ssyncset.done $0x0  }
0x118: {  	[sflag:s30] =	ssyncadd.s32 $0xFFFFFF80  }
0x119: {  	[spmem:s18] =	stream.indirect.scatter.add.f32 [tilespmem:s26], [sflag:$0x9], $0x80, s28, s20, $0xb8;
	[tilespmem:$0x11B80] =	vst v63  }
0x11a: {  	_ =	swait.ge [sflag:s21], $0x4000  }
0x11b: {  	[sflag:s21] =	ssyncset.done $0x0  }
0x11c: {  	s16 =	simm.s32 @!p1 $0x1;
	[sflag:s21] =	ssyncadd.s32 $0xFFFFC000  }
0x11d: {  	_ =	swait.ge @!p1 [sflag:s16], $0x4000  }
0x11e: {  	[sflag:s16] =	ssyncset.done @!p1 $0x0  }
0x11f: {  	[sflag:s16] =	ssyncadd.s32 @!p1 $0xFFFFC000;
	s16 =	simm.s32 @!p1 $0x5  }
0x120: {  	_ =	swait.ge @!p1 [sflag:s16], $0x80  }
0x121: {  	[sflag:s16] =	ssyncset.done @!p1 $0x0  }
0x122: {  	[sflag:s16] =	ssyncadd.s32 @!p1 $0xFFFFFF80;
	s16 =	simm.s32 @!p1 $0x80  }
0x123: {  	[spmem:s18] =	stream.indirect.scatter.add.f32 @!p1 [tilespmem:s1], [sflag:$0x9], $0x80, s2, s16, $0xb8;
	[tilespmem:$0x11B80] =	vst v63  }
0x124: {  	s1 =	simm.s32 @!p1 $0x9  }
0x125: {  	_ =	swait.ge @!p1 [sflag:s1], $0x4000  }
0x126: {  	[sflag:s1] =	ssyncset.done @!p1 $0x0  }
0x127: {  	s2 =	simm.s32 @!p3 $0x4000;
	[sflag:s1] =	ssyncadd.s32 @!p1 $0xFFFFC000;
	s1 =	simm.s32 @!p3 $0x0  }
0x128: {  	[tilespmem:s2], [sflag:$0x1] =	stream.linear.gather @!p3 [hbm4b:s7+s1], $0x2800, $0x38;
	[tilespmem:$0x11B80] =	vst v63  }
0x129: {  	s16 =	simm.s32 @!p3 $0x6800  }
0x12a: {  	[tilespmem:s16], [sflag:$0x2] =	stream.linear.gather @!p3 [hbm4b:s8+s1], $0x1800, $0x38;
	[tilespmem:$0x11B80] =	vst v63  }
0x12b: {  	s16 =	simm.s32 @!p3 $0x10080  }
0x12c: {  	[tilespmem:s16], [sflag:$0x5] =	stream.linear.gather @!p3 [hbm4b:s9+s1], $0x80, $0x38;
	[tilespmem:$0x11B80] =	vst v63  }
0x12d: {  	s1 =	simm.s32 @!p3 $0x1  }
0x12e: {  	_ =	swait.ge @!p3 [sflag:s1], $0x2800  }
0x12f: {  	[sflag:s1] =	ssyncset.done @!p3 $0x0  }
0x130: {  	[sflag:s1] =	ssyncadd.s32 @!p3 $0xFFFFD800;
	s1 =	simm.s32 @!p3 $0x2  }
0x131: {  	_ =	swait.ge @!p3 [sflag:s1], $0x1800  }
0x132: {  	[sflag:s1] =	ssyncset.done @!p3 $0x0  }
0x133: {  	[sflag:s1] =	ssyncadd.s32 @!p3 $0xFFFFE800;
	s1 =	simm.s32 @!p3 $0x5  }
0x134: {  	_ =	swait.ge @!p3 [sflag:s1], $0x80  }
0x135: {  	[sflag:s1] =	ssyncset.done @!p3 $0x0  }
0x136: {  	[sflag:s1] =	ssyncadd.s32 @!p3 $0xFFFFFF80;
	s1 =	simm.s32 @!p3 $0x80  }
0x137: {  	[spmem:s18] =	stream.indirect.scatter.add.f32 @!p3 [tilespmem:s2], [sflag:$0x9], $0x80, s16, s1, $0xb8;
	[tilespmem:$0x11B80] =	vst v63  }
0x138: {  	s1 =	simm.s32 @!p3 $0x9  }
.Ltmp2:
0x139: {  	_ =	swait.ge @!p3 [sflag:s1], $0x4000;
	(pc) =	sbr.rel @p0 .LBB2_3-.Ltmp2, $3  }
0x13a: {  	[sflag:s1] =	ssyncset.done @!p3 $0x0  }
0x13b: {  	[sflag:s1] =	ssyncadd.s32 @!p3 $0xFFFFC000  }
0x13c: {  	[bflag:$0x0] =	sbarrier.arrive $0xFFFF;
	_ =	sdelay $0x1  }
0x13d: {  	s2 =	simm.s32 $0x10200  }
0x13e: {  	[tilespmem:s2], [sflag:$0x9] =	stream.linear.gather [spmem:s18], $0x1800, $0x38;
	[tilespmem:$0x11B80] =	vst v63  }
0x13f: {  	_ =	swait.ge [sflag:s21], $0x1800  }
0x140: {  	[sflag:s21] =	ssyncset.done $0x0  }
0x141: {  	[sflag:s21] =	ssyncadd.s32 $0xFFFFE800  }
0x142: {  	v62 =	vld [tilespmem:$0x11610];
	_ =	sdelay $0x4  }
0x143: {  	[tilespmem:$0x1F3B0] =	vst v62;
	v62 =	vld [tilespmem:$0x10A10];
	_ =	sdelay $0x4  }
0x144: {  	[tilespmem:$0x1F3C0] =	vst v62;
	v62 =	vld [tilespmem:$0x10A90];
	_ =	sdelay $0x4  }
0x145: {  	[tilespmem:$0x1F3D0] =	vst v62;
	v62 =	vld [tilespmem:$0x11690];
	_ =	sdelay $0x4  }
0x146: {  	[tilespmem:$0x1F3F0] =	vst v62;
	v62 =	vld [tilespmem:$0x10B10];
	_ =	sdelay $0x4  }
0x147: {  	[tilespmem:$0x1F400] =	vst v62;
	v62 =	vld [tilespmem:$0x10B90];
	_ =	sdelay $0x4  }
0x148: {  	[tilespmem:$0x1F410] =	vst v62;
	v62 =	vld [tilespmem:$0x11710];
	_ =	sdelay $0x4  }
0x149: {  	[tilespmem:$0x1F430] =	vst v62;
	v62 =	vld [tilespmem:$0x10C10];
	_ =	sdelay $0x4  }
0x14a: {  	[tilespmem:$0x1F440] =	vst v62;
	v62 =	vld [tilespmem:$0x10C90];
	_ =	sdelay $0x4  }
0x14b: {  	[tilespmem:$0x1F450] =	vst v62;
	v62 =	vld [tilespmem:$0x11790];
	_ =	sdelay $0x4  }
0x14c: {  	[tilespmem:$0x1F470] =	vst v62;
	v62 =	vld [tilespmem:$0x10D10];
	_ =	sdelay $0x4  }
0x14d: {  	[tilespmem:$0x1F480] =	vst v62;
	v62 =	vld [tilespmem:$0x10D90];
	_ =	sdelay $0x4  }
0x14e: {  	[tilespmem:$0x1F490] =	vst v62;
	v62 =	vld [tilespmem:$0x11810];
	_ =	sdelay $0x4  }
0x14f: {  	[tilespmem:$0x1F4A0] =	vst v62;
	v62 =	vld [tilespmem:$0x10E10];
	_ =	sdelay $0x4  }
0x150: {  	[tilespmem:$0x1F4C0] =	vst v62;
	v62 =	vld [tilespmem:$0x10E90];
	_ =	sdelay $0x4  }
0x151: {  	[tilespmem:$0x1F520] =	vst v62;
	v62 =	vld [tilespmem:$0x11890];
	_ =	sdelay $0x4  }
0x152: {  	[tilespmem:$0x1F560] =	vst v62;
	v62 =	vld [tilespmem:$0x10F10];
	_ =	sdelay $0x4  }
0x153: {  	[tilespmem:$0x1F5A0] =	vst v62;
	v62 =	vld [tilespmem:$0x10F90];
	_ =	sdelay $0x4  }
0x154: {  	[tilespmem:$0x1F5E0] =	vst v62;
	v62 =	vld [tilespmem:$0x11910];
	_ =	sdelay $0x4  }
0x155: {  	[tilespmem:$0x1F620] =	vst v62;
	v62 =	vld [tilespmem:$0x11010];
	_ =	sdelay $0x4  }
0x156: {  	[tilespmem:$0x1F660] =	vst v62;
	v62 =	vld [tilespmem:$0x11090];
	_ =	sdelay $0x4  }
0x157: {  	[tilespmem:$0x1F6A0] =	vst v62;
	v62 =	vld [tilespmem:$0x11990];
	_ =	sdelay $0x4  }
0x158: {  	[tilespmem:$0x1F6E0] =	vst v62;
	v62 =	vld [tilespmem:$0x11110];
	_ =	sdelay $0x4  }
0x159: {  	[tilespmem:$0x1F720] =	vst v62;
	v62 =	vld [tilespmem:$0x11190];
	_ =	sdelay $0x4  }
0x15a: {  	[tilespmem:$0x1F760] =	vst v62;
	v62 =	vld [tilespmem:$0x11220];
	_ =	sdelay $0x4  }
0x15b: {  	[tilespmem:$0x1F4B0] =	vst v62;
	v62 =	vld [tilespmem:$0x10220];
	_ =	sdelay $0x4  }
0x15c: {  	[tilespmem:$0x1F4D0] =	vst v62;
	v62 =	vld [tilespmem:$0x102A0];
	_ =	sdelay $0x4  }
0x15d: {  	[tilespmem:$0x1F4F0] =	vst v62;
	v62 =	vld [tilespmem:$0x10320];
	_ =	sdelay $0x4  }
0x15e: {  	[tilespmem:$0x1F4E0] =	vst v62;
	v62 =	vld [tilespmem:$0x103A0];
	_ =	sdelay $0x4  }
0x15f: {  	[tilespmem:$0x1F500] =	vst v62;
	v62 =	vld [tilespmem:$0x11320];
	_ =	sdelay $0x4  }
0x160: {  	[tilespmem:$0x1F510] =	vst v62;
	v62 =	vld [tilespmem:$0x10420];
	_ =	sdelay $0x4  }
0x161: {  	[tilespmem:$0x1F530] =	vst v62;
	v62 =	vld [tilespmem:$0x104A0];
	_ =	sdelay $0x4  }
0x162: {  	[tilespmem:$0x1F540] =	vst v62;
	v62 =	vld [tilespmem:$0x113A0];
	_ =	sdelay $0x4  }
0x163: {  	[tilespmem:$0x1F550] =	vst v62;
	v62 =	vld [tilespmem:$0x10520];
	_ =	sdelay $0x4  }
0x164: {  	[tilespmem:$0x1F570] =	vst v62;
	v62 =	vld [tilespmem:$0x105A0];
	_ =	sdelay $0x4  }
0x165: {  	[tilespmem:$0x1F580] =	vst v62;
	v62 =	vld [tilespmem:$0x11420];
	_ =	sdelay $0x4  }
0x166: {  	[tilespmem:$0x1F590] =	vst v62;
	v62 =	vld [tilespmem:$0x10620];
	_ =	sdelay $0x4  }
0x167: {  	[tilespmem:$0x1F5B0] =	vst v62;
	v62 =	vld [tilespmem:$0x106A0];
	_ =	sdelay $0x4  }
0x168: {  	[tilespmem:$0x1F5C0] =	vst v62;
	v62 =	vld [tilespmem:$0x114A0];
	_ =	sdelay $0x4  }
0x169: {  	[tilespmem:$0x1F5D0] =	vst v62;
	v62 =	vld [tilespmem:$0x10720];
	_ =	sdelay $0x4  }
0x16a: {  	[tilespmem:$0x1F5F0] =	vst v62;
	v62 =	vld [tilespmem:$0x107A0];
	_ =	sdelay $0x4  }
0x16b: {  	[tilespmem:$0x1F600] =	vst v62;
	v62 =	vld [tilespmem:$0x11520];
	_ =	sdelay $0x4  }
0x16c: {  	[tilespmem:$0x1F610] =	vst v62;
	v62 =	vld [tilespmem:$0x10820];
	_ =	sdelay $0x4  }
0x16d: {  	[tilespmem:$0x1F630] =	vst v62;
	v62 =	vld [tilespmem:$0x108A0];
	_ =	sdelay $0x4  }
0x16e: {  	[tilespmem:$0x1F640] =	vst v62;
	v62 =	vld [tilespmem:$0x115A0];
	_ =	sdelay $0x4  }
0x16f: {  	[tilespmem:$0x1F650] =	vst v62;
	v62 =	vld [tilespmem:$0x10920];
	_ =	sdelay $0x4  }
0x170: {  	[tilespmem:$0x1F670] =	vst v62;
	v62 =	vld [tilespmem:$0x109A0];
	_ =	sdelay $0x4  }
0x171: {  	[tilespmem:$0x1F680] =	vst v62;
	v62 =	vld [tilespmem:$0x11620];
	_ =	sdelay $0x4  }
0x172: {  	[tilespmem:$0x1F690] =	vst v62;
	v62 =	vld [tilespmem:$0x10A20];
	_ =	sdelay $0x4  }
0x173: {  	[tilespmem:$0x1F6B0] =	vst v62;
	v62 =	vld [tilespmem:$0x10AA0];
	_ =	sdelay $0x4  }
0x174: {  	[tilespmem:$0x1F6C0] =	vst v62;
	v62 =	vld [tilespmem:$0x116A0];
	_ =	sdelay $0x4  }
0x175: {  	[tilespmem:$0x1F6D0] =	vst v62;
	v62 =	vld [tilespmem:$0x10B20];
	_ =	sdelay $0x4  }
0x176: {  	[tilespmem:$0x1F6F0] =	vst v62;
	v62 =	vld [tilespmem:$0x10BA0];
	_ =	sdelay $0x4  }
0x177: {  	[tilespmem:$0x1F700] =	vst v62;
	v62 =	vld [tilespmem:$0x11720];
	_ =	sdelay $0x4  }
0x178: {  	[tilespmem:$0x1F710] =	vst v62;
	v62 =	vld [tilespmem:$0x10C20];
	_ =	sdelay $0x4  }
0x179: {  	[tilespmem:$0x1F730] =	vst v62;
	v62 =	vld [tilespmem:$0x10CA0];
	_ =	sdelay $0x4  }
0x17a: {  	[tilespmem:$0x1F740] =	vst v62;
	v62 =	vld [tilespmem:$0x117A0];
	_ =	sdelay $0x4  }
0x17b: {  	[tilespmem:$0x1F750] =	vst v62;
	v62 =	vld [tilespmem:$0x10D20];
	_ =	sdelay $0x4  }
0x17c: {  	[tilespmem:$0x1F770] =	vst v62;
	v62 =	vld [tilespmem:$0x10DA0];
	_ =	sdelay $0x4  }
0x17d: {  	[tilespmem:$0x1F780] =	vst v62;
	v62 =	vld [tilespmem:$0x11820];
	_ =	sdelay $0x4  }
0x17e: {  	[tilespmem:$0x1F790] =	vst v62;
	v62 =	vld [tilespmem:$0x10E20];
	_ =	sdelay $0x4  }
0x17f: {  	[tilespmem:$0x1F7A0] =	vst v62;
	v62 =	vld [tilespmem:$0x10EA0];
	_ =	sdelay $0x4  }
0x180: {  	[tilespmem:$0x1F810] =	vst v62;
	v62 =	vld [tilespmem:$0x118A0];
	_ =	sdelay $0x4  }
0x181: {  	[tilespmem:$0x1F850] =	vst v62;
	v62 =	vld [tilespmem:$0x10F20];
	_ =	sdelay $0x4  }
0x182: {  	[tilespmem:$0x1F890] =	vst v62;
	v62 =	vld [tilespmem:$0x10FA0];
	_ =	sdelay $0x4  }
0x183: {  	[tilespmem:$0x1F8D0] =	vst v62;
	v62 =	vld [tilespmem:$0x11920];
	_ =	sdelay $0x4  }
0x184: {  	[tilespmem:$0x1F910] =	vst v62;
	v62 =	vld [tilespmem:$0x11020];
	_ =	sdelay $0x4  }
0x185: {  	[tilespmem:$0x1F950] =	vst v62;
	v62 =	vld [tilespmem:$0x110A0];
	_ =	sdelay $0x4  }
0x186: {  	[tilespmem:$0x1F990] =	vst v62;
	v62 =	vld [tilespmem:$0x119A0];
	_ =	sdelay $0x4  }
0x187: {  	[tilespmem:$0x1F9D0] =	vst v62;
	v62 =	vld [tilespmem:$0x11120];
	_ =	sdelay $0x4  }
0x188: {  	[tilespmem:$0x1FA10] =	vst v62;
	v62 =	vld [tilespmem:$0x111A0];
	_ =	sdelay $0x4  }
0x189: {  	[tilespmem:$0x1FA50] =	vst v62;
	v62 =	vld [tilespmem:$0x11230];
	_ =	sdelay $0x4  }
0x18a: {  	[tilespmem:$0x1F7B0] =	vst v62;
	v62 =	vld [tilespmem:$0x10230];
	_ =	sdelay $0x4  }
0x18b: {  	[tilespmem:$0x1F7D0] =	vst v62;
	v62 =	vld [tilespmem:$0x102B0];
	_ =	sdelay $0x4  }
0x18c: {  	[tilespmem:$0x1F7F0] =	vst v62;
	v62 =	vld [tilespmem:$0x112B0];
	_ =	sdelay $0x4  }
0x18d: {  	[tilespmem:$0x1F7C0] =	vst v62;
	v62 =	vld [tilespmem:$0x10330];
	_ =	sdelay $0x4  }
0x18e: {  	[tilespmem:$0x1F7E0] =	vst v62;
	v62 =	vld [tilespmem:$0x103B0];
	_ =	sdelay $0x4  }
0x18f: {  	[tilespmem:$0x1F800] =	vst v62;
	v62 =	vld [tilespmem:$0x11330];
	_ =	sdelay $0x4  }
0x190: {  	[tilespmem:$0x1F820] =	vst v62;
	v62 =	vld [tilespmem:$0x10430];
	_ =	sdelay $0x4  }
0x191: {  	[tilespmem:$0x1F830] =	vst v62;
	v62 =	vld [tilespmem:$0x104B0];
	_ =	sdelay $0x4  }
0x192: {  	[tilespmem:$0x1F840] =	vst v62;
	v62 =	vld [tilespmem:$0x113B0];
	_ =	sdelay $0x4  }
0x193: {  	[tilespmem:$0x1F860] =	vst v62;
	v62 =	vld [tilespmem:$0x10530];
	_ =	sdelay $0x4  }
0x194: {  	[tilespmem:$0x1F870] =	vst v62;
	v62 =	vld [tilespmem:$0x105B0];
	_ =	sdelay $0x4  }
0x195: {  	[tilespmem:$0x1F880] =	vst v62;
	v62 =	vld [tilespmem:$0x11430];
	_ =	sdelay $0x4  }
0x196: {  	[tilespmem:$0x1F8A0] =	vst v62;
	v62 =	vld [tilespmem:$0x10630];
	_ =	sdelay $0x4  }
0x197: {  	[tilespmem:$0x1F8B0] =	vst v62;
	v62 =	vld [tilespmem:$0x106B0];
	_ =	sdelay $0x4  }
0x198: {  	[tilespmem:$0x1F8C0] =	vst v62;
	v62 =	vld [tilespmem:$0x114B0];
	_ =	sdelay $0x4  }
0x199: {  	[tilespmem:$0x1F8E0] =	vst v62;
	v62 =	vld [tilespmem:$0x10730];
	_ =	sdelay $0x4  }
0x19a: {  	[tilespmem:$0x1F8F0] =	vst v62;
	v62 =	vld [tilespmem:$0x107B0];
	_ =	sdelay $0x4  }
0x19b: {  	[tilespmem:$0x1F900] =	vst v62;
	v62 =	vld [tilespmem:$0x11530];
	_ =	sdelay $0x4  }
0x19c: {  	[tilespmem:$0x1F920] =	vst v62;
	v62 =	vld [tilespmem:$0x10830];
	_ =	sdelay $0x4  }
0x19d: {  	[tilespmem:$0x1F930] =	vst v62;
	v62 =	vld [tilespmem:$0x108B0];
	_ =	sdelay $0x4  }
0x19e: {  	[tilespmem:$0x1F940] =	vst v62;
	v62 =	vld [tilespmem:$0x115B0];
	_ =	sdelay $0x4  }
0x19f: {  	[tilespmem:$0x1F960] =	vst v62;
	v62 =	vld [tilespmem:$0x10930];
	_ =	sdelay $0x4  }
0x1a0: {  	[tilespmem:$0x1F970] =	vst v62;
	v62 =	vld [tilespmem:$0x109B0];
	_ =	sdelay $0x4  }
0x1a1: {  	[tilespmem:$0x1F980] =	vst v62;
	v62 =	vld [tilespmem:$0x11630];
	_ =	sdelay $0x4  }
0x1a2: {  	[tilespmem:$0x1F9A0] =	vst v62;
	v62 =	vld [tilespmem:$0x10A30];
	_ =	sdelay $0x4  }
0x1a3: {  	[tilespmem:$0x1F9B0] =	vst v62;
	v62 =	vld [tilespmem:$0x10AB0];
	_ =	sdelay $0x4  }
0x1a4: {  	[tilespmem:$0x1F9C0] =	vst v62;
	v62 =	vld [tilespmem:$0x116B0];
	_ =	sdelay $0x4  }
0x1a5: {  	[tilespmem:$0x1F9E0] =	vst v62;
	v62 =	vld [tilespmem:$0x10B30];
	_ =	sdelay $0x4  }
0x1a6: {  	[tilespmem:$0x1F9F0] =	vst v62;
	v62 =	vld [tilespmem:$0x10BB0];
	_ =	sdelay $0x4  }
0x1a7: {  	[tilespmem:$0x1FA00] =	vst v62;
	v62 =	vld [tilespmem:$0x11730]  }
0x1a8: {  	v4 =	vld [tilespmem:$0x11200]  }
0x1a9: {  	v6 =	vld [tilespmem:$0x10200]  }
0x1aa: {  	v10 =	vld [tilespmem:$0x10280]  }
0x1ab: {  	v0 =	vld [tilespmem:$0x11280]  }
0x1ac: {  	[tilespmem:$0x1FA20] =	vst v62;
	v62 =	vld [tilespmem:$0x10C30]  }
0x1ad: {  	v1 =	vld [tilespmem:$0x10300]  }
0x1ae: {  	v2 =	vld [tilespmem:$0x10380]  }
0x1af: {  	v3 =	vld [tilespmem:$0x11300]  }
0x1b0: {  	v5 =	vld [tilespmem:$0x10400]  }
0x1b1: {  	[tilespmem:$0x1FA30] =	vst v62;
	v62 =	vld [tilespmem:$0x10CB0]  }
0x1b2: {  	v7 =	vld [tilespmem:$0x10480]  }
0x1b3: {  	v8 =	vld [tilespmem:$0x11380]  }
0x1b4: {  	v9 =	vld [tilespmem:$0x10500]  }
0x1b5: {  	v12 =	vld [tilespmem:$0x10580]  }
0x1b6: {  	[tilespmem:$0x1FA40] =	vst v62;
	v62 =	vld [tilespmem:$0x117B0]  }
0x1b7: {  	v11 =	vld [tilespmem:$0x11400]  }
0x1b8: {  	v13 =	vld [tilespmem:$0x10600]  }
0x1b9: {  	v14 =	vld [tilespmem:$0x10680]  }
0x1ba: {  	v15 =	vld [tilespmem:$0x11480]  }
0x1bb: {  	[tilespmem:$0x1FA60] =	vst v62;
	v62 =	vld [tilespmem:$0x10D30]  }
0x1bc: {  	v16 =	vld [tilespmem:$0x10700]  }
0x1bd: {  	v18 =	vld [tilespmem:$0x10780]  }
0x1be: {  	v19 =	vld [tilespmem:$0x11500]  }
0x1bf: {  	v21 =	vld [tilespmem:$0x10800]  }
0x1c0: {  	[tilespmem:$0x1FA70] =	vst v62;
	v62 =	vld [tilespmem:$0x10DB0]  }
0x1c1: {  	v24 =	vld [tilespmem:$0x10880]  }
0x1c2: {  	v23 =	vld [tilespmem:$0x11580]  }
0x1c3: {  	v27 =	vld [tilespmem:$0x10900]  }
0x1c4: {  	v30 =	vld [tilespmem:$0x10980]  }
0x1c5: {  	[tilespmem:$0x1FA80] =	vst v62;
	v62 =	vld [tilespmem:$0x11830]  }
0x1c6: {  	v31 =	vld [tilespmem:$0x11600]  }
0x1c7: {  	v34 =	vld [tilespmem:$0x10A00]  }
0x1c8: {  	v36 =	vld [tilespmem:$0x10A80]  }
0x1c9: {  	v37 =	vld [tilespmem:$0x11680]  }
0x1ca: {  	[tilespmem:$0x1FA90] =	vst v62;
	v62 =	vld [tilespmem:$0x10E30]  }
0x1cb: {  	v39 =	vld [tilespmem:$0x10B00]  }
0x1cc: {  	v42 =	vld [tilespmem:$0x10B80]  }
0x1cd: {  	v41 =	vld [tilespmem:$0x11700]  }
0x1ce: {  	v44 =	vld [tilespmem:$0x10C00]  }
0x1cf: {  	[tilespmem:$0x1FAC0] =	vst v62;
	v62 =	vld [tilespmem:$0x10EB0]  }
0x1d0: {  	v48 =	vld [tilespmem:$0x10C80]  }
0x1d1: {  	v45 =	vld [tilespmem:$0x11780]  }
0x1d2: {  	v49 =	vld [tilespmem:$0x10D00]  }
0x1d3: {  	v51 =	vld [tilespmem:$0x10D80]  }
0x1d4: {  	[tilespmem:$0x1FB20] =	vst v62;
	v62 =	vld [tilespmem:$0x118B0]  }
0x1d5: {  	v52 =	vld [tilespmem:$0x11800]  }
0x1d6: {  	v54 =	vld [tilespmem:$0x10E00]  }
0x1d7: {  	v60 =	vld [tilespmem:$0x10E80]  }
0x1d8: {  	v17 =	vld [tilespmem:$0x11880]  }
0x1d9: {  	[tilespmem:$0x1FB60] =	vst v62;
	v62 =	vld [tilespmem:$0x10F30]  }
0x1da: {  	v50 =	vld [tilespmem:$0x10F00]  }
0x1db: {  	v53 =	vld [tilespmem:$0x10F80]  }
0x1dc: {  	v55 =	vld [tilespmem:$0x11900]  }
0x1dd: {  	v56 =	vld [tilespmem:$0x11000]  }
0x1de: {  	[tilespmem:$0x1FBA0] =	vst v62;
	v62 =	vld [tilespmem:$0x10FB0]  }
0x1df: {  	v57 =	vld [tilespmem:$0x11080]  }
0x1e0: {  	v58 =	vld [tilespmem:$0x11980]  }
0x1e1: {  	v59 =	vld [tilespmem:$0x11100]  }
0x1e2: {  	v61 =	vld [tilespmem:$0x11180]  }
0x1e3: {  	[tilespmem:$0x1FBB0] =	vst v62;
	v62 =	vld [tilespmem:$0x11930]  }
0x1e4: {  	v25 =	vld [tilespmem:$0x11210]  }
0x1e5: {  	v32 =	vld [tilespmem:$0x10210]  }
0x1e6: {  	v33 =	vld [tilespmem:$0x10290]  }
0x1e7: {  	v22 =	vld [tilespmem:$0x10310]  }
0x1e8: {  	[tilespmem:$0x1FBC0] =	vst v62;
	v62 =	vld [tilespmem:$0x11030]  }
0x1e9: {  	v20 =	vld [tilespmem:$0x10390]  }
0x1ea: {  	v26 =	vld [tilespmem:$0x11310]  }
0x1eb: {  	v28 =	vld [tilespmem:$0x10410]  }
0x1ec: {  	v29 =	vld [tilespmem:$0x10490]  }
0x1ed: {  	[tilespmem:$0x1FBD0] =	vst v62;
	v62 =	vld [tilespmem:$0x110B0]  }
0x1ee: {  	v35 =	vld [tilespmem:$0x11390]  }
0x1ef: {  	v40 =	vld [tilespmem:$0x10510]  }
0x1f0: {  	v38 =	vld [tilespmem:$0x10590]  }
0x1f1: {  	v43 =	vld [tilespmem:$0x11410]  }
0x1f2: {  	[tilespmem:$0x1FBF0] =	vst v62;
	v62 =	vld [tilespmem:$0x119B0]  }
0x1f3: {  	v46 =	vld [tilespmem:$0x10610]  }
0x1f4: {  	v47 =	vld [tilespmem:$0x10690]  }
0x1f5: {  	v63 =	vld [tilespmem:$0x10990];
	[tilespmem:$0x1F340] =	vst v17  }
0x1f6: {  	[tilespmem:$0x1F350] =	vst v50;
	v17 =	vld [tilespmem:$0x11290]  }
0x1f7: {  	[tilespmem:$0x1FC30] =	vst v62;
	v62 =	vld [tilespmem:$0x11130]  }
0x1f8: {  	[tilespmem:$0x1F360] =	vst v53;
	v50 =	vld [tilespmem:$0x11490]  }
0x1f9: {  	[tilespmem:$0x1F370] =	vst v55;
	v55 =	vld [tilespmem:$0x10710]  }
0x1fa: {  	[tilespmem:$0x1F380] =	vst v56;
	v53 =	vld [tilespmem:$0x10790]  }
0x1fb: {  	[tilespmem:$0x1F420] =	vst v59;
	v59 =	vld [tilespmem:$0x10910]  }
0x1fc: {  	[tilespmem:$0x1FC70] =	vst v62;
	v62 =	vld [tilespmem:$0x111B0]  }
0x1fd: {  	[tilespmem:$0x1F3A0] =	vst v57;
	v56 =	vld [tilespmem:$0x11510]  }
0x1fe: {  	[tilespmem:$0x1F3E0] =	vst v58;
	v58 =	vld [tilespmem:$0x10810]  }
0x1ff: {  	[tilespmem:$0x1F460] =	vst v61;
	v57 =	vld [tilespmem:$0x10890]  }
0x200: {  	v61 =	vld [tilespmem:$0x11590];
	v0 =	vadd.f32 v0, v4;
	[tilespmem:$0x1F390] =	vst v59  }
0x201: {  	v1 =	vadd.f32 v1, v6;
	v59 =	vld [tilespmem:$0x112A0];
	[tilespmem:$0x1FCA0] =	vst v62  }
0x202: {  	v2 =	vadd.f32 v2, v10;
	v0 =	vadd.f32 v3, v0;
	v62 =	vld [tilespmem:$0x11240]  }
0x203: {  	v1 =	vadd.f32 v5, v1;
	v10 =	vld [tilespmem:$0x11440]  }
0x204: {  	v2 =	vadd.f32 v7, v2;
	v0 =	vadd.f32 v8, v0;
	v7 =	vld [tilespmem:$0x106C0]  }
0x205: {  	v1 =	vadd.f32 v9, v1;
	v8 =	vld [tilespmem:$0x114C0]  }
0x206: {  	v2 =	vadd.f32 v12, v2;
	v0 =	vadd.f32 v11, v0;
	v9 =	vld [tilespmem:$0x10740]  }
0x207: {  	v1 =	vadd.f32 v13, v1;
	v11 =	vld [tilespmem:$0x107C0]  }
0x208: {  	v2 =	vadd.f32 v14, v2;
	v0 =	vadd.f32 v15, v0;
	v15 =	vld [tilespmem:$0x11540]  }
0x209: {  	v1 =	vadd.f32 v16, v1;
	v12 =	vld [tilespmem:$0x10840]  }
0x20a: {  	v2 =	vadd.f32 v18, v2;
	v0 =	vadd.f32 v19, v0;
	v19 =	vld [tilespmem:$0x108C0]  }
0x20b: {  	v1 =	vadd.f32 v21, v1;
	v21 =	vld [tilespmem:$0x115C0]  }
0x20c: {  	v2 =	vadd.f32 v24, v2;
	v0 =	vadd.f32 v23, v0;
	v23 =	vld [tilespmem:$0x10940]  }
0x20d: {  	v1 =	vadd.f32 v27, v1;
	v27 =	vld [tilespmem:$0x109C0]  }
0x20e: {  	v2 =	vadd.f32 v30, v2;
	v0 =	vadd.f32 v31, v0;
	v31 =	vld [tilespmem:$0x11640]  }
0x20f: {  	v1 =	vadd.f32 v34, v1;
	v34 =	vld [tilespmem:$0x10A40]  }
0x210: {  	v2 =	vadd.f32 v36, v2;
	v0 =	vadd.f32 v37, v0;
	v37 =	vld [tilespmem:$0x10AC0]  }
0x211: {  	v1 =	vadd.f32 v39, v1;
	v39 =	vld [tilespmem:$0x116C0]  }
0x212: {  	v2 =	vadd.f32 v42, v2;
	v42 =	vld [tilespmem:$0x10B40]  }
0x213: {  	v0 =	vadd.f32 v41, v0;
	v1 =	vadd.f32 v44, v1;
	v44 =	vld [tilespmem:$0x10BC0]  }
0x214: {  	v2 =	vadd.f32 v48, v2;
	v48 =	vld [tilespmem:$0x11740]  }
0x215: {  	v0 =	vadd.f32 v45, v0;
	v1 =	vadd.f32 v49, v1;
	v49 =	vld [tilespmem:$0x10C40]  }
0x216: {  	v2 =	vadd.f32 v51, v2;
	v51 =	vld [tilespmem:$0x10CC0]  }
0x217: {  	v0 =	vadd.f32 v52, v0;
	v52 =	vadd.f32 v17, v25;
	v17 =	vld [tilespmem:$0x117C0]  }
0x218: {  	v13 =	vld [tilespmem:$0x10D40]  }
0x219: {  	v14 =	vld [tilespmem:$0x10DC0]  }
0x21a: {  	v16 =	vld [tilespmem:$0x11840]  }
0x21b: {  	v18 =	vld [tilespmem:$0x1F340]  }
0x21c: {  	v1 =	vadd.f32 v54, v1;
	v54 =	vadd.f32 v22, v32;
	v22 =	vld [tilespmem:$0x10EC0]  }
0x21d: {  	v24 =	vld [tilespmem:$0x1F350]  }
0x21e: {  	v25 =	vld [tilespmem:$0x1F360]  }
0x21f: {  	v3 =	vadd.f32 v26, v52;
	v26 =	vld [tilespmem:$0x1F370]  }
0x220: {  	v41 =	vld [tilespmem:$0x11040]  }
0x221: {  	v4 =	vadd.f32 v28, v54;
	v28 =	vld [tilespmem:$0x1F380]  }
0x222: {  	v30 =	vld [tilespmem:$0x119C0]  }
0x223: {  	v32 =	vld [tilespmem:$0x11140]  }
0x224: {  	v3 =	vadd.f32 v35, v3;
	v35 =	vld [tilespmem:$0x111C0]  }
0x225: {  	v36 =	vld [tilespmem:$0x1F3C0]  }
0x226: {  	v4 =	vadd.f32 v40, v4;
	v40 =	vld [tilespmem:$0x1F3F0]  }
0x227: {  	v3 =	vadd.f32 v43, v3;
	v43 =	vld [tilespmem:$0x10250]  }
0x228: {  	v45 =	vld [tilespmem:$0x1F400]  }
0x229: {  	v4 =	vadd.f32 v46, v4;
	v46 =	vld [tilespmem:$0x1F410]  }
0x22a: {  	v3 =	vadd.f32 v50, v3;
	v50 =	vld [tilespmem:$0x112D0]  }
0x22b: {  	v52 =	vld [tilespmem:$0x1F450]  }
0x22c: {  	v54 =	vld [tilespmem:$0x1F460]  }
0x22d: {  	v4 =	vadd.f32 v55, v4;
	v55 =	vld [tilespmem:$0x1F470]  }
0x22e: {  	v3 =	vadd.f32 v56, v3;
	v56 =	vld [tilespmem:$0x103D0]  }
0x22f: {  	v4 =	vadd.f32 v58, v4;
	v58 =	vld [tilespmem:$0x1F490]  }
0x230: {  	v2 =	vadd.f32 v60, v2;
	v60 =	vld [tilespmem:$0x11350]  }
0x231: {  	v3 =	vadd.f32 v61, v3;
	v61 =	vld [tilespmem:$0x1F4A0]  }
0x232: {  	[tilespmem:$0x1FAA0] =	vst v62;
	v62 =	vld [tilespmem:$0x10240]  }
0x233: {  	[tilespmem:$0x1FB90] =	vst v10;
	v10 =	vld [tilespmem:$0x10640]  }
0x234: {  	[tilespmem:$0x1FC50] =	vst v44;
	v44 =	vld [tilespmem:$0x118C0]  }
0x235: {  	[tilespmem:$0x1FCC0] =	vst v14;
	v14 =	vld [tilespmem:$0x10FC0]  }
0x236: {  	v1 =	vadd.f32 v24, v1;
	v24 =	vld [tilespmem:$0x11940]  }
0x237: {  	[tilespmem:$0x1FC40] =	vst v42;
	v42 =	vld [tilespmem:$0x110C0]  }
0x238: {  	[tilespmem:$0x1FAD0] =	vst v62;
	v62 =	vld [tilespmem:$0x102C0]  }
0x239: {  	[tilespmem:$0x1FBE0] =	vst v31;
	v31 =	vld [tilespmem:$0x1F390]  }
0x23a: {  	[tilespmem:$0x1FC00] =	vst v34;
	v34 =	vld [tilespmem:$0x1F3B0]  }
0x23b: {  	[tilespmem:$0x1FC10] =	vst v37;
	v37 =	vld [tilespmem:$0x1F3D0]  }
0x23c: {  	[tilespmem:$0x1FC20] =	vst v39;
	v39 =	vld [tilespmem:$0x1F3E0]  }
0x23d: {  	[tilespmem:$0x1FAF0] =	vst v62;
	v62 =	vld [tilespmem:$0x112C0]  }
0x23e: {  	[tilespmem:$0x1FC60] =	vst v48;
	v48 =	vld [tilespmem:$0x1F420]  }
0x23f: {  	[tilespmem:$0x1FC80] =	vst v49;
	v49 =	vld [tilespmem:$0x1F430]  }
0x240: {  	[tilespmem:$0x1FC90] =	vst v51;
	v51 =	vld [tilespmem:$0x1F440]  }
0x241: {  	[tilespmem:$0x1FCB0] =	vst v13;
	v13 =	vld [tilespmem:$0x1F4C0]  }
0x242: {  	[tilespmem:$0x1FAB0] =	vst v62;
	v62 =	vld [tilespmem:$0x10340]  }
0x243: {  	[tilespmem:$0x1FCD0] =	vst v16;
	v16 =	vld [tilespmem:$0x1F4D0]  }
0x244: {  	v0 =	vadd.f32 v18, v0;
	v18 =	vld [tilespmem:$0x1F4E0]  }
0x245: {  	[tilespmem:$0x1FD70] =	vst v22;
	v22 =	vld [tilespmem:$0x1F4F0]  }
0x246: {  	v2 =	vadd.f32 v25, v2;
	v25 =	vld [tilespmem:$0x1F500]  }
0x247: {  	[tilespmem:$0x1FAE0] =	vst v62;
	v62 =	vld [tilespmem:$0x103C0]  }
0x248: {  	[tilespmem:$0x1FEB0] =	vst v30;
	v30 =	vld [tilespmem:$0x1F520]  }
0x249: {  	[tilespmem:$0x1FEC0] =	vst v32;
	v32 =	vld [tilespmem:$0x10550]  }
0x24a: {  	[tilespmem:$0x1FED0] =	vst v35;
	v35 =	vld [tilespmem:$0x105D0]  }
0x24b: {  	[tilespmem:$0x1FD00] =	vst v43;
	v43 =	vld [tilespmem:$0x10650]  }
0x24c: {  	[tilespmem:$0x1FB00] =	vst v62;
	v62 =	vld [tilespmem:$0x11340]  }
0x24d: {  	[tilespmem:$0x1FCF0] =	vst v50;
	v50 =	vld [tilespmem:$0x114D0]  }
0x24e: {  	[tilespmem:$0x1FD40] =	vst v56;
	v56 =	vld [tilespmem:$0x107D0]  }
0x24f: {  	[tilespmem:$0x1FD50] =	vst v60;
	v60 =	vld [tilespmem:$0x1F640]  }
0x250: {  	v0 =	vadd.f32 v26, v0;
	v26 =	vld [tilespmem:$0x1F510]  }
0x251: {  	[tilespmem:$0x1FB10] =	vst v62;
	v62 =	vld [tilespmem:$0x10440]  }
0x252: {  	v1 =	vadd.f32 v28, v1;
	v28 =	vld [tilespmem:$0x113D0]  }
0x253: {  	v4 =	vadd.f32 v31, v4;
	v31 =	vld [tilespmem:$0x1F530]  }
0x254: {  	v3 =	vadd.f32 v34, v3;
	v34 =	vld [tilespmem:$0x1F550]  }
0x255: {  	v0 =	vadd.f32 v39, v0;
	v39 =	vld [tilespmem:$0x1F580]  }
0x256: {  	[tilespmem:$0x1FB30] =	vst v62;
	v62 =	vld [tilespmem:$0x104C0]  }
0x257: {  	v1 =	vadd.f32 v48, v1;
	v48 =	vld [tilespmem:$0x1F5C0]  }
0x258: {  	[tilespmem:$0x1FDA0] =	vst v32;
	v32 =	vld [tilespmem:$0x1F6E0]  }
0x259: {  	[tilespmem:$0x1FDB0] =	vst v35;
	v35 =	vld [tilespmem:$0x1F700]  }
0x25a: {  	[tilespmem:$0x1FDD0] =	vst v43;
	v43 =	vld [tilespmem:$0x10AD0]  }
0x25b: {  	[tilespmem:$0x1FB40] =	vst v62;
	v62 =	vld [tilespmem:$0x113C0]  }
0x25c: {  	[tilespmem:$0x1FDF0] =	vst v50;
	v50 =	vld [tilespmem:$0x1F780]  }
0x25d: {  	[tilespmem:$0x1FE10] =	vst v56;
	v56 =	vld [tilespmem:$0x1F7E0]  }
0x25e: {  	v4 =	vadd.f32 v36, v4;
	v36 =	vld [tilespmem:$0x1F560]  }
0x25f: {  	[tilespmem:$0x1FF40] =	vst v0;
	v0 =	vadd.f32 v40, v3;
	v40 =	vld [tilespmem:$0x1F590]  }
0x260: {  	[tilespmem:$0x1FB50] =	vst v62;
	v62 =	vld [tilespmem:$0x10540]  }
0x261: {  	[tilespmem:$0x1FD90] =	vst v28;
	v28 =	vld [tilespmem:$0x1F6C0]  }
0x262: {  	v3 =	vadd.f32 v45, v4;
	v45 =	vld [tilespmem:$0x1F5A0]  }
0x263: {  	v0 =	vadd.f32 v49, v0;
	v49 =	vld [tilespmem:$0x1F5D0]  }
0x264: {  	[tilespmem:$0x1FE90] =	vst v43;
	v43 =	vld [tilespmem:$0x10B50]  }
0x265: {  	v0 =	vadd.f32 v55, v0;
	[tilespmem:$0x1FB70] =	vst v62;
	v62 =	vld [tilespmem:$0x105C0]  }
0x266: {  	[tilespmem:$0x1FF50] =	vst v1;
	v1 =	vadd.f32 v51, v3;
	v51 =	vld [tilespmem:$0x1F5E0]  }
0x267: {  	v55 =	vld [tilespmem:$0x1F610];
	v0 =	vadd.f32 v61, v0  }
0x268: {  	v61 =	vld [tilespmem:$0x1F650]  }
0x269: {  	v0 =	vadd.f32 v36, v0;
	v36 =	vld [tilespmem:$0x10950]  }
0x26a: {  	[tilespmem:$0x1FB80] =	vst v62;
	v62 =	vadd.f32 v20, v33;
	v20 =	vld [tilespmem:$0x10E40]  }
0x26b: {  	v33 =	vld [tilespmem:$0x1F3A0]  }
0x26c: {  	v5 =	vadd.f32 v29, v62;
	v29 =	vld [tilespmem:$0x10F40]  }
0x26d: {  	v62 =	vld [tilespmem:$0x1F4B0]  }
0x26e: {  	v5 =	vadd.f32 v38, v5;
	v38 =	vld [tilespmem:$0x11250]  }
0x26f: {  	[tilespmem:$0x1FD20] =	vst v20;
	v20 =	vld [tilespmem:$0x104D0]  }
0x270: {  	v2 =	vadd.f32 v33, v2;
	v33 =	vld [tilespmem:$0x1F540]  }
0x271: {  	v5 =	vadd.f32 v47, v5;
	v47 =	vld [tilespmem:$0x102D0]  }
0x272: {  	v2 =	vadd.f32 v54, v2;
	v54 =	vld [tilespmem:$0x1F600]  }
0x273: {  	v5 =	vadd.f32 v53, v5;
	v53 =	vld [tilespmem:$0x10350]  }
0x274: {  	[tilespmem:$0x1FCE0] =	vst v38;
	v38 =	vld [tilespmem:$0x11450]  }
0x275: {  	v5 =	vadd.f32 v57, v5;
	v57 =	vld [tilespmem:$0x1F480]  }
0x276: {  	[tilespmem:$0x1FD80] =	vst v20;
	v20 =	vld [tilespmem:$0x1F690]  }
0x277: {  	[tilespmem:$0x1FD30] =	vst v47;
	v47 =	vld [tilespmem:$0x106D0]  }
0x278: {  	v5 =	vadd.f32 v63, v5;
	v63 =	vld [tilespmem:$0x10450]  }
0x279: {  	[tilespmem:$0x1FD10] =	vst v53;
	v53 =	vld [tilespmem:$0x10750]  }
0x27a: {  	v5 =	vadd.f32 v37, v5;
	v37 =	vld [tilespmem:$0x1F570]  }
0x27b: {  	[tilespmem:$0x1FDC0] =	vst v38;
	v38 =	vld [tilespmem:$0x10A50]  }
0x27c: {  	v1 =	vadd.f32 v57, v1;
	v57 =	vld [tilespmem:$0x1F620]  }
0x27d: {  	v4 =	vadd.f32 v46, v5;
	v46 =	vld [tilespmem:$0x1F5B0]  }
0x27e: {  	v5 =	vadd.f32 v25, v22;
	v22 =	vld [tilespmem:$0x115D0]  }
0x27f: {  	v25 =	vld [tilespmem:$0x1F6A0]  }
0x280: {  	[tilespmem:$0x1FDE0] =	vst v47;
	v47 =	vld [tilespmem:$0x116D0]  }
0x281: {  	[tilespmem:$0x1FD60] =	vst v63;
	v63 =	vld [tilespmem:$0x1F660]  }
0x282: {  	v1 =	vadd.f32 v13, v1;
	v13 =	vld [tilespmem:$0x1F670]  }
0x283: {  	v3 =	vadd.f32 v52, v4;
	v52 =	vld [tilespmem:$0x1F5F0]  }
0x284: {  	v4 =	vadd.f32 v18, v16;
	v16 =	vld [tilespmem:$0x108D0]  }
0x285: {  	v18 =	vld [tilespmem:$0x1F680]  }
0x286: {  	v5 =	vadd.f32 v33, v5;
	v33 =	vld [tilespmem:$0x1F6F0]  }
0x287: {  	[tilespmem:$0x1FE00] =	vst v53;
	v53 =	vld [tilespmem:$0x1F7B0]  }
0x288: {  	v1 =	vadd.f32 v45, v1;
	v45 =	vld [tilespmem:$0x1F740]  }
0x289: {  	[tilespmem:$0x1FE80] =	vst v38;
	v38 =	vld [tilespmem:$0x1F950]  }
0x28a: {  	[tilespmem:$0x1FF60] =	vst v2;
	v2 =	vadd.f32 v58, v3;
	v58 =	vld [tilespmem:$0x1F630]  }
0x28b: {  	v3 =	vadd.f32 v59, v62;
	v59 =	vld [tilespmem:$0x11550]  }
0x28c: {  	v62 =	vld [tilespmem:$0x10850]  }
0x28d: {  	v4 =	vadd.f32 v31, v4;
	v31 =	vld [tilespmem:$0x109D0]  }
0x28e: {  	v5 =	vadd.f32 v39, v5;
	v39 =	vld [tilespmem:$0x1F720]  }
0x28f: {  	v0 =	vadd.f32 v57, v0;
	v57 =	vld [tilespmem:$0x1F7F0]  }
0x290: {  	[tilespmem:$0x1FE50] =	vst v22;
	v22 =	vld [tilespmem:$0x1F8A0]  }
0x291: {  	[tilespmem:$0x1FEA0] =	vst v47;
	v47 =	vld [tilespmem:$0x10FD0]  }
0x292: {  	v3 =	vadd.f32 v26, v3;
	v26 =	vld [tilespmem:$0x1F6B0]  }
0x293: {  	v2 =	vadd.f32 v30, v2;
	v30 =	vld [tilespmem:$0x1F6D0]  }
0x294: {  	v4 =	vadd.f32 v37, v4;
	v37 =	vld [tilespmem:$0x1F710]  }
0x295: {  	v5 =	vadd.f32 v48, v5;
	v48 =	vld [tilespmem:$0x1F760]  }
0x296: {  	v1 =	vadd.f32 v63, v1;
	v63 =	vld [tilespmem:$0x1F850]  }
0x297: {  	v0 =	vadd.f32 v32, v0;
	v32 =	vld [tilespmem:$0x1F900]  }
0x298: {  	[tilespmem:$0x1FE40] =	vst v16;
	v16 =	vld [tilespmem:$0x1F870]  }
0x299: {  	v3 =	vadd.f32 v34, v3;
	v34 =	vld [tilespmem:$0x11650]  }
0x29a: {  	v4 =	vadd.f32 v46, v4;
	v46 =	vld [tilespmem:$0x1F750]  }
0x29b: {  	v2 =	vadd.f32 v51, v2;
	v51 =	vld [tilespmem:$0x1F790]  }
0x29c: {  	v5 =	vadd.f32 v54, v5;
	v54 =	vld [tilespmem:$0x1F7C0]  }
0x29d: {  	[tilespmem:$0x1FE20] =	vst v59;
	v59 =	vld [tilespmem:$0x1F810]  }
0x29e: {  	[tilespmem:$0x1FE30] =	vst v62;
	v62 =	vld [tilespmem:$0x1F840]  }
0x29f: {  	[tilespmem:$0x1FE60] =	vst v31;
	v31 =	vld [tilespmem:$0x1F8F0]  }
0x2a0: {  	v1 =	vadd.f32 v39, v1;
	v39 =	vld [tilespmem:$0x1F960]  }
0x2a1: {  	v3 =	vadd.f32 v40, v3;
	v40 =	vld [tilespmem:$0x1F730]  }
0x2a2: {  	v4 =	vadd.f32 v52, v4;
	v52 =	vld [tilespmem:$0x1F7A0]  }
0x2a3: {  	v5 =	vadd.f32 v60, v5;
	v60 =	vld [tilespmem:$0x1F820]  }
0x2a4: {  	v2 =	vadd.f32 v25, v2;
	v25 =	vld [tilespmem:$0x1F8B0]  }
0x2a5: {  	v3 =	vadd.f32 v49, v3;
	v49 =	vld [tilespmem:$0x1F770]  }
0x2a6: {  	v4 =	vadd.f32 v58, v4;
	v58 =	vld [tilespmem:$0x1F800]  }
0x2a7: {  	v2 =	vadd.f32 v48, v2;
	v48 =	vld [tilespmem:$0x10C50]  }
0x2a8: {  	v5 =	vadd.f32 v18, v5;
	v18 =	vld [tilespmem:$0x1F880]  }
0x2a9: {  	[tilespmem:$0x1FE70] =	vst v34;
	v34 =	vld [tilespmem:$0x1F920]  }
0x2aa: {  	v3 =	vadd.f32 v55, v3;
	v55 =	vld [tilespmem:$0x1F7D0]  }
0x2ab: {  	v4 =	vadd.f32 v13, v4;
	v13 =	vld [tilespmem:$0x1F860]  }
0x2ac: {  	v5 =	vadd.f32 v28, v5;
	v28 =	vld [tilespmem:$0x1F8D0]  }
0x2ad: {  	v3 =	vadd.f32 v61, v3;
	v4 =	vadd.f32 v26, v4;
	v61 =	vld [tilespmem:$0x1F830]  }
0x2ae: {  	v26 =	vld [tilespmem:$0x1F8C0]  }
0x2af: {  	[tilespmem:$0x1FF70] =	vst v0;
	v3 =	vadd.f32 v20, v3;
	v0 =	vadd.f32 v33, v4;
	v20 =	vld [tilespmem:$0x1F890]  }
0x2b0: {  	v4 =	vadd.f32 v35, v5;
	v5 =	vadd.f32 v58, v57;
	v57 =	vld [tilespmem:$0x10ED0]  }
0x2b1: {  	v33 =	vld [tilespmem:$0x1F910]  }
0x2b2: {  	v35 =	vld [tilespmem:$0x1F930]  }
0x2b3: {  	v58 =	vld [tilespmem:$0x1F970]  }
0x2b4: {  	[tilespmem:$0x1FF80] =	vst v1;
	v1 =	vadd.f32 v45, v4;
	v45 =	vld [tilespmem:$0x10BD0]  }
0x2b5: {  	v4 =	vadd.f32 v56, v55;
	v56 =	vld [tilespmem:$0x10E50]  }
0x2b6: {  	v3 =	vadd.f32 v30, v3;
	v30 =	vld [tilespmem:$0x1F8E0]  }
0x2b7: {  	v55 =	vld [tilespmem:$0x118D0]  }
0x2b8: {  	v0 =	vadd.f32 v40, v0;
	v40 =	vld [tilespmem:$0x11950]  }
0x2b9: {  	v5 =	vadd.f32 v62, v5;
	v62 =	vld [tilespmem:$0x1F9A0]  }
0x2ba: {  	v0 =	vadd.f32 v49, v0;
	v49 =	vld [tilespmem:$0x10CD0]  }
0x2bb: {  	v1 =	vadd.f32 v50, v1;
	v50 =	vld [tilespmem:$0x117D0]  }
0x2bc: {  	v3 =	vadd.f32 v37, v3;
	v37 =	vld [tilespmem:$0x1F940]  }
0x2bd: {  	v4 =	vadd.f32 v61, v4;
	v61 =	vld [tilespmem:$0x1F990]  }
0x2be: {  	v5 =	vadd.f32 v18, v5;
	v18 =	vld [tilespmem:$0x119D0]  }
0x2bf: {  	v3 =	vadd.f32 v46, v3;
	v46 =	vld [tilespmem:$0x11750]  }
0x2c0: {  	v0 =	vadd.f32 v52, v0;
	v52 =	vld [tilespmem:$0x10D50]  }
0x2c1: {  	v1 =	vadd.f32 v59, v1;
	v59 =	vld [tilespmem:$0x1F980]  }
0x2c2: {  	v4 =	vadd.f32 v16, v4;
	v16 =	vld [tilespmem:$0x1F9C0]  }
0x2c3: {  	v5 =	vadd.f32 v26, v5;
	v26 =	vld [tilespmem:$0x1F9F0]  }
0x2c4: {  	[tilespmem:$0x1FEE0] =	vst v40;
	v40 =	vld [tilespmem:$0x1FA90]  }
0x2c5: {  	[tilespmem:$0x1FF90] =	vst v2;
	v2 =	vadd.f32 v51, v3;
	v3 =	vadd.f32 v54, v53;
	v53 =	vld [tilespmem:$0x10DD0]  }
0x2c6: {  	v54 =	vld [tilespmem:$0x11850]  }
0x2c7: {  	v51 =	vld [tilespmem:$0x10F50]  }
0x2c8: {  	v0 =	vadd.f32 v20, v0;
	v20 =	vld [tilespmem:$0x1F9D0]  }
0x2c9: {  	v4 =	vadd.f32 v25, v4;
	v25 =	vld [tilespmem:$0x11150]  }
0x2ca: {  	v1 =	vadd.f32 v28, v1;
	v28 =	vld [tilespmem:$0x1FA00]  }
0x2cb: {  	v5 =	vadd.f32 v32, v5;
	v32 =	vld [tilespmem:$0x1FA20]  }
0x2cc: {  	[tilespmem:$0x1FF10] =	vst v18;
	v18 =	vld [tilespmem:$0x1FAE0]  }
0x2cd: {  	v3 =	vadd.f32 v60, v3;
	v60 =	vld [tilespmem:$0x11050]  }
0x2ce: {  	v2 =	vadd.f32 v63, v2;
	v63 =	vld [tilespmem:$0x110D0]  }
0x2cf: {  	v4 =	vadd.f32 v31, v4;
	v31 =	vld [tilespmem:$0x1FA10]  }
0x2d0: {  	v5 =	vadd.f32 v37, v5;
	v37 =	vld [tilespmem:$0x1FA60]  }
0x2d1: {  	v0 =	vadd.f32 v38, v0;
	v38 =	vld [tilespmem:$0x1FA70]  }
0x2d2: {  	v1 =	vadd.f32 v61, v1;
	v61 =	vld [tilespmem:$0x112E0]  }
0x2d3: {  	v3 =	vadd.f32 v13, v3;
	v13 =	vld [tilespmem:$0x1F9B0]  }
0x2d4: {  	v2 =	vadd.f32 v33, v2;
	v33 =	vld [tilespmem:$0x1FA30]  }
0x2d5: {  	v5 =	vadd.f32 v59, v5;
	v59 =	vld [tilespmem:$0x10260]  }
0x2d6: {  	v4 =	vadd.f32 v35, v4;
	v35 =	vld [tilespmem:$0x1FA50]  }
0x2d7: {  	[tilespmem:$0x1FF20] =	vst v25;
	v25 =	vld [tilespmem:$0x1FB10]  }
0x2d8: {  	v3 =	vadd.f32 v22, v3;
	v22 =	vld [tilespmem:$0x1F9E0]  }
0x2d9: {  	v4 =	vadd.f32 v58, v4;
	v58 =	vld [tilespmem:$0x11260]  }
0x2da: {  	v5 =	vadd.f32 v16, v5;
	v16 =	vld [tilespmem:$0x1FAD0]  }
0x2db: {  	v2 =	vadd.f32 v20, v2;
	v20 =	vld [tilespmem:$0x1FAF0]  }
0x2dc: {  	[tilespmem:$0x1FEF0] =	vst v60;
	v60 =	vld [tilespmem:$0x102E0]  }
0x2dd: {  	[tilespmem:$0x1FF00] =	vst v63;
	v63 =	vld [tilespmem:$0x1FAB0];
	v3 =	vadd.f32 v30, v3  }
0x2de: {  	v30 =	vld [tilespmem:$0x111D0]  }
0x2df: {  	v4 =	vadd.f32 v13, v4;
	v13 =	vld [tilespmem:$0x1FAC0];
	v3 =	vadd.f32 v34, v3  }
0x2e0: {  	v1 =	vadd.f32 v35, v1;
	v35 =	vld [tilespmem:$0x1FB80]  }
0x2e1: {  	v34 =	vld [tilespmem:$0x1FA40];
	v3 =	vadd.f32 v39, v3  }
0x2e2: {  	v61 =	vadd.f32 v61, v58;
	v58 =	vld [tilespmem:$0x10770]  }
0x2e3: {  	v39 =	vld [tilespmem:$0x1FA80];
	v3 =	vadd.f32 v62, v3  }
0x2e4: {  	v0 =	vadd.f32 v31, v0;
	[tilespmem:$0x1FF30] =	vst v30;
	v30 =	vld [tilespmem:$0x1FB30]  }
0x2e5: {  	[tilespmem:$0x1FFA0] =	vst v2;
	v62 =	vld [tilespmem:$0x1FAA0];
	v2 =	vadd.f32 v22, v3;
	v3 =	vadd.f32 v26, v4  }
0x2e6: {  	v4 =	vadd.f32 v28, v5;
	v22 =	vld [tilespmem:$0x1FB00]  }
0x2e7: {  	[tilespmem:$0x1FFB0] =	vst v0;
	v26 =	vld [tilespmem:$0x1FB20];
	v0 =	vadd.f32 v32, v2;
	v2 =	vadd.f32 v33, v3  }
0x2e8: {  	v3 =	vadd.f32 v34, v4;
	v32 =	vld [tilespmem:$0x1FB40]  }
0x2e9: {  	[tilespmem:$0x1FFC0] =	vst v1;
	v34 =	vld [tilespmem:$0x1FB70];
	v1 =	vadd.f32 v38, v2  }
0x2ea: {  	v2 =	vadd.f32 v39, v3;
	v3 =	vadd.f32 v63, v62;
	v62 =	vld [tilespmem:$0x10360]  }
0x2eb: {  	v63 =	vld [tilespmem:$0x103E0]  }
0x2ec: {  	v39 =	vld [tilespmem:$0x10460]  }
0x2ed: {  	v4 =	vadd.f32 v18, v16;
	v38 =	vld [tilespmem:$0x104E0]  }
0x2ee: {  	v0 =	vadd.f32 v37, v0;
	v37 =	vld [tilespmem:$0x113E0]  }
0x2ef: {  	v31 =	vadd.f32 v30, v4;
	v4 =	vld [tilespmem:$0x1FB90]  }
0x2f0: {  	v30 =	vld [tilespmem:$0x106E0]  }
0x2f1: {  	v5 =	vadd.f32 v22, v20;
	v22 =	vld [tilespmem:$0x1FB50]  }
0x2f2: {  	v20 =	vld [tilespmem:$0x1FBC0]  }
0x2f3: {  	v0 =	vadd.f32 v40, v0;
	v40 =	vld [tilespmem:$0x11360]  }
0x2f4: {  	v3 =	vadd.f32 v25, v3;
	v25 =	vld [tilespmem:$0x1FB60]  }
0x2f5: {  	v33 =	vadd.f32 v32, v5;
	v5 =	vld [tilespmem:$0x1FBA0]  }
0x2f6: {  	v32 =	vld [tilespmem:$0x10660]  }
0x2f7: {  	v16 =	vadd.f32 v35, v33;
	v35 =	vld [tilespmem:$0x10560]  }
0x2f8: {  	v33 =	vld [tilespmem:$0x11460]  }
0x2f9: {  	v62 =	vadd.f32 v62, v59;
	v59 =	vld [tilespmem:$0x1FF20]  }
0x2fa: {  	v63 =	vadd.f32 v63, v60;
	v60 =	vld [tilespmem:$0x11570]  }
0x2fb: {  	v28 =	vadd.f32 v26, v2;
	v3 =	vadd.f32 v22, v3;
	v22 =	vld [tilespmem:$0x1FBD0]  }
0x2fc: {  	v26 =	vadd.f32 v25, v0;
	v0 =	vadd.f32 v34, v31;
	v34 =	vld [tilespmem:$0x105E0]  }
0x2fd: {  	v31 =	vld [tilespmem:$0x114E0]  }
0x2fe: {  	v25 =	vld [tilespmem:$0x1FBF0]  }
0x2ff: {  	v16 =	vadd.f32 v7, v16;
	v7 =	vld [tilespmem:$0x1FC20]  }
0x300: {  	v40 =	vadd.f32 v40, v61;
	v61 =	vld [tilespmem:$0x10870]  }
0x301: {  	v39 =	vadd.f32 v39, v62;
	v62 =	vld [tilespmem:$0x1FF30]  }
0x302: {  	v6 =	vadd.f32 v13, v1;
	v38 =	vadd.f32 v38, v63;
	v63 =	vld [tilespmem:$0x115F0]  }
0x303: {  	v1 =	vadd.f32 v4, v3;
	v4 =	vld [tilespmem:$0x1FC00]  }
0x304: {  	v6 =	vadd.f32 v5, v6;
	v5 =	vld [tilespmem:$0x1FC10]  }
0x305: {  	v0 =	vadd.f32 v10, v0;
	v10 =	vld [tilespmem:$0x1FBB0]  }
0x306: {  	v18 =	vadd.f32 v20, v26;
	v26 =	vld [tilespmem:$0x107E0]  }
0x307: {  	v20 =	vld [tilespmem:$0x11660]  }
0x308: {  	v37 =	vadd.f32 v37, v40;
	v40 =	vld [tilespmem:$0x11370]  }
0x309: {  	v1 =	vadd.f32 v8, v1;
	v8 =	vld [tilespmem:$0x1FC30]  }
0x30a: {  	v16 =	vadd.f32 v11, v16;
	v6 =	vadd.f32 v22, v6;
	v22 =	vld [tilespmem:$0x108E0]  }
0x30b: {  	v0 =	vadd.f32 v9, v0;
	v9 =	vld [tilespmem:$0x1FC40]  }
0x30c: {  	v16 =	vadd.f32 v19, v16;
	v19 =	vld [tilespmem:$0x109E0]  }
0x30d: {  	v33 =	vadd.f32 v33, v37;
	v37 =	vld [tilespmem:$0x104F0]  }
0x30e: {  	v1 =	vadd.f32 v15, v1;
	v15 =	vld [tilespmem:$0x1FC80]  }
0x30f: {  	v34 =	vadd.f32 v34, v38;
	v38 =	vld [tilespmem:$0x10470]  }
0x310: {  	v16 =	vadd.f32 v27, v16;
	v27 =	vld [tilespmem:$0x11560]  }
0x311: {  	v0 =	vadd.f32 v12, v0;
	v12 =	vld [tilespmem:$0x1FC60]  }
0x312: {  	v31 =	vadd.f32 v31, v33;
	v33 =	vld [tilespmem:$0x10570]  }
0x313: {  	v13 =	vadd.f32 v10, v28;
	v28 =	vld [tilespmem:$0x10760]  }
0x314: {  	v10 =	vld [tilespmem:$0x1FC50]  }
0x315: {  	v1 =	vadd.f32 v21, v1;
	v21 =	vld [tilespmem:$0x10960]  }
0x316: {  	v30 =	vadd.f32 v30, v34;
	v34 =	vld [tilespmem:$0x113F0]  }
0x317: {  	v0 =	vadd.f32 v23, v0;
	v23 =	vld [tilespmem:$0x1FBE0]  }
0x318: {  	v2 =	vadd.f32 v8, v18;
	v18 =	vld [tilespmem:$0x1FCB0]  }
0x319: {  	v8 =	vld [tilespmem:$0x1FCE0]  }
0x31a: {  	v3 =	vadd.f32 v25, v13;
	v25 =	vld [tilespmem:$0x10860]  }
0x31b: {  	v13 =	vld [tilespmem:$0x1FC70]  }
0x31c: {  	v26 =	vadd.f32 v26, v30;
	v30 =	vld [tilespmem:$0x105F0]  }
0x31d: {  	v16 =	vadd.f32 v5, v16;
	v27 =	vadd.f32 v27, v31;
	v31 =	vld [tilespmem:$0x11470]  }
0x31e: {  	v0 =	vadd.f32 v4, v0;
	v22 =	vadd.f32 v22, v26;
	v26 =	vld [tilespmem:$0x10670]  }
0x31f: {  	v11 =	vadd.f32 v10, v16;
	v16 =	vld [tilespmem:$0x1FC90]  }
0x320: {  	v0 =	vadd.f32 v9, v0;
	v9 =	vld [tilespmem:$0x1FCF0]  }
0x321: {  	v10 =	vld [tilespmem:$0x1FD00]  }
0x322: {  	v1 =	vadd.f32 v23, v1;
	v23 =	vld [tilespmem:$0x115E0]  }
0x323: {  	[tilespmem:$0x1FFD0] =	vst v2;
	v2 =	vadd.f32 v13, v6;
	v6 =	vld [tilespmem:$0x1FCC0]  }
0x324: {  	v0 =	vadd.f32 v15, v0;
	v15 =	vld [tilespmem:$0x10AE0]  }
0x325: {  	v13 =	vld [tilespmem:$0x1FD30]  }
0x326: {  	v1 =	vadd.f32 v7, v1;
	v7 =	vld [tilespmem:$0x1FCD0]  }
0x327: {  	[tilespmem:$0x1FFE0] =	vst v2;
	v2 =	vadd.f32 v16, v11;
	v11 =	vld [tilespmem:$0x1FD10]  }
0x328: {  	v16 =	vld [tilespmem:$0x116E0]  }
0x329: {  	v1 =	vadd.f32 v12, v1;
	v12 =	vld [tilespmem:$0x1FD20]  }
0x32a: {  	v23 =	vadd.f32 v23, v27;
	v27 =	vld [tilespmem:$0x106F0]  }
0x32b: {  	v19 =	vadd.f32 v19, v22;
	v1 =	vadd.f32 v17, v1;
	v17 =	vld [tilespmem:$0x1FCA0]  }
0x32c: {  	v4 =	vadd.f32 v6, v2;
	v6 =	vld [tilespmem:$0x117E0]  }
0x32d: {  	v15 =	vadd.f32 v15, v19;
	v19 =	vld [tilespmem:$0x107F0]  }
0x32e: {  	v5 =	vadd.f32 v7, v1;
	v7 =	vld [tilespmem:$0x10D60]  }
0x32f: {  	v1 =	vadd.f32 v11, v10;
	v10 =	vld [tilespmem:$0x1FD60]  }
0x330: {  	v11 =	vld [tilespmem:$0x1FD70];
	v3 =	vadd.f32 v17, v3  }
0x331: {  	v5 =	vadd.f32 v44, v5;
	v44 =	vld [tilespmem:$0x1FDC0]  }
0x332: {  	[tilespmem:$0x1FFF0] =	vst v3;
	v3 =	vadd.f32 v18, v0;
	v0 =	vadd.f32 v9, v8;
	v9 =	vld [tilespmem:$0x1FD50]  }
0x333: {  	v17 =	vld [tilespmem:$0x10A60]  }
0x334: {  	v5 =	vadd.f32 v24, v5;
	v24 =	vld [tilespmem:$0x10EE0]  }
0x335: {  	v18 =	vld [tilespmem:$0x1FD40]  }
0x336: {  	v1 =	vadd.f32 v10, v1;
	v10 =	vld [tilespmem:$0x1FDA0]  }
0x337: {  	v0 =	vadd.f32 v9, v0;
	v9 =	vld [tilespmem:$0x1FD90]  }
0x338: {  	v8 =	vld [tilespmem:$0x10CE0]  }
0x339: {  	v4 =	vadd.f32 v11, v4;
	v11 =	vld [tilespmem:$0x11760]  }
0x33a: {  	v2 =	vadd.f32 v18, v13;
	v18 =	vld [tilespmem:$0x1FD80]  }
0x33b: {  	v3 =	vadd.f32 v12, v3;
	v12 =	vld [tilespmem:$0x10BE0]  }
0x33c: {  	v1 =	vadd.f32 v10, v1;
	v10 =	vld [tilespmem:$0x1FDD0];
	v0 =	vadd.f32 v9, v0  }
0x33d: {  	v4 =	vadd.f32 v14, v4;
	v14 =	vld [tilespmem:$0x11860]  }
0x33e: {  	v0 =	vadd.f32 v44, v0;
	v44 =	vld [tilespmem:$0x1FE00]  }
0x33f: {  	v35 =	vadd.f32 v35, v39;
	v2 =	vadd.f32 v18, v2;
	v18 =	vld [tilespmem:$0x1FDB0]  }
0x340: {  	v3 =	vadd.f32 v29, v3;
	v29 =	vld [tilespmem:$0x1FDF0]  }
0x341: {  	v32 =	vadd.f32 v32, v35;
	v13 =	vld [tilespmem:$0x10B60];
	v1 =	vadd.f32 v10, v1  }
0x342: {  	v4 =	vadd.f32 v42, v4;
	v42 =	vld [tilespmem:$0x1FE90]  }
0x343: {  	v28 =	vadd.f32 v28, v32;
	v1 =	vadd.f32 v44, v1;
	v44 =	vld [tilespmem:$0x1FE30]  }
0x344: {  	v2 =	vadd.f32 v18, v2;
	v18 =	vld [tilespmem:$0x1FDE0]  }
0x345: {  	v25 =	vadd.f32 v25, v28;
	v3 =	vadd.f32 v41, v3;
	v41 =	vld [tilespmem:$0x1FE60]  }
0x346: {  	v20 =	vadd.f32 v20, v23;
	v0 =	vadd.f32 v29, v0;
	v29 =	vld [tilespmem:$0x1FE20]  }
0x347: {  	v21 =	vadd.f32 v21, v25;
	v9 =	vld [tilespmem:$0x10C60]  }
0x348: {  	v16 =	vadd.f32 v16, v20;
	v1 =	vadd.f32 v44, v1;
	v44 =	vld [tilespmem:$0x1FE50]  }
0x349: {  	v2 =	vadd.f32 v18, v2;
	v18 =	vld [tilespmem:$0x1FE10]  }
0x34a: {  	v17 =	vadd.f32 v17, v21;
	v11 =	vadd.f32 v11, v16;
	v16 =	vld [tilespmem:$0x108F0]  }
0x34b: {  	v0 =	vadd.f32 v29, v0;
	v29 =	vld [tilespmem:$0x1FE40]  }
0x34c: {  	v13 =	vadd.f32 v13, v17;
	v10 =	vld [tilespmem:$0x10DE0]  }
0x34d: {  	v12 =	vadd.f32 v12, v15;
	v0 =	vadd.f32 v44, v0;
	v44 =	vld [tilespmem:$0x1FE70]  }
0x34e: {  	v9 =	vadd.f32 v9, v13;
	v13 =	vld [tilespmem:$0x10970];
	v2 =	vadd.f32 v18, v2  }
0x34f: {  	v6 =	vadd.f32 v6, v11;
	v18 =	vld [tilespmem:$0x10E60]  }
0x350: {  	v8 =	vadd.f32 v8, v12;
	v2 =	vadd.f32 v29, v2;
	v29 =	vld [tilespmem:$0x118E0]  }
0x351: {  	v7 =	vadd.f32 v7, v9;
	v1 =	vadd.f32 v36, v1;
	v36 =	vld [tilespmem:$0x10F60]  }
0x352: {  	v2 =	vadd.f32 v41, v2;
	v0 =	vadd.f32 v44, v0;
	v44 =	vld [tilespmem:$0x1FE80]  }
0x353: {  	v6 =	vadd.f32 v14, v6;
	v8 =	vadd.f32 v10, v8;
	v41 =	vld [tilespmem:$0x10FE0]  }
0x354: {  	v7 =	vadd.f32 v18, v7;
	v2 =	vadd.f32 v42, v2;
	v42 =	vld [tilespmem:$0x11960]  }
0x355: {  	v6 =	vadd.f32 v29, v6;
	v29 =	vld [tilespmem:$0x10DF0]  }
0x356: {  	v8 =	vadd.f32 v24, v8;
	v7 =	vadd.f32 v36, v7;
	v36 =	vld [tilespmem:$0x1FFB0]  }
0x357: {  	v45 =	vadd.f32 v45, v2;
	v1 =	vadd.f32 v44, v1;
	v44 =	vld [tilespmem:$0x1FEA0]  }
0x358: {  	v2 =	vld [tilespmem:$0x110E0]  }
0x359: {  	v8 =	vadd.f32 v41, v8;
	v41 =	vld [tilespmem:$0x10F70];
	v45 =	vadd.f32 v49, v45  }
0x35a: {  	v6 =	vadd.f32 v42, v6;
	v42 =	vld [tilespmem:$0x1FFE0]  }
0x35b: {  	v53 =	vadd.f32 v53, v45;
	v45 =	vld [tilespmem:$0x11270]  }
0x35c: {  	v44 =	vadd.f32 v44, v0;
	v0 =	vadd.f32 v43, v1;
	v1 =	vld [tilespmem:$0x11060]  }
0x35d: {  	v43 =	vld [tilespmem:$0x1FEB0]  }
0x35e: {  	v44 =	vadd.f32 v46, v44;
	v46 =	vadd.f32 v48, v0;
	v48 =	vld [tilespmem:$0x1FEC0]  }
0x35f: {  	v0 =	vld [tilespmem:$0x119E0]  }
0x360: {  	v49 =	vadd.f32 v52, v46;
	v46 =	vld [tilespmem:$0x111E0]  }
0x361: {  	v52 =	vld [tilespmem:$0x1FED0]  }
0x362: {  	v49 =	vadd.f32 v56, v49;
	v56 =	vld [tilespmem:$0x1FF10]  }
0x363: {  	v43 =	vadd.f32 v43, v5;
	v5 =	vadd.f32 v48, v3;
	v3 =	vld [tilespmem:$0x11160]  }
0x364: {  	v48 =	vadd.f32 v50, v44;
	v50 =	vld [tilespmem:$0x10270]  }
0x365: {  	v49 =	vadd.f32 v51, v49;
	v51 =	vld [tilespmem:$0x1FF00]  }
0x366: {  	v44 =	vadd.f32 v52, v4;
	v4 =	vadd.f32 v57, v53;
	v53 =	vld [tilespmem:$0x102F0]  }
0x367: {  	v57 =	vld [tilespmem:$0x112F0]  }
0x368: {  	v52 =	vld [tilespmem:$0x10370]  }
0x369: {  	v48 =	vadd.f32 v54, v48;
	v54 =	vld [tilespmem:$0x103F0]  }
0x36a: {  	v4 =	vadd.f32 v47, v4;
	v47 =	vld [tilespmem:$0x1FEE0]  }
0x36b: {  	v48 =	vadd.f32 v55, v48;
	v55 =	vld [tilespmem:$0x114F0]  }
0x36c: {  	v4 =	vadd.f32 v51, v4;
	v51 =	vld [tilespmem:$0x116F0]  }
0x36d: {  	v39 =	vadd.f32 v52, v50;
	v50 =	vld [tilespmem:$0x10AF0]  }
0x36e: {  	v52 =	vld [tilespmem:$0x10B70]  }
0x36f: {  	v4 =	vadd.f32 v62, v4;
	v62 =	vld [tilespmem:$0x1FF70]  }
0x370: {  	v35 =	vadd.f32 v47, v48;
	v48 =	vld [tilespmem:$0x1FEF0]  }
0x371: {  	v47 =	vadd.f32 v54, v53;
	v53 =	vld [tilespmem:$0x10BF0]  }
0x372: {  	v9 =	vadd.f32 v38, v39;
	v38 =	vld [tilespmem:$0x1FFC0]  }
0x373: {  	v39 =	vld [tilespmem:$0x118F0]  }
0x374: {  	v25 =	vadd.f32 v56, v35;
	v35 =	vadd.f32 v57, v45;
	v45 =	vld [tilespmem:$0x109F0]  }
0x375: {  	v56 =	vld [tilespmem:$0x1FF40]  }
0x376: {  	v57 =	vld [tilespmem:$0x10C70]  }
0x377: {  	v28 =	vadd.f32 v37, v47;
	v9 =	vadd.f32 v33, v9;
	v33 =	vld [tilespmem:$0x1FFA0]  }
0x378: {  	v2 =	vadd.f32 v2, v8;
	v37 =	vld [tilespmem:$0x10EF0];
	v11 =	vadd.f32 v40, v35  }
0x379: {  	v1 =	vadd.f32 v1, v7;
	v47 =	vld [tilespmem:$0x10FF0];
	v28 =	vadd.f32 v30, v28  }
0x37a: {  	v9 =	vadd.f32 v26, v9;
	v35 =	vld [tilespmem:$0x10E70];
	v11 =	vadd.f32 v34, v11  }
0x37b: {  	v40 =	vld [tilespmem:$0x1FFD0];
	v32 =	vadd.f32 v48, v49;
	v54 =	vadd.f32 v27, v28  }
0x37c: {  	v48 =	vld [tilespmem:$0x11670];
	v9 =	vadd.f32 v58, v9;
	v11 =	vadd.f32 v31, v11  }
0x37d: {  	[tilespmem:$0x102A0] =	vst v36;
	v0 =	vadd.f32 v0, v6;
	v49 =	vld [tilespmem:$0x10A70];
	v19 =	vadd.f32 v19, v54  }
0x37e: {  	[tilespmem:$0x102B0] =	vst v42;
	v58 =	vld [tilespmem:$0x1FF50];
	v9 =	vadd.f32 v61, v9;
	v11 =	vadd.f32 v55, v11  }
0x37f: {  	[tilespmem:$0x10240] =	vst v43;
	v28 =	vld [tilespmem:$0x1FF80];
	v21 =	vadd.f32 v59, v32;
	v16 =	vadd.f32 v16, v19  }
0x380: {  	[tilespmem:$0x102C0] =	vst v5;
	v59 =	vld [tilespmem:$0x10CF0];
	v9 =	vadd.f32 v13, v9;
	v11 =	vadd.f32 v60, v11  }
0x381: {  	v2 =	vadd.f32 v46, v2;
	[tilespmem:$0x10260] =	vst v0;
	v32 =	vld [tilespmem:$0x11870];
	v16 =	vadd.f32 v45, v16  }
0x382: {  	[tilespmem:$0x10340] =	vst v44;
	v55 =	vld [tilespmem:$0x11770];
	v9 =	vadd.f32 v49, v9;
	v11 =	vadd.f32 v63, v11  }
0x383: {  	[tilespmem:$0x10360] =	vst v2;
	v1 =	vadd.f32 v3, v1;
	v63 =	vld [tilespmem:$0x10D70];
	v16 =	vadd.f32 v50, v16  }
0x384: {  	[tilespmem:$0x10200] =	vst v56;
	v56 =	vld [tilespmem:$0x11170];
	v9 =	vadd.f32 v52, v9;
	v11 =	vadd.f32 v48, v11  }
0x385: {  	[tilespmem:$0x102E0] =	vst v1;
	v61 =	vld [tilespmem:$0x117F0];
	v16 =	vadd.f32 v53, v16  }
0x386: {  	[tilespmem:$0x10350] =	vst v4;
	v31 =	vld [tilespmem:$0x1FF90];
	v45 =	vadd.f32 v57, v9;
	v11 =	vadd.f32 v51, v11  }
0x387: {  	[tilespmem:$0x10280] =	vst v58;
	v58 =	vld [tilespmem:$0x111F0];
	v16 =	vadd.f32 v59, v16  }
0x388: {  	[tilespmem:$0x10210] =	vst v62;
	v60 =	vld [tilespmem:$0x1FF60];
	v7 =	vadd.f32 v63, v45;
	v11 =	vadd.f32 v55, v11  }
0x389: {  	[tilespmem:$0x10250] =	vst v25;
	v50 =	vld [tilespmem:$0x11070];
	v51 =	vadd.f32 v29, v16  }
0x38a: {  	[tilespmem:$0x10320] =	vst v38;
	v52 =	vld [tilespmem:$0x110F0];
	v53 =	vadd.f32 v35, v7;
	v11 =	vadd.f32 v61, v11  }
0x38b: {  	[tilespmem:$0x10220] =	vst v33;
	v49 =	vld [tilespmem:$0x11970];
	v5 =	vadd.f32 v37, v51  }
0x38c: {  	[tilespmem:$0x10230] =	vst v40;
	v48 =	vld [tilespmem:$0x1FFF0];
	v57 =	vadd.f32 v41, v53;
	v11 =	vadd.f32 v32, v11  }
0x38d: {  	v54 =	vld [tilespmem:$0x119F0];
	[tilespmem:$0x102D0] =	vst v21;
	v59 =	vadd.f32 v47, v5  }
0x38e: {  	[tilespmem:$0x10290] =	vst v28;
	v61 =	vadd.f32 v50, v57;
	v55 =	vadd.f32 v39, v11  }
0x38f: {  	[tilespmem:$0x10310] =	vst v31;
	v62 =	vadd.f32 v52, v59  }
0x390: {  	[tilespmem:$0x10300] =	vst v60;
	v0 =	vadd.f32 v56, v61;
	v60 =	vadd.f32 v49, v55  }
0x391: {  	[tilespmem:$0x10330] =	vst v48;
	v1 =	vadd.f32 v58, v62  }
0x392: {  	s1 =	sld [smem:$0x7FD];
	[tilespmem:$0x102F0] =	vst v0;
	v63 =	vadd.f32 v54, v60  }
0x393: {  	[tilespmem:$0x10370] =	vst v1  }
.Ltmp3:
0x394: {  	[tilespmem:$0x10270] =	vst v63;
	(pc) =	sbr.rel .LBB2_3-.Ltmp3, $4  }
0x395: {  	[hbm4b:s1+s0] =	stream.linear.scatter [tilespmem:s2], [sflag:$0x9], $0x180, $0x38;
	[tilespmem:$0x11B80] =	vst v63  }
0x396: {  	_ =	swait.ge [sflag:s21], $0x180  }
0x397: {  	[sflag:s21] =	ssyncset.done $0x0  }
0x398: {  	[sflag:s21] =	ssyncadd.s32 $0xFFFFFE80  }
.LBB2_4:
0x399: {  	_ =	sfence.sel $0x180000  }
0x39a: {  	[bflag:$0x0] =	sbarrier.arrive $0xFFFF  }
0x39b: {  	_ =	strace $0x90000047  }
0x39c: {  	[bflag:$0x2] =	sbarrier.arrive $0xFFFF  }
0x39d: {  	s0 =	rddreg [dreg:$0x4]  }
0x39e: {  	s0 =	sadd.s32 @!p0 $0x100000, s0  }
0x39f: {  	[sflag:s0] =	ssyncadd.tile.s32 @!p0 $0x1;
	_ =	shalt  }
.Lfunc_end2:
_tile_overlayer_lowered:
.L_overlay_start_2:
0x3a0: {  	(tag) =	ssettag $0x2  }
0x3a1: {  	s0 =	rddreg [dreg:$0x0];
	s2 =	stileid.u32  }
0x3a2: {  	s1 =	rddreg [dreg:$0x1];
	p0 =	sne.s32 s2, $0x0  }
0x3a3: {  	s3 =	rddreg [dreg:$0x2];
	[bflag:$0x3] =	sbarrier.arrive $0xFFFF;
	s2 =	simm.s32 @!p0 $0x1C09  }
0x3a4: {  	[timem:s3], [sflag:s2] =	dma.local @!p0 [hbm:s0], s1  }
0x3a5: {  	s0 =	simm.s32 @!p0 $0x9  }
0x3a6: {  	_ =	swait.ge @!p0 [sflag:s0], s1  }
0x3a7: {  	s1 =	ssub.s32 @!p0 $0x0, s1;
	[sflag:s0] =	ssyncset.done @!p0 $0x0  }
0x3a8: {  	[sflag:s0] =	ssyncadd.s32 @!p0 s1  }
0x3a9: {  	[bflag:$0x3] =	sbarrier.arrive $0xFFFF  }
0x3aa: {  	_ =	shalt  }

</sc_bundles>
